<compile_context>
chip_gen: v7x
topology: tpu7x:2x2x1
jax: 0.10.2.dev20260603
libtpu: 0.0.44.dev20260713+nightly
codegen_flags: <defaults>
</compile_context>

<pallas_src>
import functools

import jax
import jax.numpy as jnp
from jax import lax
from jax.experimental import pallas as pl
from jax.experimental.pallas import tpu as pltpu
from jax.experimental.pallas import tpu_sc as plsc

N = 10000
E = 320000
D = 128
NPAD = 10112
NW = 32
EPT = E // NW
CH = 88
NCHUNK = 116
KB = 4
NB = NCHUNK // KB
EPTP = NCHUNK * CH
RPT = NPAD // 16
R = 1000
F32 = jnp.float32

_mesh = plsc.VectorSubcoreMesh(core_axis_name="c", subcore_axis_name="s")



@functools.partial(
    pl.kernel,
    out_type=jax.ShapeDtypeStruct((2, NPAD, D), F32),
    mesh=_mesh,
    scratch_types=[
        pltpu.VMEM((NB, KB, CH), jnp.int32),
        pltpu.VMEM((CH, D), F32),
        pltpu.VMEM_SHARED((NPAD, D), F32),
        pltpu.SemaphoreType.DMA,
    ],
)
def _deg_kernel(dstp_hbm, ones_hbm, zeros_hbm, out_hbm, dst_v, ones_v, deg_sh,
                deg_sem):
    cid = lax.axis_index("c")
    sid = lax.axis_index("s")
    wid = cid * 16 + sid
    pltpu.sync_copy(dstp_hbm.at[wid], dst_v)
    pltpu.sync_copy(ones_hbm, ones_v)
    pltpu.sync_copy(zeros_hbm, deg_sh.at[pl.ds(sid * RPT, RPT)])
    plsc.subcore_barrier()

    def body(b, carry):
        for k in range(KB):
            pltpu.make_async_copy(
                ones_v, deg_sh.at[dst_v.at[b, k]], deg_sem).start(add=True)
        return carry

    lax.fori_loop(0, NB, body, 0)

    def drain(b, carry):
        for k in range(KB):
            pltpu.make_async_copy(
                ones_v, deg_sh.at[dst_v.at[b, k]], deg_sem).wait()
        return carry

    lax.fori_loop(0, NB, drain, 0)
    plsc.subcore_barrier()
    pltpu.sync_copy(deg_sh.at[pl.ds(sid * RPT, RPT)],
                    out_hbm.at[cid, pl.ds(sid * RPT, RPT)])


@functools.partial(
    pl.kernel,
    out_type=jax.ShapeDtypeStruct((2, NPAD, D), F32),
    mesh=_mesh,
    scratch_types=[
        pltpu.VMEM((2, KB, CH), jnp.int32),
        pltpu.VMEM((2, KB, CH), jnp.int32),
        pltpu.VMEM((4, CH, D), F32),
        pltpu.VMEM_SHARED((NPAD, D), F32),
        pltpu.SemaphoreType.DMA,
        pltpu.SemaphoreType.DMA,
        pltpu.SemaphoreType.DMA,
        pltpu.SemaphoreType.DMA,
        pltpu.SemaphoreType.DMA,
        pltpu.SemaphoreType.DMA,
    ],
)
def _edge_kernel(y_hbm, srcp_hbm, dstp_hbm, zeros_hbm, out_hbm,
                 sb_src, sb_dst, rows_v, acc_sh,
                 g0, g1, g2, g3, i0, i1):
    cid = lax.axis_index("c")
    sid = lax.axis_index("s")
    wid = cid * 16 + sid
    gsems = (g0, g1, g2, g3)
    isems = (i0, i1)

    def idx_copies(b, sbuf, dbuf, sem):
        return (pltpu.make_async_copy(srcp_hbm.at[wid, b], sb_src.at[sbuf], sem),
                pltpu.make_async_copy(dstp_hbm.at[wid, b], sb_dst.at[dbuf], sem))

    def idx_start(b, sbuf, dbuf, sem):
        for c in idx_copies(b, sbuf, dbuf, sem):
            c.start()

    def idx_wait(b, sbuf, dbuf, sem):
        for c in idx_copies(b, sbuf, dbuf, sem):
            c.wait()

    def idx_start_p(b, sbuf, dbuf):
        @pl.when(lax.rem(b, 2) == 0)
        def _():
            idx_start(b, sbuf, dbuf, isems[0])

        @pl.when(lax.rem(b, 2) == 1)
        def _():
            idx_start(b, sbuf, dbuf, isems[1])

    def idx_wait_p(b, sbuf, dbuf):
        @pl.when(lax.rem(b, 2) == 0)
        def _():
            idx_wait(b, sbuf, dbuf, isems[0])

        @pl.when(lax.rem(b, 2) == 1)
        def _():
            idx_wait(b, sbuf, dbuf, isems[1])

    def gather_copy(bb, k, p):
        return pltpu.make_async_copy(
            y_hbm.at[sb_src.at[bb, k]], rows_v.at[p], gsems[p])

    def scatter(bb, k, p):
        pltpu.sync_copy(rows_v.at[p], acc_sh.at[sb_dst.at[bb, k]], add=True)

    pltpu.sync_copy(zeros_hbm, acc_sh.at[pl.ds(sid * RPT, RPT)])
    idx_start(0, 0, 0, isems[0])
    idx_wait(0, 0, 0, isems[0])
    idx_start(1, 1, 1, isems[1])
    plsc.subcore_barrier()
    gather_copy(0, 0, 0).start()
    gather_copy(0, 1, 1).start()
    gather_copy(0, 2, 2).start()
    gather_copy(0, 3, 3).start()

    def body(b, carry):
        bb = lax.rem(b, 2)
        bn = lax.rem(b + 1, 2)
        for k in range(KB):
            p = k
            if k == 0:
                @pl.when(b + 1 < NB)
                def _():
                    idx_wait_p(b + 1, bn, bn)
            gather_copy(bb, k, p).wait()
            scatter(bb, k, p)
            @pl.when(b + 1 < NB)
            def _():
                gather_copy(bn, k, p).start()
            if k == KB - 1:
                @pl.when(b + 2 < NB)
                def _():
                    idx_start_p(b + 2, bb, bb)
        return carry

    lax.fori_loop(0, NB, body, 0)
    plsc.subcore_barrier()
    pltpu.sync_copy(acc_sh.at[pl.ds(sid * RPT, RPT)],
                    out_hbm.at[cid, pl.ds(sid * RPT, RPT)])



def _dis(d0_ref, d1_ref):
    deg = d0_ref[:, 0:1] + d1_ref[:, 0:1] + 1.0
    return lax.rsqrt(deg)


def _mm(a, w_ref):
    return jnp.dot(a, w_ref[...], preferred_element_type=F32,
                   precision=lax.Precision.HIGHEST)


def _tmm_body(x_ref, w_ref, o_ref):
    o_ref[...] = _mm(x_ref[...], w_ref)


def _tscale_body(xw_ref, d0_ref, d1_ref, o_ref):
    o_ref[...] = xw_ref[...] * _dis(d0_ref, d1_ref)


def _t2_body(p0_ref, p1_ref, y_ref, d0_ref, d1_ref, b_ref, w_ref, o_ref):
    dis = _dis(d0_ref, d1_ref)
    h = (p0_ref[...] + p1_ref[...] + y_ref[...]) * dis + b_ref[...]
    h = jnp.maximum(h, 0.0)
    o_ref[...] = _mm(h, w_ref) * dis


def _t3_body(p0_ref, p1_ref, y_ref, d0_ref, d1_ref, b_ref, o_ref):
    dis = _dis(d0_ref, d1_ref)
    o_ref[...] = (p0_ref[...] + p1_ref[...] + y_ref[...]) * dis + b_ref[...]


_spec_rows = pl.BlockSpec((R, D), lambda i: (i, 0))
_spec_w = pl.BlockSpec((D, D), lambda i: (0, 0))
_spec_b = pl.BlockSpec((1, D), lambda i: (0, 0))
_spec_d0 = pl.BlockSpec((None, R, D), lambda i: (0, i, 0))
_spec_d1 = pl.BlockSpec((None, R, D), lambda i: (1, i, 0))
_spec_p0 = pl.BlockSpec((None, R, D), lambda i: (0, i, 0))
_spec_p1 = pl.BlockSpec((None, R, D), lambda i: (1, i, 0))
_out_rows = jax.ShapeDtypeStruct((N, D), F32)


def _tmm(x, W):
    return pl.pallas_call(
        _tmm_body, grid=(N // R,),
        in_specs=[_spec_rows, _spec_w],
        out_specs=_spec_rows, out_shape=_out_rows,
    )(x, W)


def _tscale(xw, degs):
    return pl.pallas_call(
        _tscale_body, grid=(N // R,),
        in_specs=[_spec_rows, _spec_d0, _spec_d1],
        out_specs=_spec_rows, out_shape=_out_rows,
    )(xw, degs, degs)


def _t2(parts, y, degs, b, W):
    return pl.pallas_call(
        _t2_body, grid=(N // R,),
        in_specs=[_spec_p0, _spec_p1, _spec_rows, _spec_d0, _spec_d1,
                  _spec_b, _spec_w],
        out_specs=_spec_rows, out_shape=_out_rows,
    )(parts, parts, y, degs, degs, b.reshape(1, D), W)


def _t3(parts, y, degs, b):
    return pl.pallas_call(
        _t3_body, grid=(N // R,),
        in_specs=[_spec_p0, _spec_p1, _spec_rows, _spec_d0, _spec_d1, _spec_b],
        out_specs=_spec_rows, out_shape=_out_rows,
    )(parts, parts, y, degs, degs, b.reshape(1, D))



def kernel(x, edge_index, W1, b1, W2, b2, W3, b3):
    src = edge_index[0].astype(jnp.int32)
    dst = edge_index[1].astype(jnp.int32)
    srcp = jnp.pad(src.reshape(NW, EPT),
                   ((0, 0), (0, EPTP - EPT))).reshape(NW, NB, KB, CH)
    dstp = jnp.pad(dst.reshape(NW, EPT), ((0, 0), (0, EPTP - EPT)),
                   constant_values=N).reshape(NW, NB, KB, CH)
    onesD = jnp.ones((CH, D), F32)
    zerosD = jnp.zeros((RPT, D), F32)

    degs = _deg_kernel(dstp, onesD, zerosD)
    xw1 = _tmm(x, W1)
    y1 = _tscale(xw1, degs)
    e1 = _edge_kernel(y1, srcp, dstp, zerosD)
    y2 = _t2(e1, y1, degs, b1, W2)
    e2 = _edge_kernel(y2, srcp, dstp, zerosD)
    y3 = _t2(e2, y2, degs, b2, W3)
    e3 = _edge_kernel(y3, srcp, dstp, zerosD)
    return _t3(e3, y3, degs, b3)

# --- scband reference (transcript-rebuilt; emitter-appended) ---
"""Pipeline reference for scband-node-gcn-29394756174095 (READ-ONLY COPY).

The authoritative reference and input builder live on the scoring server;
editing this copy changes nothing except your own understanding.
"""

import jax, jax.numpy as jnp
import numpy as np

N_NODES = 10000
N_EDGES = 320000
D_IN = 128
D_HID = 128
D_OUT = 128


def setup_inputs(seed: int = 0) -> dict:
    key = jax.random.key(seed)
    k1, k2, k3, k4, k5 = jax.random.split(key, 5)
    x = jax.random.normal(k1, (N_NODES, D_IN), dtype=jnp.float32)
    edge_index = jax.random.randint(k2, (2, N_EDGES), 0, N_NODES, dtype=jnp.int64)
    def glorot(k, fan_in, fan_out):
        lim = (6.0 / (fan_in + fan_out)) ** 0.5
        return jax.random.uniform(k, (fan_in, fan_out), minval=-lim, maxval=lim, dtype=jnp.float32)
    W1 = glorot(k3, D_IN, D_HID)
    W2 = glorot(k4, D_HID, D_HID)
    W3 = glorot(k5, D_HID, D_OUT)
    b1 = jnp.zeros((D_HID,), dtype=jnp.float32)
    b2 = jnp.zeros((D_HID,), dtype=jnp.float32)
    b3 = jnp.zeros((D_OUT,), dtype=jnp.float32)
    return {"x": x, "edge_index": edge_index, "W1": W1, "b1": b1, "W2": W2, "b2": b2, "W3": W3, "b3": b3}


def gcn_conv(x, src, dst, W, b, n_nodes):
    # PyG GCNConv with add_self_loops=True, symmetric normalization
    xw = x @ W
    deg = jnp.zeros((n_nodes,), dtype=xw.dtype).at[dst].add(1.0)
    deg_inv_sqrt = jnp.where(deg > 0, jax.lax.rsqrt(jnp.maximum(deg, 1e-12)), 0.0)
    norm = deg_inv_sqrt[src] * deg_inv_sqrt[dst]
    msg = xw[src] * norm[:, None]
    out = jnp.zeros((n_nodes, xw.shape[1]), dtype=xw.dtype).at[dst].add(msg)
    return out + b


def reference(x, edge_index, W1, b1, W2, b2, W3, b3):
    n = x.shape[0]
    loops = jnp.arange(n, dtype=edge_index.dtype)
    src = jnp.concatenate([edge_index[0], loops])
    dst = jnp.concatenate([edge_index[1], loops])
    h = gcn_conv(x, src, dst, W1, b1, n)
    h = jax.nn.relu(h)
    # dropout is identity in eval mode
    h = gcn_conv(h, src, dst, W2, b2, n)
    h = jax.nn.relu(h)
    h = gcn_conv(h, src, dst, W3, b3, n)
    return h

if __name__ == "__main__":
    import jax
    _d = setup_inputs()
    print(jax.jit(kernel)(*tuple(_d.values())))

</pallas_src>

<mosaic_0001>
#map = affine_map<(d0, d1) -> (0, 0, 0, 0)>
#map1 = affine_map<(d0, d1) -> (0, 0)>
#map2 = affine_map<(d0, d1) -> (0, 0, 0)>
module attributes {stable_mosaic.version = 14 : i64} {
  func.func @_deg_kernel(%arg0: i32, %arg1: i32, %arg2: memref<32x29x4x88xi32, #tpu.memory_space<hbm>>, %arg3: memref<88x128xf32, #tpu.memory_space<hbm>>, %arg4: memref<632x128xf32, #tpu.memory_space<hbm>>, %arg5: memref<2x10112x128xf32, #tpu.memory_space<hbm>>, %arg6: memref<29x4x88xi32, #tpu.memory_space<vmem>>, %arg7: memref<88x128xf32, #tpu.memory_space<vmem>>, %arg8: memref<10112x128xf32, #tpu.memory_space<vmem_shared>>, %arg9: memref<!tpu.dma_semaphore, #tpu.memory_space<semaphore_mem>>) attributes {dimension_semantics = [#tpu.dimension_semantics<core_parallel>, #tpu.dimension_semantics<subcore_parallel>], iteration_bounds = array<i64: 2, 16>, scalar_prefetch = 0 : i64, scratch_operands = 4 : i64, tpu.core_type = #tpu.core_type<sc_vector_subcore>, window_params = [{transform_indices = #map}, {transform_indices = #map1}, {transform_indices = #map1}, {transform_indices = #map2}]} {
    %mul3A = arith.constant 16 : i32
    %mul3A_0 = arith.muli %arg0, %mul3A : i32
    %add3A = arith.addi %mul3A_0, %arg1 : i32
    "tpu.region"() ({
      %run_scoped3A = tpu.sem_alloc : memref<!tpu.dma_semaphore, #tpu.memory_space<semaphore_mem>>
      %dma_start3A = arith.constant 0 : i32
      %dma_start3A_19 = arith.constant 0 : i32
      %dma_start3A_20 = arith.constant 0 : i32
      %dma_start3A_21 = tpu.memref_slice %arg2[%add3A, %dma_start3A, %dma_start3A_19, %dma_start3A_20] : memref<32x29x4x88xi32, #tpu.memory_space<hbm>> -> memref<1x29x4x88xi32, #tpu.memory_space<hbm>>
      %dma_start3A_22 = tpu.memref_squeeze %dma_start3A_21 : memref<1x29x4x88xi32, #tpu.memory_space<hbm>> -> memref<29x4x88xi32, #tpu.memory_space<hbm>>
      %dma_start3A_23 = arith.constant 0 : i32
      %dma_start3A_24 = arith.constant 0 : i32
      %dma_start3A_25 = arith.constant 0 : i32
      %dma_start3A_26 = tpu.memref_slice %arg2[%add3A, %dma_start3A_23, %dma_start3A_24, %dma_start3A_25] : memref<32x29x4x88xi32, #tpu.memory_space<hbm>> -> memref<1x29x4x88xi32, #tpu.memory_space<hbm>>
      %dma_start3A_27 = tpu.memref_squeeze %dma_start3A_26 : memref<1x29x4x88xi32, #tpu.memory_space<hbm>> -> memref<29x4x88xi32, #tpu.memory_space<hbm>>
      tpu.enqueue_dma source(%dma_start3A_27 : memref<29x4x88xi32, #tpu.memory_space<hbm>>) target(%arg6 : memref<29x4x88xi32, #tpu.memory_space<vmem>>) target_semaphore(%run_scoped3A : memref<!tpu.dma_semaphore, #tpu.memory_space<semaphore_mem>>)
      %dma_wait3A = arith.constant 0 : i32
      %dma_wait3A_28 = arith.constant 0 : i32
      %dma_wait3A_29 = arith.constant 0 : i32
      %dma_wait3A_30 = tpu.memref_slice %arg2[%add3A, %dma_wait3A, %dma_wait3A_28, %dma_wait3A_29] : memref<32x29x4x88xi32, #tpu.memory_space<hbm>> -> memref<1x29x4x88xi32, #tpu.memory_space<hbm>>
      %dma_wait3A_31 = tpu.memref_squeeze %dma_wait3A_30 : memref<1x29x4x88xi32, #tpu.memory_space<hbm>> -> memref<29x4x88xi32, #tpu.memory_space<hbm>>
      %dma_wait3A_32 = arith.constant 0 : i32
      %dma_wait3A_33 = arith.constant 0 : i32
      %dma_wait3A_34 = arith.constant 0 : i32
      %dma_wait3A_35 = tpu.memref_slice %arg2[%add3A, %dma_wait3A_32, %dma_wait3A_33, %dma_wait3A_34] : memref<32x29x4x88xi32, #tpu.memory_space<hbm>> -> memref<1x29x4x88xi32, #tpu.memory_space<hbm>>
      %dma_wait3A_36 = tpu.memref_squeeze %dma_wait3A_35 : memref<1x29x4x88xi32, #tpu.memory_space<hbm>> -> memref<29x4x88xi32, #tpu.memory_space<hbm>>
      tpu.wait_dma2 semaphore(%run_scoped3A : memref<!tpu.dma_semaphore, #tpu.memory_space<semaphore_mem>>) src(%dma_wait3A_36 : memref<29x4x88xi32, #tpu.memory_space<hbm>>) dst(%arg6 : memref<29x4x88xi32, #tpu.memory_space<vmem>>)
      tpu.yield
    }) : () -> ()
    "tpu.region"() ({
      %run_scoped3A = tpu.sem_alloc : memref<!tpu.dma_semaphore, #tpu.memory_space<semaphore_mem>>
      tpu.enqueue_dma source(%arg3 : memref<88x128xf32, #tpu.memory_space<hbm>>) target(%arg7 : memref<88x128xf32, #tpu.memory_space<vmem>>) target_semaphore(%run_scoped3A : memref<!tpu.dma_semaphore, #tpu.memory_space<semaphore_mem>>)
      tpu.wait_dma2 semaphore(%run_scoped3A : memref<!tpu.dma_semaphore, #tpu.memory_space<semaphore_mem>>) src(%arg3 : memref<88x128xf32, #tpu.memory_space<hbm>>) dst(%arg7 : memref<88x128xf32, #tpu.memory_space<vmem>>)
      tpu.yield
    }) : () -> ()
    %mul3A_1 = arith.constant 632 : i32
    %mul3A_2 = arith.muli %arg1, %mul3A_1 : i32
    "tpu.region"() ({
      %run_scoped3A = tpu.sem_alloc : memref<!tpu.dma_semaphore, #tpu.memory_space<semaphore_mem>>
      %dma_start3A = arith.constant 0 : i32
      %dma_start3A_19 = tpu.memref_slice %arg8[%mul3A_2, %dma_start3A] : memref<10112x128xf32, #tpu.memory_space<vmem_shared>> -> memref<632x128xf32, #tpu.memory_space<vmem_shared>>
      tpu.enqueue_dma source(%arg4 : memref<632x128xf32, #tpu.memory_space<hbm>>) target(%dma_start3A_19 : memref<632x128xf32, #tpu.memory_space<vmem_shared>>) target_semaphore(%run_scoped3A : memref<!tpu.dma_semaphore, #tpu.memory_space<semaphore_mem>>)
      %dma_wait3A = arith.constant 0 : i32
      %dma_wait3A_20 = tpu.memref_slice %arg8[%mul3A_2, %dma_wait3A] : memref<10112x128xf32, #tpu.memory_space<vmem_shared>> -> memref<632x128xf32, #tpu.memory_space<vmem_shared>>
      tpu.wait_dma2 semaphore(%run_scoped3A : memref<!tpu.dma_semaphore, #tpu.memory_space<semaphore_mem>>) src(%arg4 : memref<632x128xf32, #tpu.memory_space<hbm>>) dst(%dma_wait3A_20 : memref<632x128xf32, #tpu.memory_space<vmem_shared>>)
      tpu.yield
    }) : () -> ()
    %barrier3A = arith.constant 0 : index
    tpu.barrier barrier_id(%barrier3A)
    %scan3A = arith.constant 0 : i32
    %scan3A_3 = arith.constant 0 : i32
    %scan3A_4 = arith.constant 29 : i32
    %scan3A_5 = arith.addi %scan3A_3, %scan3A_4 : i32
    %scan3A_6 = arith.constant 1 : i32
    scf.for %scan3A_19 = %scan3A_3 to %scan3A_5 step %scan3A_6  : i32 {
      %dma_start3A = arith.constant 0 : i32
      %dma_start3A_20 = arith.constant 0 : i32
      %dma_start3A_21 = tpu.memref_slice %arg6[%scan3A_19, %dma_start3A, %dma_start3A_20] : memref<29x4x88xi32, #tpu.memory_space<vmem>> -> memref<1x1x88xi32, #tpu.memory_space<vmem>>
      %dma_start3A_22 = tpu.memref_squeeze %dma_start3A_21 : memref<1x1x88xi32, #tpu.memory_space<vmem>> -> memref<88xi32, #tpu.memory_space<vmem>>
      %dma_start3A_23 = arith.constant 0 : i32
      %dma_start3A_24 = arith.constant 0 : i32
      %dma_start3A_25 = tpu.memref_slice %arg8[%dma_start3A_23, %dma_start3A_24] : memref<10112x128xf32, #tpu.memory_space<vmem_shared>> -> memref<10112x128xf32, #tpu.memory_space<vmem_shared>>
      tpu.enqueue_indirect_dma source(%arg7 : memref<88x128xf32, #tpu.memory_space<vmem>>) target(%dma_start3A_25 : memref<10112x128xf32, #tpu.memory_space<vmem_shared>>) offsets(%dma_start3A_22 : memref<88xi32, #tpu.memory_space<vmem>>) semaphore(%arg9 : memref<!tpu.dma_semaphore, #tpu.memory_space<semaphore_mem>>) {add = true}
      %dma_start3A_26 = arith.constant 1 : i32
      %dma_start3A_27 = arith.constant 0 : i32
      %dma_start3A_28 = tpu.memref_slice %arg6[%scan3A_19, %dma_start3A_26, %dma_start3A_27] : memref<29x4x88xi32, #tpu.memory_space<vmem>> -> memref<1x1x88xi32, #tpu.memory_space<vmem>>
      %dma_start3A_29 = tpu.memref_squeeze %dma_start3A_28 : memref<1x1x88xi32, #tpu.memory_space<vmem>> -> memref<88xi32, #tpu.memory_space<vmem>>
      %dma_start3A_30 = arith.constant 0 : i32
      %dma_start3A_31 = arith.constant 0 : i32
      %dma_start3A_32 = tpu.memref_slice %arg8[%dma_start3A_30, %dma_start3A_31] : memref<10112x128xf32, #tpu.memory_space<vmem_shared>> -> memref<10112x128xf32, #tpu.memory_space<vmem_shared>>
      tpu.enqueue_indirect_dma source(%arg7 : memref<88x128xf32, #tpu.memory_space<vmem>>) target(%dma_start3A_32 : memref<10112x128xf32, #tpu.memory_space<vmem_shared>>) offsets(%dma_start3A_29 : memref<88xi32, #tpu.memory_space<vmem>>) semaphore(%arg9 : memref<!tpu.dma_semaphore, #tpu.memory_space<semaphore_mem>>) {add = true}
      %dma_start3A_33 = arith.constant 2 : i32
      %dma_start3A_34 = arith.constant 0 : i32
      %dma_start3A_35 = tpu.memref_slice %arg6[%scan3A_19, %dma_start3A_33, %dma_start3A_34] : memref<29x4x88xi32, #tpu.memory_space<vmem>> -> memref<1x1x88xi32, #tpu.memory_space<vmem>>
      %dma_start3A_36 = tpu.memref_squeeze %dma_start3A_35 : memref<1x1x88xi32, #tpu.memory_space<vmem>> -> memref<88xi32, #tpu.memory_space<vmem>>
      %dma_start3A_37 = arith.constant 0 : i32
      %dma_start3A_38 = arith.constant 0 : i32
      %dma_start3A_39 = tpu.memref_slice %arg8[%dma_start3A_37, %dma_start3A_38] : memref<10112x128xf32, #tpu.memory_space<vmem_shared>> -> memref<10112x128xf32, #tpu.memory_space<vmem_shared>>
      tpu.enqueue_indirect_dma source(%arg7 : memref<88x128xf32, #tpu.memory_space<vmem>>) target(%dma_start3A_39 : memref<10112x128xf32, #tpu.memory_space<vmem_shared>>) offsets(%dma_start3A_36 : memref<88xi32, #tpu.memory_space<vmem>>) semaphore(%arg9 : memref<!tpu.dma_semaphore, #tpu.memory_space<semaphore_mem>>) {add = true}
      %dma_start3A_40 = arith.constant 3 : i32
      %dma_start3A_41 = arith.constant 0 : i32
      %dma_start3A_42 = tpu.memref_slice %arg6[%scan3A_19, %dma_start3A_40, %dma_start3A_41] : memref<29x4x88xi32, #tpu.memory_space<vmem>> -> memref<1x1x88xi32, #tpu.memory_space<vmem>>
      %dma_start3A_43 = tpu.memref_squeeze %dma_start3A_42 : memref<1x1x88xi32, #tpu.memory_space<vmem>> -> memref<88xi32, #tpu.memory_space<vmem>>
      %dma_start3A_44 = arith.constant 0 : i32
      %dma_start3A_45 = arith.constant 0 : i32
      %dma_start3A_46 = tpu.memref_slice %arg8[%dma_start3A_44, %dma_start3A_45] : memref<10112x128xf32, #tpu.memory_space<vmem_shared>> -> memref<10112x128xf32, #tpu.memory_space<vmem_shared>>
      tpu.enqueue_indirect_dma source(%arg7 : memref<88x128xf32, #tpu.memory_space<vmem>>) target(%dma_start3A_46 : memref<10112x128xf32, #tpu.memory_space<vmem_shared>>) offsets(%dma_start3A_43 : memref<88xi32, #tpu.memory_space<vmem>>) semaphore(%arg9 : memref<!tpu.dma_semaphore, #tpu.memory_space<semaphore_mem>>) {add = true}
    }
    %scan3A_7 = arith.constant 29 : i32
    %scan3A_8 = arith.constant 0 : i32
    %scan3A_9 = arith.constant 0 : i32
    %scan3A_10 = arith.constant 29 : i32
    %scan3A_11 = arith.addi %scan3A_9, %scan3A_10 : i32
    %scan3A_12 = arith.constant 1 : i32
    scf.for %scan3A_19 = %scan3A_9 to %scan3A_11 step %scan3A_12  : i32 {
      %dma_wait3A = arith.constant 0 : i32
      %dma_wait3A_20 = arith.constant 0 : i32
      %dma_wait3A_21 = tpu.memref_slice %arg6[%scan3A_19, %dma_wait3A, %dma_wait3A_20] : memref<29x4x88xi32, #tpu.memory_space<vmem>> -> memref<1x1x88xi32, #tpu.memory_space<vmem>>
      %dma_wait3A_22 = tpu.memref_squeeze %dma_wait3A_21 : memref<1x1x88xi32, #tpu.memory_space<vmem>> -> memref<88xi32, #tpu.memory_space<vmem>>
      %dma_wait3A_23 = arith.constant 0 : i32
      %dma_wait3A_24 = arith.constant 0 : i32
      %dma_wait3A_25 = tpu.memref_slice %arg8[%dma_wait3A_23, %dma_wait3A_24] : memref<10112x128xf32, #tpu.memory_space<vmem_shared>> -> memref<10112x128xf32, #tpu.memory_space<vmem_shared>>
      tpu.wait_indirect_dma semaphore(%arg9 : memref<!tpu.dma_semaphore, #tpu.memory_space<semaphore_mem>>) src(%arg7 : memref<88x128xf32, #tpu.memory_space<vmem>>) dst(%dma_wait3A_25 : memref<10112x128xf32, #tpu.memory_space<vmem_shared>>)
      %dma_wait3A_26 = arith.constant 1 : i32
      %dma_wait3A_27 = arith.constant 0 : i32
      %dma_wait3A_28 = tpu.memref_slice %arg6[%scan3A_19, %dma_wait3A_26, %dma_wait3A_27] : memref<29x4x88xi32, #tpu.memory_space<vmem>> -> memref<1x1x88xi32, #tpu.memory_space<vmem>>
      %dma_wait3A_29 = tpu.memref_squeeze %dma_wait3A_28 : memref<1x1x88xi32, #tpu.memory_space<vmem>> -> memref<88xi32, #tpu.memory_space<vmem>>
      %dma_wait3A_30 = arith.constant 0 : i32
      %dma_wait3A_31 = arith.constant 0 : i32
      %dma_wait3A_32 = tpu.memref_slice %arg8[%dma_wait3A_30, %dma_wait3A_31] : memref<10112x128xf32, #tpu.memory_space<vmem_shared>> -> memref<10112x128xf32, #tpu.memory_space<vmem_shared>>
      tpu.wait_indirect_dma semaphore(%arg9 : memref<!tpu.dma_semaphore, #tpu.memory_space<semaphore_mem>>) src(%arg7 : memref<88x128xf32, #tpu.memory_space<vmem>>) dst(%dma_wait3A_32 : memref<10112x128xf32, #tpu.memory_space<vmem_shared>>)
      %dma_wait3A_33 = arith.constant 2 : i32
      %dma_wait3A_34 = arith.constant 0 : i32
      %dma_wait3A_35 = tpu.memref_slice %arg6[%scan3A_19, %dma_wait3A_33, %dma_wait3A_34] : memref<29x4x88xi32, #tpu.memory_space<vmem>> -> memref<1x1x88xi32, #tpu.memory_space<vmem>>
      %dma_wait3A_36 = tpu.memref_squeeze %dma_wait3A_35 : memref<1x1x88xi32, #tpu.memory_space<vmem>> -> memref<88xi32, #tpu.memory_space<vmem>>
      %dma_wait3A_37 = arith.constant 0 : i32
      %dma_wait3A_38 = arith.constant 0 : i32
      %dma_wait3A_39 = tpu.memref_slice %arg8[%dma_wait3A_37, %dma_wait3A_38] : memref<10112x128xf32, #tpu.memory_space<vmem_shared>> -> memref<10112x128xf32, #tpu.memory_space<vmem_shared>>
      tpu.wait_indirect_dma semaphore(%arg9 : memref<!tpu.dma_semaphore, #tpu.memory_space<semaphore_mem>>) src(%arg7 : memref<88x128xf32, #tpu.memory_space<vmem>>) dst(%dma_wait3A_39 : memref<10112x128xf32, #tpu.memory_space<vmem_shared>>)
      %dma_wait3A_40 = arith.constant 3 : i32
      %dma_wait3A_41 = arith.constant 0 : i32
      %dma_wait3A_42 = tpu.memref_slice %arg6[%scan3A_19, %dma_wait3A_40, %dma_wait3A_41] : memref<29x4x88xi32, #tpu.memory_space<vmem>> -> memref<1x1x88xi32, #tpu.memory_space<vmem>>
      %dma_wait3A_43 = tpu.memref_squeeze %dma_wait3A_42 : memref<1x1x88xi32, #tpu.memory_space<vmem>> -> memref<88xi32, #tpu.memory_space<vmem>>
      %dma_wait3A_44 = arith.constant 0 : i32
      %dma_wait3A_45 = arith.constant 0 : i32
      %dma_wait3A_46 = tpu.memref_slice %arg8[%dma_wait3A_44, %dma_wait3A_45] : memref<10112x128xf32, #tpu.memory_space<vmem_shared>> -> memref<10112x128xf32, #tpu.memory_space<vmem_shared>>
      tpu.wait_indirect_dma semaphore(%arg9 : memref<!tpu.dma_semaphore, #tpu.memory_space<semaphore_mem>>) src(%arg7 : memref<88x128xf32, #tpu.memory_space<vmem>>) dst(%dma_wait3A_46 : memref<10112x128xf32, #tpu.memory_space<vmem_shared>>)
    }
    %scan3A_13 = arith.constant 29 : i32
    %barrier3A_14 = arith.constant 0 : index
    tpu.barrier barrier_id(%barrier3A_14)
    %mul3A_15 = arith.constant 632 : i32
    %mul3A_16 = arith.muli %arg1, %mul3A_15 : i32
    %mul3A_17 = arith.constant 632 : i32
    %mul3A_18 = arith.muli %arg1, %mul3A_17 : i32
    "tpu.region"() ({
      %run_scoped3A = tpu.sem_alloc : memref<!tpu.dma_semaphore, #tpu.memory_space<semaphore_mem>>
      %dma_start3A = arith.constant 0 : i32
      %dma_start3A_19 = tpu.memref_slice %arg5[%arg0, %mul3A_18, %dma_start3A] : memref<2x10112x128xf32, #tpu.memory_space<hbm>> -> memref<1x632x128xf32, #tpu.memory_space<hbm>>
      %dma_start3A_20 = tpu.memref_squeeze %dma_start3A_19 : memref<1x632x128xf32, #tpu.memory_space<hbm>> -> memref<632x128xf32, #tpu.memory_space<hbm>>
      %dma_start3A_21 = arith.constant 0 : i32
      %dma_start3A_22 = tpu.memref_slice %arg8[%mul3A_16, %dma_start3A_21] : memref<10112x128xf32, #tpu.memory_space<vmem_shared>> -> memref<632x128xf32, #tpu.memory_space<vmem_shared>>
      tpu.enqueue_dma source(%dma_start3A_22 : memref<632x128xf32, #tpu.memory_space<vmem_shared>>) target(%dma_start3A_20 : memref<632x128xf32, #tpu.memory_space<hbm>>) target_semaphore(%run_scoped3A : memref<!tpu.dma_semaphore, #tpu.memory_space<semaphore_mem>>)
      %dma_wait3A = arith.constant 0 : i32
      %dma_wait3A_23 = tpu.memref_slice %arg5[%arg0, %mul3A_18, %dma_wait3A] : memref<2x10112x128xf32, #tpu.memory_space<hbm>> -> memref<1x632x128xf32, #tpu.memory_space<hbm>>
      %dma_wait3A_24 = tpu.memref_squeeze %dma_wait3A_23 : memref<1x632x128xf32, #tpu.memory_space<hbm>> -> memref<632x128xf32, #tpu.memory_space<hbm>>
      %dma_wait3A_25 = arith.constant 0 : i32
      %dma_wait3A_26 = tpu.memref_slice %arg8[%mul3A_16, %dma_wait3A_25] : memref<10112x128xf32, #tpu.memory_space<vmem_shared>> -> memref<632x128xf32, #tpu.memory_space<vmem_shared>>
      tpu.wait_dma2 semaphore(%run_scoped3A : memref<!tpu.dma_semaphore, #tpu.memory_space<semaphore_mem>>) src(%dma_wait3A_26 : memref<632x128xf32, #tpu.memory_space<vmem_shared>>) dst(%dma_wait3A_24 : memref<632x128xf32, #tpu.memory_space<hbm>>)
      tpu.yield
    }) : () -> ()
    return
  }
}

#map = affine_map<(d0, d1) -> (0, 0)>
#map1 = affine_map<(d0, d1) -> (0, 0, 0, 0)>
#map2 = affine_map<(d0, d1) -> (0, 0, 0)>
module attributes {stable_mosaic.version = 14 : i64} {
  func.func @_edge_kernel(%arg0: i32, %arg1: i32, %arg2: memref<10000x128xf32, #tpu.memory_space<hbm>>, %arg3: memref<32x29x4x88xi32, #tpu.memory_space<hbm>>, %arg4: memref<32x29x4x88xi32, #tpu.memory_space<hbm>>, %arg5: memref<632x128xf32, #tpu.memory_space<hbm>>, %arg6: memref<2x10112x128xf32, #tpu.memory_space<hbm>>, %arg7: memref<2x4x88xi32, #tpu.memory_space<vmem>>, %arg8: memref<2x4x88xi32, #tpu.memory_space<vmem>>, %arg9: memref<4x88x128xf32, #tpu.memory_space<vmem>>, %arg10: memref<10112x128xf32, #tpu.memory_space<vmem_shared>>, %arg11: memref<!tpu.dma_semaphore, #tpu.memory_space<semaphore_mem>>, %arg12: memref<!tpu.dma_semaphore, #tpu.memory_space<semaphore_mem>>, %arg13: memref<!tpu.dma_semaphore, #tpu.memory_space<semaphore_mem>>, %arg14: memref<!tpu.dma_semaphore, #tpu.memory_space<semaphore_mem>>, %arg15: memref<!tpu.dma_semaphore, #tpu.memory_space<semaphore_mem>>, %arg16: memref<!tpu.dma_semaphore, #tpu.memory_space<semaphore_mem>>) attributes {dimension_semantics = [#tpu.dimension_semantics<core_parallel>, #tpu.dimension_semantics<subcore_parallel>], iteration_bounds = array<i64: 2, 16>, scalar_prefetch = 0 : i64, scratch_operands = 10 : i64, tpu.core_type = #tpu.core_type<sc_vector_subcore>, window_params = [{transform_indices = #map}, {transform_indices = #map1}, {transform_indices = #map1}, {transform_indices = #map}, {transform_indices = #map2}]} {
    %mul3A = arith.constant 16 : i32
    %mul3A_0 = arith.muli %arg0, %mul3A : i32
    %add3A = arith.addi %mul3A_0, %arg1 : i32
    %mul3A_1 = arith.constant 632 : i32
    %mul3A_2 = arith.muli %arg1, %mul3A_1 : i32
    "tpu.region"() ({
      %run_scoped3A = tpu.sem_alloc : memref<!tpu.dma_semaphore, #tpu.memory_space<semaphore_mem>>
      %dma_start3A_171 = arith.constant 0 : i32
      %dma_start3A_172 = tpu.memref_slice %arg10[%mul3A_2, %dma_start3A_171] : memref<10112x128xf32, #tpu.memory_space<vmem_shared>> -> memref<632x128xf32, #tpu.memory_space<vmem_shared>>
      tpu.enqueue_dma source(%arg5 : memref<632x128xf32, #tpu.memory_space<hbm>>) target(%dma_start3A_172 : memref<632x128xf32, #tpu.memory_space<vmem_shared>>) target_semaphore(%run_scoped3A : memref<!tpu.dma_semaphore, #tpu.memory_space<semaphore_mem>>)
      %dma_wait3A_173 = arith.constant 0 : i32
      %dma_wait3A_174 = tpu.memref_slice %arg10[%mul3A_2, %dma_wait3A_173] : memref<10112x128xf32, #tpu.memory_space<vmem_shared>> -> memref<632x128xf32, #tpu.memory_space<vmem_shared>>
      tpu.wait_dma2 semaphore(%run_scoped3A : memref<!tpu.dma_semaphore, #tpu.memory_space<semaphore_mem>>) src(%arg5 : memref<632x128xf32, #tpu.memory_space<hbm>>) dst(%dma_wait3A_174 : memref<632x128xf32, #tpu.memory_space<vmem_shared>>)
      tpu.yield
    }) : () -> ()
    %dma_start3A = arith.constant 0 : i32
    %dma_start3A_3 = arith.constant 0 : i32
    %dma_start3A_4 = arith.constant 0 : i32
    %dma_start3A_5 = arith.constant 0 : i32
    %dma_start3A_6 = tpu.memref_slice %arg7[%dma_start3A_3, %dma_start3A_4, %dma_start3A_5] : memref<2x4x88xi32, #tpu.memory_space<vmem>> -> memref<1x4x88xi32, #tpu.memory_space<vmem>>
    %dma_start3A_7 = tpu.memref_squeeze %dma_start3A_6 : memref<1x4x88xi32, #tpu.memory_space<vmem>> -> memref<4x88xi32, #tpu.memory_space<vmem>>
    %dma_start3A_8 = arith.constant 0 : i32
    %dma_start3A_9 = arith.constant 0 : i32
    %dma_start3A_10 = tpu.memref_slice %arg3[%add3A, %dma_start3A, %dma_start3A_8, %dma_start3A_9] : memref<32x29x4x88xi32, #tpu.memory_space<hbm>> -> memref<1x1x4x88xi32, #tpu.memory_space<hbm>>
    %dma_start3A_11 = tpu.memref_squeeze %dma_start3A_10 : memref<1x1x4x88xi32, #tpu.memory_space<hbm>> -> memref<4x88xi32, #tpu.memory_space<hbm>>
    %dma_start3A_12 = arith.constant 0 : i32
    %dma_start3A_13 = arith.constant 0 : i32
    %dma_start3A_14 = tpu.memref_slice %arg7[%dma_start3A_3, %dma_start3A_12, %dma_start3A_13] : memref<2x4x88xi32, #tpu.memory_space<vmem>> -> memref<1x4x88xi32, #tpu.memory_space<vmem>>
    %dma_start3A_15 = tpu.memref_squeeze %dma_start3A_14 : memref<1x4x88xi32, #tpu.memory_space<vmem>> -> memref<4x88xi32, #tpu.memory_space<vmem>>
    %dma_start3A_16 = arith.constant 0 : i32
    %dma_start3A_17 = arith.constant 0 : i32
    %dma_start3A_18 = tpu.memref_slice %arg3[%add3A, %dma_start3A, %dma_start3A_16, %dma_start3A_17] : memref<32x29x4x88xi32, #tpu.memory_space<hbm>> -> memref<1x1x4x88xi32, #tpu.memory_space<hbm>>
    %dma_start3A_19 = tpu.memref_squeeze %dma_start3A_18 : memref<1x1x4x88xi32, #tpu.memory_space<hbm>> -> memref<4x88xi32, #tpu.memory_space<hbm>>
    tpu.enqueue_dma source(%dma_start3A_19 : memref<4x88xi32, #tpu.memory_space<hbm>>) target(%dma_start3A_15 : memref<4x88xi32, #tpu.memory_space<vmem>>) target_semaphore(%arg15 : memref<!tpu.dma_semaphore, #tpu.memory_space<semaphore_mem>>)
    %dma_start3A_20 = arith.constant 0 : i32
    %dma_start3A_21 = arith.constant 0 : i32
    %dma_start3A_22 = arith.constant 0 : i32
    %dma_start3A_23 = arith.constant 0 : i32
    %dma_start3A_24 = tpu.memref_slice %arg8[%dma_start3A_21, %dma_start3A_22, %dma_start3A_23] : memref<2x4x88xi32, #tpu.memory_space<vmem>> -> memref<1x4x88xi32, #tpu.memory_space<vmem>>
    %dma_start3A_25 = tpu.memref_squeeze %dma_start3A_24 : memref<1x4x88xi32, #tpu.memory_space<vmem>> -> memref<4x88xi32, #tpu.memory_space<vmem>>
    %dma_start3A_26 = arith.constant 0 : i32
    %dma_start3A_27 = arith.constant 0 : i32
    %dma_start3A_28 = tpu.memref_slice %arg4[%add3A, %dma_start3A_20, %dma_start3A_26, %dma_start3A_27] : memref<32x29x4x88xi32, #tpu.memory_space<hbm>> -> memref<1x1x4x88xi32, #tpu.memory_space<hbm>>
    %dma_start3A_29 = tpu.memref_squeeze %dma_start3A_28 : memref<1x1x4x88xi32, #tpu.memory_space<hbm>> -> memref<4x88xi32, #tpu.memory_space<hbm>>
    %dma_start3A_30 = arith.constant 0 : i32
    %dma_start3A_31 = arith.constant 0 : i32
    %dma_start3A_32 = tpu.memref_slice %arg8[%dma_start3A_21, %dma_start3A_30, %dma_start3A_31] : memref<2x4x88xi32, #tpu.memory_space<vmem>> -> memref<1x4x88xi32, #tpu.memory_space<vmem>>
    %dma_start3A_33 = tpu.memref_squeeze %dma_start3A_32 : memref<1x4x88xi32, #tpu.memory_space<vmem>> -> memref<4x88xi32, #tpu.memory_space<vmem>>
    %dma_start3A_34 = arith.constant 0 : i32
    %dma_start3A_35 = arith.constant 0 : i32
    %dma_start3A_36 = tpu.memref_slice %arg4[%add3A, %dma_start3A_20, %dma_start3A_34, %dma_start3A_35] : memref<32x29x4x88xi32, #tpu.memory_space<hbm>> -> memref<1x1x4x88xi32, #tpu.memory_space<hbm>>
    %dma_start3A_37 = tpu.memref_squeeze %dma_start3A_36 : memref<1x1x4x88xi32, #tpu.memory_space<hbm>> -> memref<4x88xi32, #tpu.memory_space<hbm>>
    tpu.enqueue_dma source(%dma_start3A_37 : memref<4x88xi32, #tpu.memory_space<hbm>>) target(%dma_start3A_33 : memref<4x88xi32, #tpu.memory_space<vmem>>) target_semaphore(%arg15 : memref<!tpu.dma_semaphore, #tpu.memory_space<semaphore_mem>>)
    %dma_wait3A = arith.constant 0 : i32
    %dma_wait3A_38 = arith.constant 0 : i32
    %dma_wait3A_39 = arith.constant 0 : i32
    %dma_wait3A_40 = arith.constant 0 : i32
    %dma_wait3A_41 = tpu.memref_slice %arg7[%dma_wait3A_38, %dma_wait3A_39, %dma_wait3A_40] : memref<2x4x88xi32, #tpu.memory_space<vmem>> -> memref<1x4x88xi32, #tpu.memory_space<vmem>>
    %dma_wait3A_42 = tpu.memref_squeeze %dma_wait3A_41 : memref<1x4x88xi32, #tpu.memory_space<vmem>> -> memref<4x88xi32, #tpu.memory_space<vmem>>
    %dma_wait3A_43 = arith.constant 0 : i32
    %dma_wait3A_44 = arith.constant 0 : i32
    %dma_wait3A_45 = tpu.memref_slice %arg3[%add3A, %dma_wait3A, %dma_wait3A_43, %dma_wait3A_44] : memref<32x29x4x88xi32, #tpu.memory_space<hbm>> -> memref<1x1x4x88xi32, #tpu.memory_space<hbm>>
    %dma_wait3A_46 = tpu.memref_squeeze %dma_wait3A_45 : memref<1x1x4x88xi32, #tpu.memory_space<hbm>> -> memref<4x88xi32, #tpu.memory_space<hbm>>
    %dma_wait3A_47 = arith.constant 0 : i32
    %dma_wait3A_48 = arith.constant 0 : i32
    %dma_wait3A_49 = tpu.memref_slice %arg7[%dma_wait3A_38, %dma_wait3A_47, %dma_wait3A_48] : memref<2x4x88xi32, #tpu.memory_space<vmem>> -> memref<1x4x88xi32, #tpu.memory_space<vmem>>
    %dma_wait3A_50 = tpu.memref_squeeze %dma_wait3A_49 : memref<1x4x88xi32, #tpu.memory_space<vmem>> -> memref<4x88xi32, #tpu.memory_space<vmem>>
    %dma_wait3A_51 = arith.constant 0 : i32
    %dma_wait3A_52 = arith.constant 0 : i32
    %dma_wait3A_53 = tpu.memref_slice %arg3[%add3A, %dma_wait3A, %dma_wait3A_51, %dma_wait3A_52] : memref<32x29x4x88xi32, #tpu.memory_space<hbm>> -> memref<1x1x4x88xi32, #tpu.memory_space<hbm>>
    %dma_wait3A_54 = tpu.memref_squeeze %dma_wait3A_53 : memref<1x1x4x88xi32, #tpu.memory_space<hbm>> -> memref<4x88xi32, #tpu.memory_space<hbm>>
    tpu.wait_dma2 semaphore(%arg15 : memref<!tpu.dma_semaphore, #tpu.memory_space<semaphore_mem>>) src(%dma_wait3A_54 : memref<4x88xi32, #tpu.memory_space<hbm>>) dst(%dma_wait3A_50 : memref<4x88xi32, #tpu.memory_space<vmem>>)
    %dma_wait3A_55 = arith.constant 0 : i32
    %dma_wait3A_56 = arith.constant 0 : i32
    %dma_wait3A_57 = arith.constant 0 : i32
    %dma_wait3A_58 = arith.constant 0 : i32
    %dma_wait3A_59 = tpu.memref_slice %arg8[%dma_wait3A_56, %dma_wait3A_57, %dma_wait3A_58] : memref<2x4x88xi32, #tpu.memory_space<vmem>> -> memref<1x4x88xi32, #tpu.memory_space<vmem>>
    %dma_wait3A_60 = tpu.memref_squeeze %dma_wait3A_59 : memref<1x4x88xi32, #tpu.memory_space<vmem>> -> memref<4x88xi32, #tpu.memory_space<vmem>>
    %dma_wait3A_61 = arith.constant 0 : i32
    %dma_wait3A_62 = arith.constant 0 : i32
    %dma_wait3A_63 = tpu.memref_slice %arg4[%add3A, %dma_wait3A_55, %dma_wait3A_61, %dma_wait3A_62] : memref<32x29x4x88xi32, #tpu.memory_space<hbm>> -> memref<1x1x4x88xi32, #tpu.memory_space<hbm>>
    %dma_wait3A_64 = tpu.memref_squeeze %dma_wait3A_63 : memref<1x1x4x88xi32, #tpu.memory_space<hbm>> -> memref<4x88xi32, #tpu.memory_space<hbm>>
    %dma_wait3A_65 = arith.constant 0 : i32
    %dma_wait3A_66 = arith.constant 0 : i32
    %dma_wait3A_67 = tpu.memref_slice %arg8[%dma_wait3A_56, %dma_wait3A_65, %dma_wait3A_66] : memref<2x4x88xi32, #tpu.memory_space<vmem>> -> memref<1x4x88xi32, #tpu.memory_space<vmem>>
    %dma_wait3A_68 = tpu.memref_squeeze %dma_wait3A_67 : memref<1x4x88xi32, #tpu.memory_space<vmem>> -> memref<4x88xi32, #tpu.memory_space<vmem>>
    %dma_wait3A_69 = arith.constant 0 : i32
    %dma_wait3A_70 = arith.constant 0 : i32
    %dma_wait3A_71 = tpu.memref_slice %arg4[%add3A, %dma_wait3A_55, %dma_wait3A_69, %dma_wait3A_70] : memref<32x29x4x88xi32, #tpu.memory_space<hbm>> -> memref<1x1x4x88xi32, #tpu.memory_space<hbm>>
    %dma_wait3A_72 = tpu.memref_squeeze %dma_wait3A_71 : memref<1x1x4x88xi32, #tpu.memory_space<hbm>> -> memref<4x88xi32, #tpu.memory_space<hbm>>
    tpu.wait_dma2 semaphore(%arg15 : memref<!tpu.dma_semaphore, #tpu.memory_space<semaphore_mem>>) src(%dma_wait3A_72 : memref<4x88xi32, #tpu.memory_space<hbm>>) dst(%dma_wait3A_68 : memref<4x88xi32, #tpu.memory_space<vmem>>)
    %dma_start3A_73 = arith.constant 1 : i32
    %dma_start3A_74 = arith.constant 1 : i32
    %dma_start3A_75 = arith.constant 0 : i32
    %dma_start3A_76 = arith.constant 0 : i32
    %dma_start3A_77 = tpu.memref_slice %arg7[%dma_start3A_74, %dma_start3A_75, %dma_start3A_76] : memref<2x4x88xi32, #tpu.memory_space<vmem>> -> memref<1x4x88xi32, #tpu.memory_space<vmem>>
    %dma_start3A_78 = tpu.memref_squeeze %dma_start3A_77 : memref<1x4x88xi32, #tpu.memory_space<vmem>> -> memref<4x88xi32, #tpu.memory_space<vmem>>
    %dma_start3A_79 = arith.constant 0 : i32
    %dma_start3A_80 = arith.constant 0 : i32
    %dma_start3A_81 = tpu.memref_slice %arg3[%add3A, %dma_start3A_73, %dma_start3A_79, %dma_start3A_80] : memref<32x29x4x88xi32, #tpu.memory_space<hbm>> -> memref<1x1x4x88xi32, #tpu.memory_space<hbm>>
    %dma_start3A_82 = tpu.memref_squeeze %dma_start3A_81 : memref<1x1x4x88xi32, #tpu.memory_space<hbm>> -> memref<4x88xi32, #tpu.memory_space<hbm>>
    %dma_start3A_83 = arith.constant 0 : i32
    %dma_start3A_84 = arith.constant 0 : i32
    %dma_start3A_85 = tpu.memref_slice %arg7[%dma_start3A_74, %dma_start3A_83, %dma_start3A_84] : memref<2x4x88xi32, #tpu.memory_space<vmem>> -> memref<1x4x88xi32, #tpu.memory_space<vmem>>
    %dma_start3A_86 = tpu.memref_squeeze %dma_start3A_85 : memref<1x4x88xi32, #tpu.memory_space<vmem>> -> memref<4x88xi32, #tpu.memory_space<vmem>>
    %dma_start3A_87 = arith.constant 0 : i32
    %dma_start3A_88 = arith.constant 0 : i32
    %dma_start3A_89 = tpu.memref_slice %arg3[%add3A, %dma_start3A_73, %dma_start3A_87, %dma_start3A_88] : memref<32x29x4x88xi32, #tpu.memory_space<hbm>> -> memref<1x1x4x88xi32, #tpu.memory_space<hbm>>
    %dma_start3A_90 = tpu.memref_squeeze %dma_start3A_89 : memref<1x1x4x88xi32, #tpu.memory_space<hbm>> -> memref<4x88xi32, #tpu.memory_space<hbm>>
    tpu.enqueue_dma source(%dma_start3A_90 : memref<4x88xi32, #tpu.memory_space<hbm>>) target(%dma_start3A_86 : memref<4x88xi32, #tpu.memory_space<vmem>>) target_semaphore(%arg16 : memref<!tpu.dma_semaphore, #tpu.memory_space<semaphore_mem>>)
    %dma_start3A_91 = arith.constant 1 : i32
    %dma_start3A_92 = arith.constant 1 : i32
    %dma_start3A_93 = arith.constant 0 : i32
    %dma_start3A_94 = arith.constant 0 : i32
    %dma_start3A_95 = tpu.memref_slice %arg8[%dma_start3A_92, %dma_start3A_93, %dma_start3A_94] : memref<2x4x88xi32, #tpu.memory_space<vmem>> -> memref<1x4x88xi32, #tpu.memory_space<vmem>>
    %dma_start3A_96 = tpu.memref_squeeze %dma_start3A_95 : memref<1x4x88xi32, #tpu.memory_space<vmem>> -> memref<4x88xi32, #tpu.memory_space<vmem>>
    %dma_start3A_97 = arith.constant 0 : i32
    %dma_start3A_98 = arith.constant 0 : i32
    %dma_start3A_99 = tpu.memref_slice %arg4[%add3A, %dma_start3A_91, %dma_start3A_97, %dma_start3A_98] : memref<32x29x4x88xi32, #tpu.memory_space<hbm>> -> memref<1x1x4x88xi32, #tpu.memory_space<hbm>>
    %dma_start3A_100 = tpu.memref_squeeze %dma_start3A_99 : memref<1x1x4x88xi32, #tpu.memory_space<hbm>> -> memref<4x88xi32, #tpu.memory_space<hbm>>
    %dma_start3A_101 = arith.constant 0 : i32
    %dma_start3A_102 = arith.constant 0 : i32
    %dma_start3A_103 = tpu.memref_slice %arg8[%dma_start3A_92, %dma_start3A_101, %dma_start3A_102] : memref<2x4x88xi32, #tpu.memory_space<vmem>> -> memref<1x4x88xi32, #tpu.memory_space<vmem>>
    %dma_start3A_104 = tpu.memref_squeeze %dma_start3A_103 : memref<1x4x88xi32, #tpu.memory_space<vmem>> -> memref<4x88xi32, #tpu.memory_space<vmem>>
    %dma_start3A_105 = arith.constant 0 : i32
    %dma_start3A_106 = arith.constant 0 : i32
    %dma_start3A_107 = tpu.memref_slice %arg4[%add3A, %dma_start3A_91, %dma_start3A_105, %dma_start3A_106] : memref<32x29x4x88xi32, #tpu.memory_space<hbm>> -> memref<1x1x4x88xi32, #tpu.memory_space<hbm>>
    %dma_start3A_108 = tpu.memref_squeeze %dma_start3A_107 : memref<1x1x4x88xi32, #tpu.memory_space<hbm>> -> memref<4x88xi32, #tpu.memory_space<hbm>>
    tpu.enqueue_dma source(%dma_start3A_108 : memref<4x88xi32, #tpu.memory_space<hbm>>) target(%dma_start3A_104 : memref<4x88xi32, #tpu.memory_space<vmem>>) target_semaphore(%arg16 : memref<!tpu.dma_semaphore, #tpu.memory_space<semaphore_mem>>)
    %barrier3A = arith.constant 0 : index
    tpu.barrier barrier_id(%barrier3A)
    %dma_start3A_109 = arith.constant 0 : i32
    %dma_start3A_110 = arith.constant 0 : i32
    %dma_start3A_111 = arith.constant 0 : i32
    %dma_start3A_112 = arith.constant 0 : i32
    %dma_start3A_113 = arith.constant 0 : i32
    %dma_start3A_114 = tpu.memref_slice %arg9[%dma_start3A_111, %dma_start3A_112, %dma_start3A_113] : memref<4x88x128xf32, #tpu.memory_space<vmem>> -> memref<1x88x128xf32, #tpu.memory_space<vmem>>
    %dma_start3A_115 = tpu.memref_squeeze %dma_start3A_114 : memref<1x88x128xf32, #tpu.memory_space<vmem>> -> memref<88x128xf32, #tpu.memory_space<vmem>>
    %dma_start3A_116 = arith.constant 0 : i32
    %dma_start3A_117 = tpu.memref_slice %arg7[%dma_start3A_109, %dma_start3A_110, %dma_start3A_116] : memref<2x4x88xi32, #tpu.memory_space<vmem>> -> memref<1x1x88xi32, #tpu.memory_space<vmem>>
    %dma_start3A_118 = tpu.memref_squeeze %dma_start3A_117 : memref<1x1x88xi32, #tpu.memory_space<vmem>> -> memref<88xi32, #tpu.memory_space<vmem>>
    %dma_start3A_119 = arith.constant 0 : i32
    %dma_start3A_120 = arith.constant 0 : i32
    %dma_start3A_121 = tpu.memref_slice %arg2[%dma_start3A_119, %dma_start3A_120] : memref<10000x128xf32, #tpu.memory_space<hbm>> -> memref<10000x128xf32, #tpu.memory_space<hbm>>
    tpu.enqueue_indirect_dma source(%dma_start3A_121 : memref<10000x128xf32, #tpu.memory_space<hbm>>) target(%dma_start3A_115 : memref<88x128xf32, #tpu.memory_space<vmem>>) offsets(%dma_start3A_118 : memref<88xi32, #tpu.memory_space<vmem>>) semaphore(%arg11 : memref<!tpu.dma_semaphore, #tpu.memory_space<semaphore_mem>>)
    %dma_start3A_122 = arith.constant 0 : i32
    %dma_start3A_123 = arith.constant 1 : i32
    %dma_start3A_124 = arith.constant 1 : i32
    %dma_start3A_125 = arith.constant 0 : i32
    %dma_start3A_126 = arith.constant 0 : i32
    %dma_start3A_127 = tpu.memref_slice %arg9[%dma_start3A_124, %dma_start3A_125, %dma_start3A_126] : memref<4x88x128xf32, #tpu.memory_space<vmem>> -> memref<1x88x128xf32, #tpu.memory_space<vmem>>
    %dma_start3A_128 = tpu.memref_squeeze %dma_start3A_127 : memref<1x88x128xf32, #tpu.memory_space<vmem>> -> memref<88x128xf32, #tpu.memory_space<vmem>>
    %dma_start3A_129 = arith.constant 0 : i32
    %dma_start3A_130 = tpu.memref_slice %arg7[%dma_start3A_122, %dma_start3A_123, %dma_start3A_129] : memref<2x4x88xi32, #tpu.memory_space<vmem>> -> memref<1x1x88xi32, #tpu.memory_space<vmem>>
    %dma_start3A_131 = tpu.memref_squeeze %dma_start3A_130 : memref<1x1x88xi32, #tpu.memory_space<vmem>> -> memref<88xi32, #tpu.memory_space<vmem>>
    %dma_start3A_132 = arith.constant 0 : i32
    %dma_start3A_133 = arith.constant 0 : i32
    %dma_start3A_134 = tpu.memref_slice %arg2[%dma_start3A_132, %dma_start3A_133] : memref<10000x128xf32, #tpu.memory_space<hbm>> -> memref<10000x128xf32, #tpu.memory_space<hbm>>
    tpu.enqueue_indirect_dma source(%dma_start3A_134 : memref<10000x128xf32, #tpu.memory_space<hbm>>) target(%dma_start3A_128 : memref<88x128xf32, #tpu.memory_space<vmem>>) offsets(%dma_start3A_131 : memref<88xi32, #tpu.memory_space<vmem>>) semaphore(%arg12 : memref<!tpu.dma_semaphore, #tpu.memory_space<semaphore_mem>>)
    %dma_start3A_135 = arith.constant 0 : i32
    %dma_start3A_136 = arith.constant 2 : i32
    %dma_start3A_137 = arith.constant 2 : i32
    %dma_start3A_138 = arith.constant 0 : i32
    %dma_start3A_139 = arith.constant 0 : i32
    %dma_start3A_140 = tpu.memref_slice %arg9[%dma_start3A_137, %dma_start3A_138, %dma_start3A_139] : memref<4x88x128xf32, #tpu.memory_space<vmem>> -> memref<1x88x128xf32, #tpu.memory_space<vmem>>
    %dma_start3A_141 = tpu.memref_squeeze %dma_start3A_140 : memref<1x88x128xf32, #tpu.memory_space<vmem>> -> memref<88x128xf32, #tpu.memory_space<vmem>>
    %dma_start3A_142 = arith.constant 0 : i32
    %dma_start3A_143 = tpu.memref_slice %arg7[%dma_start3A_135, %dma_start3A_136, %dma_start3A_142] : memref<2x4x88xi32, #tpu.memory_space<vmem>> -> memref<1x1x88xi32, #tpu.memory_space<vmem>>
    %dma_start3A_144 = tpu.memref_squeeze %dma_start3A_143 : memref<1x1x88xi32, #tpu.memory_space<vmem>> -> memref<88xi32, #tpu.memory_space<vmem>>
    %dma_start3A_145 = arith.constant 0 : i32
    %dma_start3A_146 = arith.constant 0 : i32
    %dma_start3A_147 = tpu.memref_slice %arg2[%dma_start3A_145, %dma_start3A_146] : memref<10000x128xf32, #tpu.memory_space<hbm>> -> memref<10000x128xf32, #tpu.memory_space<hbm>>
    tpu.enqueue_indirect_dma source(%dma_start3A_147 : memref<10000x128xf32, #tpu.memory_space<hbm>>) target(%dma_start3A_141 : memref<88x128xf32, #tpu.memory_space<vmem>>) offsets(%dma_start3A_144 : memref<88xi32, #tpu.memory_space<vmem>>) semaphore(%arg13 : memref<!tpu.dma_semaphore, #tpu.memory_space<semaphore_mem>>)
    %dma_start3A_148 = arith.constant 0 : i32
    %dma_start3A_149 = arith.constant 3 : i32
    %dma_start3A_150 = arith.constant 3 : i32
    %dma_start3A_151 = arith.constant 0 : i32
    %dma_start3A_152 = arith.constant 0 : i32
    %dma_start3A_153 = tpu.memref_slice %arg9[%dma_start3A_150, %dma_start3A_151, %dma_start3A_152] : memref<4x88x128xf32, #tpu.memory_space<vmem>> -> memref<1x88x128xf32, #tpu.memory_space<vmem>>
    %dma_start3A_154 = tpu.memref_squeeze %dma_start3A_153 : memref<1x88x128xf32, #tpu.memory_space<vmem>> -> memref<88x128xf32, #tpu.memory_space<vmem>>
    %dma_start3A_155 = arith.constant 0 : i32
    %dma_start3A_156 = tpu.memref_slice %arg7[%dma_start3A_148, %dma_start3A_149, %dma_start3A_155] : memref<2x4x88xi32, #tpu.memory_space<vmem>> -> memref<1x1x88xi32, #tpu.memory_space<vmem>>
    %dma_start3A_157 = tpu.memref_squeeze %dma_start3A_156 : memref<1x1x88xi32, #tpu.memory_space<vmem>> -> memref<88xi32, #tpu.memory_space<vmem>>
    %dma_start3A_158 = arith.constant 0 : i32
    %dma_start3A_159 = arith.constant 0 : i32
    %dma_start3A_160 = tpu.memref_slice %arg2[%dma_start3A_158, %dma_start3A_159] : memref<10000x128xf32, #tpu.memory_space<hbm>> -> memref<10000x128xf32, #tpu.memory_space<hbm>>
    tpu.enqueue_indirect_dma source(%dma_start3A_160 : memref<10000x128xf32, #tpu.memory_space<hbm>>) target(%dma_start3A_154 : memref<88x128xf32, #tpu.memory_space<vmem>>) offsets(%dma_start3A_157 : memref<88xi32, #tpu.memory_space<vmem>>) semaphore(%arg14 : memref<!tpu.dma_semaphore, #tpu.memory_space<semaphore_mem>>)
    %scan3A = arith.constant 0 : i32
    %scan3A_161 = arith.constant 0 : i32
    %scan3A_162 = arith.constant 29 : i32
    %scan3A_163 = arith.addi %scan3A_161, %scan3A_162 : i32
    %scan3A_164 = arith.constant 1 : i32
    scf.for %scan3A_171 = %scan3A_161 to %scan3A_163 step %scan3A_164  : i32 {
      %rem3A = arith.constant 2 : i32
      %rem3A_172 = arith.remsi %scan3A_171, %rem3A : i32
      %add3A_173 = arith.constant 1 : i32
      %add3A_174 = arith.addi %scan3A_171, %add3A_173 : i32
      %rem3A_175 = arith.constant 2 : i32
      %rem3A_176 = arith.remsi %add3A_174, %rem3A_175 : i32
      %add3A_177 = arith.constant 1 : i32
      %add3A_178 = arith.addi %scan3A_171, %add3A_177 : i32
      %lt3A = arith.constant 29 : i32
      %lt3A_179 = arith.cmpi slt, %add3A_178, %lt3A : i32
      %convert_element_type3A = arith.extui %lt3A_179 : i1 to i32
      %cond3A = arith.constant 0 : i32
      %cond3A_180 = arith.cmpi ne, %convert_element_type3A, %cond3A : i32
      scf.if %cond3A_180 {
        %add3A_271 = arith.constant 1 : i32
        %add3A_272 = arith.addi %scan3A_171, %add3A_271 : i32
        %rem3A_273 = arith.constant 2 : i32
        %rem3A_274 = arith.remsi %add3A_272, %rem3A_273 : i32
        %eq3A = arith.constant 0 : i32
        %eq3A_275 = arith.cmpi eq, %rem3A_274, %eq3A : i32
        %convert_element_type3A_276 = arith.extui %eq3A_275 : i1 to i32
        %cond3A_277 = arith.constant 0 : i32
        %cond3A_278 = arith.cmpi ne, %convert_element_type3A_276, %cond3A_277 : i32
        scf.if %cond3A_278 {
          %dma_wait3A_286 = arith.constant 0 : i32
          %dma_wait3A_287 = arith.constant 0 : i32
          %dma_wait3A_288 = tpu.memref_slice %arg7[%rem3A_176, %dma_wait3A_286, %dma_wait3A_287] : memref<2x4x88xi32, #tpu.memory_space<vmem>> -> memref<1x4x88xi32, #tpu.memory_space<vmem>>
          %dma_wait3A_289 = tpu.memref_squeeze %dma_wait3A_288 : memref<1x4x88xi32, #tpu.memory_space<vmem>> -> memref<4x88xi32, #tpu.memory_space<vmem>>
          %dma_wait3A_290 = arith.constant 0 : i32
          %dma_wait3A_291 = arith.constant 0 : i32
          %dma_wait3A_292 = tpu.memref_slice %arg3[%add3A, %add3A_272, %dma_wait3A_290, %dma_wait3A_291] : memref<32x29x4x88xi32, #tpu.memory_space<hbm>> -> memref<1x1x4x88xi32, #tpu.memory_space<hbm>>
          %dma_wait3A_293 = tpu.memref_squeeze %dma_wait3A_292 : memref<1x1x4x88xi32, #tpu.memory_space<hbm>> -> memref<4x88xi32, #tpu.memory_space<hbm>>
          %dma_wait3A_294 = arith.constant 0 : i32
          %dma_wait3A_295 = arith.constant 0 : i32
          %dma_wait3A_296 = tpu.memref_slice %arg7[%rem3A_176, %dma_wait3A_294, %dma_wait3A_295] : memref<2x4x88xi32, #tpu.memory_space<vmem>> -> memref<1x4x88xi32, #tpu.memory_space<vmem>>
          %dma_wait3A_297 = tpu.memref_squeeze %dma_wait3A_296 : memref<1x4x88xi32, #tpu.memory_space<vmem>> -> memref<4x88xi32, #tpu.memory_space<vmem>>
          %dma_wait3A_298 = arith.constant 0 : i32
          %dma_wait3A_299 = arith.constant 0 : i32
          %dma_wait3A_300 = tpu.memref_slice %arg3[%add3A, %add3A_272, %dma_wait3A_298, %dma_wait3A_299] : memref<32x29x4x88xi32, #tpu.memory_space<hbm>> -> memref<1x1x4x88xi32, #tpu.memory_space<hbm>>
          %dma_wait3A_301 = tpu.memref_squeeze %dma_wait3A_300 : memref<1x1x4x88xi32, #tpu.memory_space<hbm>> -> memref<4x88xi32, #tpu.memory_space<hbm>>
          tpu.wait_dma2 semaphore(%arg15 : memref<!tpu.dma_semaphore, #tpu.memory_space<semaphore_mem>>) src(%dma_wait3A_301 : memref<4x88xi32, #tpu.memory_space<hbm>>) dst(%dma_wait3A_297 : memref<4x88xi32, #tpu.memory_space<vmem>>)
          %dma_wait3A_302 = arith.constant 0 : i32
          %dma_wait3A_303 = arith.constant 0 : i32
          %dma_wait3A_304 = tpu.memref_slice %arg8[%rem3A_176, %dma_wait3A_302, %dma_wait3A_303] : memref<2x4x88xi32, #tpu.memory_space<vmem>> -> memref<1x4x88xi32, #tpu.memory_space<vmem>>
          %dma_wait3A_305 = tpu.memref_squeeze %dma_wait3A_304 : memref<1x4x88xi32, #tpu.memory_space<vmem>> -> memref<4x88xi32, #tpu.memory_space<vmem>>
          %dma_wait3A_306 = arith.constant 0 : i32
          %dma_wait3A_307 = arith.constant 0 : i32
          %dma_wait3A_308 = tpu.memref_slice %arg4[%add3A, %add3A_272, %dma_wait3A_306, %dma_wait3A_307] : memref<32x29x4x88xi32, #tpu.memory_space<hbm>> -> memref<1x1x4x88xi32, #tpu.memory_space<hbm>>
          %dma_wait3A_309 = tpu.memref_squeeze %dma_wait3A_308 : memref<1x1x4x88xi32, #tpu.memory_space<hbm>> -> memref<4x88xi32, #tpu.memory_space<hbm>>
          %dma_wait3A_310 = arith.constant 0 : i32
          %dma_wait3A_311 = arith.constant 0 : i32
          %dma_wait3A_312 = tpu.memref_slice %arg8[%rem3A_176, %dma_wait3A_310, %dma_wait3A_311] : memref<2x4x88xi32, #tpu.memory_space<vmem>> -> memref<1x4x88xi32, #tpu.memory_space<vmem>>
          %dma_wait3A_313 = tpu.memref_squeeze %dma_wait3A_312 : memref<1x4x88xi32, #tpu.memory_space<vmem>> -> memref<4x88xi32, #tpu.memory_space<vmem>>
          %dma_wait3A_314 = arith.constant 0 : i32
          %dma_wait3A_315 = arith.constant 0 : i32
          %dma_wait3A_316 = tpu.memref_slice %arg4[%add3A, %add3A_272, %dma_wait3A_314, %dma_wait3A_315] : memref<32x29x4x88xi32, #tpu.memory_space<hbm>> -> memref<1x1x4x88xi32, #tpu.memory_space<hbm>>
          %dma_wait3A_317 = tpu.memref_squeeze %dma_wait3A_316 : memref<1x1x4x88xi32, #tpu.memory_space<hbm>> -> memref<4x88xi32, #tpu.memory_space<hbm>>
          tpu.wait_dma2 semaphore(%arg15 : memref<!tpu.dma_semaphore, #tpu.memory_space<semaphore_mem>>) src(%dma_wait3A_317 : memref<4x88xi32, #tpu.memory_space<hbm>>) dst(%dma_wait3A_313 : memref<4x88xi32, #tpu.memory_space<vmem>>)
        } else {
        }
        %rem3A_279 = arith.constant 2 : i32
        %rem3A_280 = arith.remsi %add3A_272, %rem3A_279 : i32
        %eq3A_281 = arith.constant 1 : i32
        %eq3A_282 = arith.cmpi eq, %rem3A_280, %eq3A_281 : i32
        %convert_element_type3A_283 = arith.extui %eq3A_282 : i1 to i32
        %cond3A_284 = arith.constant 0 : i32
        %cond3A_285 = arith.cmpi ne, %convert_element_type3A_283, %cond3A_284 : i32
        scf.if %cond3A_285 {
          %dma_wait3A_286 = arith.constant 0 : i32
          %dma_wait3A_287 = arith.constant 0 : i32
          %dma_wait3A_288 = tpu.memref_slice %arg7[%rem3A_176, %dma_wait3A_286, %dma_wait3A_287] : memref<2x4x88xi32, #tpu.memory_space<vmem>> -> memref<1x4x88xi32, #tpu.memory_space<vmem>>
          %dma_wait3A_289 = tpu.memref_squeeze %dma_wait3A_288 : memref<1x4x88xi32, #tpu.memory_space<vmem>> -> memref<4x88xi32, #tpu.memory_space<vmem>>
          %dma_wait3A_290 = arith.constant 0 : i32
          %dma_wait3A_291 = arith.constant 0 : i32
          %dma_wait3A_292 = tpu.memref_slice %arg3[%add3A, %add3A_272, %dma_wait3A_290, %dma_wait3A_291] : memref<32x29x4x88xi32, #tpu.memory_space<hbm>> -> memref<1x1x4x88xi32, #tpu.memory_space<hbm>>
          %dma_wait3A_293 = tpu.memref_squeeze %dma_wait3A_292 : memref<1x1x4x88xi32, #tpu.memory_space<hbm>> -> memref<4x88xi32, #tpu.memory_space<hbm>>
          %dma_wait3A_294 = arith.constant 0 : i32
          %dma_wait3A_295 = arith.constant 0 : i32
          %dma_wait3A_296 = tpu.memref_slice %arg7[%rem3A_176, %dma_wait3A_294, %dma_wait3A_295] : memref<2x4x88xi32, #tpu.memory_space<vmem>> -> memref<1x4x88xi32, #tpu.memory_space<vmem>>
          %dma_wait3A_297 = tpu.memref_squeeze %dma_wait3A_296 : memref<1x4x88xi32, #tpu.memory_space<vmem>> -> memref<4x88xi32, #tpu.memory_space<vmem>>
          %dma_wait3A_298 = arith.constant 0 : i32
          %dma_wait3A_299 = arith.constant 0 : i32
          %dma_wait3A_300 = tpu.memref_slice %arg3[%add3A, %add3A_272, %dma_wait3A_298, %dma_wait3A_299] : memref<32x29x4x88xi32, #tpu.memory_space<hbm>> -> memref<1x1x4x88xi32, #tpu.memory_space<hbm>>
          %dma_wait3A_301 = tpu.memref_squeeze %dma_wait3A_300 : memref<1x1x4x88xi32, #tpu.memory_space<hbm>> -> memref<4x88xi32, #tpu.memory_space<hbm>>
          tpu.wait_dma2 semaphore(%arg16 : memref<!tpu.dma_semaphore, #tpu.memory_space<semaphore_mem>>) src(%dma_wait3A_301 : memref<4x88xi32, #tpu.memory_space<hbm>>) dst(%dma_wait3A_297 : memref<4x88xi32, #tpu.memory_space<vmem>>)
          %dma_wait3A_302 = arith.constant 0 : i32
          %dma_wait3A_303 = arith.constant 0 : i32
          %dma_wait3A_304 = tpu.memref_slice %arg8[%rem3A_176, %dma_wait3A_302, %dma_wait3A_303] : memref<2x4x88xi32, #tpu.memory_space<vmem>> -> memref<1x4x88xi32, #tpu.memory_space<vmem>>
          %dma_wait3A_305 = tpu.memref_squeeze %dma_wait3A_304 : memref<1x4x88xi32, #tpu.memory_space<vmem>> -> memref<4x88xi32, #tpu.memory_space<vmem>>
          %dma_wait3A_306 = arith.constant 0 : i32
          %dma_wait3A_307 = arith.constant 0 : i32
          %dma_wait3A_308 = tpu.memref_slice %arg4[%add3A, %add3A_272, %dma_wait3A_306, %dma_wait3A_307] : memref<32x29x4x88xi32, #tpu.memory_space<hbm>> -> memref<1x1x4x88xi32, #tpu.memory_space<hbm>>
          %dma_wait3A_309 = tpu.memref_squeeze %dma_wait3A_308 : memref<1x1x4x88xi32, #tpu.memory_space<hbm>> -> memref<4x88xi32, #tpu.memory_space<hbm>>
          %dma_wait3A_310 = arith.constant 0 : i32
          %dma_wait3A_311 = arith.constant 0 : i32
          %dma_wait3A_312 = tpu.memref_slice %arg8[%rem3A_176, %dma_wait3A_310, %dma_wait3A_311] : memref<2x4x88xi32, #tpu.memory_space<vmem>> -> memref<1x4x88xi32, #tpu.memory_space<vmem>>
          %dma_wait3A_313 = tpu.memref_squeeze %dma_wait3A_312 : memref<1x4x88xi32, #tpu.memory_space<vmem>> -> memref<4x88xi32, #tpu.memory_space<vmem>>
          %dma_wait3A_314 = arith.constant 0 : i32
          %dma_wait3A_315 = arith.constant 0 : i32
          %dma_wait3A_316 = tpu.memref_slice %arg4[%add3A, %add3A_272, %dma_wait3A_314, %dma_wait3A_315] : memref<32x29x4x88xi32, #tpu.memory_space<hbm>> -> memref<1x1x4x88xi32, #tpu.memory_space<hbm>>
          %dma_wait3A_317 = tpu.memref_squeeze %dma_wait3A_316 : memref<1x1x4x88xi32, #tpu.memory_space<hbm>> -> memref<4x88xi32, #tpu.memory_space<hbm>>
          tpu.wait_dma2 semaphore(%arg16 : memref<!tpu.dma_semaphore, #tpu.memory_space<semaphore_mem>>) src(%dma_wait3A_317 : memref<4x88xi32, #tpu.memory_space<hbm>>) dst(%dma_wait3A_313 : memref<4x88xi32, #tpu.memory_space<vmem>>)
        } else {
        }
      } else {
      }
      %dma_wait3A_181 = arith.constant 0 : i32
      %dma_wait3A_182 = arith.constant 0 : i32
      %dma_wait3A_183 = arith.constant 0 : i32
      %dma_wait3A_184 = arith.constant 0 : i32
      %dma_wait3A_185 = tpu.memref_slice %arg9[%dma_wait3A_182, %dma_wait3A_183, %dma_wait3A_184] : memref<4x88x128xf32, #tpu.memory_space<vmem>> -> memref<1x88x128xf32, #tpu.memory_space<vmem>>
      %dma_wait3A_186 = tpu.memref_squeeze %dma_wait3A_185 : memref<1x88x128xf32, #tpu.memory_space<vmem>> -> memref<88x128xf32, #tpu.memory_space<vmem>>
      %dma_wait3A_187 = arith.constant 0 : i32
      %dma_wait3A_188 = tpu.memref_slice %arg7[%rem3A_172, %dma_wait3A_181, %dma_wait3A_187] : memref<2x4x88xi32, #tpu.memory_space<vmem>> -> memref<1x1x88xi32, #tpu.memory_space<vmem>>
      %dma_wait3A_189 = tpu.memref_squeeze %dma_wait3A_188 : memref<1x1x88xi32, #tpu.memory_space<vmem>> -> memref<88xi32, #tpu.memory_space<vmem>>
      %dma_wait3A_190 = arith.constant 0 : i32
      %dma_wait3A_191 = arith.constant 0 : i32
      %dma_wait3A_192 = tpu.memref_slice %arg2[%dma_wait3A_190, %dma_wait3A_191] : memref<10000x128xf32, #tpu.memory_space<hbm>> -> memref<10000x128xf32, #tpu.memory_space<hbm>>
      tpu.wait_indirect_dma semaphore(%arg11 : memref<!tpu.dma_semaphore, #tpu.memory_space<semaphore_mem>>) src(%dma_wait3A_192 : memref<10000x128xf32, #tpu.memory_space<hbm>>) dst(%dma_wait3A_186 : memref<88x128xf32, #tpu.memory_space<vmem>>)
      %run_scoped3A = arith.constant 0 : i32
      %run_scoped3A_193 = arith.constant 0 : i32
      "tpu.region"() ({
        %run_scoped3A_271 = tpu.sem_alloc : memref<!tpu.dma_semaphore, #tpu.memory_space<semaphore_mem>>
        %dma_start3A_272 = arith.constant 0 : i32
        %dma_start3A_273 = arith.constant 0 : i32
        %dma_start3A_274 = tpu.memref_slice %arg9[%run_scoped3A, %dma_start3A_272, %dma_start3A_273] : memref<4x88x128xf32, #tpu.memory_space<vmem>> -> memref<1x88x128xf32, #tpu.memory_space<vmem>>
        %dma_start3A_275 = tpu.memref_squeeze %dma_start3A_274 : memref<1x88x128xf32, #tpu.memory_space<vmem>> -> memref<88x128xf32, #tpu.memory_space<vmem>>
        %dma_start3A_276 = arith.constant 0 : i32
        %dma_start3A_277 = tpu.memref_slice %arg8[%rem3A_172, %run_scoped3A_193, %dma_start3A_276] : memref<2x4x88xi32, #tpu.memory_space<vmem>> -> memref<1x1x88xi32, #tpu.memory_space<vmem>>
        %dma_start3A_278 = tpu.memref_squeeze %dma_start3A_277 : memref<1x1x88xi32, #tpu.memory_space<vmem>> -> memref<88xi32, #tpu.memory_space<vmem>>
        %dma_start3A_279 = arith.constant 0 : i32
        %dma_start3A_280 = arith.constant 0 : i32
        %dma_start3A_281 = tpu.memref_slice %arg10[%dma_start3A_279, %dma_start3A_280] : memref<10112x128xf32, #tpu.memory_space<vmem_shared>> -> memref<10112x128xf32, #tpu.memory_space<vmem_shared>>
        tpu.enqueue_indirect_dma source(%dma_start3A_275 : memref<88x128xf32, #tpu.memory_space<vmem>>) target(%dma_start3A_281 : memref<10112x128xf32, #tpu.memory_space<vmem_shared>>) offsets(%dma_start3A_278 : memref<88xi32, #tpu.memory_space<vmem>>) semaphore(%run_scoped3A_271 : memref<!tpu.dma_semaphore, #tpu.memory_space<semaphore_mem>>) {add = true}
        %dma_wait3A_282 = arith.constant 0 : i32
        %dma_wait3A_283 = arith.constant 0 : i32
        %dma_wait3A_284 = tpu.memref_slice %arg9[%run_scoped3A, %dma_wait3A_282, %dma_wait3A_283] : memref<4x88x128xf32, #tpu.memory_space<vmem>> -> memref<1x88x128xf32, #tpu.memory_space<vmem>>
        %dma_wait3A_285 = tpu.memref_squeeze %dma_wait3A_284 : memref<1x88x128xf32, #tpu.memory_space<vmem>> -> memref<88x128xf32, #tpu.memory_space<vmem>>
        %dma_wait3A_286 = arith.constant 0 : i32
        %dma_wait3A_287 = tpu.memref_slice %arg8[%rem3A_172, %run_scoped3A_193, %dma_wait3A_286] : memref<2x4x88xi32, #tpu.memory_space<vmem>> -> memref<1x1x88xi32, #tpu.memory_space<vmem>>
        %dma_wait3A_288 = tpu.memref_squeeze %dma_wait3A_287 : memref<1x1x88xi32, #tpu.memory_space<vmem>> -> memref<88xi32, #tpu.memory_space<vmem>>
        %dma_wait3A_289 = arith.constant 0 : i32
        %dma_wait3A_290 = arith.constant 0 : i32
        %dma_wait3A_291 = tpu.memref_slice %arg10[%dma_wait3A_289, %dma_wait3A_290] : memref<10112x128xf32, #tpu.memory_space<vmem_shared>> -> memref<10112x128xf32, #tpu.memory_space<vmem_shared>>
        tpu.wait_indirect_dma semaphore(%run_scoped3A_271 : memref<!tpu.dma_semaphore, #tpu.memory_space<semaphore_mem>>) src(%dma_wait3A_285 : memref<88x128xf32, #tpu.memory_space<vmem>>) dst(%dma_wait3A_291 : memref<10112x128xf32, #tpu.memory_space<vmem_shared>>)
        tpu.yield
      }) : () -> ()
      %add3A_194 = arith.constant 1 : i32
      %add3A_195 = arith.addi %scan3A_171, %add3A_194 : i32
      %lt3A_196 = arith.constant 29 : i32
      %lt3A_197 = arith.cmpi slt, %add3A_195, %lt3A_196 : i32
      %convert_element_type3A_198 = arith.extui %lt3A_197 : i1 to i32
      %cond3A_199 = arith.constant 0 : i32
      %cond3A_200 = arith.cmpi ne, %convert_element_type3A_198, %cond3A_199 : i32
      scf.if %cond3A_200 {
        %dma_start3A_271 = arith.constant 0 : i32
        %dma_start3A_272 = arith.constant 0 : i32
        %dma_start3A_273 = arith.constant 0 : i32
        %dma_start3A_274 = arith.constant 0 : i32
        %dma_start3A_275 = tpu.memref_slice %arg9[%dma_start3A_272, %dma_start3A_273, %dma_start3A_274] : memref<4x88x128xf32, #tpu.memory_space<vmem>> -> memref<1x88x128xf32, #tpu.memory_space<vmem>>
        %dma_start3A_276 = tpu.memref_squeeze %dma_start3A_275 : memref<1x88x128xf32, #tpu.memory_space<vmem>> -> memref<88x128xf32, #tpu.memory_space<vmem>>
        %dma_start3A_277 = arith.constant 0 : i32
        %dma_start3A_278 = tpu.memref_slice %arg7[%rem3A_176, %dma_start3A_271, %dma_start3A_277] : memref<2x4x88xi32, #tpu.memory_space<vmem>> -> memref<1x1x88xi32, #tpu.memory_space<vmem>>
        %dma_start3A_279 = tpu.memref_squeeze %dma_start3A_278 : memref<1x1x88xi32, #tpu.memory_space<vmem>> -> memref<88xi32, #tpu.memory_space<vmem>>
        %dma_start3A_280 = arith.constant 0 : i32
        %dma_start3A_281 = arith.constant 0 : i32
        %dma_start3A_282 = tpu.memref_slice %arg2[%dma_start3A_280, %dma_start3A_281] : memref<10000x128xf32, #tpu.memory_space<hbm>> -> memref<10000x128xf32, #tpu.memory_space<hbm>>
        tpu.enqueue_indirect_dma source(%dma_start3A_282 : memref<10000x128xf32, #tpu.memory_space<hbm>>) target(%dma_start3A_276 : memref<88x128xf32, #tpu.memory_space<vmem>>) offsets(%dma_start3A_279 : memref<88xi32, #tpu.memory_space<vmem>>) semaphore(%arg11 : memref<!tpu.dma_semaphore, #tpu.memory_space<semaphore_mem>>)
      } else {
      }
      %dma_wait3A_201 = arith.constant 1 : i32
      %dma_wait3A_202 = arith.constant 1 : i32
      %dma_wait3A_203 = arith.constant 0 : i32
      %dma_wait3A_204 = arith.constant 0 : i32
      %dma_wait3A_205 = tpu.memref_slice %arg9[%dma_wait3A_202, %dma_wait3A_203, %dma_wait3A_204] : memref<4x88x128xf32, #tpu.memory_space<vmem>> -> memref<1x88x128xf32, #tpu.memory_space<vmem>>
      %dma_wait3A_206 = tpu.memref_squeeze %dma_wait3A_205 : memref<1x88x128xf32, #tpu.memory_space<vmem>> -> memref<88x128xf32, #tpu.memory_space<vmem>>
      %dma_wait3A_207 = arith.constant 0 : i32
      %dma_wait3A_208 = tpu.memref_slice %arg7[%rem3A_172, %dma_wait3A_201, %dma_wait3A_207] : memref<2x4x88xi32, #tpu.memory_space<vmem>> -> memref<1x1x88xi32, #tpu.memory_space<vmem>>
      %dma_wait3A_209 = tpu.memref_squeeze %dma_wait3A_208 : memref<1x1x88xi32, #tpu.memory_space<vmem>> -> memref<88xi32, #tpu.memory_space<vmem>>
      %dma_wait3A_210 = arith.constant 0 : i32
      %dma_wait3A_211 = arith.constant 0 : i32
      %dma_wait3A_212 = tpu.memref_slice %arg2[%dma_wait3A_210, %dma_wait3A_211] : memref<10000x128xf32, #tpu.memory_space<hbm>> -> memref<10000x128xf32, #tpu.memory_space<hbm>>
      tpu.wait_indirect_dma semaphore(%arg12 : memref<!tpu.dma_semaphore, #tpu.memory_space<semaphore_mem>>) src(%dma_wait3A_212 : memref<10000x128xf32, #tpu.memory_space<hbm>>) dst(%dma_wait3A_206 : memref<88x128xf32, #tpu.memory_space<vmem>>)
      %run_scoped3A_213 = arith.constant 1 : i32
      %run_scoped3A_214 = arith.constant 1 : i32
      "tpu.region"() ({
        %run_scoped3A_271 = tpu.sem_alloc : memref<!tpu.dma_semaphore, #tpu.memory_space<semaphore_mem>>
        %dma_start3A_272 = arith.constant 0 : i32
        %dma_start3A_273 = arith.constant 0 : i32
        %dma_start3A_274 = tpu.memref_slice %arg9[%run_scoped3A_213, %dma_start3A_272, %dma_start3A_273] : memref<4x88x128xf32, #tpu.memory_space<vmem>> -> memref<1x88x128xf32, #tpu.memory_space<vmem>>
        %dma_start3A_275 = tpu.memref_squeeze %dma_start3A_274 : memref<1x88x128xf32, #tpu.memory_space<vmem>> -> memref<88x128xf32, #tpu.memory_space<vmem>>
        %dma_start3A_276 = arith.constant 0 : i32
        %dma_start3A_277 = tpu.memref_slice %arg8[%rem3A_172, %run_scoped3A_214, %dma_start3A_276] : memref<2x4x88xi32, #tpu.memory_space<vmem>> -> memref<1x1x88xi32, #tpu.memory_space<vmem>>
        %dma_start3A_278 = tpu.memref_squeeze %dma_start3A_277 : memref<1x1x88xi32, #tpu.memory_space<vmem>> -> memref<88xi32, #tpu.memory_space<vmem>>
        %dma_start3A_279 = arith.constant 0 : i32
        %dma_start3A_280 = arith.constant 0 : i32
        %dma_start3A_281 = tpu.memref_slice %arg10[%dma_start3A_279, %dma_start3A_280] : memref<10112x128xf32, #tpu.memory_space<vmem_shared>> -> memref<10112x128xf32, #tpu.memory_space<vmem_shared>>
        tpu.enqueue_indirect_dma source(%dma_start3A_275 : memref<88x128xf32, #tpu.memory_space<vmem>>) target(%dma_start3A_281 : memref<10112x128xf32, #tpu.memory_space<vmem_shared>>) offsets(%dma_start3A_278 : memref<88xi32, #tpu.memory_space<vmem>>) semaphore(%run_scoped3A_271 : memref<!tpu.dma_semaphore, #tpu.memory_space<semaphore_mem>>) {add = true}
        %dma_wait3A_282 = arith.constant 0 : i32
        %dma_wait3A_283 = arith.constant 0 : i32
        %dma_wait3A_284 = tpu.memref_slice %arg9[%run_scoped3A_213, %dma_wait3A_282, %dma_wait3A_283] : memref<4x88x128xf32, #tpu.memory_space<vmem>> -> memref<1x88x128xf32, #tpu.memory_space<vmem>>
        %dma_wait3A_285 = tpu.memref_squeeze %dma_wait3A_284 : memref<1x88x128xf32, #tpu.memory_space<vmem>> -> memref<88x128xf32, #tpu.memory_space<vmem>>
        %dma_wait3A_286 = arith.constant 0 : i32
        %dma_wait3A_287 = tpu.memref_slice %arg8[%rem3A_172, %run_scoped3A_214, %dma_wait3A_286] : memref<2x4x88xi32, #tpu.memory_space<vmem>> -> memref<1x1x88xi32, #tpu.memory_space<vmem>>
        %dma_wait3A_288 = tpu.memref_squeeze %dma_wait3A_287 : memref<1x1x88xi32, #tpu.memory_space<vmem>> -> memref<88xi32, #tpu.memory_space<vmem>>
        %dma_wait3A_289 = arith.constant 0 : i32
        %dma_wait3A_290 = arith.constant 0 : i32
        %dma_wait3A_291 = tpu.memref_slice %arg10[%dma_wait3A_289, %dma_wait3A_290] : memref<10112x128xf32, #tpu.memory_space<vmem_shared>> -> memref<10112x128xf32, #tpu.memory_space<vmem_shared>>
        tpu.wait_indirect_dma semaphore(%run_scoped3A_271 : memref<!tpu.dma_semaphore, #tpu.memory_space<semaphore_mem>>) src(%dma_wait3A_285 : memref<88x128xf32, #tpu.memory_space<vmem>>) dst(%dma_wait3A_291 : memref<10112x128xf32, #tpu.memory_space<vmem_shared>>)
        tpu.yield
      }) : () -> ()
      %add3A_215 = arith.constant 1 : i32
      %add3A_216 = arith.addi %scan3A_171, %add3A_215 : i32
      %lt3A_217 = arith.constant 29 : i32
      %lt3A_218 = arith.cmpi slt, %add3A_216, %lt3A_217 : i32
      %convert_element_type3A_219 = arith.extui %lt3A_218 : i1 to i32
      %cond3A_220 = arith.constant 0 : i32
      %cond3A_221 = arith.cmpi ne, %convert_element_type3A_219, %cond3A_220 : i32
      scf.if %cond3A_221 {
        %dma_start3A_271 = arith.constant 1 : i32
        %dma_start3A_272 = arith.constant 1 : i32
        %dma_start3A_273 = arith.constant 0 : i32
        %dma_start3A_274 = arith.constant 0 : i32
        %dma_start3A_275 = tpu.memref_slice %arg9[%dma_start3A_272, %dma_start3A_273, %dma_start3A_274] : memref<4x88x128xf32, #tpu.memory_space<vmem>> -> memref<1x88x128xf32, #tpu.memory_space<vmem>>
        %dma_start3A_276 = tpu.memref_squeeze %dma_start3A_275 : memref<1x88x128xf32, #tpu.memory_space<vmem>> -> memref<88x128xf32, #tpu.memory_space<vmem>>
        %dma_start3A_277 = arith.constant 0 : i32
        %dma_start3A_278 = tpu.memref_slice %arg7[%rem3A_176, %dma_start3A_271, %dma_start3A_277] : memref<2x4x88xi32, #tpu.memory_space<vmem>> -> memref<1x1x88xi32, #tpu.memory_space<vmem>>
        %dma_start3A_279 = tpu.memref_squeeze %dma_start3A_278 : memref<1x1x88xi32, #tpu.memory_space<vmem>> -> memref<88xi32, #tpu.memory_space<vmem>>
        %dma_start3A_280 = arith.constant 0 : i32
        %dma_start3A_281 = arith.constant 0 : i32
        %dma_start3A_282 = tpu.memref_slice %arg2[%dma_start3A_280, %dma_start3A_281] : memref<10000x128xf32, #tpu.memory_space<hbm>> -> memref<10000x128xf32, #tpu.memory_space<hbm>>
        tpu.enqueue_indirect_dma source(%dma_start3A_282 : memref<10000x128xf32, #tpu.memory_space<hbm>>) target(%dma_start3A_276 : memref<88x128xf32, #tpu.memory_space<vmem>>) offsets(%dma_start3A_279 : memref<88xi32, #tpu.memory_space<vmem>>) semaphore(%arg12 : memref<!tpu.dma_semaphore, #tpu.memory_space<semaphore_mem>>)
      } else {
      }
      %dma_wait3A_222 = arith.constant 2 : i32
      %dma_wait3A_223 = arith.constant 2 : i32
      %dma_wait3A_224 = arith.constant 0 : i32
      %dma_wait3A_225 = arith.constant 0 : i32
      %dma_wait3A_226 = tpu.memref_slice %arg9[%dma_wait3A_223, %dma_wait3A_224, %dma_wait3A_225] : memref<4x88x128xf32, #tpu.memory_space<vmem>> -> memref<1x88x128xf32, #tpu.memory_space<vmem>>
      %dma_wait3A_227 = tpu.memref_squeeze %dma_wait3A_226 : memref<1x88x128xf32, #tpu.memory_space<vmem>> -> memref<88x128xf32, #tpu.memory_space<vmem>>
      %dma_wait3A_228 = arith.constant 0 : i32
      %dma_wait3A_229 = tpu.memref_slice %arg7[%rem3A_172, %dma_wait3A_222, %dma_wait3A_228] : memref<2x4x88xi32, #tpu.memory_space<vmem>> -> memref<1x1x88xi32, #tpu.memory_space<vmem>>
      %dma_wait3A_230 = tpu.memref_squeeze %dma_wait3A_229 : memref<1x1x88xi32, #tpu.memory_space<vmem>> -> memref<88xi32, #tpu.memory_space<vmem>>
      %dma_wait3A_231 = arith.constant 0 : i32
      %dma_wait3A_232 = arith.constant 0 : i32
      %dma_wait3A_233 = tpu.memref_slice %arg2[%dma_wait3A_231, %dma_wait3A_232] : memref<10000x128xf32, #tpu.memory_space<hbm>> -> memref<10000x128xf32, #tpu.memory_space<hbm>>
      tpu.wait_indirect_dma semaphore(%arg13 : memref<!tpu.dma_semaphore, #tpu.memory_space<semaphore_mem>>) src(%dma_wait3A_233 : memref<10000x128xf32, #tpu.memory_space<hbm>>) dst(%dma_wait3A_227 : memref<88x128xf32, #tpu.memory_space<vmem>>)
      %run_scoped3A_234 = arith.constant 2 : i32
      %run_scoped3A_235 = arith.constant 2 : i32
      "tpu.region"() ({
        %run_scoped3A_271 = tpu.sem_alloc : memref<!tpu.dma_semaphore, #tpu.memory_space<semaphore_mem>>
        %dma_start3A_272 = arith.constant 0 : i32
        %dma_start3A_273 = arith.constant 0 : i32
        %dma_start3A_274 = tpu.memref_slice %arg9[%run_scoped3A_234, %dma_start3A_272, %dma_start3A_273] : memref<4x88x128xf32, #tpu.memory_space<vmem>> -> memref<1x88x128xf32, #tpu.memory_space<vmem>>
        %dma_start3A_275 = tpu.memref_squeeze %dma_start3A_274 : memref<1x88x128xf32, #tpu.memory_space<vmem>> -> memref<88x128xf32, #tpu.memory_space<vmem>>
        %dma_start3A_276 = arith.constant 0 : i32
        %dma_start3A_277 = tpu.memref_slice %arg8[%rem3A_172, %run_scoped3A_235, %dma_start3A_276] : memref<2x4x88xi32, #tpu.memory_space<vmem>> -> memref<1x1x88xi32, #tpu.memory_space<vmem>>
        %dma_start3A_278 = tpu.memref_squeeze %dma_start3A_277 : memref<1x1x88xi32, #tpu.memory_space<vmem>> -> memref<88xi32, #tpu.memory_space<vmem>>
        %dma_start3A_279 = arith.constant 0 : i32
        %dma_start3A_280 = arith.constant 0 : i32
        %dma_start3A_281 = tpu.memref_slice %arg10[%dma_start3A_279, %dma_start3A_280] : memref<10112x128xf32, #tpu.memory_space<vmem_shared>> -> memref<10112x128xf32, #tpu.memory_space<vmem_shared>>
        tpu.enqueue_indirect_dma source(%dma_start3A_275 : memref<88x128xf32, #tpu.memory_space<vmem>>) target(%dma_start3A_281 : memref<10112x128xf32, #tpu.memory_space<vmem_shared>>) offsets(%dma_start3A_278 : memref<88xi32, #tpu.memory_space<vmem>>) semaphore(%run_scoped3A_271 : memref<!tpu.dma_semaphore, #tpu.memory_space<semaphore_mem>>) {add = true}
        %dma_wait3A_282 = arith.constant 0 : i32
        %dma_wait3A_283 = arith.constant 0 : i32
        %dma_wait3A_284 = tpu.memref_slice %arg9[%run_scoped3A_234, %dma_wait3A_282, %dma_wait3A_283] : memref<4x88x128xf32, #tpu.memory_space<vmem>> -> memref<1x88x128xf32, #tpu.memory_space<vmem>>
        %dma_wait3A_285 = tpu.memref_squeeze %dma_wait3A_284 : memref<1x88x128xf32, #tpu.memory_space<vmem>> -> memref<88x128xf32, #tpu.memory_space<vmem>>
        %dma_wait3A_286 = arith.constant 0 : i32
        %dma_wait3A_287 = tpu.memref_slice %arg8[%rem3A_172, %run_scoped3A_235, %dma_wait3A_286] : memref<2x4x88xi32, #tpu.memory_space<vmem>> -> memref<1x1x88xi32, #tpu.memory_space<vmem>>
        %dma_wait3A_288 = tpu.memref_squeeze %dma_wait3A_287 : memref<1x1x88xi32, #tpu.memory_space<vmem>> -> memref<88xi32, #tpu.memory_space<vmem>>
        %dma_wait3A_289 = arith.constant 0 : i32
        %dma_wait3A_290 = arith.constant 0 : i32
        %dma_wait3A_291 = tpu.memref_slice %arg10[%dma_wait3A_289, %dma_wait3A_290] : memref<10112x128xf32, #tpu.memory_space<vmem_shared>> -> memref<10112x128xf32, #tpu.memory_space<vmem_shared>>
        tpu.wait_indirect_dma semaphore(%run_scoped3A_271 : memref<!tpu.dma_semaphore, #tpu.memory_space<semaphore_mem>>) src(%dma_wait3A_285 : memref<88x128xf32, #tpu.memory_space<vmem>>) dst(%dma_wait3A_291 : memref<10112x128xf32, #tpu.memory_space<vmem_shared>>)
        tpu.yield
      }) : () -> ()
      %add3A_236 = arith.constant 1 : i32
      %add3A_237 = arith.addi %scan3A_171, %add3A_236 : i32
      %lt3A_238 = arith.constant 29 : i32
      %lt3A_239 = arith.cmpi slt, %add3A_237, %lt3A_238 : i32
      %convert_element_type3A_240 = arith.extui %lt3A_239 : i1 to i32
      %cond3A_241 = arith.constant 0 : i32
      %cond3A_242 = arith.cmpi ne, %convert_element_type3A_240, %cond3A_241 : i32
      scf.if %cond3A_242 {
        %dma_start3A_271 = arith.constant 2 : i32
        %dma_start3A_272 = arith.constant 2 : i32
        %dma_start3A_273 = arith.constant 0 : i32
        %dma_start3A_274 = arith.constant 0 : i32
        %dma_start3A_275 = tpu.memref_slice %arg9[%dma_start3A_272, %dma_start3A_273, %dma_start3A_274] : memref<4x88x128xf32, #tpu.memory_space<vmem>> -> memref<1x88x128xf32, #tpu.memory_space<vmem>>
        %dma_start3A_276 = tpu.memref_squeeze %dma_start3A_275 : memref<1x88x128xf32, #tpu.memory_space<vmem>> -> memref<88x128xf32, #tpu.memory_space<vmem>>
        %dma_start3A_277 = arith.constant 0 : i32
        %dma_start3A_278 = tpu.memref_slice %arg7[%rem3A_176, %dma_start3A_271, %dma_start3A_277] : memref<2x4x88xi32, #tpu.memory_space<vmem>> -> memref<1x1x88xi32, #tpu.memory_space<vmem>>
        %dma_start3A_279 = tpu.memref_squeeze %dma_start3A_278 : memref<1x1x88xi32, #tpu.memory_space<vmem>> -> memref<88xi32, #tpu.memory_space<vmem>>
        %dma_start3A_280 = arith.constant 0 : i32
        %dma_start3A_281 = arith.constant 0 : i32
        %dma_start3A_282 = tpu.memref_slice %arg2[%dma_start3A_280, %dma_start3A_281] : memref<10000x128xf32, #tpu.memory_space<hbm>> -> memref<10000x128xf32, #tpu.memory_space<hbm>>
        tpu.enqueue_indirect_dma source(%dma_start3A_282 : memref<10000x128xf32, #tpu.memory_space<hbm>>) target(%dma_start3A_276 : memref<88x128xf32, #tpu.memory_space<vmem>>) offsets(%dma_start3A_279 : memref<88xi32, #tpu.memory_space<vmem>>) semaphore(%arg13 : memref<!tpu.dma_semaphore, #tpu.memory_space<semaphore_mem>>)
      } else {
      }
      %dma_wait3A_243 = arith.constant 3 : i32
      %dma_wait3A_244 = arith.constant 3 : i32
      %dma_wait3A_245 = arith.constant 0 : i32
      %dma_wait3A_246 = arith.constant 0 : i32
      %dma_wait3A_247 = tpu.memref_slice %arg9[%dma_wait3A_244, %dma_wait3A_245, %dma_wait3A_246] : memref<4x88x128xf32, #tpu.memory_space<vmem>> -> memref<1x88x128xf32, #tpu.memory_space<vmem>>
      %dma_wait3A_248 = tpu.memref_squeeze %dma_wait3A_247 : memref<1x88x128xf32, #tpu.memory_space<vmem>> -> memref<88x128xf32, #tpu.memory_space<vmem>>
      %dma_wait3A_249 = arith.constant 0 : i32
      %dma_wait3A_250 = tpu.memref_slice %arg7[%rem3A_172, %dma_wait3A_243, %dma_wait3A_249] : memref<2x4x88xi32, #tpu.memory_space<vmem>> -> memref<1x1x88xi32, #tpu.memory_space<vmem>>
      %dma_wait3A_251 = tpu.memref_squeeze %dma_wait3A_250 : memref<1x1x88xi32, #tpu.memory_space<vmem>> -> memref<88xi32, #tpu.memory_space<vmem>>
      %dma_wait3A_252 = arith.constant 0 : i32
      %dma_wait3A_253 = arith.constant 0 : i32
      %dma_wait3A_254 = tpu.memref_slice %arg2[%dma_wait3A_252, %dma_wait3A_253] : memref<10000x128xf32, #tpu.memory_space<hbm>> -> memref<10000x128xf32, #tpu.memory_space<hbm>>
      tpu.wait_indirect_dma semaphore(%arg14 : memref<!tpu.dma_semaphore, #tpu.memory_space<semaphore_mem>>) src(%dma_wait3A_254 : memref<10000x128xf32, #tpu.memory_space<hbm>>) dst(%dma_wait3A_248 : memref<88x128xf32, #tpu.memory_space<vmem>>)
      %run_scoped3A_255 = arith.constant 3 : i32
      %run_scoped3A_256 = arith.constant 3 : i32
      "tpu.region"() ({
        %run_scoped3A_271 = tpu.sem_alloc : memref<!tpu.dma_semaphore, #tpu.memory_space<semaphore_mem>>
        %dma_start3A_272 = arith.constant 0 : i32
        %dma_start3A_273 = arith.constant 0 : i32
        %dma_start3A_274 = tpu.memref_slice %arg9[%run_scoped3A_255, %dma_start3A_272, %dma_start3A_273] : memref<4x88x128xf32, #tpu.memory_space<vmem>> -> memref<1x88x128xf32, #tpu.memory_space<vmem>>
        %dma_start3A_275 = tpu.memref_squeeze %dma_start3A_274 : memref<1x88x128xf32, #tpu.memory_space<vmem>> -> memref<88x128xf32, #tpu.memory_space<vmem>>
        %dma_start3A_276 = arith.constant 0 : i32
        %dma_start3A_277 = tpu.memref_slice %arg8[%rem3A_172, %run_scoped3A_256, %dma_start3A_276] : memref<2x4x88xi32, #tpu.memory_space<vmem>> -> memref<1x1x88xi32, #tpu.memory_space<vmem>>
        %dma_start3A_278 = tpu.memref_squeeze %dma_start3A_277 : memref<1x1x88xi32, #tpu.memory_space<vmem>> -> memref<88xi32, #tpu.memory_space<vmem>>
        %dma_start3A_279 = arith.constant 0 : i32
        %dma_start3A_280 = arith.constant 0 : i32
        %dma_start3A_281 = tpu.memref_slice %arg10[%dma_start3A_279, %dma_start3A_280] : memref<10112x128xf32, #tpu.memory_space<vmem_shared>> -> memref<10112x128xf32, #tpu.memory_space<vmem_shared>>
        tpu.enqueue_indirect_dma source(%dma_start3A_275 : memref<88x128xf32, #tpu.memory_space<vmem>>) target(%dma_start3A_281 : memref<10112x128xf32, #tpu.memory_space<vmem_shared>>) offsets(%dma_start3A_278 : memref<88xi32, #tpu.memory_space<vmem>>) semaphore(%run_scoped3A_271 : memref<!tpu.dma_semaphore, #tpu.memory_space<semaphore_mem>>) {add = true}
        %dma_wait3A_282 = arith.constant 0 : i32
        %dma_wait3A_283 = arith.constant 0 : i32
        %dma_wait3A_284 = tpu.memref_slice %arg9[%run_scoped3A_255, %dma_wait3A_282, %dma_wait3A_283] : memref<4x88x128xf32, #tpu.memory_space<vmem>> -> memref<1x88x128xf32, #tpu.memory_space<vmem>>
        %dma_wait3A_285 = tpu.memref_squeeze %dma_wait3A_284 : memref<1x88x128xf32, #tpu.memory_space<vmem>> -> memref<88x128xf32, #tpu.memory_space<vmem>>
        %dma_wait3A_286 = arith.constant 0 : i32
        %dma_wait3A_287 = tpu.memref_slice %arg8[%rem3A_172, %run_scoped3A_256, %dma_wait3A_286] : memref<2x4x88xi32, #tpu.memory_space<vmem>> -> memref<1x1x88xi32, #tpu.memory_space<vmem>>
        %dma_wait3A_288 = tpu.memref_squeeze %dma_wait3A_287 : memref<1x1x88xi32, #tpu.memory_space<vmem>> -> memref<88xi32, #tpu.memory_space<vmem>>
        %dma_wait3A_289 = arith.constant 0 : i32
        %dma_wait3A_290 = arith.constant 0 : i32
        %dma_wait3A_291 = tpu.memref_slice %arg10[%dma_wait3A_289, %dma_wait3A_290] : memref<10112x128xf32, #tpu.memory_space<vmem_shared>> -> memref<10112x128xf32, #tpu.memory_space<vmem_shared>>
        tpu.wait_indirect_dma semaphore(%run_scoped3A_271 : memref<!tpu.dma_semaphore, #tpu.memory_space<semaphore_mem>>) src(%dma_wait3A_285 : memref<88x128xf32, #tpu.memory_space<vmem>>) dst(%dma_wait3A_291 : memref<10112x128xf32, #tpu.memory_space<vmem_shared>>)
        tpu.yield
      }) : () -> ()
      %add3A_257 = arith.constant 1 : i32
      %add3A_258 = arith.addi %scan3A_171, %add3A_257 : i32
      %lt3A_259 = arith.constant 29 : i32
      %lt3A_260 = arith.cmpi slt, %add3A_258, %lt3A_259 : i32
      %convert_element_type3A_261 = arith.extui %lt3A_260 : i1 to i32
      %cond3A_262 = arith.constant 0 : i32
      %cond3A_263 = arith.cmpi ne, %convert_element_type3A_261, %cond3A_262 : i32
      scf.if %cond3A_263 {
        %dma_start3A_271 = arith.constant 3 : i32
        %dma_start3A_272 = arith.constant 3 : i32
        %dma_start3A_273 = arith.constant 0 : i32
        %dma_start3A_274 = arith.constant 0 : i32
        %dma_start3A_275 = tpu.memref_slice %arg9[%dma_start3A_272, %dma_start3A_273, %dma_start3A_274] : memref<4x88x128xf32, #tpu.memory_space<vmem>> -> memref<1x88x128xf32, #tpu.memory_space<vmem>>
        %dma_start3A_276 = tpu.memref_squeeze %dma_start3A_275 : memref<1x88x128xf32, #tpu.memory_space<vmem>> -> memref<88x128xf32, #tpu.memory_space<vmem>>
        %dma_start3A_277 = arith.constant 0 : i32
        %dma_start3A_278 = tpu.memref_slice %arg7[%rem3A_176, %dma_start3A_271, %dma_start3A_277] : memref<2x4x88xi32, #tpu.memory_space<vmem>> -> memref<1x1x88xi32, #tpu.memory_space<vmem>>
        %dma_start3A_279 = tpu.memref_squeeze %dma_start3A_278 : memref<1x1x88xi32, #tpu.memory_space<vmem>> -> memref<88xi32, #tpu.memory_space<vmem>>
        %dma_start3A_280 = arith.constant 0 : i32
        %dma_start3A_281 = arith.constant 0 : i32
        %dma_start3A_282 = tpu.memref_slice %arg2[%dma_start3A_280, %dma_start3A_281] : memref<10000x128xf32, #tpu.memory_space<hbm>> -> memref<10000x128xf32, #tpu.memory_space<hbm>>
        tpu.enqueue_indirect_dma source(%dma_start3A_282 : memref<10000x128xf32, #tpu.memory_space<hbm>>) target(%dma_start3A_276 : memref<88x128xf32, #tpu.memory_space<vmem>>) offsets(%dma_start3A_279 : memref<88xi32, #tpu.memory_space<vmem>>) semaphore(%arg14 : memref<!tpu.dma_semaphore, #tpu.memory_space<semaphore_mem>>)
      } else {
      }
      %add3A_264 = arith.constant 2 : i32
      %add3A_265 = arith.addi %scan3A_171, %add3A_264 : i32
      %lt3A_266 = arith.constant 29 : i32
      %lt3A_267 = arith.cmpi slt, %add3A_265, %lt3A_266 : i32
      %convert_element_type3A_268 = arith.extui %lt3A_267 : i1 to i32
      %cond3A_269 = arith.constant 0 : i32
      %cond3A_270 = arith.cmpi ne, %convert_element_type3A_268, %cond3A_269 : i32
      scf.if %cond3A_270 {
        %add3A_271 = arith.constant 2 : i32
        %add3A_272 = arith.addi %scan3A_171, %add3A_271 : i32
        %rem3A_273 = arith.constant 2 : i32
        %rem3A_274 = arith.remsi %add3A_272, %rem3A_273 : i32
        %eq3A = arith.constant 0 : i32
        %eq3A_275 = arith.cmpi eq, %rem3A_274, %eq3A : i32
        %convert_element_type3A_276 = arith.extui %eq3A_275 : i1 to i32
        %cond3A_277 = arith.constant 0 : i32
        %cond3A_278 = arith.cmpi ne, %convert_element_type3A_276, %cond3A_277 : i32
        scf.if %cond3A_278 {
          %dma_start3A_286 = arith.constant 0 : i32
          %dma_start3A_287 = arith.constant 0 : i32
          %dma_start3A_288 = tpu.memref_slice %arg7[%rem3A_172, %dma_start3A_286, %dma_start3A_287] : memref<2x4x88xi32, #tpu.memory_space<vmem>> -> memref<1x4x88xi32, #tpu.memory_space<vmem>>
          %dma_start3A_289 = tpu.memref_squeeze %dma_start3A_288 : memref<1x4x88xi32, #tpu.memory_space<vmem>> -> memref<4x88xi32, #tpu.memory_space<vmem>>
          %dma_start3A_290 = arith.constant 0 : i32
          %dma_start3A_291 = arith.constant 0 : i32
          %dma_start3A_292 = tpu.memref_slice %arg3[%add3A, %add3A_272, %dma_start3A_290, %dma_start3A_291] : memref<32x29x4x88xi32, #tpu.memory_space<hbm>> -> memref<1x1x4x88xi32, #tpu.memory_space<hbm>>
          %dma_start3A_293 = tpu.memref_squeeze %dma_start3A_292 : memref<1x1x4x88xi32, #tpu.memory_space<hbm>> -> memref<4x88xi32, #tpu.memory_space<hbm>>
          %dma_start3A_294 = arith.constant 0 : i32
          %dma_start3A_295 = arith.constant 0 : i32
          %dma_start3A_296 = tpu.memref_slice %arg7[%rem3A_172, %dma_start3A_294, %dma_start3A_295] : memref<2x4x88xi32, #tpu.memory_space<vmem>> -> memref<1x4x88xi32, #tpu.memory_space<vmem>>
          %dma_start3A_297 = tpu.memref_squeeze %dma_start3A_296 : memref<1x4x88xi32, #tpu.memory_space<vmem>> -> memref<4x88xi32, #tpu.memory_space<vmem>>
          %dma_start3A_298 = arith.constant 0 : i32
          %dma_start3A_299 = arith.constant 0 : i32
          %dma_start3A_300 = tpu.memref_slice %arg3[%add3A, %add3A_272, %dma_start3A_298, %dma_start3A_299] : memref<32x29x4x88xi32, #tpu.memory_space<hbm>> -> memref<1x1x4x88xi32, #tpu.memory_space<hbm>>
          %dma_start3A_301 = tpu.memref_squeeze %dma_start3A_300 : memref<1x1x4x88xi32, #tpu.memory_space<hbm>> -> memref<4x88xi32, #tpu.memory_space<hbm>>
          tpu.enqueue_dma source(%dma_start3A_301 : memref<4x88xi32, #tpu.memory_space<hbm>>) target(%dma_start3A_297 : memref<4x88xi32, #tpu.memory_space<vmem>>) target_semaphore(%arg15 : memref<!tpu.dma_semaphore, #tpu.memory_space<semaphore_mem>>)
          %dma_start3A_302 = arith.constant 0 : i32
          %dma_start3A_303 = arith.constant 0 : i32
          %dma_start3A_304 = tpu.memref_slice %arg8[%rem3A_172, %dma_start3A_302, %dma_start3A_303] : memref<2x4x88xi32, #tpu.memory_space<vmem>> -> memref<1x4x88xi32, #tpu.memory_space<vmem>>
          %dma_start3A_305 = tpu.memref_squeeze %dma_start3A_304 : memref<1x4x88xi32, #tpu.memory_space<vmem>> -> memref<4x88xi32, #tpu.memory_space<vmem>>
          %dma_start3A_306 = arith.constant 0 : i32
          %dma_start3A_307 = arith.constant 0 : i32
          %dma_start3A_308 = tpu.memref_slice %arg4[%add3A, %add3A_272, %dma_start3A_306, %dma_start3A_307] : memref<32x29x4x88xi32, #tpu.memory_space<hbm>> -> memref<1x1x4x88xi32, #tpu.memory_space<hbm>>
          %dma_start3A_309 = tpu.memref_squeeze %dma_start3A_308 : memref<1x1x4x88xi32, #tpu.memory_space<hbm>> -> memref<4x88xi32, #tpu.memory_space<hbm>>
          %dma_start3A_310 = arith.constant 0 : i32
          %dma_start3A_311 = arith.constant 0 : i32
          %dma_start3A_312 = tpu.memref_slice %arg8[%rem3A_172, %dma_start3A_310, %dma_start3A_311] : memref<2x4x88xi32, #tpu.memory_space<vmem>> -> memref<1x4x88xi32, #tpu.memory_space<vmem>>
          %dma_start3A_313 = tpu.memref_squeeze %dma_start3A_312 : memref<1x4x88xi32, #tpu.memory_space<vmem>> -> memref<4x88xi32, #tpu.memory_space<vmem>>
          %dma_start3A_314 = arith.constant 0 : i32
          %dma_start3A_315 = arith.constant 0 : i32
          %dma_start3A_316 = tpu.memref_slice %arg4[%add3A, %add3A_272, %dma_start3A_314, %dma_start3A_315] : memref<32x29x4x88xi32, #tpu.memory_space<hbm>> -> memref<1x1x4x88xi32, #tpu.memory_space<hbm>>
          %dma_start3A_317 = tpu.memref_squeeze %dma_start3A_316 : memref<1x1x4x88xi32, #tpu.memory_space<hbm>> -> memref<4x88xi32, #tpu.memory_space<hbm>>
          tpu.enqueue_dma source(%dma_start3A_317 : memref<4x88xi32, #tpu.memory_space<hbm>>) target(%dma_start3A_313 : memref<4x88xi32, #tpu.memory_space<vmem>>) target_semaphore(%arg15 : memref<!tpu.dma_semaphore, #tpu.memory_space<semaphore_mem>>)
        } else {
        }
        %rem3A_279 = arith.constant 2 : i32
        %rem3A_280 = arith.remsi %add3A_272, %rem3A_279 : i32
        %eq3A_281 = arith.constant 1 : i32
        %eq3A_282 = arith.cmpi eq, %rem3A_280, %eq3A_281 : i32
        %convert_element_type3A_283 = arith.extui %eq3A_282 : i1 to i32
        %cond3A_284 = arith.constant 0 : i32
        %cond3A_285 = arith.cmpi ne, %convert_element_type3A_283, %cond3A_284 : i32
        scf.if %cond3A_285 {
          %dma_start3A_286 = arith.constant 0 : i32
          %dma_start3A_287 = arith.constant 0 : i32
          %dma_start3A_288 = tpu.memref_slice %arg7[%rem3A_172, %dma_start3A_286, %dma_start3A_287] : memref<2x4x88xi32, #tpu.memory_space<vmem>> -> memref<1x4x88xi32, #tpu.memory_space<vmem>>
          %dma_start3A_289 = tpu.memref_squeeze %dma_start3A_288 : memref<1x4x88xi32, #tpu.memory_space<vmem>> -> memref<4x88xi32, #tpu.memory_space<vmem>>
          %dma_start3A_290 = arith.constant 0 : i32
          %dma_start3A_291 = arith.constant 0 : i32
          %dma_start3A_292 = tpu.memref_slice %arg3[%add3A, %add3A_272, %dma_start3A_290, %dma_start3A_291] : memref<32x29x4x88xi32, #tpu.memory_space<hbm>> -> memref<1x1x4x88xi32, #tpu.memory_space<hbm>>
          %dma_start3A_293 = tpu.memref_squeeze %dma_start3A_292 : memref<1x1x4x88xi32, #tpu.memory_space<hbm>> -> memref<4x88xi32, #tpu.memory_space<hbm>>
          %dma_start3A_294 = arith.constant 0 : i32
          %dma_start3A_295 = arith.constant 0 : i32
          %dma_start3A_296 = tpu.memref_slice %arg7[%rem3A_172, %dma_start3A_294, %dma_start3A_295] : memref<2x4x88xi32, #tpu.memory_space<vmem>> -> memref<1x4x88xi32, #tpu.memory_space<vmem>>
          %dma_start3A_297 = tpu.memref_squeeze %dma_start3A_296 : memref<1x4x88xi32, #tpu.memory_space<vmem>> -> memref<4x88xi32, #tpu.memory_space<vmem>>
          %dma_start3A_298 = arith.constant 0 : i32
          %dma_start3A_299 = arith.constant 0 : i32
          %dma_start3A_300 = tpu.memref_slice %arg3[%add3A, %add3A_272, %dma_start3A_298, %dma_start3A_299] : memref<32x29x4x88xi32, #tpu.memory_space<hbm>> -> memref<1x1x4x88xi32, #tpu.memory_space<hbm>>
          %dma_start3A_301 = tpu.memref_squeeze %dma_start3A_300 : memref<1x1x4x88xi32, #tpu.memory_space<hbm>> -> memref<4x88xi32, #tpu.memory_space<hbm>>
          tpu.enqueue_dma source(%dma_start3A_301 : memref<4x88xi32, #tpu.memory_space<hbm>>) target(%dma_start3A_297 : memref<4x88xi32, #tpu.memory_space<vmem>>) target_semaphore(%arg16 : memref<!tpu.dma_semaphore, #tpu.memory_space<semaphore_mem>>)
          %dma_start3A_302 = arith.constant 0 : i32
          %dma_start3A_303 = arith.constant 0 : i32
          %dma_start3A_304 = tpu.memref_slice %arg8[%rem3A_172, %dma_start3A_302, %dma_start3A_303] : memref<2x4x88xi32, #tpu.memory_space<vmem>> -> memref<1x4x88xi32, #tpu.memory_space<vmem>>
          %dma_start3A_305 = tpu.memref_squeeze %dma_start3A_304 : memref<1x4x88xi32, #tpu.memory_space<vmem>> -> memref<4x88xi32, #tpu.memory_space<vmem>>
          %dma_start3A_306 = arith.constant 0 : i32
          %dma_start3A_307 = arith.constant 0 : i32
          %dma_start3A_308 = tpu.memref_slice %arg4[%add3A, %add3A_272, %dma_start3A_306, %dma_start3A_307] : memref<32x29x4x88xi32, #tpu.memory_space<hbm>> -> memref<1x1x4x88xi32, #tpu.memory_space<hbm>>
          %dma_start3A_309 = tpu.memref_squeeze %dma_start3A_308 : memref<1x1x4x88xi32, #tpu.memory_space<hbm>> -> memref<4x88xi32, #tpu.memory_space<hbm>>
          %dma_start3A_310 = arith.constant 0 : i32
          %dma_start3A_311 = arith.constant 0 : i32
          %dma_start3A_312 = tpu.memref_slice %arg8[%rem3A_172, %dma_start3A_310, %dma_start3A_311] : memref<2x4x88xi32, #tpu.memory_space<vmem>> -> memref<1x4x88xi32, #tpu.memory_space<vmem>>
          %dma_start3A_313 = tpu.memref_squeeze %dma_start3A_312 : memref<1x4x88xi32, #tpu.memory_space<vmem>> -> memref<4x88xi32, #tpu.memory_space<vmem>>
          %dma_start3A_314 = arith.constant 0 : i32
          %dma_start3A_315 = arith.constant 0 : i32
          %dma_start3A_316 = tpu.memref_slice %arg4[%add3A, %add3A_272, %dma_start3A_314, %dma_start3A_315] : memref<32x29x4x88xi32, #tpu.memory_space<hbm>> -> memref<1x1x4x88xi32, #tpu.memory_space<hbm>>
          %dma_start3A_317 = tpu.memref_squeeze %dma_start3A_316 : memref<1x1x4x88xi32, #tpu.memory_space<hbm>> -> memref<4x88xi32, #tpu.memory_space<hbm>>
          tpu.enqueue_dma source(%dma_start3A_317 : memref<4x88xi32, #tpu.memory_space<hbm>>) target(%dma_start3A_313 : memref<4x88xi32, #tpu.memory_space<vmem>>) target_semaphore(%arg16 : memref<!tpu.dma_semaphore, #tpu.memory_space<semaphore_mem>>)
        } else {
        }
      } else {
      }
    }
    %scan3A_165 = arith.constant 29 : i32
    %barrier3A_166 = arith.constant 0 : index
    tpu.barrier barrier_id(%barrier3A_166)
    %mul3A_167 = arith.constant 632 : i32
    %mul3A_168 = arith.muli %arg1, %mul3A_167 : i32
    %mul3A_169 = arith.constant 632 : i32
    %mul3A_170 = arith.muli %arg1, %mul3A_169 : i32
    "tpu.region"() ({
      %run_scoped3A = tpu.sem_alloc : memref<!tpu.dma_semaphore, #tpu.memory_space<semaphore_mem>>
      %dma_start3A_171 = arith.constant 0 : i32
      %dma_start3A_172 = tpu.memref_slice %arg6[%arg0, %mul3A_170, %dma_start3A_171] : memref<2x10112x128xf32, #tpu.memory_space<hbm>> -> memref<1x632x128xf32, #tpu.memory_space<hbm>>
      %dma_start3A_173 = tpu.memref_squeeze %dma_start3A_172 : memref<1x632x128xf32, #tpu.memory_space<hbm>> -> memref<632x128xf32, #tpu.memory_space<hbm>>
      %dma_start3A_174 = arith.constant 0 : i32
      %dma_start3A_175 = tpu.memref_slice %arg10[%mul3A_168, %dma_start3A_174] : memref<10112x128xf32, #tpu.memory_space<vmem_shared>> -> memref<632x128xf32, #tpu.memory_space<vmem_shared>>
      tpu.enqueue_dma source(%dma_start3A_175 : memref<632x128xf32, #tpu.memory_space<vmem_shared>>) target(%dma_start3A_173 : memref<632x128xf32, #tpu.memory_space<hbm>>) target_semaphore(%run_scoped3A : memref<!tpu.dma_semaphore, #tpu.memory_space<semaphore_mem>>)
      %dma_wait3A_176 = arith.constant 0 : i32
      %dma_wait3A_177 = tpu.memref_slice %arg6[%arg0, %mul3A_170, %dma_wait3A_176] : memref<2x10112x128xf32, #tpu.memory_space<hbm>> -> memref<1x632x128xf32, #tpu.memory_space<hbm>>
      %dma_wait3A_178 = tpu.memref_squeeze %dma_wait3A_177 : memref<1x632x128xf32, #tpu.memory_space<hbm>> -> memref<632x128xf32, #tpu.memory_space<hbm>>
      %dma_wait3A_179 = arith.constant 0 : i32
      %dma_wait3A_180 = tpu.memref_slice %arg10[%mul3A_168, %dma_wait3A_179] : memref<10112x128xf32, #tpu.memory_space<vmem_shared>> -> memref<632x128xf32, #tpu.memory_space<vmem_shared>>
      tpu.wait_dma2 semaphore(%run_scoped3A : memref<!tpu.dma_semaphore, #tpu.memory_space<semaphore_mem>>) src(%dma_wait3A_180 : memref<632x128xf32, #tpu.memory_space<vmem_shared>>) dst(%dma_wait3A_178 : memref<632x128xf32, #tpu.memory_space<hbm>>)
      tpu.yield
    }) : () -> ()
    return
  }
}

#map = affine_map<(d0, d1) -> (0, 0)>
#map1 = affine_map<(d0, d1) -> (0, 0, 0, 0)>
#map2 = affine_map<(d0, d1) -> (0, 0, 0)>
module attributes {stable_mosaic.version = 14 : i64} {
  func.func @_edge_kernel(%arg0: i32, %arg1: i32, %arg2: memref<10000x128xf32, #tpu.memory_space<hbm>>, %arg3: memref<32x29x4x88xi32, #tpu.memory_space<hbm>>, %arg4: memref<32x29x4x88xi32, #tpu.memory_space<hbm>>, %arg5: memref<632x128xf32, #tpu.memory_space<hbm>>, %arg6: memref<2x10112x128xf32, #tpu.memory_space<hbm>>, %arg7: memref<2x4x88xi32, #tpu.memory_space<vmem>>, %arg8: memref<2x4x88xi32, #tpu.memory_space<vmem>>, %arg9: memref<4x88x128xf32, #tpu.memory_space<vmem>>, %arg10: memref<10112x128xf32, #tpu.memory_space<vmem_shared>>, %arg11: memref<!tpu.dma_semaphore, #tpu.memory_space<semaphore_mem>>, %arg12: memref<!tpu.dma_semaphore, #tpu.memory_space<semaphore_mem>>, %arg13: memref<!tpu.dma_semaphore, #tpu.memory_space<semaphore_mem>>, %arg14: memref<!tpu.dma_semaphore, #tpu.memory_space<semaphore_mem>>, %arg15: memref<!tpu.dma_semaphore, #tpu.memory_space<semaphore_mem>>, %arg16: memref<!tpu.dma_semaphore, #tpu.memory_space<semaphore_mem>>) attributes {dimension_semantics = [#tpu.dimension_semantics<core_parallel>, #tpu.dimension_semantics<subcore_parallel>], iteration_bounds = array<i64: 2, 16>, scalar_prefetch = 0 : i64, scratch_operands = 10 : i64, tpu.core_type = #tpu.core_type<sc_vector_subcore>, window_params = [{transform_indices = #map}, {transform_indices = #map1}, {transform_indices = #map1}, {transform_indices = #map}, {transform_indices = #map2}]} {
    %mul3A = arith.constant 16 : i32
    %mul3A_0 = arith.muli %arg0, %mul3A : i32
    %add3A = arith.addi %mul3A_0, %arg1 : i32
    %mul3A_1 = arith.constant 632 : i32
    %mul3A_2 = arith.muli %arg1, %mul3A_1 : i32
    "tpu.region"() ({
      %run_scoped3A = tpu.sem_alloc : memref<!tpu.dma_semaphore, #tpu.memory_space<semaphore_mem>>
      %dma_start3A_171 = arith.constant 0 : i32
      %dma_start3A_172 = tpu.memref_slice %arg10[%mul3A_2, %dma_start3A_171] : memref<10112x128xf32, #tpu.memory_space<vmem_shared>> -> memref<632x128xf32, #tpu.memory_space<vmem_shared>>
      tpu.enqueue_dma source(%arg5 : memref<632x128xf32, #tpu.memory_space<hbm>>) target(%dma_start3A_172 : memref<632x128xf32, #tpu.memory_space<vmem_shared>>) target_semaphore(%run_scoped3A : memref<!tpu.dma_semaphore, #tpu.memory_space<semaphore_mem>>)
      %dma_wait3A_173 = arith.constant 0 : i32
      %dma_wait3A_174 = tpu.memref_slice %arg10[%mul3A_2, %dma_wait3A_173] : memref<10112x128xf32, #tpu.memory_space<vmem_shared>> -> memref<632x128xf32, #tpu.memory_space<vmem_shared>>
      tpu.wait_dma2 semaphore(%run_scoped3A : memref<!tpu.dma_semaphore, #tpu.memory_space<semaphore_mem>>) src(%arg5 : memref<632x128xf32, #tpu.memory_space<hbm>>) dst(%dma_wait3A_174 : memref<632x128xf32, #tpu.memory_space<vmem_shared>>)
      tpu.yield
    }) : () -> ()
    %dma_start3A = arith.constant 0 : i32
    %dma_start3A_3 = arith.constant 0 : i32
    %dma_start3A_4 = arith.constant 0 : i32
    %dma_start3A_5 = arith.constant 0 : i32
    %dma_start3A_6 = tpu.memref_slice %arg7[%dma_start3A_3, %dma_start3A_4, %dma_start3A_5] : memref<2x4x88xi32, #tpu.memory_space<vmem>> -> memref<1x4x88xi32, #tpu.memory_space<vmem>>
    %dma_start3A_7 = tpu.memref_squeeze %dma_start3A_6 : memref<1x4x88xi32, #tpu.memory_space<vmem>> -> memref<4x88xi32, #tpu.memory_space<vmem>>
    %dma_start3A_8 = arith.constant 0 : i32
    %dma_start3A_9 = arith.constant 0 : i32
    %dma_start3A_10 = tpu.memref_slice %arg3[%add3A, %dma_start3A, %dma_start3A_8, %dma_start3A_9] : memref<32x29x4x88xi32, #tpu.memory_space<hbm>> -> memref<1x1x4x88xi32, #tpu.memory_space<hbm>>
    %dma_start3A_11 = tpu.memref_squeeze %dma_start3A_10 : memref<1x1x4x88xi32, #tpu.memory_space<hbm>> -> memref<4x88xi32, #tpu.memory_space<hbm>>
    %dma_start3A_12 = arith.constant 0 : i32
    %dma_start3A_13 = arith.constant 0 : i32
    %dma_start3A_14 = tpu.memref_slice %arg7[%dma_start3A_3, %dma_start3A_12, %dma_start3A_13] : memref<2x4x88xi32, #tpu.memory_space<vmem>> -> memref<1x4x88xi32, #tpu.memory_space<vmem>>
    %dma_start3A_15 = tpu.memref_squeeze %dma_start3A_14 : memref<1x4x88xi32, #tpu.memory_space<vmem>> -> memref<4x88xi32, #tpu.memory_space<vmem>>
    %dma_start3A_16 = arith.constant 0 : i32
    %dma_start3A_17 = arith.constant 0 : i32
    %dma_start3A_18 = tpu.memref_slice %arg3[%add3A, %dma_start3A, %dma_start3A_16, %dma_start3A_17] : memref<32x29x4x88xi32, #tpu.memory_space<hbm>> -> memref<1x1x4x88xi32, #tpu.memory_space<hbm>>
    %dma_start3A_19 = tpu.memref_squeeze %dma_start3A_18 : memref<1x1x4x88xi32, #tpu.memory_space<hbm>> -> memref<4x88xi32, #tpu.memory_space<hbm>>
    tpu.enqueue_dma source(%dma_start3A_19 : memref<4x88xi32, #tpu.memory_space<hbm>>) target(%dma_start3A_15 : memref<4x88xi32, #tpu.memory_space<vmem>>) target_semaphore(%arg15 : memref<!tpu.dma_semaphore, #tpu.memory_space<semaphore_mem>>)
    %dma_start3A_20 = arith.constant 0 : i32
    %dma_start3A_21 = arith.constant 0 : i32
    %dma_start3A_22 = arith.constant 0 : i32
    %dma_start3A_23 = arith.constant 0 : i32
    %dma_start3A_24 = tpu.memref_slice %arg8[%dma_start3A_21, %dma_start3A_22, %dma_start3A_23] : memref<2x4x88xi32, #tpu.memory_space<vmem>> -> memref<1x4x88xi32, #tpu.memory_space<vmem>>
    %dma_start3A_25 = tpu.memref_squeeze %dma_start3A_24 : memref<1x4x88xi32, #tpu.memory_space<vmem>> -> memref<4x88xi32, #tpu.memory_space<vmem>>
    %dma_start3A_26 = arith.constant 0 : i32
    %dma_start3A_27 = arith.constant 0 : i32
    %dma_start3A_28 = tpu.memref_slice %arg4[%add3A, %dma_start3A_20, %dma_start3A_26, %dma_start3A_27] : memref<32x29x4x88xi32, #tpu.memory_space<hbm>> -> memref<1x1x4x88xi32, #tpu.memory_space<hbm>>
    %dma_start3A_29 = tpu.memref_squeeze %dma_start3A_28 : memref<1x1x4x88xi32, #tpu.memory_space<hbm>> -> memref<4x88xi32, #tpu.memory_space<hbm>>
    %dma_start3A_30 = arith.constant 0 : i32
    %dma_start3A_31 = arith.constant 0 : i32
    %dma_start3A_32 = tpu.memref_slice %arg8[%dma_start3A_21, %dma_start3A_30, %dma_start3A_31] : memref<2x4x88xi32, #tpu.memory_space<vmem>> -> memref<1x4x88xi32, #tpu.memory_space<vmem>>
    %dma_start3A_33 = tpu.memref_squeeze %dma_start3A_32 : memref<1x4x88xi32, #tpu.memory_space<vmem>> -> memref<4x88xi32, #tpu.memory_space<vmem>>
    %dma_start3A_34 = arith.constant 0 : i32
    %dma_start3A_35 = arith.constant 0 : i32
    %dma_start3A_36 = tpu.memref_slice %arg4[%add3A, %dma_start3A_20, %dma_start3A_34, %dma_start3A_35] : memref<32x29x4x88xi32, #tpu.memory_space<hbm>> -> memref<1x1x4x88xi32, #tpu.memory_space<hbm>>
    %dma_start3A_37 = tpu.memref_squeeze %dma_start3A_36 : memref<1x1x4x88xi32, #tpu.memory_space<hbm>> -> memref<4x88xi32, #tpu.memory_space<hbm>>
    tpu.enqueue_dma source(%dma_start3A_37 : memref<4x88xi32, #tpu.memory_space<hbm>>) target(%dma_start3A_33 : memref<4x88xi32, #tpu.memory_space<vmem>>) target_semaphore(%arg15 : memref<!tpu.dma_semaphore, #tpu.memory_space<semaphore_mem>>)
    %dma_wait3A = arith.constant 0 : i32
    %dma_wait3A_38 = arith.constant 0 : i32
    %dma_wait3A_39 = arith.constant 0 : i32
    %dma_wait3A_40 = arith.constant 0 : i32
    %dma_wait3A_41 = tpu.memref_slice %arg7[%dma_wait3A_38, %dma_wait3A_39, %dma_wait3A_40] : memref<2x4x88xi32, #tpu.memory_space<vmem>> -> memref<1x4x88xi32, #tpu.memory_space<vmem>>
    %dma_wait3A_42 = tpu.memref_squeeze %dma_wait3A_41 : memref<1x4x88xi32, #tpu.memory_space<vmem>> -> memref<4x88xi32, #tpu.memory_space<vmem>>
    %dma_wait3A_43 = arith.constant 0 : i32
    %dma_wait3A_44 = arith.constant 0 : i32
    %dma_wait3A_45 = tpu.memref_slice %arg3[%add3A, %dma_wait3A, %dma_wait3A_43, %dma_wait3A_44] : memref<32x29x4x88xi32, #tpu.memory_space<hbm>> -> memref<1x1x4x88xi32, #tpu.memory_space<hbm>>
    %dma_wait3A_46 = tpu.memref_squeeze %dma_wait3A_45 : memref<1x1x4x88xi32, #tpu.memory_space<hbm>> -> memref<4x88xi32, #tpu.memory_space<hbm>>
    %dma_wait3A_47 = arith.constant 0 : i32
    %dma_wait3A_48 = arith.constant 0 : i32
    %dma_wait3A_49 = tpu.memref_slice %arg7[%dma_wait3A_38, %dma_wait3A_47, %dma_wait3A_48] : memref<2x4x88xi32, #tpu.memory_space<vmem>> -> memref<1x4x88xi32, #tpu.memory_space<vmem>>
    %dma_wait3A_50 = tpu.memref_squeeze %dma_wait3A_49 : memref<1x4x88xi32, #tpu.memory_space<vmem>> -> memref<4x88xi32, #tpu.memory_space<vmem>>
    %dma_wait3A_51 = arith.constant 0 : i32
    %dma_wait3A_52 = arith.constant 0 : i32
    %dma_wait3A_53 = tpu.memref_slice %arg3[%add3A, %dma_wait3A, %dma_wait3A_51, %dma_wait3A_52] : memref<32x29x4x88xi32, #tpu.memory_space<hbm>> -> memref<1x1x4x88xi32, #tpu.memory_space<hbm>>
    %dma_wait3A_54 = tpu.memref_squeeze %dma_wait3A_53 : memref<1x1x4x88xi32, #tpu.memory_space<hbm>> -> memref<4x88xi32, #tpu.memory_space<hbm>>
    tpu.wait_dma2 semaphore(%arg15 : memref<!tpu.dma_semaphore, #tpu.memory_space<semaphore_mem>>) src(%dma_wait3A_54 : memref<4x88xi32, #tpu.memory_space<hbm>>) dst(%dma_wait3A_50 : memref<4x88xi32, #tpu.memory_space<vmem>>)
    %dma_wait3A_55 = arith.constant 0 : i32
    %dma_wait3A_56 = arith.constant 0 : i32
    %dma_wait3A_57 = arith.constant 0 : i32
    %dma_wait3A_58 = arith.constant 0 : i32
    %dma_wait3A_59 = tpu.memref_slice %arg8[%dma_wait3A_56, %dma_wait3A_57, %dma_wait3A_58] : memref<2x4x88xi32, #tpu.memory_space<vmem>> -> memref<1x4x88xi32, #tpu.memory_space<vmem>>
    %dma_wait3A_60 = tpu.memref_squeeze %dma_wait3A_59 : memref<1x4x88xi32, #tpu.memory_space<vmem>> -> memref<4x88xi32, #tpu.memory_space<vmem>>
    %dma_wait3A_61 = arith.constant 0 : i32
    %dma_wait3A_62 = arith.constant 0 : i32
    %dma_wait3A_63 = tpu.memref_slice %arg4[%add3A, %dma_wait3A_55, %dma_wait3A_61, %dma_wait3A_62] : memref<32x29x4x88xi32, #tpu.memory_space<hbm>> -> memref<1x1x4x88xi32, #tpu.memory_space<hbm>>
    %dma_wait3A_64 = tpu.memref_squeeze %dma_wait3A_63 : memref<1x1x4x88xi32, #tpu.memory_space<hbm>> -> memref<4x88xi32, #tpu.memory_space<hbm>>
    %dma_wait3A_65 = arith.constant 0 : i32
    %dma_wait3A_66 = arith.constant 0 : i32
    %dma_wait3A_67 = tpu.memref_slice %arg8[%dma_wait3A_56, %dma_wait3A_65, %dma_wait3A_66] : memref<2x4x88xi32, #tpu.memory_space<vmem>> -> memref<1x4x88xi32, #tpu.memory_space<vmem>>
    %dma_wait3A_68 = tpu.memref_squeeze %dma_wait3A_67 : memref<1x4x88xi32, #tpu.memory_space<vmem>> -> memref<4x88xi32, #tpu.memory_space<vmem>>
    %dma_wait3A_69 = arith.constant 0 : i32
    %dma_wait3A_70 = arith.constant 0 : i32
    %dma_wait3A_71 = tpu.memref_slice %arg4[%add3A, %dma_wait3A_55, %dma_wait3A_69, %dma_wait3A_70] : memref<32x29x4x88xi32, #tpu.memory_space<hbm>> -> memref<1x1x4x88xi32, #tpu.memory_space<hbm>>
    %dma_wait3A_72 = tpu.memref_squeeze %dma_wait3A_71 : memref<1x1x4x88xi32, #tpu.memory_space<hbm>> -> memref<4x88xi32, #tpu.memory_space<hbm>>
    tpu.wait_dma2 semaphore(%arg15 : memref<!tpu.dma_semaphore, #tpu.memory_space<semaphore_mem>>) src(%dma_wait3A_72 : memref<4x88xi32, #tpu.memory_space<hbm>>) dst(%dma_wait3A_68 : memref<4x88xi32, #tpu.memory_space<vmem>>)
    %dma_start3A_73 = arith.constant 1 : i32
    %dma_start3A_74 = arith.constant 1 : i32
    %dma_start3A_75 = arith.constant 0 : i32
    %dma_start3A_76 = arith.constant 0 : i32
    %dma_start3A_77 = tpu.memref_slice %arg7[%dma_start3A_74, %dma_start3A_75, %dma_start3A_76] : memref<2x4x88xi32, #tpu.memory_space<vmem>> -> memref<1x4x88xi32, #tpu.memory_space<vmem>>
    %dma_start3A_78 = tpu.memref_squeeze %dma_start3A_77 : memref<1x4x88xi32, #tpu.memory_space<vmem>> -> memref<4x88xi32, #tpu.memory_space<vmem>>
    %dma_start3A_79 = arith.constant 0 : i32
    %dma_start3A_80 = arith.constant 0 : i32
    %dma_start3A_81 = tpu.memref_slice %arg3[%add3A, %dma_start3A_73, %dma_start3A_79, %dma_start3A_80] : memref<32x29x4x88xi32, #tpu.memory_space<hbm>> -> memref<1x1x4x88xi32, #tpu.memory_space<hbm>>
    %dma_start3A_82 = tpu.memref_squeeze %dma_start3A_81 : memref<1x1x4x88xi32, #tpu.memory_space<hbm>> -> memref<4x88xi32, #tpu.memory_space<hbm>>
    %dma_start3A_83 = arith.constant 0 : i32
    %dma_start3A_84 = arith.constant 0 : i32
    %dma_start3A_85 = tpu.memref_slice %arg7[%dma_start3A_74, %dma_start3A_83, %dma_start3A_84] : memref<2x4x88xi32, #tpu.memory_space<vmem>> -> memref<1x4x88xi32, #tpu.memory_space<vmem>>
    %dma_start3A_86 = tpu.memref_squeeze %dma_start3A_85 : memref<1x4x88xi32, #tpu.memory_space<vmem>> -> memref<4x88xi32, #tpu.memory_space<vmem>>
    %dma_start3A_87 = arith.constant 0 : i32
    %dma_start3A_88 = arith.constant 0 : i32
    %dma_start3A_89 = tpu.memref_slice %arg3[%add3A, %dma_start3A_73, %dma_start3A_87, %dma_start3A_88] : memref<32x29x4x88xi32, #tpu.memory_space<hbm>> -> memref<1x1x4x88xi32, #tpu.memory_space<hbm>>
    %dma_start3A_90 = tpu.memref_squeeze %dma_start3A_89 : memref<1x1x4x88xi32, #tpu.memory_space<hbm>> -> memref<4x88xi32, #tpu.memory_space<hbm>>
    tpu.enqueue_dma source(%dma_start3A_90 : memref<4x88xi32, #tpu.memory_space<hbm>>) target(%dma_start3A_86 : memref<4x88xi32, #tpu.memory_space<vmem>>) target_semaphore(%arg16 : memref<!tpu.dma_semaphore, #tpu.memory_space<semaphore_mem>>)
    %dma_start3A_91 = arith.constant 1 : i32
    %dma_start3A_92 = arith.constant 1 : i32
    %dma_start3A_93 = arith.constant 0 : i32
    %dma_start3A_94 = arith.constant 0 : i32
    %dma_start3A_95 = tpu.memref_slice %arg8[%dma_start3A_92, %dma_start3A_93, %dma_start3A_94] : memref<2x4x88xi32, #tpu.memory_space<vmem>> -> memref<1x4x88xi32, #tpu.memory_space<vmem>>
    %dma_start3A_96 = tpu.memref_squeeze %dma_start3A_95 : memref<1x4x88xi32, #tpu.memory_space<vmem>> -> memref<4x88xi32, #tpu.memory_space<vmem>>
    %dma_start3A_97 = arith.constant 0 : i32
    %dma_start3A_98 = arith.constant 0 : i32
    %dma_start3A_99 = tpu.memref_slice %arg4[%add3A, %dma_start3A_91, %dma_start3A_97, %dma_start3A_98] : memref<32x29x4x88xi32, #tpu.memory_space<hbm>> -> memref<1x1x4x88xi32, #tpu.memory_space<hbm>>
    %dma_start3A_100 = tpu.memref_squeeze %dma_start3A_99 : memref<1x1x4x88xi32, #tpu.memory_space<hbm>> -> memref<4x88xi32, #tpu.memory_space<hbm>>
    %dma_start3A_101 = arith.constant 0 : i32
    %dma_start3A_102 = arith.constant 0 : i32
    %dma_start3A_103 = tpu.memref_slice %arg8[%dma_start3A_92, %dma_start3A_101, %dma_start3A_102] : memref<2x4x88xi32, #tpu.memory_space<vmem>> -> memref<1x4x88xi32, #tpu.memory_space<vmem>>
    %dma_start3A_104 = tpu.memref_squeeze %dma_start3A_103 : memref<1x4x88xi32, #tpu.memory_space<vmem>> -> memref<4x88xi32, #tpu.memory_space<vmem>>
    %dma_start3A_105 = arith.constant 0 : i32
    %dma_start3A_106 = arith.constant 0 : i32
    %dma_start3A_107 = tpu.memref_slice %arg4[%add3A, %dma_start3A_91, %dma_start3A_105, %dma_start3A_106] : memref<32x29x4x88xi32, #tpu.memory_space<hbm>> -> memref<1x1x4x88xi32, #tpu.memory_space<hbm>>
    %dma_start3A_108 = tpu.memref_squeeze %dma_start3A_107 : memref<1x1x4x88xi32, #tpu.memory_space<hbm>> -> memref<4x88xi32, #tpu.memory_space<hbm>>
    tpu.enqueue_dma source(%dma_start3A_108 : memref<4x88xi32, #tpu.memory_space<hbm>>) target(%dma_start3A_104 : memref<4x88xi32, #tpu.memory_space<vmem>>) target_semaphore(%arg16 : memref<!tpu.dma_semaphore, #tpu.memory_space<semaphore_mem>>)
    %barrier3A = arith.constant 0 : index
    tpu.barrier barrier_id(%barrier3A)
    %dma_start3A_109 = arith.constant 0 : i32
    %dma_start3A_110 = arith.constant 0 : i32
    %dma_start3A_111 = arith.constant 0 : i32
    %dma_start3A_112 = arith.constant 0 : i32
    %dma_start3A_113 = arith.constant 0 : i32
    %dma_start3A_114 = tpu.memref_slice %arg9[%dma_start3A_111, %dma_start3A_112, %dma_start3A_113] : memref<4x88x128xf32, #tpu.memory_space<vmem>> -> memref<1x88x128xf32, #tpu.memory_space<vmem>>
    %dma_start3A_115 = tpu.memref_squeeze %dma_start3A_114 : memref<1x88x128xf32, #tpu.memory_space<vmem>> -> memref<88x128xf32, #tpu.memory_space<vmem>>
    %dma_start3A_116 = arith.constant 0 : i32
    %dma_start3A_117 = tpu.memref_slice %arg7[%dma_start3A_109, %dma_start3A_110, %dma_start3A_116] : memref<2x4x88xi32, #tpu.memory_space<vmem>> -> memref<1x1x88xi32, #tpu.memory_space<vmem>>
    %dma_start3A_118 = tpu.memref_squeeze %dma_start3A_117 : memref<1x1x88xi32, #tpu.memory_space<vmem>> -> memref<88xi32, #tpu.memory_space<vmem>>
    %dma_start3A_119 = arith.constant 0 : i32
    %dma_start3A_120 = arith.constant 0 : i32
    %dma_start3A_121 = tpu.memref_slice %arg2[%dma_start3A_119, %dma_start3A_120] : memref<10000x128xf32, #tpu.memory_space<hbm>> -> memref<10000x128xf32, #tpu.memory_space<hbm>>
    tpu.enqueue_indirect_dma source(%dma_start3A_121 : memref<10000x128xf32, #tpu.memory_space<hbm>>) target(%dma_start3A_115 : memref<88x128xf32, #tpu.memory_space<vmem>>) offsets(%dma_start3A_118 : memref<88xi32, #tpu.memory_space<vmem>>) semaphore(%arg11 : memref<!tpu.dma_semaphore, #tpu.memory_space<semaphore_mem>>)
    %dma_start3A_122 = arith.constant 0 : i32
    %dma_start3A_123 = arith.constant 1 : i32
    %dma_start3A_124 = arith.constant 1 : i32
    %dma_start3A_125 = arith.constant 0 : i32
    %dma_start3A_126 = arith.constant 0 : i32
    %dma_start3A_127 = tpu.memref_slice %arg9[%dma_start3A_124, %dma_start3A_125, %dma_start3A_126] : memref<4x88x128xf32, #tpu.memory_space<vmem>> -> memref<1x88x128xf32, #tpu.memory_space<vmem>>
    %dma_start3A_128 = tpu.memref_squeeze %dma_start3A_127 : memref<1x88x128xf32, #tpu.memory_space<vmem>> -> memref<88x128xf32, #tpu.memory_space<vmem>>
    %dma_start3A_129 = arith.constant 0 : i32
    %dma_start3A_130 = tpu.memref_slice %arg7[%dma_start3A_122, %dma_start3A_123, %dma_start3A_129] : memref<2x4x88xi32, #tpu.memory_space<vmem>> -> memref<1x1x88xi32, #tpu.memory_space<vmem>>
    %dma_start3A_131 = tpu.memref_squeeze %dma_start3A_130 : memref<1x1x88xi32, #tpu.memory_space<vmem>> -> memref<88xi32, #tpu.memory_space<vmem>>
    %dma_start3A_132 = arith.constant 0 : i32
    %dma_start3A_133 = arith.constant 0 : i32
    %dma_start3A_134 = tpu.memref_slice %arg2[%dma_start3A_132, %dma_start3A_133] : memref<10000x128xf32, #tpu.memory_space<hbm>> -> memref<10000x128xf32, #tpu.memory_space<hbm>>
    tpu.enqueue_indirect_dma source(%dma_start3A_134 : memref<10000x128xf32, #tpu.memory_space<hbm>>) target(%dma_start3A_128 : memref<88x128xf32, #tpu.memory_space<vmem>>) offsets(%dma_start3A_131 : memref<88xi32, #tpu.memory_space<vmem>>) semaphore(%arg12 : memref<!tpu.dma_semaphore, #tpu.memory_space<semaphore_mem>>)
    %dma_start3A_135 = arith.constant 0 : i32
    %dma_start3A_136 = arith.constant 2 : i32
    %dma_start3A_137 = arith.constant 2 : i32
    %dma_start3A_138 = arith.constant 0 : i32
    %dma_start3A_139 = arith.constant 0 : i32
    %dma_start3A_140 = tpu.memref_slice %arg9[%dma_start3A_137, %dma_start3A_138, %dma_start3A_139] : memref<4x88x128xf32, #tpu.memory_space<vmem>> -> memref<1x88x128xf32, #tpu.memory_space<vmem>>
    %dma_start3A_141 = tpu.memref_squeeze %dma_start3A_140 : memref<1x88x128xf32, #tpu.memory_space<vmem>> -> memref<88x128xf32, #tpu.memory_space<vmem>>
    %dma_start3A_142 = arith.constant 0 : i32
    %dma_start3A_143 = tpu.memref_slice %arg7[%dma_start3A_135, %dma_start3A_136, %dma_start3A_142] : memref<2x4x88xi32, #tpu.memory_space<vmem>> -> memref<1x1x88xi32, #tpu.memory_space<vmem>>
    %dma_start3A_144 = tpu.memref_squeeze %dma_start3A_143 : memref<1x1x88xi32, #tpu.memory_space<vmem>> -> memref<88xi32, #tpu.memory_space<vmem>>
    %dma_start3A_145 = arith.constant 0 : i32
    %dma_start3A_146 = arith.constant 0 : i32
    %dma_start3A_147 = tpu.memref_slice %arg2[%dma_start3A_145, %dma_start3A_146] : memref<10000x128xf32, #tpu.memory_space<hbm>> -> memref<10000x128xf32, #tpu.memory_space<hbm>>
    tpu.enqueue_indirect_dma source(%dma_start3A_147 : memref<10000x128xf32, #tpu.memory_space<hbm>>) target(%dma_start3A_141 : memref<88x128xf32, #tpu.memory_space<vmem>>) offsets(%dma_start3A_144 : memref<88xi32, #tpu.memory_space<vmem>>) semaphore(%arg13 : memref<!tpu.dma_semaphore, #tpu.memory_space<semaphore_mem>>)
    %dma_start3A_148 = arith.constant 0 : i32
    %dma_start3A_149 = arith.constant 3 : i32
    %dma_start3A_150 = arith.constant 3 : i32
    %dma_start3A_151 = arith.constant 0 : i32
    %dma_start3A_152 = arith.constant 0 : i32
    %dma_start3A_153 = tpu.memref_slice %arg9[%dma_start3A_150, %dma_start3A_151, %dma_start3A_152] : memref<4x88x128xf32, #tpu.memory_space<vmem>> -> memref<1x88x128xf32, #tpu.memory_space<vmem>>
    %dma_start3A_154 = tpu.memref_squeeze %dma_start3A_153 : memref<1x88x128xf32, #tpu.memory_space<vmem>> -> memref<88x128xf32, #tpu.memory_space<vmem>>
    %dma_start3A_155 = arith.constant 0 : i32
    %dma_start3A_156 = tpu.memref_slice %arg7[%dma_start3A_148, %dma_start3A_149, %dma_start3A_155] : memref<2x4x88xi32, #tpu.memory_space<vmem>> -> memref<1x1x88xi32, #tpu.memory_space<vmem>>
    %dma_start3A_157 = tpu.memref_squeeze %dma_start3A_156 : memref<1x1x88xi32, #tpu.memory_space<vmem>> -> memref<88xi32, #tpu.memory_space<vmem>>
    %dma_start3A_158 = arith.constant 0 : i32
    %dma_start3A_159 = arith.constant 0 : i32
    %dma_start3A_160 = tpu.memref_slice %arg2[%dma_start3A_158, %dma_start3A_159] : memref<10000x128xf32, #tpu.memory_space<hbm>> -> memref<10000x128xf32, #tpu.memory_space<hbm>>
    tpu.enqueue_indirect_dma source(%dma_start3A_160 : memref<10000x128xf32, #tpu.memory_space<hbm>>) target(%dma_start3A_154 : memref<88x128xf32, #tpu.memory_space<vmem>>) offsets(%dma_start3A_157 : memref<88xi32, #tpu.memory_space<vmem>>) semaphore(%arg14 : memref<!tpu.dma_semaphore, #tpu.memory_space<semaphore_mem>>)
    %scan3A = arith.constant 0 : i32
    %scan3A_161 = arith.constant 0 : i32
    %scan3A_162 = arith.constant 29 : i32
    %scan3A_163 = arith.addi %scan3A_161, %scan3A_162 : i32
    %scan3A_164 = arith.constant 1 : i32
    scf.for %scan3A_171 = %scan3A_161 to %scan3A_163 step %scan3A_164  : i32 {
      %rem3A = arith.constant 2 : i32
      %rem3A_172 = arith.remsi %scan3A_171, %rem3A : i32
      %add3A_173 = arith.constant 1 : i32
      %add3A_174 = arith.addi %scan3A_171, %add3A_173 : i32
      %rem3A_175 = arith.constant 2 : i32
      %rem3A_176 = arith.remsi %add3A_174, %rem3A_175 : i32
      %add3A_177 = arith.constant 1 : i32
      %add3A_178 = arith.addi %scan3A_171, %add3A_177 : i32
      %lt3A = arith.constant 29 : i32
      %lt3A_179 = arith.cmpi slt, %add3A_178, %lt3A : i32
      %convert_element_type3A = arith.extui %lt3A_179 : i1 to i32
      %cond3A = arith.constant 0 : i32
      %cond3A_180 = arith.cmpi ne, %convert_element_type3A, %cond3A : i32
      scf.if %cond3A_180 {
        %add3A_271 = arith.constant 1 : i32
        %add3A_272 = arith.addi %scan3A_171, %add3A_271 : i32
        %rem3A_273 = arith.constant 2 : i32
        %rem3A_274 = arith.remsi %add3A_272, %rem3A_273 : i32
        %eq3A = arith.constant 0 : i32
        %eq3A_275 = arith.cmpi eq, %rem3A_274, %eq3A : i32
        %convert_element_type3A_276 = arith.extui %eq3A_275 : i1 to i32
        %cond3A_277 = arith.constant 0 : i32
        %cond3A_278 = arith.cmpi ne, %convert_element_type3A_276, %cond3A_277 : i32
        scf.if %cond3A_278 {
          %dma_wait3A_286 = arith.constant 0 : i32
          %dma_wait3A_287 = arith.constant 0 : i32
          %dma_wait3A_288 = tpu.memref_slice %arg7[%rem3A_176, %dma_wait3A_286, %dma_wait3A_287] : memref<2x4x88xi32, #tpu.memory_space<vmem>> -> memref<1x4x88xi32, #tpu.memory_space<vmem>>
          %dma_wait3A_289 = tpu.memref_squeeze %dma_wait3A_288 : memref<1x4x88xi32, #tpu.memory_space<vmem>> -> memref<4x88xi32, #tpu.memory_space<vmem>>
          %dma_wait3A_290 = arith.constant 0 : i32
          %dma_wait3A_291 = arith.constant 0 : i32
          %dma_wait3A_292 = tpu.memref_slice %arg3[%add3A, %add3A_272, %dma_wait3A_290, %dma_wait3A_291] : memref<32x29x4x88xi32, #tpu.memory_space<hbm>> -> memref<1x1x4x88xi32, #tpu.memory_space<hbm>>
          %dma_wait3A_293 = tpu.memref_squeeze %dma_wait3A_292 : memref<1x1x4x88xi32, #tpu.memory_space<hbm>> -> memref<4x88xi32, #tpu.memory_space<hbm>>
          %dma_wait3A_294 = arith.constant 0 : i32
          %dma_wait3A_295 = arith.constant 0 : i32
          %dma_wait3A_296 = tpu.memref_slice %arg7[%rem3A_176, %dma_wait3A_294, %dma_wait3A_295] : memref<2x4x88xi32, #tpu.memory_space<vmem>> -> memref<1x4x88xi32, #tpu.memory_space<vmem>>
          %dma_wait3A_297 = tpu.memref_squeeze %dma_wait3A_296 : memref<1x4x88xi32, #tpu.memory_space<vmem>> -> memref<4x88xi32, #tpu.memory_space<vmem>>
          %dma_wait3A_298 = arith.constant 0 : i32
          %dma_wait3A_299 = arith.constant 0 : i32
          %dma_wait3A_300 = tpu.memref_slice %arg3[%add3A, %add3A_272, %dma_wait3A_298, %dma_wait3A_299] : memref<32x29x4x88xi32, #tpu.memory_space<hbm>> -> memref<1x1x4x88xi32, #tpu.memory_space<hbm>>
          %dma_wait3A_301 = tpu.memref_squeeze %dma_wait3A_300 : memref<1x1x4x88xi32, #tpu.memory_space<hbm>> -> memref<4x88xi32, #tpu.memory_space<hbm>>
          tpu.wait_dma2 semaphore(%arg15 : memref<!tpu.dma_semaphore, #tpu.memory_space<semaphore_mem>>) src(%dma_wait3A_301 : memref<4x88xi32, #tpu.memory_space<hbm>>) dst(%dma_wait3A_297 : memref<4x88xi32, #tpu.memory_space<vmem>>)
          %dma_wait3A_302 = arith.constant 0 : i32
          %dma_wait3A_303 = arith.constant 0 : i32
          %dma_wait3A_304 = tpu.memref_slice %arg8[%rem3A_176, %dma_wait3A_302, %dma_wait3A_303] : memref<2x4x88xi32, #tpu.memory_space<vmem>> -> memref<1x4x88xi32, #tpu.memory_space<vmem>>
          %dma_wait3A_305 = tpu.memref_squeeze %dma_wait3A_304 : memref<1x4x88xi32, #tpu.memory_space<vmem>> -> memref<4x88xi32, #tpu.memory_space<vmem>>
          %dma_wait3A_306 = arith.constant 0 : i32
          %dma_wait3A_307 = arith.constant 0 : i32
          %dma_wait3A_308 = tpu.memref_slice %arg4[%add3A, %add3A_272, %dma_wait3A_306, %dma_wait3A_307] : memref<32x29x4x88xi32, #tpu.memory_space<hbm>> -> memref<1x1x4x88xi32, #tpu.memory_space<hbm>>
          %dma_wait3A_309 = tpu.memref_squeeze %dma_wait3A_308 : memref<1x1x4x88xi32, #tpu.memory_space<hbm>> -> memref<4x88xi32, #tpu.memory_space<hbm>>
          %dma_wait3A_310 = arith.constant 0 : i32
          %dma_wait3A_311 = arith.constant 0 : i32
          %dma_wait3A_312 = tpu.memref_slice %arg8[%rem3A_176, %dma_wait3A_310, %dma_wait3A_311] : memref<2x4x88xi32, #tpu.memory_space<vmem>> -> memref<1x4x88xi32, #tpu.memory_space<vmem>>
          %dma_wait3A_313 = tpu.memref_squeeze %dma_wait3A_312 : memref<1x4x88xi32, #tpu.memory_space<vmem>> -> memref<4x88xi32, #tpu.memory_space<vmem>>
          %dma_wait3A_314 = arith.constant 0 : i32
          %dma_wait3A_315 = arith.constant 0 : i32
          %dma_wait3A_316 = tpu.memref_slice %arg4[%add3A, %add3A_272, %dma_wait3A_314, %dma_wait3A_315] : memref<32x29x4x88xi32, #tpu.memory_space<hbm>> -> memref<1x1x4x88xi32, #tpu.memory_space<hbm>>
          %dma_wait3A_317 = tpu.memref_squeeze %dma_wait3A_316 : memref<1x1x4x88xi32, #tpu.memory_space<hbm>> -> memref<4x88xi32, #tpu.memory_space<hbm>>
          tpu.wait_dma2 semaphore(%arg15 : memref<!tpu.dma_semaphore, #tpu.memory_space<semaphore_mem>>) src(%dma_wait3A_317 : memref<4x88xi32, #tpu.memory_space<hbm>>) dst(%dma_wait3A_313 : memref<4x88xi32, #tpu.memory_space<vmem>>)
        } else {
        }
        %rem3A_279 = arith.constant 2 : i32
        %rem3A_280 = arith.remsi %add3A_272, %rem3A_279 : i32
        %eq3A_281 = arith.constant 1 : i32
        %eq3A_282 = arith.cmpi eq, %rem3A_280, %eq3A_281 : i32
        %convert_element_type3A_283 = arith.extui %eq3A_282 : i1 to i32
        %cond3A_284 = arith.constant 0 : i32
        %cond3A_285 = arith.cmpi ne, %convert_element_type3A_283, %cond3A_284 : i32
        scf.if %cond3A_285 {
          %dma_wait3A_286 = arith.constant 0 : i32
          %dma_wait3A_287 = arith.constant 0 : i32
          %dma_wait3A_288 = tpu.memref_slice %arg7[%rem3A_176, %dma_wait3A_286, %dma_wait3A_287] : memref<2x4x88xi32, #tpu.memory_space<vmem>> -> memref<1x4x88xi32, #tpu.memory_space<vmem>>
          %dma_wait3A_289 = tpu.memref_squeeze %dma_wait3A_288 : memref<1x4x88xi32, #tpu.memory_space<vmem>> -> memref<4x88xi32, #tpu.memory_space<vmem>>
          %dma_wait3A_290 = arith.constant 0 : i32
          %dma_wait3A_291 = arith.constant 0 : i32
          %dma_wait3A_292 = tpu.memref_slice %arg3[%add3A, %add3A_272, %dma_wait3A_290, %dma_wait3A_291] : memref<32x29x4x88xi32, #tpu.memory_space<hbm>> -> memref<1x1x4x88xi32, #tpu.memory_space<hbm>>
          %dma_wait3A_293 = tpu.memref_squeeze %dma_wait3A_292 : memref<1x1x4x88xi32, #tpu.memory_space<hbm>> -> memref<4x88xi32, #tpu.memory_space<hbm>>
          %dma_wait3A_294 = arith.constant 0 : i32
          %dma_wait3A_295 = arith.constant 0 : i32
          %dma_wait3A_296 = tpu.memref_slice %arg7[%rem3A_176, %dma_wait3A_294, %dma_wait3A_295] : memref<2x4x88xi32, #tpu.memory_space<vmem>> -> memref<1x4x88xi32, #tpu.memory_space<vmem>>
          %dma_wait3A_297 = tpu.memref_squeeze %dma_wait3A_296 : memref<1x4x88xi32, #tpu.memory_space<vmem>> -> memref<4x88xi32, #tpu.memory_space<vmem>>
          %dma_wait3A_298 = arith.constant 0 : i32
          %dma_wait3A_299 = arith.constant 0 : i32
          %dma_wait3A_300 = tpu.memref_slice %arg3[%add3A, %add3A_272, %dma_wait3A_298, %dma_wait3A_299] : memref<32x29x4x88xi32, #tpu.memory_space<hbm>> -> memref<1x1x4x88xi32, #tpu.memory_space<hbm>>
          %dma_wait3A_301 = tpu.memref_squeeze %dma_wait3A_300 : memref<1x1x4x88xi32, #tpu.memory_space<hbm>> -> memref<4x88xi32, #tpu.memory_space<hbm>>
          tpu.wait_dma2 semaphore(%arg16 : memref<!tpu.dma_semaphore, #tpu.memory_space<semaphore_mem>>) src(%dma_wait3A_301 : memref<4x88xi32, #tpu.memory_space<hbm>>) dst(%dma_wait3A_297 : memref<4x88xi32, #tpu.memory_space<vmem>>)
          %dma_wait3A_302 = arith.constant 0 : i32
          %dma_wait3A_303 = arith.constant 0 : i32
          %dma_wait3A_304 = tpu.memref_slice %arg8[%rem3A_176, %dma_wait3A_302, %dma_wait3A_303] : memref<2x4x88xi32, #tpu.memory_space<vmem>> -> memref<1x4x88xi32, #tpu.memory_space<vmem>>
          %dma_wait3A_305 = tpu.memref_squeeze %dma_wait3A_304 : memref<1x4x88xi32, #tpu.memory_space<vmem>> -> memref<4x88xi32, #tpu.memory_space<vmem>>
          %dma_wait3A_306 = arith.constant 0 : i32
          %dma_wait3A_307 = arith.constant 0 : i32
          %dma_wait3A_308 = tpu.memref_slice %arg4[%add3A, %add3A_272, %dma_wait3A_306, %dma_wait3A_307] : memref<32x29x4x88xi32, #tpu.memory_space<hbm>> -> memref<1x1x4x88xi32, #tpu.memory_space<hbm>>
          %dma_wait3A_309 = tpu.memref_squeeze %dma_wait3A_308 : memref<1x1x4x88xi32, #tpu.memory_space<hbm>> -> memref<4x88xi32, #tpu.memory_space<hbm>>
          %dma_wait3A_310 = arith.constant 0 : i32
          %dma_wait3A_311 = arith.constant 0 : i32
          %dma_wait3A_312 = tpu.memref_slice %arg8[%rem3A_176, %dma_wait3A_310, %dma_wait3A_311] : memref<2x4x88xi32, #tpu.memory_space<vmem>> -> memref<1x4x88xi32, #tpu.memory_space<vmem>>
          %dma_wait3A_313 = tpu.memref_squeeze %dma_wait3A_312 : memref<1x4x88xi32, #tpu.memory_space<vmem>> -> memref<4x88xi32, #tpu.memory_space<vmem>>
          %dma_wait3A_314 = arith.constant 0 : i32
          %dma_wait3A_315 = arith.constant 0 : i32
          %dma_wait3A_316 = tpu.memref_slice %arg4[%add3A, %add3A_272, %dma_wait3A_314, %dma_wait3A_315] : memref<32x29x4x88xi32, #tpu.memory_space<hbm>> -> memref<1x1x4x88xi32, #tpu.memory_space<hbm>>
          %dma_wait3A_317 = tpu.memref_squeeze %dma_wait3A_316 : memref<1x1x4x88xi32, #tpu.memory_space<hbm>> -> memref<4x88xi32, #tpu.memory_space<hbm>>
          tpu.wait_dma2 semaphore(%arg16 : memref<!tpu.dma_semaphore, #tpu.memory_space<semaphore_mem>>) src(%dma_wait3A_317 : memref<4x88xi32, #tpu.memory_space<hbm>>) dst(%dma_wait3A_313 : memref<4x88xi32, #tpu.memory_space<vmem>>)
        } else {
        }
      } else {
      }
      %dma_wait3A_181 = arith.constant 0 : i32
      %dma_wait3A_182 = arith.constant 0 : i32
      %dma_wait3A_183 = arith.constant 0 : i32
      %dma_wait3A_184 = arith.constant 0 : i32
      %dma_wait3A_185 = tpu.memref_slice %arg9[%dma_wait3A_182, %dma_wait3A_183, %dma_wait3A_184] : memref<4x88x128xf32, #tpu.memory_space<vmem>> -> memref<1x88x128xf32, #tpu.memory_space<vmem>>
      %dma_wait3A_186 = tpu.memref_squeeze %dma_wait3A_185 : memref<1x88x128xf32, #tpu.memory_space<vmem>> -> memref<88x128xf32, #tpu.memory_space<vmem>>
      %dma_wait3A_187 = arith.constant 0 : i32
      %dma_wait3A_188 = tpu.memref_slice %arg7[%rem3A_172, %dma_wait3A_181, %dma_wait3A_187] : memref<2x4x88xi32, #tpu.memory_space<vmem>> -> memref<1x1x88xi32, #tpu.memory_space<vmem>>
      %dma_wait3A_189 = tpu.memref_squeeze %dma_wait3A_188 : memref<1x1x88xi32, #tpu.memory_space<vmem>> -> memref<88xi32, #tpu.memory_space<vmem>>
      %dma_wait3A_190 = arith.constant 0 : i32
      %dma_wait3A_191 = arith.constant 0 : i32
      %dma_wait3A_192 = tpu.memref_slice %arg2[%dma_wait3A_190, %dma_wait3A_191] : memref<10000x128xf32, #tpu.memory_space<hbm>> -> memref<10000x128xf32, #tpu.memory_space<hbm>>
      tpu.wait_indirect_dma semaphore(%arg11 : memref<!tpu.dma_semaphore, #tpu.memory_space<semaphore_mem>>) src(%dma_wait3A_192 : memref<10000x128xf32, #tpu.memory_space<hbm>>) dst(%dma_wait3A_186 : memref<88x128xf32, #tpu.memory_space<vmem>>)
      %run_scoped3A = arith.constant 0 : i32
      %run_scoped3A_193 = arith.constant 0 : i32
      "tpu.region"() ({
        %run_scoped3A_271 = tpu.sem_alloc : memref<!tpu.dma_semaphore, #tpu.memory_space<semaphore_mem>>
        %dma_start3A_272 = arith.constant 0 : i32
        %dma_start3A_273 = arith.constant 0 : i32
        %dma_start3A_274 = tpu.memref_slice %arg9[%run_scoped3A, %dma_start3A_272, %dma_start3A_273] : memref<4x88x128xf32, #tpu.memory_space<vmem>> -> memref<1x88x128xf32, #tpu.memory_space<vmem>>
        %dma_start3A_275 = tpu.memref_squeeze %dma_start3A_274 : memref<1x88x128xf32, #tpu.memory_space<vmem>> -> memref<88x128xf32, #tpu.memory_space<vmem>>
        %dma_start3A_276 = arith.constant 0 : i32
        %dma_start3A_277 = tpu.memref_slice %arg8[%rem3A_172, %run_scoped3A_193, %dma_start3A_276] : memref<2x4x88xi32, #tpu.memory_space<vmem>> -> memref<1x1x88xi32, #tpu.memory_space<vmem>>
        %dma_start3A_278 = tpu.memref_squeeze %dma_start3A_277 : memref<1x1x88xi32, #tpu.memory_space<vmem>> -> memref<88xi32, #tpu.memory_space<vmem>>
        %dma_start3A_279 = arith.constant 0 : i32
        %dma_start3A_280 = arith.constant 0 : i32
        %dma_start3A_281 = tpu.memref_slice %arg10[%dma_start3A_279, %dma_start3A_280] : memref<10112x128xf32, #tpu.memory_space<vmem_shared>> -> memref<10112x128xf32, #tpu.memory_space<vmem_shared>>
        tpu.enqueue_indirect_dma source(%dma_start3A_275 : memref<88x128xf32, #tpu.memory_space<vmem>>) target(%dma_start3A_281 : memref<10112x128xf32, #tpu.memory_space<vmem_shared>>) offsets(%dma_start3A_278 : memref<88xi32, #tpu.memory_space<vmem>>) semaphore(%run_scoped3A_271 : memref<!tpu.dma_semaphore, #tpu.memory_space<semaphore_mem>>) {add = true}
        %dma_wait3A_282 = arith.constant 0 : i32
        %dma_wait3A_283 = arith.constant 0 : i32
        %dma_wait3A_284 = tpu.memref_slice %arg9[%run_scoped3A, %dma_wait3A_282, %dma_wait3A_283] : memref<4x88x128xf32, #tpu.memory_space<vmem>> -> memref<1x88x128xf32, #tpu.memory_space<vmem>>
        %dma_wait3A_285 = tpu.memref_squeeze %dma_wait3A_284 : memref<1x88x128xf32, #tpu.memory_space<vmem>> -> memref<88x128xf32, #tpu.memory_space<vmem>>
        %dma_wait3A_286 = arith.constant 0 : i32
        %dma_wait3A_287 = tpu.memref_slice %arg8[%rem3A_172, %run_scoped3A_193, %dma_wait3A_286] : memref<2x4x88xi32, #tpu.memory_space<vmem>> -> memref<1x1x88xi32, #tpu.memory_space<vmem>>
        %dma_wait3A_288 = tpu.memref_squeeze %dma_wait3A_287 : memref<1x1x88xi32, #tpu.memory_space<vmem>> -> memref<88xi32, #tpu.memory_space<vmem>>
        %dma_wait3A_289 = arith.constant 0 : i32
        %dma_wait3A_290 = arith.constant 0 : i32
        %dma_wait3A_291 = tpu.memref_slice %arg10[%dma_wait3A_289, %dma_wait3A_290] : memref<10112x128xf32, #tpu.memory_space<vmem_shared>> -> memref<10112x128xf32, #tpu.memory_space<vmem_shared>>
        tpu.wait_indirect_dma semaphore(%run_scoped3A_271 : memref<!tpu.dma_semaphore, #tpu.memory_space<semaphore_mem>>) src(%dma_wait3A_285 : memref<88x128xf32, #tpu.memory_space<vmem>>) dst(%dma_wait3A_291 : memref<10112x128xf32, #tpu.memory_space<vmem_shared>>)
        tpu.yield
      }) : () -> ()
      %add3A_194 = arith.constant 1 : i32
      %add3A_195 = arith.addi %scan3A_171, %add3A_194 : i32
      %lt3A_196 = arith.constant 29 : i32
      %lt3A_197 = arith.cmpi slt, %add3A_195, %lt3A_196 : i32
      %convert_element_type3A_198 = arith.extui %lt3A_197 : i1 to i32
      %cond3A_199 = arith.constant 0 : i32
      %cond3A_200 = arith.cmpi ne, %convert_element_type3A_198, %cond3A_199 : i32
      scf.if %cond3A_200 {
        %dma_start3A_271 = arith.constant 0 : i32
        %dma_start3A_272 = arith.constant 0 : i32
        %dma_start3A_273 = arith.constant 0 : i32
        %dma_start3A_274 = arith.constant 0 : i32
        %dma_start3A_275 = tpu.memref_slice %arg9[%dma_start3A_272, %dma_start3A_273, %dma_start3A_274] : memref<4x88x128xf32, #tpu.memory_space<vmem>> -> memref<1x88x128xf32, #tpu.memory_space<vmem>>
        %dma_start3A_276 = tpu.memref_squeeze %dma_start3A_275 : memref<1x88x128xf32, #tpu.memory_space<vmem>> -> memref<88x128xf32, #tpu.memory_space<vmem>>
        %dma_start3A_277 = arith.constant 0 : i32
        %dma_start3A_278 = tpu.memref_slice %arg7[%rem3A_176, %dma_start3A_271, %dma_start3A_277] : memref<2x4x88xi32, #tpu.memory_space<vmem>> -> memref<1x1x88xi32, #tpu.memory_space<vmem>>
        %dma_start3A_279 = tpu.memref_squeeze %dma_start3A_278 : memref<1x1x88xi32, #tpu.memory_space<vmem>> -> memref<88xi32, #tpu.memory_space<vmem>>
        %dma_start3A_280 = arith.constant 0 : i32
        %dma_start3A_281 = arith.constant 0 : i32
        %dma_start3A_282 = tpu.memref_slice %arg2[%dma_start3A_280, %dma_start3A_281] : memref<10000x128xf32, #tpu.memory_space<hbm>> -> memref<10000x128xf32, #tpu.memory_space<hbm>>
        tpu.enqueue_indirect_dma source(%dma_start3A_282 : memref<10000x128xf32, #tpu.memory_space<hbm>>) target(%dma_start3A_276 : memref<88x128xf32, #tpu.memory_space<vmem>>) offsets(%dma_start3A_279 : memref<88xi32, #tpu.memory_space<vmem>>) semaphore(%arg11 : memref<!tpu.dma_semaphore, #tpu.memory_space<semaphore_mem>>)
      } else {
      }
      %dma_wait3A_201 = arith.constant 1 : i32
      %dma_wait3A_202 = arith.constant 1 : i32
      %dma_wait3A_203 = arith.constant 0 : i32
      %dma_wait3A_204 = arith.constant 0 : i32
      %dma_wait3A_205 = tpu.memref_slice %arg9[%dma_wait3A_202, %dma_wait3A_203, %dma_wait3A_204] : memref<4x88x128xf32, #tpu.memory_space<vmem>> -> memref<1x88x128xf32, #tpu.memory_space<vmem>>
      %dma_wait3A_206 = tpu.memref_squeeze %dma_wait3A_205 : memref<1x88x128xf32, #tpu.memory_space<vmem>> -> memref<88x128xf32, #tpu.memory_space<vmem>>
      %dma_wait3A_207 = arith.constant 0 : i32
      %dma_wait3A_208 = tpu.memref_slice %arg7[%rem3A_172, %dma_wait3A_201, %dma_wait3A_207] : memref<2x4x88xi32, #tpu.memory_space<vmem>> -> memref<1x1x88xi32, #tpu.memory_space<vmem>>
      %dma_wait3A_209 = tpu.memref_squeeze %dma_wait3A_208 : memref<1x1x88xi32, #tpu.memory_space<vmem>> -> memref<88xi32, #tpu.memory_space<vmem>>
      %dma_wait3A_210 = arith.constant 0 : i32
      %dma_wait3A_211 = arith.constant 0 : i32
      %dma_wait3A_212 = tpu.memref_slice %arg2[%dma_wait3A_210, %dma_wait3A_211] : memref<10000x128xf32, #tpu.memory_space<hbm>> -> memref<10000x128xf32, #tpu.memory_space<hbm>>
      tpu.wait_indirect_dma semaphore(%arg12 : memref<!tpu.dma_semaphore, #tpu.memory_space<semaphore_mem>>) src(%dma_wait3A_212 : memref<10000x128xf32, #tpu.memory_space<hbm>>) dst(%dma_wait3A_206 : memref<88x128xf32, #tpu.memory_space<vmem>>)
      %run_scoped3A_213 = arith.constant 1 : i32
      %run_scoped3A_214 = arith.constant 1 : i32
      "tpu.region"() ({
        %run_scoped3A_271 = tpu.sem_alloc : memref<!tpu.dma_semaphore, #tpu.memory_space<semaphore_mem>>
        %dma_start3A_272 = arith.constant 0 : i32
        %dma_start3A_273 = arith.constant 0 : i32
        %dma_start3A_274 = tpu.memref_slice %arg9[%run_scoped3A_213, %dma_start3A_272, %dma_start3A_273] : memref<4x88x128xf32, #tpu.memory_space<vmem>> -> memref<1x88x128xf32, #tpu.memory_space<vmem>>
        %dma_start3A_275 = tpu.memref_squeeze %dma_start3A_274 : memref<1x88x128xf32, #tpu.memory_space<vmem>> -> memref<88x128xf32, #tpu.memory_space<vmem>>
        %dma_start3A_276 = arith.constant 0 : i32
        %dma_start3A_277 = tpu.memref_slice %arg8[%rem3A_172, %run_scoped3A_214, %dma_start3A_276] : memref<2x4x88xi32, #tpu.memory_space<vmem>> -> memref<1x1x88xi32, #tpu.memory_space<vmem>>
        %dma_start3A_278 = tpu.memref_squeeze %dma_start3A_277 : memref<1x1x88xi32, #tpu.memory_space<vmem>> -> memref<88xi32, #tpu.memory_space<vmem>>
        %dma_start3A_279 = arith.constant 0 : i32
        %dma_start3A_280 = arith.constant 0 : i32
        %dma_start3A_281 = tpu.memref_slice %arg10[%dma_start3A_279, %dma_start3A_280] : memref<10112x128xf32, #tpu.memory_space<vmem_shared>> -> memref<10112x128xf32, #tpu.memory_space<vmem_shared>>
        tpu.enqueue_indirect_dma source(%dma_start3A_275 : memref<88x128xf32, #tpu.memory_space<vmem>>) target(%dma_start3A_281 : memref<10112x128xf32, #tpu.memory_space<vmem_shared>>) offsets(%dma_start3A_278 : memref<88xi32, #tpu.memory_space<vmem>>) semaphore(%run_scoped3A_271 : memref<!tpu.dma_semaphore, #tpu.memory_space<semaphore_mem>>) {add = true}
        %dma_wait3A_282 = arith.constant 0 : i32
        %dma_wait3A_283 = arith.constant 0 : i32
        %dma_wait3A_284 = tpu.memref_slice %arg9[%run_scoped3A_213, %dma_wait3A_282, %dma_wait3A_283] : memref<4x88x128xf32, #tpu.memory_space<vmem>> -> memref<1x88x128xf32, #tpu.memory_space<vmem>>
        %dma_wait3A_285 = tpu.memref_squeeze %dma_wait3A_284 : memref<1x88x128xf32, #tpu.memory_space<vmem>> -> memref<88x128xf32, #tpu.memory_space<vmem>>
        %dma_wait3A_286 = arith.constant 0 : i32
        %dma_wait3A_287 = tpu.memref_slice %arg8[%rem3A_172, %run_scoped3A_214, %dma_wait3A_286] : memref<2x4x88xi32, #tpu.memory_space<vmem>> -> memref<1x1x88xi32, #tpu.memory_space<vmem>>
        %dma_wait3A_288 = tpu.memref_squeeze %dma_wait3A_287 : memref<1x1x88xi32, #tpu.memory_space<vmem>> -> memref<88xi32, #tpu.memory_space<vmem>>
        %dma_wait3A_289 = arith.constant 0 : i32
        %dma_wait3A_290 = arith.constant 0 : i32
        %dma_wait3A_291 = tpu.memref_slice %arg10[%dma_wait3A_289, %dma_wait3A_290] : memref<10112x128xf32, #tpu.memory_space<vmem_shared>> -> memref<10112x128xf32, #tpu.memory_space<vmem_shared>>
        tpu.wait_indirect_dma semaphore(%run_scoped3A_271 : memref<!tpu.dma_semaphore, #tpu.memory_space<semaphore_mem>>) src(%dma_wait3A_285 : memref<88x128xf32, #tpu.memory_space<vmem>>) dst(%dma_wait3A_291 : memref<10112x128xf32, #tpu.memory_space<vmem_shared>>)
        tpu.yield
      }) : () -> ()
      %add3A_215 = arith.constant 1 : i32
      %add3A_216 = arith.addi %scan3A_171, %add3A_215 : i32
      %lt3A_217 = arith.constant 29 : i32
      %lt3A_218 = arith.cmpi slt, %add3A_216, %lt3A_217 : i32
      %convert_element_type3A_219 = arith.extui %lt3A_218 : i1 to i32
      %cond3A_220 = arith.constant 0 : i32
      %cond3A_221 = arith.cmpi ne, %convert_element_type3A_219, %cond3A_220 : i32
      scf.if %cond3A_221 {
        %dma_start3A_271 = arith.constant 1 : i32
        %dma_start3A_272 = arith.constant 1 : i32
        %dma_start3A_273 = arith.constant 0 : i32
        %dma_start3A_274 = arith.constant 0 : i32
        %dma_start3A_275 = tpu.memref_slice %arg9[%dma_start3A_272, %dma_start3A_273, %dma_start3A_274] : memref<4x88x128xf32, #tpu.memory_space<vmem>> -> memref<1x88x128xf32, #tpu.memory_space<vmem>>
        %dma_start3A_276 = tpu.memref_squeeze %dma_start3A_275 : memref<1x88x128xf32, #tpu.memory_space<vmem>> -> memref<88x128xf32, #tpu.memory_space<vmem>>
        %dma_start3A_277 = arith.constant 0 : i32
        %dma_start3A_278 = tpu.memref_slice %arg7[%rem3A_176, %dma_start3A_271, %dma_start3A_277] : memref<2x4x88xi32, #tpu.memory_space<vmem>> -> memref<1x1x88xi32, #tpu.memory_space<vmem>>
        %dma_start3A_279 = tpu.memref_squeeze %dma_start3A_278 : memref<1x1x88xi32, #tpu.memory_space<vmem>> -> memref<88xi32, #tpu.memory_space<vmem>>
        %dma_start3A_280 = arith.constant 0 : i32
        %dma_start3A_281 = arith.constant 0 : i32
        %dma_start3A_282 = tpu.memref_slice %arg2[%dma_start3A_280, %dma_start3A_281] : memref<10000x128xf32, #tpu.memory_space<hbm>> -> memref<10000x128xf32, #tpu.memory_space<hbm>>
        tpu.enqueue_indirect_dma source(%dma_start3A_282 : memref<10000x128xf32, #tpu.memory_space<hbm>>) target(%dma_start3A_276 : memref<88x128xf32, #tpu.memory_space<vmem>>) offsets(%dma_start3A_279 : memref<88xi32, #tpu.memory_space<vmem>>) semaphore(%arg12 : memref<!tpu.dma_semaphore, #tpu.memory_space<semaphore_mem>>)
      } else {
      }
      %dma_wait3A_222 = arith.constant 2 : i32
      %dma_wait3A_223 = arith.constant 2 : i32
      %dma_wait3A_224 = arith.constant 0 : i32
      %dma_wait3A_225 = arith.constant 0 : i32
      %dma_wait3A_226 = tpu.memref_slice %arg9[%dma_wait3A_223, %dma_wait3A_224, %dma_wait3A_225] : memref<4x88x128xf32, #tpu.memory_space<vmem>> -> memref<1x88x128xf32, #tpu.memory_space<vmem>>
      %dma_wait3A_227 = tpu.memref_squeeze %dma_wait3A_226 : memref<1x88x128xf32, #tpu.memory_space<vmem>> -> memref<88x128xf32, #tpu.memory_space<vmem>>
      %dma_wait3A_228 = arith.constant 0 : i32
      %dma_wait3A_229 = tpu.memref_slice %arg7[%rem3A_172, %dma_wait3A_222, %dma_wait3A_228] : memref<2x4x88xi32, #tpu.memory_space<vmem>> -> memref<1x1x88xi32, #tpu.memory_space<vmem>>
      %dma_wait3A_230 = tpu.memref_squeeze %dma_wait3A_229 : memref<1x1x88xi32, #tpu.memory_space<vmem>> -> memref<88xi32, #tpu.memory_space<vmem>>
      %dma_wait3A_231 = arith.constant 0 : i32
      %dma_wait3A_232 = arith.constant 0 : i32
      %dma_wait3A_233 = tpu.memref_slice %arg2[%dma_wait3A_231, %dma_wait3A_232] : memref<10000x128xf32, #tpu.memory_space<hbm>> -> memref<10000x128xf32, #tpu.memory_space<hbm>>
      tpu.wait_indirect_dma semaphore(%arg13 : memref<!tpu.dma_semaphore, #tpu.memory_space<semaphore_mem>>) src(%dma_wait3A_233 : memref<10000x128xf32, #tpu.memory_space<hbm>>) dst(%dma_wait3A_227 : memref<88x128xf32, #tpu.memory_space<vmem>>)
      %run_scoped3A_234 = arith.constant 2 : i32
      %run_scoped3A_235 = arith.constant 2 : i32
      "tpu.region"() ({
        %run_scoped3A_271 = tpu.sem_alloc : memref<!tpu.dma_semaphore, #tpu.memory_space<semaphore_mem>>
        %dma_start3A_272 = arith.constant 0 : i32
        %dma_start3A_273 = arith.constant 0 : i32
        %dma_start3A_274 = tpu.memref_slice %arg9[%run_scoped3A_234, %dma_start3A_272, %dma_start3A_273] : memref<4x88x128xf32, #tpu.memory_space<vmem>> -> memref<1x88x128xf32, #tpu.memory_space<vmem>>
        %dma_start3A_275 = tpu.memref_squeeze %dma_start3A_274 : memref<1x88x128xf32, #tpu.memory_space<vmem>> -> memref<88x128xf32, #tpu.memory_space<vmem>>
        %dma_start3A_276 = arith.constant 0 : i32
        %dma_start3A_277 = tpu.memref_slice %arg8[%rem3A_172, %run_scoped3A_235, %dma_start3A_276] : memref<2x4x88xi32, #tpu.memory_space<vmem>> -> memref<1x1x88xi32, #tpu.memory_space<vmem>>
        %dma_start3A_278 = tpu.memref_squeeze %dma_start3A_277 : memref<1x1x88xi32, #tpu.memory_space<vmem>> -> memref<88xi32, #tpu.memory_space<vmem>>
        %dma_start3A_279 = arith.constant 0 : i32
        %dma_start3A_280 = arith.constant 0 : i32
        %dma_start3A_281 = tpu.memref_slice %arg10[%dma_start3A_279, %dma_start3A_280] : memref<10112x128xf32, #tpu.memory_space<vmem_shared>> -> memref<10112x128xf32, #tpu.memory_space<vmem_shared>>
        tpu.enqueue_indirect_dma source(%dma_start3A_275 : memref<88x128xf32, #tpu.memory_space<vmem>>) target(%dma_start3A_281 : memref<10112x128xf32, #tpu.memory_space<vmem_shared>>) offsets(%dma_start3A_278 : memref<88xi32, #tpu.memory_space<vmem>>) semaphore(%run_scoped3A_271 : memref<!tpu.dma_semaphore, #tpu.memory_space<semaphore_mem>>) {add = true}
        %dma_wait3A_282 = arith.constant 0 : i32
        %dma_wait3A_283 = arith.constant 0 : i32
        %dma_wait3A_284 = tpu.memref_slice %arg9[%run_scoped3A_234, %dma_wait3A_282, %dma_wait3A_283] : memref<4x88x128xf32, #tpu.memory_space<vmem>> -> memref<1x88x128xf32, #tpu.memory_space<vmem>>
        %dma_wait3A_285 = tpu.memref_squeeze %dma_wait3A_284 : memref<1x88x128xf32, #tpu.memory_space<vmem>> -> memref<88x128xf32, #tpu.memory_space<vmem>>
        %dma_wait3A_286 = arith.constant 0 : i32
        %dma_wait3A_287 = tpu.memref_slice %arg8[%rem3A_172, %run_scoped3A_235, %dma_wait3A_286] : memref<2x4x88xi32, #tpu.memory_space<vmem>> -> memref<1x1x88xi32, #tpu.memory_space<vmem>>
        %dma_wait3A_288 = tpu.memref_squeeze %dma_wait3A_287 : memref<1x1x88xi32, #tpu.memory_space<vmem>> -> memref<88xi32, #tpu.memory_space<vmem>>
        %dma_wait3A_289 = arith.constant 0 : i32
        %dma_wait3A_290 = arith.constant 0 : i32
        %dma_wait3A_291 = tpu.memref_slice %arg10[%dma_wait3A_289, %dma_wait3A_290] : memref<10112x128xf32, #tpu.memory_space<vmem_shared>> -> memref<10112x128xf32, #tpu.memory_space<vmem_shared>>
        tpu.wait_indirect_dma semaphore(%run_scoped3A_271 : memref<!tpu.dma_semaphore, #tpu.memory_space<semaphore_mem>>) src(%dma_wait3A_285 : memref<88x128xf32, #tpu.memory_space<vmem>>) dst(%dma_wait3A_291 : memref<10112x128xf32, #tpu.memory_space<vmem_shared>>)
        tpu.yield
      }) : () -> ()
      %add3A_236 = arith.constant 1 : i32
      %add3A_237 = arith.addi %scan3A_171, %add3A_236 : i32
      %lt3A_238 = arith.constant 29 : i32
      %lt3A_239 = arith.cmpi slt, %add3A_237, %lt3A_238 : i32
      %convert_element_type3A_240 = arith.extui %lt3A_239 : i1 to i32
      %cond3A_241 = arith.constant 0 : i32
      %cond3A_242 = arith.cmpi ne, %convert_element_type3A_240, %cond3A_241 : i32
      scf.if %cond3A_242 {
        %dma_start3A_271 = arith.constant 2 : i32
        %dma_start3A_272 = arith.constant 2 : i32
        %dma_start3A_273 = arith.constant 0 : i32
        %dma_start3A_274 = arith.constant 0 : i32
        %dma_start3A_275 = tpu.memref_slice %arg9[%dma_start3A_272, %dma_start3A_273, %dma_start3A_274] : memref<4x88x128xf32, #tpu.memory_space<vmem>> -> memref<1x88x128xf32, #tpu.memory_space<vmem>>
        %dma_start3A_276 = tpu.memref_squeeze %dma_start3A_275 : memref<1x88x128xf32, #tpu.memory_space<vmem>> -> memref<88x128xf32, #tpu.memory_space<vmem>>
        %dma_start3A_277 = arith.constant 0 : i32
        %dma_start3A_278 = tpu.memref_slice %arg7[%rem3A_176, %dma_start3A_271, %dma_start3A_277] : memref<2x4x88xi32, #tpu.memory_space<vmem>> -> memref<1x1x88xi32, #tpu.memory_space<vmem>>
        %dma_start3A_279 = tpu.memref_squeeze %dma_start3A_278 : memref<1x1x88xi32, #tpu.memory_space<vmem>> -> memref<88xi32, #tpu.memory_space<vmem>>
        %dma_start3A_280 = arith.constant 0 : i32
        %dma_start3A_281 = arith.constant 0 : i32
        %dma_start3A_282 = tpu.memref_slice %arg2[%dma_start3A_280, %dma_start3A_281] : memref<10000x128xf32, #tpu.memory_space<hbm>> -> memref<10000x128xf32, #tpu.memory_space<hbm>>
        tpu.enqueue_indirect_dma source(%dma_start3A_282 : memref<10000x128xf32, #tpu.memory_space<hbm>>) target(%dma_start3A_276 : memref<88x128xf32, #tpu.memory_space<vmem>>) offsets(%dma_start3A_279 : memref<88xi32, #tpu.memory_space<vmem>>) semaphore(%arg13 : memref<!tpu.dma_semaphore, #tpu.memory_space<semaphore_mem>>)
      } else {
      }
      %dma_wait3A_243 = arith.constant 3 : i32
      %dma_wait3A_244 = arith.constant 3 : i32
      %dma_wait3A_245 = arith.constant 0 : i32
      %dma_wait3A_246 = arith.constant 0 : i32
      %dma_wait3A_247 = tpu.memref_slice %arg9[%dma_wait3A_244, %dma_wait3A_245, %dma_wait3A_246] : memref<4x88x128xf32, #tpu.memory_space<vmem>> -> memref<1x88x128xf32, #tpu.memory_space<vmem>>
      %dma_wait3A_248 = tpu.memref_squeeze %dma_wait3A_247 : memref<1x88x128xf32, #tpu.memory_space<vmem>> -> memref<88x128xf32, #tpu.memory_space<vmem>>
      %dma_wait3A_249 = arith.constant 0 : i32
      %dma_wait3A_250 = tpu.memref_slice %arg7[%rem3A_172, %dma_wait3A_243, %dma_wait3A_249] : memref<2x4x88xi32, #tpu.memory_space<vmem>> -> memref<1x1x88xi32, #tpu.memory_space<vmem>>
      %dma_wait3A_251 = tpu.memref_squeeze %dma_wait3A_250 : memref<1x1x88xi32, #tpu.memory_space<vmem>> -> memref<88xi32, #tpu.memory_space<vmem>>
      %dma_wait3A_252 = arith.constant 0 : i32
      %dma_wait3A_253 = arith.constant 0 : i32
      %dma_wait3A_254 = tpu.memref_slice %arg2[%dma_wait3A_252, %dma_wait3A_253] : memref<10000x128xf32, #tpu.memory_space<hbm>> -> memref<10000x128xf32, #tpu.memory_space<hbm>>
      tpu.wait_indirect_dma semaphore(%arg14 : memref<!tpu.dma_semaphore, #tpu.memory_space<semaphore_mem>>) src(%dma_wait3A_254 : memref<10000x128xf32, #tpu.memory_space<hbm>>) dst(%dma_wait3A_248 : memref<88x128xf32, #tpu.memory_space<vmem>>)
      %run_scoped3A_255 = arith.constant 3 : i32
      %run_scoped3A_256 = arith.constant 3 : i32
      "tpu.region"() ({
        %run_scoped3A_271 = tpu.sem_alloc : memref<!tpu.dma_semaphore, #tpu.memory_space<semaphore_mem>>
        %dma_start3A_272 = arith.constant 0 : i32
        %dma_start3A_273 = arith.constant 0 : i32
        %dma_start3A_274 = tpu.memref_slice %arg9[%run_scoped3A_255, %dma_start3A_272, %dma_start3A_273] : memref<4x88x128xf32, #tpu.memory_space<vmem>> -> memref<1x88x128xf32, #tpu.memory_space<vmem>>
        %dma_start3A_275 = tpu.memref_squeeze %dma_start3A_274 : memref<1x88x128xf32, #tpu.memory_space<vmem>> -> memref<88x128xf32, #tpu.memory_space<vmem>>
        %dma_start3A_276 = arith.constant 0 : i32
        %dma_start3A_277 = tpu.memref_slice %arg8[%rem3A_172, %run_scoped3A_256, %dma_start3A_276] : memref<2x4x88xi32, #tpu.memory_space<vmem>> -> memref<1x1x88xi32, #tpu.memory_space<vmem>>
        %dma_start3A_278 = tpu.memref_squeeze %dma_start3A_277 : memref<1x1x88xi32, #tpu.memory_space<vmem>> -> memref<88xi32, #tpu.memory_space<vmem>>
        %dma_start3A_279 = arith.constant 0 : i32
        %dma_start3A_280 = arith.constant 0 : i32
        %dma_start3A_281 = tpu.memref_slice %arg10[%dma_start3A_279, %dma_start3A_280] : memref<10112x128xf32, #tpu.memory_space<vmem_shared>> -> memref<10112x128xf32, #tpu.memory_space<vmem_shared>>
        tpu.enqueue_indirect_dma source(%dma_start3A_275 : memref<88x128xf32, #tpu.memory_space<vmem>>) target(%dma_start3A_281 : memref<10112x128xf32, #tpu.memory_space<vmem_shared>>) offsets(%dma_start3A_278 : memref<88xi32, #tpu.memory_space<vmem>>) semaphore(%run_scoped3A_271 : memref<!tpu.dma_semaphore, #tpu.memory_space<semaphore_mem>>) {add = true}
        %dma_wait3A_282 = arith.constant 0 : i32
        %dma_wait3A_283 = arith.constant 0 : i32
        %dma_wait3A_284 = tpu.memref_slice %arg9[%run_scoped3A_255, %dma_wait3A_282, %dma_wait3A_283] : memref<4x88x128xf32, #tpu.memory_space<vmem>> -> memref<1x88x128xf32, #tpu.memory_space<vmem>>
        %dma_wait3A_285 = tpu.memref_squeeze %dma_wait3A_284 : memref<1x88x128xf32, #tpu.memory_space<vmem>> -> memref<88x128xf32, #tpu.memory_space<vmem>>
        %dma_wait3A_286 = arith.constant 0 : i32
        %dma_wait3A_287 = tpu.memref_slice %arg8[%rem3A_172, %run_scoped3A_256, %dma_wait3A_286] : memref<2x4x88xi32, #tpu.memory_space<vmem>> -> memref<1x1x88xi32, #tpu.memory_space<vmem>>
        %dma_wait3A_288 = tpu.memref_squeeze %dma_wait3A_287 : memref<1x1x88xi32, #tpu.memory_space<vmem>> -> memref<88xi32, #tpu.memory_space<vmem>>
        %dma_wait3A_289 = arith.constant 0 : i32
        %dma_wait3A_290 = arith.constant 0 : i32
        %dma_wait3A_291 = tpu.memref_slice %arg10[%dma_wait3A_289, %dma_wait3A_290] : memref<10112x128xf32, #tpu.memory_space<vmem_shared>> -> memref<10112x128xf32, #tpu.memory_space<vmem_shared>>
        tpu.wait_indirect_dma semaphore(%run_scoped3A_271 : memref<!tpu.dma_semaphore, #tpu.memory_space<semaphore_mem>>) src(%dma_wait3A_285 : memref<88x128xf32, #tpu.memory_space<vmem>>) dst(%dma_wait3A_291 : memref<10112x128xf32, #tpu.memory_space<vmem_shared>>)
        tpu.yield
      }) : () -> ()
      %add3A_257 = arith.constant 1 : i32
      %add3A_258 = arith.addi %scan3A_171, %add3A_257 : i32
      %lt3A_259 = arith.constant 29 : i32
      %lt3A_260 = arith.cmpi slt, %add3A_258, %lt3A_259 : i32
      %convert_element_type3A_261 = arith.extui %lt3A_260 : i1 to i32
      %cond3A_262 = arith.constant 0 : i32
      %cond3A_263 = arith.cmpi ne, %convert_element_type3A_261, %cond3A_262 : i32
      scf.if %cond3A_263 {
        %dma_start3A_271 = arith.constant 3 : i32
        %dma_start3A_272 = arith.constant 3 : i32
        %dma_start3A_273 = arith.constant 0 : i32
        %dma_start3A_274 = arith.constant 0 : i32
        %dma_start3A_275 = tpu.memref_slice %arg9[%dma_start3A_272, %dma_start3A_273, %dma_start3A_274] : memref<4x88x128xf32, #tpu.memory_space<vmem>> -> memref<1x88x128xf32, #tpu.memory_space<vmem>>
        %dma_start3A_276 = tpu.memref_squeeze %dma_start3A_275 : memref<1x88x128xf32, #tpu.memory_space<vmem>> -> memref<88x128xf32, #tpu.memory_space<vmem>>
        %dma_start3A_277 = arith.constant 0 : i32
        %dma_start3A_278 = tpu.memref_slice %arg7[%rem3A_176, %dma_start3A_271, %dma_start3A_277] : memref<2x4x88xi32, #tpu.memory_space<vmem>> -> memref<1x1x88xi32, #tpu.memory_space<vmem>>
        %dma_start3A_279 = tpu.memref_squeeze %dma_start3A_278 : memref<1x1x88xi32, #tpu.memory_space<vmem>> -> memref<88xi32, #tpu.memory_space<vmem>>
        %dma_start3A_280 = arith.constant 0 : i32
        %dma_start3A_281 = arith.constant 0 : i32
        %dma_start3A_282 = tpu.memref_slice %arg2[%dma_start3A_280, %dma_start3A_281] : memref<10000x128xf32, #tpu.memory_space<hbm>> -> memref<10000x128xf32, #tpu.memory_space<hbm>>
        tpu.enqueue_indirect_dma source(%dma_start3A_282 : memref<10000x128xf32, #tpu.memory_space<hbm>>) target(%dma_start3A_276 : memref<88x128xf32, #tpu.memory_space<vmem>>) offsets(%dma_start3A_279 : memref<88xi32, #tpu.memory_space<vmem>>) semaphore(%arg14 : memref<!tpu.dma_semaphore, #tpu.memory_space<semaphore_mem>>)
      } else {
      }
      %add3A_264 = arith.constant 2 : i32
      %add3A_265 = arith.addi %scan3A_171, %add3A_264 : i32
      %lt3A_266 = arith.constant 29 : i32
      %lt3A_267 = arith.cmpi slt, %add3A_265, %lt3A_266 : i32
      %convert_element_type3A_268 = arith.extui %lt3A_267 : i1 to i32
      %cond3A_269 = arith.constant 0 : i32
      %cond3A_270 = arith.cmpi ne, %convert_element_type3A_268, %cond3A_269 : i32
      scf.if %cond3A_270 {
        %add3A_271 = arith.constant 2 : i32
        %add3A_272 = arith.addi %scan3A_171, %add3A_271 : i32
        %rem3A_273 = arith.constant 2 : i32
        %rem3A_274 = arith.remsi %add3A_272, %rem3A_273 : i32
        %eq3A = arith.constant 0 : i32
        %eq3A_275 = arith.cmpi eq, %rem3A_274, %eq3A : i32
        %convert_element_type3A_276 = arith.extui %eq3A_275 : i1 to i32
        %cond3A_277 = arith.constant 0 : i32
        %cond3A_278 = arith.cmpi ne, %convert_element_type3A_276, %cond3A_277 : i32
        scf.if %cond3A_278 {
          %dma_start3A_286 = arith.constant 0 : i32
          %dma_start3A_287 = arith.constant 0 : i32
          %dma_start3A_288 = tpu.memref_slice %arg7[%rem3A_172, %dma_start3A_286, %dma_start3A_287] : memref<2x4x88xi32, #tpu.memory_space<vmem>> -> memref<1x4x88xi32, #tpu.memory_space<vmem>>
          %dma_start3A_289 = tpu.memref_squeeze %dma_start3A_288 : memref<1x4x88xi32, #tpu.memory_space<vmem>> -> memref<4x88xi32, #tpu.memory_space<vmem>>
          %dma_start3A_290 = arith.constant 0 : i32
          %dma_start3A_291 = arith.constant 0 : i32
          %dma_start3A_292 = tpu.memref_slice %arg3[%add3A, %add3A_272, %dma_start3A_290, %dma_start3A_291] : memref<32x29x4x88xi32, #tpu.memory_space<hbm>> -> memref<1x1x4x88xi32, #tpu.memory_space<hbm>>
          %dma_start3A_293 = tpu.memref_squeeze %dma_start3A_292 : memref<1x1x4x88xi32, #tpu.memory_space<hbm>> -> memref<4x88xi32, #tpu.memory_space<hbm>>
          %dma_start3A_294 = arith.constant 0 : i32
          %dma_start3A_295 = arith.constant 0 : i32
          %dma_start3A_296 = tpu.memref_slice %arg7[%rem3A_172, %dma_start3A_294, %dma_start3A_295] : memref<2x4x88xi32, #tpu.memory_space<vmem>> -> memref<1x4x88xi32, #tpu.memory_space<vmem>>
          %dma_start3A_297 = tpu.memref_squeeze %dma_start3A_296 : memref<1x4x88xi32, #tpu.memory_space<vmem>> -> memref<4x88xi32, #tpu.memory_space<vmem>>
          %dma_start3A_298 = arith.constant 0 : i32
          %dma_start3A_299 = arith.constant 0 : i32
          %dma_start3A_300 = tpu.memref_slice %arg3[%add3A, %add3A_272, %dma_start3A_298, %dma_start3A_299] : memref<32x29x4x88xi32, #tpu.memory_space<hbm>> -> memref<1x1x4x88xi32, #tpu.memory_space<hbm>>
          %dma_start3A_301 = tpu.memref_squeeze %dma_start3A_300 : memref<1x1x4x88xi32, #tpu.memory_space<hbm>> -> memref<4x88xi32, #tpu.memory_space<hbm>>
          tpu.enqueue_dma source(%dma_start3A_301 : memref<4x88xi32, #tpu.memory_space<hbm>>) target(%dma_start3A_297 : memref<4x88xi32, #tpu.memory_space<vmem>>) target_semaphore(%arg15 : memref<!tpu.dma_semaphore, #tpu.memory_space<semaphore_mem>>)
          %dma_start3A_302 = arith.constant 0 : i32
          %dma_start3A_303 = arith.constant 0 : i32
          %dma_start3A_304 = tpu.memref_slice %arg8[%rem3A_172, %dma_start3A_302, %dma_start3A_303] : memref<2x4x88xi32, #tpu.memory_space<vmem>> -> memref<1x4x88xi32, #tpu.memory_space<vmem>>
          %dma_start3A_305 = tpu.memref_squeeze %dma_start3A_304 : memref<1x4x88xi32, #tpu.memory_space<vmem>> -> memref<4x88xi32, #tpu.memory_space<vmem>>
          %dma_start3A_306 = arith.constant 0 : i32
          %dma_start3A_307 = arith.constant 0 : i32
          %dma_start3A_308 = tpu.memref_slice %arg4[%add3A, %add3A_272, %dma_start3A_306, %dma_start3A_307] : memref<32x29x4x88xi32, #tpu.memory_space<hbm>> -> memref<1x1x4x88xi32, #tpu.memory_space<hbm>>
          %dma_start3A_309 = tpu.memref_squeeze %dma_start3A_308 : memref<1x1x4x88xi32, #tpu.memory_space<hbm>> -> memref<4x88xi32, #tpu.memory_space<hbm>>
          %dma_start3A_310 = arith.constant 0 : i32
          %dma_start3A_311 = arith.constant 0 : i32
          %dma_start3A_312 = tpu.memref_slice %arg8[%rem3A_172, %dma_start3A_310, %dma_start3A_311] : memref<2x4x88xi32, #tpu.memory_space<vmem>> -> memref<1x4x88xi32, #tpu.memory_space<vmem>>
          %dma_start3A_313 = tpu.memref_squeeze %dma_start3A_312 : memref<1x4x88xi32, #tpu.memory_space<vmem>> -> memref<4x88xi32, #tpu.memory_space<vmem>>
          %dma_start3A_314 = arith.constant 0 : i32
          %dma_start3A_315 = arith.constant 0 : i32
          %dma_start3A_316 = tpu.memref_slice %arg4[%add3A, %add3A_272, %dma_start3A_314, %dma_start3A_315] : memref<32x29x4x88xi32, #tpu.memory_space<hbm>> -> memref<1x1x4x88xi32, #tpu.memory_space<hbm>>
          %dma_start3A_317 = tpu.memref_squeeze %dma_start3A_316 : memref<1x1x4x88xi32, #tpu.memory_space<hbm>> -> memref<4x88xi32, #tpu.memory_space<hbm>>
          tpu.enqueue_dma source(%dma_start3A_317 : memref<4x88xi32, #tpu.memory_space<hbm>>) target(%dma_start3A_313 : memref<4x88xi32, #tpu.memory_space<vmem>>) target_semaphore(%arg15 : memref<!tpu.dma_semaphore, #tpu.memory_space<semaphore_mem>>)
        } else {
        }
        %rem3A_279 = arith.constant 2 : i32
        %rem3A_280 = arith.remsi %add3A_272, %rem3A_279 : i32
        %eq3A_281 = arith.constant 1 : i32
        %eq3A_282 = arith.cmpi eq, %rem3A_280, %eq3A_281 : i32
        %convert_element_type3A_283 = arith.extui %eq3A_282 : i1 to i32
        %cond3A_284 = arith.constant 0 : i32
        %cond3A_285 = arith.cmpi ne, %convert_element_type3A_283, %cond3A_284 : i32
        scf.if %cond3A_285 {
          %dma_start3A_286 = arith.constant 0 : i32
          %dma_start3A_287 = arith.constant 0 : i32
          %dma_start3A_288 = tpu.memref_slice %arg7[%rem3A_172, %dma_start3A_286, %dma_start3A_287] : memref<2x4x88xi32, #tpu.memory_space<vmem>> -> memref<1x4x88xi32, #tpu.memory_space<vmem>>
          %dma_start3A_289 = tpu.memref_squeeze %dma_start3A_288 : memref<1x4x88xi32, #tpu.memory_space<vmem>> -> memref<4x88xi32, #tpu.memory_space<vmem>>
          %dma_start3A_290 = arith.constant 0 : i32
          %dma_start3A_291 = arith.constant 0 : i32
          %dma_start3A_292 = tpu.memref_slice %arg3[%add3A, %add3A_272, %dma_start3A_290, %dma_start3A_291] : memref<32x29x4x88xi32, #tpu.memory_space<hbm>> -> memref<1x1x4x88xi32, #tpu.memory_space<hbm>>
          %dma_start3A_293 = tpu.memref_squeeze %dma_start3A_292 : memref<1x1x4x88xi32, #tpu.memory_space<hbm>> -> memref<4x88xi32, #tpu.memory_space<hbm>>
          %dma_start3A_294 = arith.constant 0 : i32
          %dma_start3A_295 = arith.constant 0 : i32
          %dma_start3A_296 = tpu.memref_slice %arg7[%rem3A_172, %dma_start3A_294, %dma_start3A_295] : memref<2x4x88xi32, #tpu.memory_space<vmem>> -> memref<1x4x88xi32, #tpu.memory_space<vmem>>
          %dma_start3A_297 = tpu.memref_squeeze %dma_start3A_296 : memref<1x4x88xi32, #tpu.memory_space<vmem>> -> memref<4x88xi32, #tpu.memory_space<vmem>>
          %dma_start3A_298 = arith.constant 0 : i32
          %dma_start3A_299 = arith.constant 0 : i32
          %dma_start3A_300 = tpu.memref_slice %arg3[%add3A, %add3A_272, %dma_start3A_298, %dma_start3A_299] : memref<32x29x4x88xi32, #tpu.memory_space<hbm>> -> memref<1x1x4x88xi32, #tpu.memory_space<hbm>>
          %dma_start3A_301 = tpu.memref_squeeze %dma_start3A_300 : memref<1x1x4x88xi32, #tpu.memory_space<hbm>> -> memref<4x88xi32, #tpu.memory_space<hbm>>
          tpu.enqueue_dma source(%dma_start3A_301 : memref<4x88xi32, #tpu.memory_space<hbm>>) target(%dma_start3A_297 : memref<4x88xi32, #tpu.memory_space<vmem>>) target_semaphore(%arg16 : memref<!tpu.dma_semaphore, #tpu.memory_space<semaphore_mem>>)
          %dma_start3A_302 = arith.constant 0 : i32
          %dma_start3A_303 = arith.constant 0 : i32
          %dma_start3A_304 = tpu.memref_slice %arg8[%rem3A_172, %dma_start3A_302, %dma_start3A_303] : memref<2x4x88xi32, #tpu.memory_space<vmem>> -> memref<1x4x88xi32, #tpu.memory_space<vmem>>
          %dma_start3A_305 = tpu.memref_squeeze %dma_start3A_304 : memref<1x4x88xi32, #tpu.memory_space<vmem>> -> memref<4x88xi32, #tpu.memory_space<vmem>>
          %dma_start3A_306 = arith.constant 0 : i32
          %dma_start3A_307 = arith.constant 0 : i32
          %dma_start3A_308 = tpu.memref_slice %arg4[%add3A, %add3A_272, %dma_start3A_306, %dma_start3A_307] : memref<32x29x4x88xi32, #tpu.memory_space<hbm>> -> memref<1x1x4x88xi32, #tpu.memory_space<hbm>>
          %dma_start3A_309 = tpu.memref_squeeze %dma_start3A_308 : memref<1x1x4x88xi32, #tpu.memory_space<hbm>> -> memref<4x88xi32, #tpu.memory_space<hbm>>
          %dma_start3A_310 = arith.constant 0 : i32
          %dma_start3A_311 = arith.constant 0 : i32
          %dma_start3A_312 = tpu.memref_slice %arg8[%rem3A_172, %dma_start3A_310, %dma_start3A_311] : memref<2x4x88xi32, #tpu.memory_space<vmem>> -> memref<1x4x88xi32, #tpu.memory_space<vmem>>
          %dma_start3A_313 = tpu.memref_squeeze %dma_start3A_312 : memref<1x4x88xi32, #tpu.memory_space<vmem>> -> memref<4x88xi32, #tpu.memory_space<vmem>>
          %dma_start3A_314 = arith.constant 0 : i32
          %dma_start3A_315 = arith.constant 0 : i32
          %dma_start3A_316 = tpu.memref_slice %arg4[%add3A, %add3A_272, %dma_start3A_314, %dma_start3A_315] : memref<32x29x4x88xi32, #tpu.memory_space<hbm>> -> memref<1x1x4x88xi32, #tpu.memory_space<hbm>>
          %dma_start3A_317 = tpu.memref_squeeze %dma_start3A_316 : memref<1x1x4x88xi32, #tpu.memory_space<hbm>> -> memref<4x88xi32, #tpu.memory_space<hbm>>
          tpu.enqueue_dma source(%dma_start3A_317 : memref<4x88xi32, #tpu.memory_space<hbm>>) target(%dma_start3A_313 : memref<4x88xi32, #tpu.memory_space<vmem>>) target_semaphore(%arg16 : memref<!tpu.dma_semaphore, #tpu.memory_space<semaphore_mem>>)
        } else {
        }
      } else {
      }
    }
    %scan3A_165 = arith.constant 29 : i32
    %barrier3A_166 = arith.constant 0 : index
    tpu.barrier barrier_id(%barrier3A_166)
    %mul3A_167 = arith.constant 632 : i32
    %mul3A_168 = arith.muli %arg1, %mul3A_167 : i32
    %mul3A_169 = arith.constant 632 : i32
    %mul3A_170 = arith.muli %arg1, %mul3A_169 : i32
    "tpu.region"() ({
      %run_scoped3A = tpu.sem_alloc : memref<!tpu.dma_semaphore, #tpu.memory_space<semaphore_mem>>
      %dma_start3A_171 = arith.constant 0 : i32
      %dma_start3A_172 = tpu.memref_slice %arg6[%arg0, %mul3A_170, %dma_start3A_171] : memref<2x10112x128xf32, #tpu.memory_space<hbm>> -> memref<1x632x128xf32, #tpu.memory_space<hbm>>
      %dma_start3A_173 = tpu.memref_squeeze %dma_start3A_172 : memref<1x632x128xf32, #tpu.memory_space<hbm>> -> memref<632x128xf32, #tpu.memory_space<hbm>>
      %dma_start3A_174 = arith.constant 0 : i32
      %dma_start3A_175 = tpu.memref_slice %arg10[%mul3A_168, %dma_start3A_174] : memref<10112x128xf32, #tpu.memory_space<vmem_shared>> -> memref<632x128xf32, #tpu.memory_space<vmem_shared>>
      tpu.enqueue_dma source(%dma_start3A_175 : memref<632x128xf32, #tpu.memory_space<vmem_shared>>) target(%dma_start3A_173 : memref<632x128xf32, #tpu.memory_space<hbm>>) target_semaphore(%run_scoped3A : memref<!tpu.dma_semaphore, #tpu.memory_space<semaphore_mem>>)
      %dma_wait3A_176 = arith.constant 0 : i32
      %dma_wait3A_177 = tpu.memref_slice %arg6[%arg0, %mul3A_170, %dma_wait3A_176] : memref<2x10112x128xf32, #tpu.memory_space<hbm>> -> memref<1x632x128xf32, #tpu.memory_space<hbm>>
      %dma_wait3A_178 = tpu.memref_squeeze %dma_wait3A_177 : memref<1x632x128xf32, #tpu.memory_space<hbm>> -> memref<632x128xf32, #tpu.memory_space<hbm>>
      %dma_wait3A_179 = arith.constant 0 : i32
      %dma_wait3A_180 = tpu.memref_slice %arg10[%mul3A_168, %dma_wait3A_179] : memref<10112x128xf32, #tpu.memory_space<vmem_shared>> -> memref<632x128xf32, #tpu.memory_space<vmem_shared>>
      tpu.wait_dma2 semaphore(%run_scoped3A : memref<!tpu.dma_semaphore, #tpu.memory_space<semaphore_mem>>) src(%dma_wait3A_180 : memref<632x128xf32, #tpu.memory_space<vmem_shared>>) dst(%dma_wait3A_178 : memref<632x128xf32, #tpu.memory_space<hbm>>)
      tpu.yield
    }) : () -> ()
    return
  }
}

#map = affine_map<(d0, d1) -> (0, 0)>
#map1 = affine_map<(d0, d1) -> (0, 0, 0, 0)>
#map2 = affine_map<(d0, d1) -> (0, 0, 0)>
module attributes {stable_mosaic.version = 14 : i64} {
  func.func @_edge_kernel(%arg0: i32, %arg1: i32, %arg2: memref<10000x128xf32, #tpu.memory_space<hbm>>, %arg3: memref<32x29x4x88xi32, #tpu.memory_space<hbm>>, %arg4: memref<32x29x4x88xi32, #tpu.memory_space<hbm>>, %arg5: memref<632x128xf32, #tpu.memory_space<hbm>>, %arg6: memref<2x10112x128xf32, #tpu.memory_space<hbm>>, %arg7: memref<2x4x88xi32, #tpu.memory_space<vmem>>, %arg8: memref<2x4x88xi32, #tpu.memory_space<vmem>>, %arg9: memref<4x88x128xf32, #tpu.memory_space<vmem>>, %arg10: memref<10112x128xf32, #tpu.memory_space<vmem_shared>>, %arg11: memref<!tpu.dma_semaphore, #tpu.memory_space<semaphore_mem>>, %arg12: memref<!tpu.dma_semaphore, #tpu.memory_space<semaphore_mem>>, %arg13: memref<!tpu.dma_semaphore, #tpu.memory_space<semaphore_mem>>, %arg14: memref<!tpu.dma_semaphore, #tpu.memory_space<semaphore_mem>>, %arg15: memref<!tpu.dma_semaphore, #tpu.memory_space<semaphore_mem>>, %arg16: memref<!tpu.dma_semaphore, #tpu.memory_space<semaphore_mem>>) attributes {dimension_semantics = [#tpu.dimension_semantics<core_parallel>, #tpu.dimension_semantics<subcore_parallel>], iteration_bounds = array<i64: 2, 16>, scalar_prefetch = 0 : i64, scratch_operands = 10 : i64, tpu.core_type = #tpu.core_type<sc_vector_subcore>, window_params = [{transform_indices = #map}, {transform_indices = #map1}, {transform_indices = #map1}, {transform_indices = #map}, {transform_indices = #map2}]} {
    %mul3A = arith.constant 16 : i32
    %mul3A_0 = arith.muli %arg0, %mul3A : i32
    %add3A = arith.addi %mul3A_0, %arg1 : i32
    %mul3A_1 = arith.constant 632 : i32
    %mul3A_2 = arith.muli %arg1, %mul3A_1 : i32
    "tpu.region"() ({
      %run_scoped3A = tpu.sem_alloc : memref<!tpu.dma_semaphore, #tpu.memory_space<semaphore_mem>>
      %dma_start3A_171 = arith.constant 0 : i32
      %dma_start3A_172 = tpu.memref_slice %arg10[%mul3A_2, %dma_start3A_171] : memref<10112x128xf32, #tpu.memory_space<vmem_shared>> -> memref<632x128xf32, #tpu.memory_space<vmem_shared>>
      tpu.enqueue_dma source(%arg5 : memref<632x128xf32, #tpu.memory_space<hbm>>) target(%dma_start3A_172 : memref<632x128xf32, #tpu.memory_space<vmem_shared>>) target_semaphore(%run_scoped3A : memref<!tpu.dma_semaphore, #tpu.memory_space<semaphore_mem>>)
      %dma_wait3A_173 = arith.constant 0 : i32
      %dma_wait3A_174 = tpu.memref_slice %arg10[%mul3A_2, %dma_wait3A_173] : memref<10112x128xf32, #tpu.memory_space<vmem_shared>> -> memref<632x128xf32, #tpu.memory_space<vmem_shared>>
      tpu.wait_dma2 semaphore(%run_scoped3A : memref<!tpu.dma_semaphore, #tpu.memory_space<semaphore_mem>>) src(%arg5 : memref<632x128xf32, #tpu.memory_space<hbm>>) dst(%dma_wait3A_174 : memref<632x128xf32, #tpu.memory_space<vmem_shared>>)
      tpu.yield
    }) : () -> ()
    %dma_start3A = arith.constant 0 : i32
    %dma_start3A_3 = arith.constant 0 : i32
    %dma_start3A_4 = arith.constant 0 : i32
    %dma_start3A_5 = arith.constant 0 : i32
    %dma_start3A_6 = tpu.memref_slice %arg7[%dma_start3A_3, %dma_start3A_4, %dma_start3A_5] : memref<2x4x88xi32, #tpu.memory_space<vmem>> -> memref<1x4x88xi32, #tpu.memory_space<vmem>>
    %dma_start3A_7 = tpu.memref_squeeze %dma_start3A_6 : memref<1x4x88xi32, #tpu.memory_space<vmem>> -> memref<4x88xi32, #tpu.memory_space<vmem>>
    %dma_start3A_8 = arith.constant 0 : i32
    %dma_start3A_9 = arith.constant 0 : i32
    %dma_start3A_10 = tpu.memref_slice %arg3[%add3A, %dma_start3A, %dma_start3A_8, %dma_start3A_9] : memref<32x29x4x88xi32, #tpu.memory_space<hbm>> -> memref<1x1x4x88xi32, #tpu.memory_space<hbm>>
    %dma_start3A_11 = tpu.memref_squeeze %dma_start3A_10 : memref<1x1x4x88xi32, #tpu.memory_space<hbm>> -> memref<4x88xi32, #tpu.memory_space<hbm>>
    %dma_start3A_12 = arith.constant 0 : i32
    %dma_start3A_13 = arith.constant 0 : i32
    %dma_start3A_14 = tpu.memref_slice %arg7[%dma_start3A_3, %dma_start3A_12, %dma_start3A_13] : memref<2x4x88xi32, #tpu.memory_space<vmem>> -> memref<1x4x88xi32, #tpu.memory_space<vmem>>
    %dma_start3A_15 = tpu.memref_squeeze %dma_start3A_14 : memref<1x4x88xi32, #tpu.memory_space<vmem>> -> memref<4x88xi32, #tpu.memory_space<vmem>>
    %dma_start3A_16 = arith.constant 0 : i32
    %dma_start3A_17 = arith.constant 0 : i32
    %dma_start3A_18 = tpu.memref_slice %arg3[%add3A, %dma_start3A, %dma_start3A_16, %dma_start3A_17] : memref<32x29x4x88xi32, #tpu.memory_space<hbm>> -> memref<1x1x4x88xi32, #tpu.memory_space<hbm>>
    %dma_start3A_19 = tpu.memref_squeeze %dma_start3A_18 : memref<1x1x4x88xi32, #tpu.memory_space<hbm>> -> memref<4x88xi32, #tpu.memory_space<hbm>>
    tpu.enqueue_dma source(%dma_start3A_19 : memref<4x88xi32, #tpu.memory_space<hbm>>) target(%dma_start3A_15 : memref<4x88xi32, #tpu.memory_space<vmem>>) target_semaphore(%arg15 : memref<!tpu.dma_semaphore, #tpu.memory_space<semaphore_mem>>)
    %dma_start3A_20 = arith.constant 0 : i32
    %dma_start3A_21 = arith.constant 0 : i32
    %dma_start3A_22 = arith.constant 0 : i32
    %dma_start3A_23 = arith.constant 0 : i32
    %dma_start3A_24 = tpu.memref_slice %arg8[%dma_start3A_21, %dma_start3A_22, %dma_start3A_23] : memref<2x4x88xi32, #tpu.memory_space<vmem>> -> memref<1x4x88xi32, #tpu.memory_space<vmem>>
    %dma_start3A_25 = tpu.memref_squeeze %dma_start3A_24 : memref<1x4x88xi32, #tpu.memory_space<vmem>> -> memref<4x88xi32, #tpu.memory_space<vmem>>
    %dma_start3A_26 = arith.constant 0 : i32
    %dma_start3A_27 = arith.constant 0 : i32
    %dma_start3A_28 = tpu.memref_slice %arg4[%add3A, %dma_start3A_20, %dma_start3A_26, %dma_start3A_27] : memref<32x29x4x88xi32, #tpu.memory_space<hbm>> -> memref<1x1x4x88xi32, #tpu.memory_space<hbm>>
    %dma_start3A_29 = tpu.memref_squeeze %dma_start3A_28 : memref<1x1x4x88xi32, #tpu.memory_space<hbm>> -> memref<4x88xi32, #tpu.memory_space<hbm>>
    %dma_start3A_30 = arith.constant 0 : i32
    %dma_start3A_31 = arith.constant 0 : i32
    %dma_start3A_32 = tpu.memref_slice %arg8[%dma_start3A_21, %dma_start3A_30, %dma_start3A_31] : memref<2x4x88xi32, #tpu.memory_space<vmem>> -> memref<1x4x88xi32, #tpu.memory_space<vmem>>
    %dma_start3A_33 = tpu.memref_squeeze %dma_start3A_32 : memref<1x4x88xi32, #tpu.memory_space<vmem>> -> memref<4x88xi32, #tpu.memory_space<vmem>>
    %dma_start3A_34 = arith.constant 0 : i32
    %dma_start3A_35 = arith.constant 0 : i32
    %dma_start3A_36 = tpu.memref_slice %arg4[%add3A, %dma_start3A_20, %dma_start3A_34, %dma_start3A_35] : memref<32x29x4x88xi32, #tpu.memory_space<hbm>> -> memref<1x1x4x88xi32, #tpu.memory_space<hbm>>
    %dma_start3A_37 = tpu.memref_squeeze %dma_start3A_36 : memref<1x1x4x88xi32, #tpu.memory_space<hbm>> -> memref<4x88xi32, #tpu.memory_space<hbm>>
    tpu.enqueue_dma source(%dma_start3A_37 : memref<4x88xi32, #tpu.memory_space<hbm>>) target(%dma_start3A_33 : memref<4x88xi32, #tpu.memory_space<vmem>>) target_semaphore(%arg15 : memref<!tpu.dma_semaphore, #tpu.memory_space<semaphore_mem>>)
    %dma_wait3A = arith.constant 0 : i32
    %dma_wait3A_38 = arith.constant 0 : i32
    %dma_wait3A_39 = arith.constant 0 : i32
    %dma_wait3A_40 = arith.constant 0 : i32
    %dma_wait3A_41 = tpu.memref_slice %arg7[%dma_wait3A_38, %dma_wait3A_39, %dma_wait3A_40] : memref<2x4x88xi32, #tpu.memory_space<vmem>> -> memref<1x4x88xi32, #tpu.memory_space<vmem>>
    %dma_wait3A_42 = tpu.memref_squeeze %dma_wait3A_41 : memref<1x4x88xi32, #tpu.memory_space<vmem>> -> memref<4x88xi32, #tpu.memory_space<vmem>>
    %dma_wait3A_43 = arith.constant 0 : i32
    %dma_wait3A_44 = arith.constant 0 : i32
    %dma_wait3A_45 = tpu.memref_slice %arg3[%add3A, %dma_wait3A, %dma_wait3A_43, %dma_wait3A_44] : memref<32x29x4x88xi32, #tpu.memory_space<hbm>> -> memref<1x1x4x88xi32, #tpu.memory_space<hbm>>
    %dma_wait3A_46 = tpu.memref_squeeze %dma_wait3A_45 : memref<1x1x4x88xi32, #tpu.memory_space<hbm>> -> memref<4x88xi32, #tpu.memory_space<hbm>>
    %dma_wait3A_47 = arith.constant 0 : i32
    %dma_wait3A_48 = arith.constant 0 : i32
    %dma_wait3A_49 = tpu.memref_slice %arg7[%dma_wait3A_38, %dma_wait3A_47, %dma_wait3A_48] : memref<2x4x88xi32, #tpu.memory_space<vmem>> -> memref<1x4x88xi32, #tpu.memory_space<vmem>>
    %dma_wait3A_50 = tpu.memref_squeeze %dma_wait3A_49 : memref<1x4x88xi32, #tpu.memory_space<vmem>> -> memref<4x88xi32, #tpu.memory_space<vmem>>
    %dma_wait3A_51 = arith.constant 0 : i32
    %dma_wait3A_52 = arith.constant 0 : i32
    %dma_wait3A_53 = tpu.memref_slice %arg3[%add3A, %dma_wait3A, %dma_wait3A_51, %dma_wait3A_52] : memref<32x29x4x88xi32, #tpu.memory_space<hbm>> -> memref<1x1x4x88xi32, #tpu.memory_space<hbm>>
    %dma_wait3A_54 = tpu.memref_squeeze %dma_wait3A_53 : memref<1x1x4x88xi32, #tpu.memory_space<hbm>> -> memref<4x88xi32, #tpu.memory_space<hbm>>
    tpu.wait_dma2 semaphore(%arg15 : memref<!tpu.dma_semaphore, #tpu.memory_space<semaphore_mem>>) src(%dma_wait3A_54 : memref<4x88xi32, #tpu.memory_space<hbm>>) dst(%dma_wait3A_50 : memref<4x88xi32, #tpu.memory_space<vmem>>)
    %dma_wait3A_55 = arith.constant 0 : i32
    %dma_wait3A_56 = arith.constant 0 : i32
    %dma_wait3A_57 = arith.constant 0 : i32
    %dma_wait3A_58 = arith.constant 0 : i32
    %dma_wait3A_59 = tpu.memref_slice %arg8[%dma_wait3A_56, %dma_wait3A_57, %dma_wait3A_58] : memref<2x4x88xi32, #tpu.memory_space<vmem>> -> memref<1x4x88xi32, #tpu.memory_space<vmem>>
    %dma_wait3A_60 = tpu.memref_squeeze %dma_wait3A_59 : memref<1x4x88xi32, #tpu.memory_space<vmem>> -> memref<4x88xi32, #tpu.memory_space<vmem>>
    %dma_wait3A_61 = arith.constant 0 : i32
    %dma_wait3A_62 = arith.constant 0 : i32
    %dma_wait3A_63 = tpu.memref_slice %arg4[%add3A, %dma_wait3A_55, %dma_wait3A_61, %dma_wait3A_62] : memref<32x29x4x88xi32, #tpu.memory_space<hbm>> -> memref<1x1x4x88xi32, #tpu.memory_space<hbm>>
    %dma_wait3A_64 = tpu.memref_squeeze %dma_wait3A_63 : memref<1x1x4x88xi32, #tpu.memory_space<hbm>> -> memref<4x88xi32, #tpu.memory_space<hbm>>
    %dma_wait3A_65 = arith.constant 0 : i32
    %dma_wait3A_66 = arith.constant 0 : i32
    %dma_wait3A_67 = tpu.memref_slice %arg8[%dma_wait3A_56, %dma_wait3A_65, %dma_wait3A_66] : memref<2x4x88xi32, #tpu.memory_space<vmem>> -> memref<1x4x88xi32, #tpu.memory_space<vmem>>
    %dma_wait3A_68 = tpu.memref_squeeze %dma_wait3A_67 : memref<1x4x88xi32, #tpu.memory_space<vmem>> -> memref<4x88xi32, #tpu.memory_space<vmem>>
    %dma_wait3A_69 = arith.constant 0 : i32
    %dma_wait3A_70 = arith.constant 0 : i32
    %dma_wait3A_71 = tpu.memref_slice %arg4[%add3A, %dma_wait3A_55, %dma_wait3A_69, %dma_wait3A_70] : memref<32x29x4x88xi32, #tpu.memory_space<hbm>> -> memref<1x1x4x88xi32, #tpu.memory_space<hbm>>
    %dma_wait3A_72 = tpu.memref_squeeze %dma_wait3A_71 : memref<1x1x4x88xi32, #tpu.memory_space<hbm>> -> memref<4x88xi32, #tpu.memory_space<hbm>>
    tpu.wait_dma2 semaphore(%arg15 : memref<!tpu.dma_semaphore, #tpu.memory_space<semaphore_mem>>) src(%dma_wait3A_72 : memref<4x88xi32, #tpu.memory_space<hbm>>) dst(%dma_wait3A_68 : memref<4x88xi32, #tpu.memory_space<vmem>>)
    %dma_start3A_73 = arith.constant 1 : i32
    %dma_start3A_74 = arith.constant 1 : i32
    %dma_start3A_75 = arith.constant 0 : i32
    %dma_start3A_76 = arith.constant 0 : i32
    %dma_start3A_77 = tpu.memref_slice %arg7[%dma_start3A_74, %dma_start3A_75, %dma_start3A_76] : memref<2x4x88xi32, #tpu.memory_space<vmem>> -> memref<1x4x88xi32, #tpu.memory_space<vmem>>
    %dma_start3A_78 = tpu.memref_squeeze %dma_start3A_77 : memref<1x4x88xi32, #tpu.memory_space<vmem>> -> memref<4x88xi32, #tpu.memory_space<vmem>>
    %dma_start3A_79 = arith.constant 0 : i32
    %dma_start3A_80 = arith.constant 0 : i32
    %dma_start3A_81 = tpu.memref_slice %arg3[%add3A, %dma_start3A_73, %dma_start3A_79, %dma_start3A_80] : memref<32x29x4x88xi32, #tpu.memory_space<hbm>> -> memref<1x1x4x88xi32, #tpu.memory_space<hbm>>
    %dma_start3A_82 = tpu.memref_squeeze %dma_start3A_81 : memref<1x1x4x88xi32, #tpu.memory_space<hbm>> -> memref<4x88xi32, #tpu.memory_space<hbm>>
    %dma_start3A_83 = arith.constant 0 : i32
    %dma_start3A_84 = arith.constant 0 : i32
    %dma_start3A_85 = tpu.memref_slice %arg7[%dma_start3A_74, %dma_start3A_83, %dma_start3A_84] : memref<2x4x88xi32, #tpu.memory_space<vmem>> -> memref<1x4x88xi32, #tpu.memory_space<vmem>>
    %dma_start3A_86 = tpu.memref_squeeze %dma_start3A_85 : memref<1x4x88xi32, #tpu.memory_space<vmem>> -> memref<4x88xi32, #tpu.memory_space<vmem>>
    %dma_start3A_87 = arith.constant 0 : i32
    %dma_start3A_88 = arith.constant 0 : i32
    %dma_start3A_89 = tpu.memref_slice %arg3[%add3A, %dma_start3A_73, %dma_start3A_87, %dma_start3A_88] : memref<32x29x4x88xi32, #tpu.memory_space<hbm>> -> memref<1x1x4x88xi32, #tpu.memory_space<hbm>>
    %dma_start3A_90 = tpu.memref_squeeze %dma_start3A_89 : memref<1x1x4x88xi32, #tpu.memory_space<hbm>> -> memref<4x88xi32, #tpu.memory_space<hbm>>
    tpu.enqueue_dma source(%dma_start3A_90 : memref<4x88xi32, #tpu.memory_space<hbm>>) target(%dma_start3A_86 : memref<4x88xi32, #tpu.memory_space<vmem>>) target_semaphore(%arg16 : memref<!tpu.dma_semaphore, #tpu.memory_space<semaphore_mem>>)
    %dma_start3A_91 = arith.constant 1 : i32
    %dma_start3A_92 = arith.constant 1 : i32
    %dma_start3A_93 = arith.constant 0 : i32
    %dma_start3A_94 = arith.constant 0 : i32
    %dma_start3A_95 = tpu.memref_slice %arg8[%dma_start3A_92, %dma_start3A_93, %dma_start3A_94] : memref<2x4x88xi32, #tpu.memory_space<vmem>> -> memref<1x4x88xi32, #tpu.memory_space<vmem>>
    %dma_start3A_96 = tpu.memref_squeeze %dma_start3A_95 : memref<1x4x88xi32, #tpu.memory_space<vmem>> -> memref<4x88xi32, #tpu.memory_space<vmem>>
    %dma_start3A_97 = arith.constant 0 : i32
    %dma_start3A_98 = arith.constant 0 : i32
    %dma_start3A_99 = tpu.memref_slice %arg4[%add3A, %dma_start3A_91, %dma_start3A_97, %dma_start3A_98] : memref<32x29x4x88xi32, #tpu.memory_space<hbm>> -> memref<1x1x4x88xi32, #tpu.memory_space<hbm>>
    %dma_start3A_100 = tpu.memref_squeeze %dma_start3A_99 : memref<1x1x4x88xi32, #tpu.memory_space<hbm>> -> memref<4x88xi32, #tpu.memory_space<hbm>>
    %dma_start3A_101 = arith.constant 0 : i32
    %dma_start3A_102 = arith.constant 0 : i32
    %dma_start3A_103 = tpu.memref_slice %arg8[%dma_start3A_92, %dma_start3A_101, %dma_start3A_102] : memref<2x4x88xi32, #tpu.memory_space<vmem>> -> memref<1x4x88xi32, #tpu.memory_space<vmem>>
    %dma_start3A_104 = tpu.memref_squeeze %dma_start3A_103 : memref<1x4x88xi32, #tpu.memory_space<vmem>> -> memref<4x88xi32, #tpu.memory_space<vmem>>
    %dma_start3A_105 = arith.constant 0 : i32
    %dma_start3A_106 = arith.constant 0 : i32
    %dma_start3A_107 = tpu.memref_slice %arg4[%add3A, %dma_start3A_91, %dma_start3A_105, %dma_start3A_106] : memref<32x29x4x88xi32, #tpu.memory_space<hbm>> -> memref<1x1x4x88xi32, #tpu.memory_space<hbm>>
    %dma_start3A_108 = tpu.memref_squeeze %dma_start3A_107 : memref<1x1x4x88xi32, #tpu.memory_space<hbm>> -> memref<4x88xi32, #tpu.memory_space<hbm>>
    tpu.enqueue_dma source(%dma_start3A_108 : memref<4x88xi32, #tpu.memory_space<hbm>>) target(%dma_start3A_104 : memref<4x88xi32, #tpu.memory_space<vmem>>) target_semaphore(%arg16 : memref<!tpu.dma_semaphore, #tpu.memory_space<semaphore_mem>>)
    %barrier3A = arith.constant 0 : index
    tpu.barrier barrier_id(%barrier3A)
    %dma_start3A_109 = arith.constant 0 : i32
    %dma_start3A_110 = arith.constant 0 : i32
    %dma_start3A_111 = arith.constant 0 : i32
    %dma_start3A_112 = arith.constant 0 : i32
    %dma_start3A_113 = arith.constant 0 : i32
    %dma_start3A_114 = tpu.memref_slice %arg9[%dma_start3A_111, %dma_start3A_112, %dma_start3A_113] : memref<4x88x128xf32, #tpu.memory_space<vmem>> -> memref<1x88x128xf32, #tpu.memory_space<vmem>>
    %dma_start3A_115 = tpu.memref_squeeze %dma_start3A_114 : memref<1x88x128xf32, #tpu.memory_space<vmem>> -> memref<88x128xf32, #tpu.memory_space<vmem>>
    %dma_start3A_116 = arith.constant 0 : i32
    %dma_start3A_117 = tpu.memref_slice %arg7[%dma_start3A_109, %dma_start3A_110, %dma_start3A_116] : memref<2x4x88xi32, #tpu.memory_space<vmem>> -> memref<1x1x88xi32, #tpu.memory_space<vmem>>
    %dma_start3A_118 = tpu.memref_squeeze %dma_start3A_117 : memref<1x1x88xi32, #tpu.memory_space<vmem>> -> memref<88xi32, #tpu.memory_space<vmem>>
    %dma_start3A_119 = arith.constant 0 : i32
    %dma_start3A_120 = arith.constant 0 : i32
    %dma_start3A_121 = tpu.memref_slice %arg2[%dma_start3A_119, %dma_start3A_120] : memref<10000x128xf32, #tpu.memory_space<hbm>> -> memref<10000x128xf32, #tpu.memory_space<hbm>>
    tpu.enqueue_indirect_dma source(%dma_start3A_121 : memref<10000x128xf32, #tpu.memory_space<hbm>>) target(%dma_start3A_115 : memref<88x128xf32, #tpu.memory_space<vmem>>) offsets(%dma_start3A_118 : memref<88xi32, #tpu.memory_space<vmem>>) semaphore(%arg11 : memref<!tpu.dma_semaphore, #tpu.memory_space<semaphore_mem>>)
    %dma_start3A_122 = arith.constant 0 : i32
    %dma_start3A_123 = arith.constant 1 : i32
    %dma_start3A_124 = arith.constant 1 : i32
    %dma_start3A_125 = arith.constant 0 : i32
    %dma_start3A_126 = arith.constant 0 : i32
    %dma_start3A_127 = tpu.memref_slice %arg9[%dma_start3A_124, %dma_start3A_125, %dma_start3A_126] : memref<4x88x128xf32, #tpu.memory_space<vmem>> -> memref<1x88x128xf32, #tpu.memory_space<vmem>>
    %dma_start3A_128 = tpu.memref_squeeze %dma_start3A_127 : memref<1x88x128xf32, #tpu.memory_space<vmem>> -> memref<88x128xf32, #tpu.memory_space<vmem>>
    %dma_start3A_129 = arith.constant 0 : i32
    %dma_start3A_130 = tpu.memref_slice %arg7[%dma_start3A_122, %dma_start3A_123, %dma_start3A_129] : memref<2x4x88xi32, #tpu.memory_space<vmem>> -> memref<1x1x88xi32, #tpu.memory_space<vmem>>
    %dma_start3A_131 = tpu.memref_squeeze %dma_start3A_130 : memref<1x1x88xi32, #tpu.memory_space<vmem>> -> memref<88xi32, #tpu.memory_space<vmem>>
    %dma_start3A_132 = arith.constant 0 : i32
    %dma_start3A_133 = arith.constant 0 : i32
    %dma_start3A_134 = tpu.memref_slice %arg2[%dma_start3A_132, %dma_start3A_133] : memref<10000x128xf32, #tpu.memory_space<hbm>> -> memref<10000x128xf32, #tpu.memory_space<hbm>>
    tpu.enqueue_indirect_dma source(%dma_start3A_134 : memref<10000x128xf32, #tpu.memory_space<hbm>>) target(%dma_start3A_128 : memref<88x128xf32, #tpu.memory_space<vmem>>) offsets(%dma_start3A_131 : memref<88xi32, #tpu.memory_space<vmem>>) semaphore(%arg12 : memref<!tpu.dma_semaphore, #tpu.memory_space<semaphore_mem>>)
    %dma_start3A_135 = arith.constant 0 : i32
    %dma_start3A_136 = arith.constant 2 : i32
    %dma_start3A_137 = arith.constant 2 : i32
    %dma_start3A_138 = arith.constant 0 : i32
    %dma_start3A_139 = arith.constant 0 : i32
    %dma_start3A_140 = tpu.memref_slice %arg9[%dma_start3A_137, %dma_start3A_138, %dma_start3A_139] : memref<4x88x128xf32, #tpu.memory_space<vmem>> -> memref<1x88x128xf32, #tpu.memory_space<vmem>>
    %dma_start3A_141 = tpu.memref_squeeze %dma_start3A_140 : memref<1x88x128xf32, #tpu.memory_space<vmem>> -> memref<88x128xf32, #tpu.memory_space<vmem>>
    %dma_start3A_142 = arith.constant 0 : i32
    %dma_start3A_143 = tpu.memref_slice %arg7[%dma_start3A_135, %dma_start3A_136, %dma_start3A_142] : memref<2x4x88xi32, #tpu.memory_space<vmem>> -> memref<1x1x88xi32, #tpu.memory_space<vmem>>
    %dma_start3A_144 = tpu.memref_squeeze %dma_start3A_143 : memref<1x1x88xi32, #tpu.memory_space<vmem>> -> memref<88xi32, #tpu.memory_space<vmem>>
    %dma_start3A_145 = arith.constant 0 : i32
    %dma_start3A_146 = arith.constant 0 : i32
    %dma_start3A_147 = tpu.memref_slice %arg2[%dma_start3A_145, %dma_start3A_146] : memref<10000x128xf32, #tpu.memory_space<hbm>> -> memref<10000x128xf32, #tpu.memory_space<hbm>>
    tpu.enqueue_indirect_dma source(%dma_start3A_147 : memref<10000x128xf32, #tpu.memory_space<hbm>>) target(%dma_start3A_141 : memref<88x128xf32, #tpu.memory_space<vmem>>) offsets(%dma_start3A_144 : memref<88xi32, #tpu.memory_space<vmem>>) semaphore(%arg13 : memref<!tpu.dma_semaphore, #tpu.memory_space<semaphore_mem>>)
    %dma_start3A_148 = arith.constant 0 : i32
    %dma_start3A_149 = arith.constant 3 : i32
    %dma_start3A_150 = arith.constant 3 : i32
    %dma_start3A_151 = arith.constant 0 : i32
    %dma_start3A_152 = arith.constant 0 : i32
    %dma_start3A_153 = tpu.memref_slice %arg9[%dma_start3A_150, %dma_start3A_151, %dma_start3A_152] : memref<4x88x128xf32, #tpu.memory_space<vmem>> -> memref<1x88x128xf32, #tpu.memory_space<vmem>>
    %dma_start3A_154 = tpu.memref_squeeze %dma_start3A_153 : memref<1x88x128xf32, #tpu.memory_space<vmem>> -> memref<88x128xf32, #tpu.memory_space<vmem>>
    %dma_start3A_155 = arith.constant 0 : i32
    %dma_start3A_156 = tpu.memref_slice %arg7[%dma_start3A_148, %dma_start3A_149, %dma_start3A_155] : memref<2x4x88xi32, #tpu.memory_space<vmem>> -> memref<1x1x88xi32, #tpu.memory_space<vmem>>
    %dma_start3A_157 = tpu.memref_squeeze %dma_start3A_156 : memref<1x1x88xi32, #tpu.memory_space<vmem>> -> memref<88xi32, #tpu.memory_space<vmem>>
    %dma_start3A_158 = arith.constant 0 : i32
    %dma_start3A_159 = arith.constant 0 : i32
    %dma_start3A_160 = tpu.memref_slice %arg2[%dma_start3A_158, %dma_start3A_159] : memref<10000x128xf32, #tpu.memory_space<hbm>> -> memref<10000x128xf32, #tpu.memory_space<hbm>>
    tpu.enqueue_indirect_dma source(%dma_start3A_160 : memref<10000x128xf32, #tpu.memory_space<hbm>>) target(%dma_start3A_154 : memref<88x128xf32, #tpu.memory_space<vmem>>) offsets(%dma_start3A_157 : memref<88xi32, #tpu.memory_space<vmem>>) semaphore(%arg14 : memref<!tpu.dma_semaphore, #tpu.memory_space<semaphore_mem>>)
    %scan3A = arith.constant 0 : i32
    %scan3A_161 = arith.constant 0 : i32
    %scan3A_162 = arith.constant 29 : i32
    %scan3A_163 = arith.addi %scan3A_161, %scan3A_162 : i32
    %scan3A_164 = arith.constant 1 : i32
    scf.for %scan3A_171 = %scan3A_161 to %scan3A_163 step %scan3A_164  : i32 {
      %rem3A = arith.constant 2 : i32
      %rem3A_172 = arith.remsi %scan3A_171, %rem3A : i32
      %add3A_173 = arith.constant 1 : i32
      %add3A_174 = arith.addi %scan3A_171, %add3A_173 : i32
      %rem3A_175 = arith.constant 2 : i32
      %rem3A_176 = arith.remsi %add3A_174, %rem3A_175 : i32
      %add3A_177 = arith.constant 1 : i32
      %add3A_178 = arith.addi %scan3A_171, %add3A_177 : i32
      %lt3A = arith.constant 29 : i32
      %lt3A_179 = arith.cmpi slt, %add3A_178, %lt3A : i32
      %convert_element_type3A = arith.extui %lt3A_179 : i1 to i32
      %cond3A = arith.constant 0 : i32
      %cond3A_180 = arith.cmpi ne, %convert_element_type3A, %cond3A : i32
      scf.if %cond3A_180 {
        %add3A_271 = arith.constant 1 : i32
        %add3A_272 = arith.addi %scan3A_171, %add3A_271 : i32
        %rem3A_273 = arith.constant 2 : i32
        %rem3A_274 = arith.remsi %add3A_272, %rem3A_273 : i32
        %eq3A = arith.constant 0 : i32
        %eq3A_275 = arith.cmpi eq, %rem3A_274, %eq3A : i32
        %convert_element_type3A_276 = arith.extui %eq3A_275 : i1 to i32
        %cond3A_277 = arith.constant 0 : i32
        %cond3A_278 = arith.cmpi ne, %convert_element_type3A_276, %cond3A_277 : i32
        scf.if %cond3A_278 {
          %dma_wait3A_286 = arith.constant 0 : i32
          %dma_wait3A_287 = arith.constant 0 : i32
          %dma_wait3A_288 = tpu.memref_slice %arg7[%rem3A_176, %dma_wait3A_286, %dma_wait3A_287] : memref<2x4x88xi32, #tpu.memory_space<vmem>> -> memref<1x4x88xi32, #tpu.memory_space<vmem>>
          %dma_wait3A_289 = tpu.memref_squeeze %dma_wait3A_288 : memref<1x4x88xi32, #tpu.memory_space<vmem>> -> memref<4x88xi32, #tpu.memory_space<vmem>>
          %dma_wait3A_290 = arith.constant 0 : i32
          %dma_wait3A_291 = arith.constant 0 : i32
          %dma_wait3A_292 = tpu.memref_slice %arg3[%add3A, %add3A_272, %dma_wait3A_290, %dma_wait3A_291] : memref<32x29x4x88xi32, #tpu.memory_space<hbm>> -> memref<1x1x4x88xi32, #tpu.memory_space<hbm>>
          %dma_wait3A_293 = tpu.memref_squeeze %dma_wait3A_292 : memref<1x1x4x88xi32, #tpu.memory_space<hbm>> -> memref<4x88xi32, #tpu.memory_space<hbm>>
          %dma_wait3A_294 = arith.constant 0 : i32
          %dma_wait3A_295 = arith.constant 0 : i32
          %dma_wait3A_296 = tpu.memref_slice %arg7[%rem3A_176, %dma_wait3A_294, %dma_wait3A_295] : memref<2x4x88xi32, #tpu.memory_space<vmem>> -> memref<1x4x88xi32, #tpu.memory_space<vmem>>
          %dma_wait3A_297 = tpu.memref_squeeze %dma_wait3A_296 : memref<1x4x88xi32, #tpu.memory_space<vmem>> -> memref<4x88xi32, #tpu.memory_space<vmem>>
          %dma_wait3A_298 = arith.constant 0 : i32
          %dma_wait3A_299 = arith.constant 0 : i32
          %dma_wait3A_300 = tpu.memref_slice %arg3[%add3A, %add3A_272, %dma_wait3A_298, %dma_wait3A_299] : memref<32x29x4x88xi32, #tpu.memory_space<hbm>> -> memref<1x1x4x88xi32, #tpu.memory_space<hbm>>
          %dma_wait3A_301 = tpu.memref_squeeze %dma_wait3A_300 : memref<1x1x4x88xi32, #tpu.memory_space<hbm>> -> memref<4x88xi32, #tpu.memory_space<hbm>>
          tpu.wait_dma2 semaphore(%arg15 : memref<!tpu.dma_semaphore, #tpu.memory_space<semaphore_mem>>) src(%dma_wait3A_301 : memref<4x88xi32, #tpu.memory_space<hbm>>) dst(%dma_wait3A_297 : memref<4x88xi32, #tpu.memory_space<vmem>>)
          %dma_wait3A_302 = arith.constant 0 : i32
          %dma_wait3A_303 = arith.constant 0 : i32
          %dma_wait3A_304 = tpu.memref_slice %arg8[%rem3A_176, %dma_wait3A_302, %dma_wait3A_303] : memref<2x4x88xi32, #tpu.memory_space<vmem>> -> memref<1x4x88xi32, #tpu.memory_space<vmem>>
          %dma_wait3A_305 = tpu.memref_squeeze %dma_wait3A_304 : memref<1x4x88xi32, #tpu.memory_space<vmem>> -> memref<4x88xi32, #tpu.memory_space<vmem>>
          %dma_wait3A_306 = arith.constant 0 : i32
          %dma_wait3A_307 = arith.constant 0 : i32
          %dma_wait3A_308 = tpu.memref_slice %arg4[%add3A, %add3A_272, %dma_wait3A_306, %dma_wait3A_307] : memref<32x29x4x88xi32, #tpu.memory_space<hbm>> -> memref<1x1x4x88xi32, #tpu.memory_space<hbm>>
          %dma_wait3A_309 = tpu.memref_squeeze %dma_wait3A_308 : memref<1x1x4x88xi32, #tpu.memory_space<hbm>> -> memref<4x88xi32, #tpu.memory_space<hbm>>
          %dma_wait3A_310 = arith.constant 0 : i32
          %dma_wait3A_311 = arith.constant 0 : i32
          %dma_wait3A_312 = tpu.memref_slice %arg8[%rem3A_176, %dma_wait3A_310, %dma_wait3A_311] : memref<2x4x88xi32, #tpu.memory_space<vmem>> -> memref<1x4x88xi32, #tpu.memory_space<vmem>>
          %dma_wait3A_313 = tpu.memref_squeeze %dma_wait3A_312 : memref<1x4x88xi32, #tpu.memory_space<vmem>> -> memref<4x88xi32, #tpu.memory_space<vmem>>
          %dma_wait3A_314 = arith.constant 0 : i32
          %dma_wait3A_315 = arith.constant 0 : i32
          %dma_wait3A_316 = tpu.memref_slice %arg4[%add3A, %add3A_272, %dma_wait3A_314, %dma_wait3A_315] : memref<32x29x4x88xi32, #tpu.memory_space<hbm>> -> memref<1x1x4x88xi32, #tpu.memory_space<hbm>>
          %dma_wait3A_317 = tpu.memref_squeeze %dma_wait3A_316 : memref<1x1x4x88xi32, #tpu.memory_space<hbm>> -> memref<4x88xi32, #tpu.memory_space<hbm>>
          tpu.wait_dma2 semaphore(%arg15 : memref<!tpu.dma_semaphore, #tpu.memory_space<semaphore_mem>>) src(%dma_wait3A_317 : memref<4x88xi32, #tpu.memory_space<hbm>>) dst(%dma_wait3A_313 : memref<4x88xi32, #tpu.memory_space<vmem>>)
        } else {
        }
        %rem3A_279 = arith.constant 2 : i32
        %rem3A_280 = arith.remsi %add3A_272, %rem3A_279 : i32
        %eq3A_281 = arith.constant 1 : i32
        %eq3A_282 = arith.cmpi eq, %rem3A_280, %eq3A_281 : i32
        %convert_element_type3A_283 = arith.extui %eq3A_282 : i1 to i32
        %cond3A_284 = arith.constant 0 : i32
        %cond3A_285 = arith.cmpi ne, %convert_element_type3A_283, %cond3A_284 : i32
        scf.if %cond3A_285 {
          %dma_wait3A_286 = arith.constant 0 : i32
          %dma_wait3A_287 = arith.constant 0 : i32
          %dma_wait3A_288 = tpu.memref_slice %arg7[%rem3A_176, %dma_wait3A_286, %dma_wait3A_287] : memref<2x4x88xi32, #tpu.memory_space<vmem>> -> memref<1x4x88xi32, #tpu.memory_space<vmem>>
          %dma_wait3A_289 = tpu.memref_squeeze %dma_wait3A_288 : memref<1x4x88xi32, #tpu.memory_space<vmem>> -> memref<4x88xi32, #tpu.memory_space<vmem>>
          %dma_wait3A_290 = arith.constant 0 : i32
          %dma_wait3A_291 = arith.constant 0 : i32
          %dma_wait3A_292 = tpu.memref_slice %arg3[%add3A, %add3A_272, %dma_wait3A_290, %dma_wait3A_291] : memref<32x29x4x88xi32, #tpu.memory_space<hbm>> -> memref<1x1x4x88xi32, #tpu.memory_space<hbm>>
          %dma_wait3A_293 = tpu.memref_squeeze %dma_wait3A_292 : memref<1x1x4x88xi32, #tpu.memory_space<hbm>> -> memref<4x88xi32, #tpu.memory_space<hbm>>
          %dma_wait3A_294 = arith.constant 0 : i32
          %dma_wait3A_295 = arith.constant 0 : i32
          %dma_wait3A_296 = tpu.memref_slice %arg7[%rem3A_176, %dma_wait3A_294, %dma_wait3A_295] : memref<2x4x88xi32, #tpu.memory_space<vmem>> -> memref<1x4x88xi32, #tpu.memory_space<vmem>>
          %dma_wait3A_297 = tpu.memref_squeeze %dma_wait3A_296 : memref<1x4x88xi32, #tpu.memory_space<vmem>> -> memref<4x88xi32, #tpu.memory_space<vmem>>
          %dma_wait3A_298 = arith.constant 0 : i32
          %dma_wait3A_299 = arith.constant 0 : i32
          %dma_wait3A_300 = tpu.memref_slice %arg3[%add3A, %add3A_272, %dma_wait3A_298, %dma_wait3A_299] : memref<32x29x4x88xi32, #tpu.memory_space<hbm>> -> memref<1x1x4x88xi32, #tpu.memory_space<hbm>>
          %dma_wait3A_301 = tpu.memref_squeeze %dma_wait3A_300 : memref<1x1x4x88xi32, #tpu.memory_space<hbm>> -> memref<4x88xi32, #tpu.memory_space<hbm>>
          tpu.wait_dma2 semaphore(%arg16 : memref<!tpu.dma_semaphore, #tpu.memory_space<semaphore_mem>>) src(%dma_wait3A_301 : memref<4x88xi32, #tpu.memory_space<hbm>>) dst(%dma_wait3A_297 : memref<4x88xi32, #tpu.memory_space<vmem>>)
          %dma_wait3A_302 = arith.constant 0 : i32
          %dma_wait3A_303 = arith.constant 0 : i32
          %dma_wait3A_304 = tpu.memref_slice %arg8[%rem3A_176, %dma_wait3A_302, %dma_wait3A_303] : memref<2x4x88xi32, #tpu.memory_space<vmem>> -> memref<1x4x88xi32, #tpu.memory_space<vmem>>
          %dma_wait3A_305 = tpu.memref_squeeze %dma_wait3A_304 : memref<1x4x88xi32, #tpu.memory_space<vmem>> -> memref<4x88xi32, #tpu.memory_space<vmem>>
          %dma_wait3A_306 = arith.constant 0 : i32
          %dma_wait3A_307 = arith.constant 0 : i32
          %dma_wait3A_308 = tpu.memref_slice %arg4[%add3A, %add3A_272, %dma_wait3A_306, %dma_wait3A_307] : memref<32x29x4x88xi32, #tpu.memory_space<hbm>> -> memref<1x1x4x88xi32, #tpu.memory_space<hbm>>
          %dma_wait3A_309 = tpu.memref_squeeze %dma_wait3A_308 : memref<1x1x4x88xi32, #tpu.memory_space<hbm>> -> memref<4x88xi32, #tpu.memory_space<hbm>>
          %dma_wait3A_310 = arith.constant 0 : i32
          %dma_wait3A_311 = arith.constant 0 : i32
          %dma_wait3A_312 = tpu.memref_slice %arg8[%rem3A_176, %dma_wait3A_310, %dma_wait3A_311] : memref<2x4x88xi32, #tpu.memory_space<vmem>> -> memref<1x4x88xi32, #tpu.memory_space<vmem>>
          %dma_wait3A_313 = tpu.memref_squeeze %dma_wait3A_312 : memref<1x4x88xi32, #tpu.memory_space<vmem>> -> memref<4x88xi32, #tpu.memory_space<vmem>>
          %dma_wait3A_314 = arith.constant 0 : i32
          %dma_wait3A_315 = arith.constant 0 : i32
          %dma_wait3A_316 = tpu.memref_slice %arg4[%add3A, %add3A_272, %dma_wait3A_314, %dma_wait3A_315] : memref<32x29x4x88xi32, #tpu.memory_space<hbm>> -> memref<1x1x4x88xi32, #tpu.memory_space<hbm>>
          %dma_wait3A_317 = tpu.memref_squeeze %dma_wait3A_316 : memref<1x1x4x88xi32, #tpu.memory_space<hbm>> -> memref<4x88xi32, #tpu.memory_space<hbm>>
          tpu.wait_dma2 semaphore(%arg16 : memref<!tpu.dma_semaphore, #tpu.memory_space<semaphore_mem>>) src(%dma_wait3A_317 : memref<4x88xi32, #tpu.memory_space<hbm>>) dst(%dma_wait3A_313 : memref<4x88xi32, #tpu.memory_space<vmem>>)
        } else {
        }
      } else {
      }
      %dma_wait3A_181 = arith.constant 0 : i32
      %dma_wait3A_182 = arith.constant 0 : i32
      %dma_wait3A_183 = arith.constant 0 : i32
      %dma_wait3A_184 = arith.constant 0 : i32
      %dma_wait3A_185 = tpu.memref_slice %arg9[%dma_wait3A_182, %dma_wait3A_183, %dma_wait3A_184] : memref<4x88x128xf32, #tpu.memory_space<vmem>> -> memref<1x88x128xf32, #tpu.memory_space<vmem>>
      %dma_wait3A_186 = tpu.memref_squeeze %dma_wait3A_185 : memref<1x88x128xf32, #tpu.memory_space<vmem>> -> memref<88x128xf32, #tpu.memory_space<vmem>>
      %dma_wait3A_187 = arith.constant 0 : i32
      %dma_wait3A_188 = tpu.memref_slice %arg7[%rem3A_172, %dma_wait3A_181, %dma_wait3A_187] : memref<2x4x88xi32, #tpu.memory_space<vmem>> -> memref<1x1x88xi32, #tpu.memory_space<vmem>>
      %dma_wait3A_189 = tpu.memref_squeeze %dma_wait3A_188 : memref<1x1x88xi32, #tpu.memory_space<vmem>> -> memref<88xi32, #tpu.memory_space<vmem>>
      %dma_wait3A_190 = arith.constant 0 : i32
      %dma_wait3A_191 = arith.constant 0 : i32
      %dma_wait3A_192 = tpu.memref_slice %arg2[%dma_wait3A_190, %dma_wait3A_191] : memref<10000x128xf32, #tpu.memory_space<hbm>> -> memref<10000x128xf32, #tpu.memory_space<hbm>>
      tpu.wait_indirect_dma semaphore(%arg11 : memref<!tpu.dma_semaphore, #tpu.memory_space<semaphore_mem>>) src(%dma_wait3A_192 : memref<10000x128xf32, #tpu.memory_space<hbm>>) dst(%dma_wait3A_186 : memref<88x128xf32, #tpu.memory_space<vmem>>)
      %run_scoped3A = arith.constant 0 : i32
      %run_scoped3A_193 = arith.constant 0 : i32
      "tpu.region"() ({
        %run_scoped3A_271 = tpu.sem_alloc : memref<!tpu.dma_semaphore, #tpu.memory_space<semaphore_mem>>
        %dma_start3A_272 = arith.constant 0 : i32
        %dma_start3A_273 = arith.constant 0 : i32
        %dma_start3A_274 = tpu.memref_slice %arg9[%run_scoped3A, %dma_start3A_272, %dma_start3A_273] : memref<4x88x128xf32, #tpu.memory_space<vmem>> -> memref<1x88x128xf32, #tpu.memory_space<vmem>>
        %dma_start3A_275 = tpu.memref_squeeze %dma_start3A_274 : memref<1x88x128xf32, #tpu.memory_space<vmem>> -> memref<88x128xf32, #tpu.memory_space<vmem>>
        %dma_start3A_276 = arith.constant 0 : i32
        %dma_start3A_277 = tpu.memref_slice %arg8[%rem3A_172, %run_scoped3A_193, %dma_start3A_276] : memref<2x4x88xi32, #tpu.memory_space<vmem>> -> memref<1x1x88xi32, #tpu.memory_space<vmem>>
        %dma_start3A_278 = tpu.memref_squeeze %dma_start3A_277 : memref<1x1x88xi32, #tpu.memory_space<vmem>> -> memref<88xi32, #tpu.memory_space<vmem>>
        %dma_start3A_279 = arith.constant 0 : i32
        %dma_start3A_280 = arith.constant 0 : i32
        %dma_start3A_281 = tpu.memref_slice %arg10[%dma_start3A_279, %dma_start3A_280] : memref<10112x128xf32, #tpu.memory_space<vmem_shared>> -> memref<10112x128xf32, #tpu.memory_space<vmem_shared>>
        tpu.enqueue_indirect_dma source(%dma_start3A_275 : memref<88x128xf32, #tpu.memory_space<vmem>>) target(%dma_start3A_281 : memref<10112x128xf32, #tpu.memory_space<vmem_shared>>) offsets(%dma_start3A_278 : memref<88xi32, #tpu.memory_space<vmem>>) semaphore(%run_scoped3A_271 : memref<!tpu.dma_semaphore, #tpu.memory_space<semaphore_mem>>) {add = true}
        %dma_wait3A_282 = arith.constant 0 : i32
        %dma_wait3A_283 = arith.constant 0 : i32
        %dma_wait3A_284 = tpu.memref_slice %arg9[%run_scoped3A, %dma_wait3A_282, %dma_wait3A_283] : memref<4x88x128xf32, #tpu.memory_space<vmem>> -> memref<1x88x128xf32, #tpu.memory_space<vmem>>
        %dma_wait3A_285 = tpu.memref_squeeze %dma_wait3A_284 : memref<1x88x128xf32, #tpu.memory_space<vmem>> -> memref<88x128xf32, #tpu.memory_space<vmem>>
        %dma_wait3A_286 = arith.constant 0 : i32
        %dma_wait3A_287 = tpu.memref_slice %arg8[%rem3A_172, %run_scoped3A_193, %dma_wait3A_286] : memref<2x4x88xi32, #tpu.memory_space<vmem>> -> memref<1x1x88xi32, #tpu.memory_space<vmem>>
        %dma_wait3A_288 = tpu.memref_squeeze %dma_wait3A_287 : memref<1x1x88xi32, #tpu.memory_space<vmem>> -> memref<88xi32, #tpu.memory_space<vmem>>
        %dma_wait3A_289 = arith.constant 0 : i32
        %dma_wait3A_290 = arith.constant 0 : i32
        %dma_wait3A_291 = tpu.memref_slice %arg10[%dma_wait3A_289, %dma_wait3A_290] : memref<10112x128xf32, #tpu.memory_space<vmem_shared>> -> memref<10112x128xf32, #tpu.memory_space<vmem_shared>>
        tpu.wait_indirect_dma semaphore(%run_scoped3A_271 : memref<!tpu.dma_semaphore, #tpu.memory_space<semaphore_mem>>) src(%dma_wait3A_285 : memref<88x128xf32, #tpu.memory_space<vmem>>) dst(%dma_wait3A_291 : memref<10112x128xf32, #tpu.memory_space<vmem_shared>>)
        tpu.yield
      }) : () -> ()
      %add3A_194 = arith.constant 1 : i32
      %add3A_195 = arith.addi %scan3A_171, %add3A_194 : i32
      %lt3A_196 = arith.constant 29 : i32
      %lt3A_197 = arith.cmpi slt, %add3A_195, %lt3A_196 : i32
      %convert_element_type3A_198 = arith.extui %lt3A_197 : i1 to i32
      %cond3A_199 = arith.constant 0 : i32
      %cond3A_200 = arith.cmpi ne, %convert_element_type3A_198, %cond3A_199 : i32
      scf.if %cond3A_200 {
        %dma_start3A_271 = arith.constant 0 : i32
        %dma_start3A_272 = arith.constant 0 : i32
        %dma_start3A_273 = arith.constant 0 : i32
        %dma_start3A_274 = arith.constant 0 : i32
        %dma_start3A_275 = tpu.memref_slice %arg9[%dma_start3A_272, %dma_start3A_273, %dma_start3A_274] : memref<4x88x128xf32, #tpu.memory_space<vmem>> -> memref<1x88x128xf32, #tpu.memory_space<vmem>>
        %dma_start3A_276 = tpu.memref_squeeze %dma_start3A_275 : memref<1x88x128xf32, #tpu.memory_space<vmem>> -> memref<88x128xf32, #tpu.memory_space<vmem>>
        %dma_start3A_277 = arith.constant 0 : i32
        %dma_start3A_278 = tpu.memref_slice %arg7[%rem3A_176, %dma_start3A_271, %dma_start3A_277] : memref<2x4x88xi32, #tpu.memory_space<vmem>> -> memref<1x1x88xi32, #tpu.memory_space<vmem>>
        %dma_start3A_279 = tpu.memref_squeeze %dma_start3A_278 : memref<1x1x88xi32, #tpu.memory_space<vmem>> -> memref<88xi32, #tpu.memory_space<vmem>>
        %dma_start3A_280 = arith.constant 0 : i32
        %dma_start3A_281 = arith.constant 0 : i32
        %dma_start3A_282 = tpu.memref_slice %arg2[%dma_start3A_280, %dma_start3A_281] : memref<10000x128xf32, #tpu.memory_space<hbm>> -> memref<10000x128xf32, #tpu.memory_space<hbm>>
        tpu.enqueue_indirect_dma source(%dma_start3A_282 : memref<10000x128xf32, #tpu.memory_space<hbm>>) target(%dma_start3A_276 : memref<88x128xf32, #tpu.memory_space<vmem>>) offsets(%dma_start3A_279 : memref<88xi32, #tpu.memory_space<vmem>>) semaphore(%arg11 : memref<!tpu.dma_semaphore, #tpu.memory_space<semaphore_mem>>)
      } else {
      }
      %dma_wait3A_201 = arith.constant 1 : i32
      %dma_wait3A_202 = arith.constant 1 : i32
      %dma_wait3A_203 = arith.constant 0 : i32
      %dma_wait3A_204 = arith.constant 0 : i32
      %dma_wait3A_205 = tpu.memref_slice %arg9[%dma_wait3A_202, %dma_wait3A_203, %dma_wait3A_204] : memref<4x88x128xf32, #tpu.memory_space<vmem>> -> memref<1x88x128xf32, #tpu.memory_space<vmem>>
      %dma_wait3A_206 = tpu.memref_squeeze %dma_wait3A_205 : memref<1x88x128xf32, #tpu.memory_space<vmem>> -> memref<88x128xf32, #tpu.memory_space<vmem>>
      %dma_wait3A_207 = arith.constant 0 : i32
      %dma_wait3A_208 = tpu.memref_slice %arg7[%rem3A_172, %dma_wait3A_201, %dma_wait3A_207] : memref<2x4x88xi32, #tpu.memory_space<vmem>> -> memref<1x1x88xi32, #tpu.memory_space<vmem>>
      %dma_wait3A_209 = tpu.memref_squeeze %dma_wait3A_208 : memref<1x1x88xi32, #tpu.memory_space<vmem>> -> memref<88xi32, #tpu.memory_space<vmem>>
      %dma_wait3A_210 = arith.constant 0 : i32
      %dma_wait3A_211 = arith.constant 0 : i32
      %dma_wait3A_212 = tpu.memref_slice %arg2[%dma_wait3A_210, %dma_wait3A_211] : memref<10000x128xf32, #tpu.memory_space<hbm>> -> memref<10000x128xf32, #tpu.memory_space<hbm>>
      tpu.wait_indirect_dma semaphore(%arg12 : memref<!tpu.dma_semaphore, #tpu.memory_space<semaphore_mem>>) src(%dma_wait3A_212 : memref<10000x128xf32, #tpu.memory_space<hbm>>) dst(%dma_wait3A_206 : memref<88x128xf32, #tpu.memory_space<vmem>>)
      %run_scoped3A_213 = arith.constant 1 : i32
      %run_scoped3A_214 = arith.constant 1 : i32
      "tpu.region"() ({
        %run_scoped3A_271 = tpu.sem_alloc : memref<!tpu.dma_semaphore, #tpu.memory_space<semaphore_mem>>
        %dma_start3A_272 = arith.constant 0 : i32
        %dma_start3A_273 = arith.constant 0 : i32
        %dma_start3A_274 = tpu.memref_slice %arg9[%run_scoped3A_213, %dma_start3A_272, %dma_start3A_273] : memref<4x88x128xf32, #tpu.memory_space<vmem>> -> memref<1x88x128xf32, #tpu.memory_space<vmem>>
        %dma_start3A_275 = tpu.memref_squeeze %dma_start3A_274 : memref<1x88x128xf32, #tpu.memory_space<vmem>> -> memref<88x128xf32, #tpu.memory_space<vmem>>
        %dma_start3A_276 = arith.constant 0 : i32
        %dma_start3A_277 = tpu.memref_slice %arg8[%rem3A_172, %run_scoped3A_214, %dma_start3A_276] : memref<2x4x88xi32, #tpu.memory_space<vmem>> -> memref<1x1x88xi32, #tpu.memory_space<vmem>>
        %dma_start3A_278 = tpu.memref_squeeze %dma_start3A_277 : memref<1x1x88xi32, #tpu.memory_space<vmem>> -> memref<88xi32, #tpu.memory_space<vmem>>
        %dma_start3A_279 = arith.constant 0 : i32
        %dma_start3A_280 = arith.constant 0 : i32
        %dma_start3A_281 = tpu.memref_slice %arg10[%dma_start3A_279, %dma_start3A_280] : memref<10112x128xf32, #tpu.memory_space<vmem_shared>> -> memref<10112x128xf32, #tpu.memory_space<vmem_shared>>
        tpu.enqueue_indirect_dma source(%dma_start3A_275 : memref<88x128xf32, #tpu.memory_space<vmem>>) target(%dma_start3A_281 : memref<10112x128xf32, #tpu.memory_space<vmem_shared>>) offsets(%dma_start3A_278 : memref<88xi32, #tpu.memory_space<vmem>>) semaphore(%run_scoped3A_271 : memref<!tpu.dma_semaphore, #tpu.memory_space<semaphore_mem>>) {add = true}
        %dma_wait3A_282 = arith.constant 0 : i32
        %dma_wait3A_283 = arith.constant 0 : i32
        %dma_wait3A_284 = tpu.memref_slice %arg9[%run_scoped3A_213, %dma_wait3A_282, %dma_wait3A_283] : memref<4x88x128xf32, #tpu.memory_space<vmem>> -> memref<1x88x128xf32, #tpu.memory_space<vmem>>
        %dma_wait3A_285 = tpu.memref_squeeze %dma_wait3A_284 : memref<1x88x128xf32, #tpu.memory_space<vmem>> -> memref<88x128xf32, #tpu.memory_space<vmem>>
        %dma_wait3A_286 = arith.constant 0 : i32
        %dma_wait3A_287 = tpu.memref_slice %arg8[%rem3A_172, %run_scoped3A_214, %dma_wait3A_286] : memref<2x4x88xi32, #tpu.memory_space<vmem>> -> memref<1x1x88xi32, #tpu.memory_space<vmem>>
        %dma_wait3A_288 = tpu.memref_squeeze %dma_wait3A_287 : memref<1x1x88xi32, #tpu.memory_space<vmem>> -> memref<88xi32, #tpu.memory_space<vmem>>
        %dma_wait3A_289 = arith.constant 0 : i32
        %dma_wait3A_290 = arith.constant 0 : i32
        %dma_wait3A_291 = tpu.memref_slice %arg10[%dma_wait3A_289, %dma_wait3A_290] : memref<10112x128xf32, #tpu.memory_space<vmem_shared>> -> memref<10112x128xf32, #tpu.memory_space<vmem_shared>>
        tpu.wait_indirect_dma semaphore(%run_scoped3A_271 : memref<!tpu.dma_semaphore, #tpu.memory_space<semaphore_mem>>) src(%dma_wait3A_285 : memref<88x128xf32, #tpu.memory_space<vmem>>) dst(%dma_wait3A_291 : memref<10112x128xf32, #tpu.memory_space<vmem_shared>>)
        tpu.yield
      }) : () -> ()
      %add3A_215 = arith.constant 1 : i32
      %add3A_216 = arith.addi %scan3A_171, %add3A_215 : i32
      %lt3A_217 = arith.constant 29 : i32
      %lt3A_218 = arith.cmpi slt, %add3A_216, %lt3A_217 : i32
      %convert_element_type3A_219 = arith.extui %lt3A_218 : i1 to i32
      %cond3A_220 = arith.constant 0 : i32
      %cond3A_221 = arith.cmpi ne, %convert_element_type3A_219, %cond3A_220 : i32
      scf.if %cond3A_221 {
        %dma_start3A_271 = arith.constant 1 : i32
        %dma_start3A_272 = arith.constant 1 : i32
        %dma_start3A_273 = arith.constant 0 : i32
        %dma_start3A_274 = arith.constant 0 : i32
        %dma_start3A_275 = tpu.memref_slice %arg9[%dma_start3A_272, %dma_start3A_273, %dma_start3A_274] : memref<4x88x128xf32, #tpu.memory_space<vmem>> -> memref<1x88x128xf32, #tpu.memory_space<vmem>>
        %dma_start3A_276 = tpu.memref_squeeze %dma_start3A_275 : memref<1x88x128xf32, #tpu.memory_space<vmem>> -> memref<88x128xf32, #tpu.memory_space<vmem>>
        %dma_start3A_277 = arith.constant 0 : i32
        %dma_start3A_278 = tpu.memref_slice %arg7[%rem3A_176, %dma_start3A_271, %dma_start3A_277] : memref<2x4x88xi32, #tpu.memory_space<vmem>> -> memref<1x1x88xi32, #tpu.memory_space<vmem>>
        %dma_start3A_279 = tpu.memref_squeeze %dma_start3A_278 : memref<1x1x88xi32, #tpu.memory_space<vmem>> -> memref<88xi32, #tpu.memory_space<vmem>>
        %dma_start3A_280 = arith.constant 0 : i32
        %dma_start3A_281 = arith.constant 0 : i32
        %dma_start3A_282 = tpu.memref_slice %arg2[%dma_start3A_280, %dma_start3A_281] : memref<10000x128xf32, #tpu.memory_space<hbm>> -> memref<10000x128xf32, #tpu.memory_space<hbm>>
        tpu.enqueue_indirect_dma source(%dma_start3A_282 : memref<10000x128xf32, #tpu.memory_space<hbm>>) target(%dma_start3A_276 : memref<88x128xf32, #tpu.memory_space<vmem>>) offsets(%dma_start3A_279 : memref<88xi32, #tpu.memory_space<vmem>>) semaphore(%arg12 : memref<!tpu.dma_semaphore, #tpu.memory_space<semaphore_mem>>)
      } else {
      }
      %dma_wait3A_222 = arith.constant 2 : i32
      %dma_wait3A_223 = arith.constant 2 : i32
      %dma_wait3A_224 = arith.constant 0 : i32
      %dma_wait3A_225 = arith.constant 0 : i32
      %dma_wait3A_226 = tpu.memref_slice %arg9[%dma_wait3A_223, %dma_wait3A_224, %dma_wait3A_225] : memref<4x88x128xf32, #tpu.memory_space<vmem>> -> memref<1x88x128xf32, #tpu.memory_space<vmem>>
      %dma_wait3A_227 = tpu.memref_squeeze %dma_wait3A_226 : memref<1x88x128xf32, #tpu.memory_space<vmem>> -> memref<88x128xf32, #tpu.memory_space<vmem>>
      %dma_wait3A_228 = arith.constant 0 : i32
      %dma_wait3A_229 = tpu.memref_slice %arg7[%rem3A_172, %dma_wait3A_222, %dma_wait3A_228] : memref<2x4x88xi32, #tpu.memory_space<vmem>> -> memref<1x1x88xi32, #tpu.memory_space<vmem>>
      %dma_wait3A_230 = tpu.memref_squeeze %dma_wait3A_229 : memref<1x1x88xi32, #tpu.memory_space<vmem>> -> memref<88xi32, #tpu.memory_space<vmem>>
      %dma_wait3A_231 = arith.constant 0 : i32
      %dma_wait3A_232 = arith.constant 0 : i32
      %dma_wait3A_233 = tpu.memref_slice %arg2[%dma_wait3A_231, %dma_wait3A_232] : memref<10000x128xf32, #tpu.memory_space<hbm>> -> memref<10000x128xf32, #tpu.memory_space<hbm>>
      tpu.wait_indirect_dma semaphore(%arg13 : memref<!tpu.dma_semaphore, #tpu.memory_space<semaphore_mem>>) src(%dma_wait3A_233 : memref<10000x128xf32, #tpu.memory_space<hbm>>) dst(%dma_wait3A_227 : memref<88x128xf32, #tpu.memory_space<vmem>>)
      %run_scoped3A_234 = arith.constant 2 : i32
      %run_scoped3A_235 = arith.constant 2 : i32
      "tpu.region"() ({
        %run_scoped3A_271 = tpu.sem_alloc : memref<!tpu.dma_semaphore, #tpu.memory_space<semaphore_mem>>
        %dma_start3A_272 = arith.constant 0 : i32
        %dma_start3A_273 = arith.constant 0 : i32
        %dma_start3A_274 = tpu.memref_slice %arg9[%run_scoped3A_234, %dma_start3A_272, %dma_start3A_273] : memref<4x88x128xf32, #tpu.memory_space<vmem>> -> memref<1x88x128xf32, #tpu.memory_space<vmem>>
        %dma_start3A_275 = tpu.memref_squeeze %dma_start3A_274 : memref<1x88x128xf32, #tpu.memory_space<vmem>> -> memref<88x128xf32, #tpu.memory_space<vmem>>
        %dma_start3A_276 = arith.constant 0 : i32
        %dma_start3A_277 = tpu.memref_slice %arg8[%rem3A_172, %run_scoped3A_235, %dma_start3A_276] : memref<2x4x88xi32, #tpu.memory_space<vmem>> -> memref<1x1x88xi32, #tpu.memory_space<vmem>>
        %dma_start3A_278 = tpu.memref_squeeze %dma_start3A_277 : memref<1x1x88xi32, #tpu.memory_space<vmem>> -> memref<88xi32, #tpu.memory_space<vmem>>
        %dma_start3A_279 = arith.constant 0 : i32
        %dma_start3A_280 = arith.constant 0 : i32
        %dma_start3A_281 = tpu.memref_slice %arg10[%dma_start3A_279, %dma_start3A_280] : memref<10112x128xf32, #tpu.memory_space<vmem_shared>> -> memref<10112x128xf32, #tpu.memory_space<vmem_shared>>
        tpu.enqueue_indirect_dma source(%dma_start3A_275 : memref<88x128xf32, #tpu.memory_space<vmem>>) target(%dma_start3A_281 : memref<10112x128xf32, #tpu.memory_space<vmem_shared>>) offsets(%dma_start3A_278 : memref<88xi32, #tpu.memory_space<vmem>>) semaphore(%run_scoped3A_271 : memref<!tpu.dma_semaphore, #tpu.memory_space<semaphore_mem>>) {add = true}
        %dma_wait3A_282 = arith.constant 0 : i32
        %dma_wait3A_283 = arith.constant 0 : i32
        %dma_wait3A_284 = tpu.memref_slice %arg9[%run_scoped3A_234, %dma_wait3A_282, %dma_wait3A_283] : memref<4x88x128xf32, #tpu.memory_space<vmem>> -> memref<1x88x128xf32, #tpu.memory_space<vmem>>
        %dma_wait3A_285 = tpu.memref_squeeze %dma_wait3A_284 : memref<1x88x128xf32, #tpu.memory_space<vmem>> -> memref<88x128xf32, #tpu.memory_space<vmem>>
        %dma_wait3A_286 = arith.constant 0 : i32
        %dma_wait3A_287 = tpu.memref_slice %arg8[%rem3A_172, %run_scoped3A_235, %dma_wait3A_286] : memref<2x4x88xi32, #tpu.memory_space<vmem>> -> memref<1x1x88xi32, #tpu.memory_space<vmem>>
        %dma_wait3A_288 = tpu.memref_squeeze %dma_wait3A_287 : memref<1x1x88xi32, #tpu.memory_space<vmem>> -> memref<88xi32, #tpu.memory_space<vmem>>
        %dma_wait3A_289 = arith.constant 0 : i32
        %dma_wait3A_290 = arith.constant 0 : i32
        %dma_wait3A_291 = tpu.memref_slice %arg10[%dma_wait3A_289, %dma_wait3A_290] : memref<10112x128xf32, #tpu.memory_space<vmem_shared>> -> memref<10112x128xf32, #tpu.memory_space<vmem_shared>>
        tpu.wait_indirect_dma semaphore(%run_scoped3A_271 : memref<!tpu.dma_semaphore, #tpu.memory_space<semaphore_mem>>) src(%dma_wait3A_285 : memref<88x128xf32, #tpu.memory_space<vmem>>) dst(%dma_wait3A_291 : memref<10112x128xf32, #tpu.memory_space<vmem_shared>>)
        tpu.yield
      }) : () -> ()
      %add3A_236 = arith.constant 1 : i32
      %add3A_237 = arith.addi %scan3A_171, %add3A_236 : i32
      %lt3A_238 = arith.constant 29 : i32
      %lt3A_239 = arith.cmpi slt, %add3A_237, %lt3A_238 : i32
      %convert_element_type3A_240 = arith.extui %lt3A_239 : i1 to i32
      %cond3A_241 = arith.constant 0 : i32
      %cond3A_242 = arith.cmpi ne, %convert_element_type3A_240, %cond3A_241 : i32
      scf.if %cond3A_242 {
        %dma_start3A_271 = arith.constant 2 : i32
        %dma_start3A_272 = arith.constant 2 : i32
        %dma_start3A_273 = arith.constant 0 : i32
        %dma_start3A_274 = arith.constant 0 : i32
        %dma_start3A_275 = tpu.memref_slice %arg9[%dma_start3A_272, %dma_start3A_273, %dma_start3A_274] : memref<4x88x128xf32, #tpu.memory_space<vmem>> -> memref<1x88x128xf32, #tpu.memory_space<vmem>>
        %dma_start3A_276 = tpu.memref_squeeze %dma_start3A_275 : memref<1x88x128xf32, #tpu.memory_space<vmem>> -> memref<88x128xf32, #tpu.memory_space<vmem>>
        %dma_start3A_277 = arith.constant 0 : i32
        %dma_start3A_278 = tpu.memref_slice %arg7[%rem3A_176, %dma_start3A_271, %dma_start3A_277] : memref<2x4x88xi32, #tpu.memory_space<vmem>> -> memref<1x1x88xi32, #tpu.memory_space<vmem>>
        %dma_start3A_279 = tpu.memref_squeeze %dma_start3A_278 : memref<1x1x88xi32, #tpu.memory_space<vmem>> -> memref<88xi32, #tpu.memory_space<vmem>>
        %dma_start3A_280 = arith.constant 0 : i32
        %dma_start3A_281 = arith.constant 0 : i32
        %dma_start3A_282 = tpu.memref_slice %arg2[%dma_start3A_280, %dma_start3A_281] : memref<10000x128xf32, #tpu.memory_space<hbm>> -> memref<10000x128xf32, #tpu.memory_space<hbm>>
        tpu.enqueue_indirect_dma source(%dma_start3A_282 : memref<10000x128xf32, #tpu.memory_space<hbm>>) target(%dma_start3A_276 : memref<88x128xf32, #tpu.memory_space<vmem>>) offsets(%dma_start3A_279 : memref<88xi32, #tpu.memory_space<vmem>>) semaphore(%arg13 : memref<!tpu.dma_semaphore, #tpu.memory_space<semaphore_mem>>)
      } else {
      }
      %dma_wait3A_243 = arith.constant 3 : i32
      %dma_wait3A_244 = arith.constant 3 : i32
      %dma_wait3A_245 = arith.constant 0 : i32
      %dma_wait3A_246 = arith.constant 0 : i32
      %dma_wait3A_247 = tpu.memref_slice %arg9[%dma_wait3A_244, %dma_wait3A_245, %dma_wait3A_246] : memref<4x88x128xf32, #tpu.memory_space<vmem>> -> memref<1x88x128xf32, #tpu.memory_space<vmem>>
      %dma_wait3A_248 = tpu.memref_squeeze %dma_wait3A_247 : memref<1x88x128xf32, #tpu.memory_space<vmem>> -> memref<88x128xf32, #tpu.memory_space<vmem>>
      %dma_wait3A_249 = arith.constant 0 : i32
      %dma_wait3A_250 = tpu.memref_slice %arg7[%rem3A_172, %dma_wait3A_243, %dma_wait3A_249] : memref<2x4x88xi32, #tpu.memory_space<vmem>> -> memref<1x1x88xi32, #tpu.memory_space<vmem>>
      %dma_wait3A_251 = tpu.memref_squeeze %dma_wait3A_250 : memref<1x1x88xi32, #tpu.memory_space<vmem>> -> memref<88xi32, #tpu.memory_space<vmem>>
      %dma_wait3A_252 = arith.constant 0 : i32
      %dma_wait3A_253 = arith.constant 0 : i32
      %dma_wait3A_254 = tpu.memref_slice %arg2[%dma_wait3A_252, %dma_wait3A_253] : memref<10000x128xf32, #tpu.memory_space<hbm>> -> memref<10000x128xf32, #tpu.memory_space<hbm>>
      tpu.wait_indirect_dma semaphore(%arg14 : memref<!tpu.dma_semaphore, #tpu.memory_space<semaphore_mem>>) src(%dma_wait3A_254 : memref<10000x128xf32, #tpu.memory_space<hbm>>) dst(%dma_wait3A_248 : memref<88x128xf32, #tpu.memory_space<vmem>>)
      %run_scoped3A_255 = arith.constant 3 : i32
      %run_scoped3A_256 = arith.constant 3 : i32
      "tpu.region"() ({
        %run_scoped3A_271 = tpu.sem_alloc : memref<!tpu.dma_semaphore, #tpu.memory_space<semaphore_mem>>
        %dma_start3A_272 = arith.constant 0 : i32
        %dma_start3A_273 = arith.constant 0 : i32
        %dma_start3A_274 = tpu.memref_slice %arg9[%run_scoped3A_255, %dma_start3A_272, %dma_start3A_273] : memref<4x88x128xf32, #tpu.memory_space<vmem>> -> memref<1x88x128xf32, #tpu.memory_space<vmem>>
        %dma_start3A_275 = tpu.memref_squeeze %dma_start3A_274 : memref<1x88x128xf32, #tpu.memory_space<vmem>> -> memref<88x128xf32, #tpu.memory_space<vmem>>
        %dma_start3A_276 = arith.constant 0 : i32
        %dma_start3A_277 = tpu.memref_slice %arg8[%rem3A_172, %run_scoped3A_256, %dma_start3A_276] : memref<2x4x88xi32, #tpu.memory_space<vmem>> -> memref<1x1x88xi32, #tpu.memory_space<vmem>>
        %dma_start3A_278 = tpu.memref_squeeze %dma_start3A_277 : memref<1x1x88xi32, #tpu.memory_space<vmem>> -> memref<88xi32, #tpu.memory_space<vmem>>
        %dma_start3A_279 = arith.constant 0 : i32
        %dma_start3A_280 = arith.constant 0 : i32
        %dma_start3A_281 = tpu.memref_slice %arg10[%dma_start3A_279, %dma_start3A_280] : memref<10112x128xf32, #tpu.memory_space<vmem_shared>> -> memref<10112x128xf32, #tpu.memory_space<vmem_shared>>
        tpu.enqueue_indirect_dma source(%dma_start3A_275 : memref<88x128xf32, #tpu.memory_space<vmem>>) target(%dma_start3A_281 : memref<10112x128xf32, #tpu.memory_space<vmem_shared>>) offsets(%dma_start3A_278 : memref<88xi32, #tpu.memory_space<vmem>>) semaphore(%run_scoped3A_271 : memref<!tpu.dma_semaphore, #tpu.memory_space<semaphore_mem>>) {add = true}
        %dma_wait3A_282 = arith.constant 0 : i32
        %dma_wait3A_283 = arith.constant 0 : i32
        %dma_wait3A_284 = tpu.memref_slice %arg9[%run_scoped3A_255, %dma_wait3A_282, %dma_wait3A_283] : memref<4x88x128xf32, #tpu.memory_space<vmem>> -> memref<1x88x128xf32, #tpu.memory_space<vmem>>
        %dma_wait3A_285 = tpu.memref_squeeze %dma_wait3A_284 : memref<1x88x128xf32, #tpu.memory_space<vmem>> -> memref<88x128xf32, #tpu.memory_space<vmem>>
        %dma_wait3A_286 = arith.constant 0 : i32
        %dma_wait3A_287 = tpu.memref_slice %arg8[%rem3A_172, %run_scoped3A_256, %dma_wait3A_286] : memref<2x4x88xi32, #tpu.memory_space<vmem>> -> memref<1x1x88xi32, #tpu.memory_space<vmem>>
        %dma_wait3A_288 = tpu.memref_squeeze %dma_wait3A_287 : memref<1x1x88xi32, #tpu.memory_space<vmem>> -> memref<88xi32, #tpu.memory_space<vmem>>
        %dma_wait3A_289 = arith.constant 0 : i32
        %dma_wait3A_290 = arith.constant 0 : i32
        %dma_wait3A_291 = tpu.memref_slice %arg10[%dma_wait3A_289, %dma_wait3A_290] : memref<10112x128xf32, #tpu.memory_space<vmem_shared>> -> memref<10112x128xf32, #tpu.memory_space<vmem_shared>>
        tpu.wait_indirect_dma semaphore(%run_scoped3A_271 : memref<!tpu.dma_semaphore, #tpu.memory_space<semaphore_mem>>) src(%dma_wait3A_285 : memref<88x128xf32, #tpu.memory_space<vmem>>) dst(%dma_wait3A_291 : memref<10112x128xf32, #tpu.memory_space<vmem_shared>>)
        tpu.yield
      }) : () -> ()
      %add3A_257 = arith.constant 1 : i32
      %add3A_258 = arith.addi %scan3A_171, %add3A_257 : i32
      %lt3A_259 = arith.constant 29 : i32
      %lt3A_260 = arith.cmpi slt, %add3A_258, %lt3A_259 : i32
      %convert_element_type3A_261 = arith.extui %lt3A_260 : i1 to i32
      %cond3A_262 = arith.constant 0 : i32
      %cond3A_263 = arith.cmpi ne, %convert_element_type3A_261, %cond3A_262 : i32
      scf.if %cond3A_263 {
        %dma_start3A_271 = arith.constant 3 : i32
        %dma_start3A_272 = arith.constant 3 : i32
        %dma_start3A_273 = arith.constant 0 : i32
        %dma_start3A_274 = arith.constant 0 : i32
        %dma_start3A_275 = tpu.memref_slice %arg9[%dma_start3A_272, %dma_start3A_273, %dma_start3A_274] : memref<4x88x128xf32, #tpu.memory_space<vmem>> -> memref<1x88x128xf32, #tpu.memory_space<vmem>>
        %dma_start3A_276 = tpu.memref_squeeze %dma_start3A_275 : memref<1x88x128xf32, #tpu.memory_space<vmem>> -> memref<88x128xf32, #tpu.memory_space<vmem>>
        %dma_start3A_277 = arith.constant 0 : i32
        %dma_start3A_278 = tpu.memref_slice %arg7[%rem3A_176, %dma_start3A_271, %dma_start3A_277] : memref<2x4x88xi32, #tpu.memory_space<vmem>> -> memref<1x1x88xi32, #tpu.memory_space<vmem>>
        %dma_start3A_279 = tpu.memref_squeeze %dma_start3A_278 : memref<1x1x88xi32, #tpu.memory_space<vmem>> -> memref<88xi32, #tpu.memory_space<vmem>>
        %dma_start3A_280 = arith.constant 0 : i32
        %dma_start3A_281 = arith.constant 0 : i32
        %dma_start3A_282 = tpu.memref_slice %arg2[%dma_start3A_280, %dma_start3A_281] : memref<10000x128xf32, #tpu.memory_space<hbm>> -> memref<10000x128xf32, #tpu.memory_space<hbm>>
        tpu.enqueue_indirect_dma source(%dma_start3A_282 : memref<10000x128xf32, #tpu.memory_space<hbm>>) target(%dma_start3A_276 : memref<88x128xf32, #tpu.memory_space<vmem>>) offsets(%dma_start3A_279 : memref<88xi32, #tpu.memory_space<vmem>>) semaphore(%arg14 : memref<!tpu.dma_semaphore, #tpu.memory_space<semaphore_mem>>)
      } else {
      }
      %add3A_264 = arith.constant 2 : i32
      %add3A_265 = arith.addi %scan3A_171, %add3A_264 : i32
      %lt3A_266 = arith.constant 29 : i32
      %lt3A_267 = arith.cmpi slt, %add3A_265, %lt3A_266 : i32
      %convert_element_type3A_268 = arith.extui %lt3A_267 : i1 to i32
      %cond3A_269 = arith.constant 0 : i32
      %cond3A_270 = arith.cmpi ne, %convert_element_type3A_268, %cond3A_269 : i32
      scf.if %cond3A_270 {
        %add3A_271 = arith.constant 2 : i32
        %add3A_272 = arith.addi %scan3A_171, %add3A_271 : i32
        %rem3A_273 = arith.constant 2 : i32
        %rem3A_274 = arith.remsi %add3A_272, %rem3A_273 : i32
        %eq3A = arith.constant 0 : i32
        %eq3A_275 = arith.cmpi eq, %rem3A_274, %eq3A : i32
        %convert_element_type3A_276 = arith.extui %eq3A_275 : i1 to i32
        %cond3A_277 = arith.constant 0 : i32
        %cond3A_278 = arith.cmpi ne, %convert_element_type3A_276, %cond3A_277 : i32
        scf.if %cond3A_278 {
          %dma_start3A_286 = arith.constant 0 : i32
          %dma_start3A_287 = arith.constant 0 : i32
          %dma_start3A_288 = tpu.memref_slice %arg7[%rem3A_172, %dma_start3A_286, %dma_start3A_287] : memref<2x4x88xi32, #tpu.memory_space<vmem>> -> memref<1x4x88xi32, #tpu.memory_space<vmem>>
          %dma_start3A_289 = tpu.memref_squeeze %dma_start3A_288 : memref<1x4x88xi32, #tpu.memory_space<vmem>> -> memref<4x88xi32, #tpu.memory_space<vmem>>
          %dma_start3A_290 = arith.constant 0 : i32
          %dma_start3A_291 = arith.constant 0 : i32
          %dma_start3A_292 = tpu.memref_slice %arg3[%add3A, %add3A_272, %dma_start3A_290, %dma_start3A_291] : memref<32x29x4x88xi32, #tpu.memory_space<hbm>> -> memref<1x1x4x88xi32, #tpu.memory_space<hbm>>
          %dma_start3A_293 = tpu.memref_squeeze %dma_start3A_292 : memref<1x1x4x88xi32, #tpu.memory_space<hbm>> -> memref<4x88xi32, #tpu.memory_space<hbm>>
          %dma_start3A_294 = arith.constant 0 : i32
          %dma_start3A_295 = arith.constant 0 : i32
          %dma_start3A_296 = tpu.memref_slice %arg7[%rem3A_172, %dma_start3A_294, %dma_start3A_295] : memref<2x4x88xi32, #tpu.memory_space<vmem>> -> memref<1x4x88xi32, #tpu.memory_space<vmem>>
          %dma_start3A_297 = tpu.memref_squeeze %dma_start3A_296 : memref<1x4x88xi32, #tpu.memory_space<vmem>> -> memref<4x88xi32, #tpu.memory_space<vmem>>
          %dma_start3A_298 = arith.constant 0 : i32
          %dma_start3A_299 = arith.constant 0 : i32
          %dma_start3A_300 = tpu.memref_slice %arg3[%add3A, %add3A_272, %dma_start3A_298, %dma_start3A_299] : memref<32x29x4x88xi32, #tpu.memory_space<hbm>> -> memref<1x1x4x88xi32, #tpu.memory_space<hbm>>
          %dma_start3A_301 = tpu.memref_squeeze %dma_start3A_300 : memref<1x1x4x88xi32, #tpu.memory_space<hbm>> -> memref<4x88xi32, #tpu.memory_space<hbm>>
          tpu.enqueue_dma source(%dma_start3A_301 : memref<4x88xi32, #tpu.memory_space<hbm>>) target(%dma_start3A_297 : memref<4x88xi32, #tpu.memory_space<vmem>>) target_semaphore(%arg15 : memref<!tpu.dma_semaphore, #tpu.memory_space<semaphore_mem>>)
          %dma_start3A_302 = arith.constant 0 : i32
          %dma_start3A_303 = arith.constant 0 : i32
          %dma_start3A_304 = tpu.memref_slice %arg8[%rem3A_172, %dma_start3A_302, %dma_start3A_303] : memref<2x4x88xi32, #tpu.memory_space<vmem>> -> memref<1x4x88xi32, #tpu.memory_space<vmem>>
          %dma_start3A_305 = tpu.memref_squeeze %dma_start3A_304 : memref<1x4x88xi32, #tpu.memory_space<vmem>> -> memref<4x88xi32, #tpu.memory_space<vmem>>
          %dma_start3A_306 = arith.constant 0 : i32
          %dma_start3A_307 = arith.constant 0 : i32
          %dma_start3A_308 = tpu.memref_slice %arg4[%add3A, %add3A_272, %dma_start3A_306, %dma_start3A_307] : memref<32x29x4x88xi32, #tpu.memory_space<hbm>> -> memref<1x1x4x88xi32, #tpu.memory_space<hbm>>
          %dma_start3A_309 = tpu.memref_squeeze %dma_start3A_308 : memref<1x1x4x88xi32, #tpu.memory_space<hbm>> -> memref<4x88xi32, #tpu.memory_space<hbm>>
          %dma_start3A_310 = arith.constant 0 : i32
          %dma_start3A_311 = arith.constant 0 : i32
          %dma_start3A_312 = tpu.memref_slice %arg8[%rem3A_172, %dma_start3A_310, %dma_start3A_311] : memref<2x4x88xi32, #tpu.memory_space<vmem>> -> memref<1x4x88xi32, #tpu.memory_space<vmem>>
          %dma_start3A_313 = tpu.memref_squeeze %dma_start3A_312 : memref<1x4x88xi32, #tpu.memory_space<vmem>> -> memref<4x88xi32, #tpu.memory_space<vmem>>
          %dma_start3A_314 = arith.constant 0 : i32
          %dma_start3A_315 = arith.constant 0 : i32
          %dma_start3A_316 = tpu.memref_slice %arg4[%add3A, %add3A_272, %dma_start3A_314, %dma_start3A_315] : memref<32x29x4x88xi32, #tpu.memory_space<hbm>> -> memref<1x1x4x88xi32, #tpu.memory_space<hbm>>
          %dma_start3A_317 = tpu.memref_squeeze %dma_start3A_316 : memref<1x1x4x88xi32, #tpu.memory_space<hbm>> -> memref<4x88xi32, #tpu.memory_space<hbm>>
          tpu.enqueue_dma source(%dma_start3A_317 : memref<4x88xi32, #tpu.memory_space<hbm>>) target(%dma_start3A_313 : memref<4x88xi32, #tpu.memory_space<vmem>>) target_semaphore(%arg15 : memref<!tpu.dma_semaphore, #tpu.memory_space<semaphore_mem>>)
        } else {
        }
        %rem3A_279 = arith.constant 2 : i32
        %rem3A_280 = arith.remsi %add3A_272, %rem3A_279 : i32
        %eq3A_281 = arith.constant 1 : i32
        %eq3A_282 = arith.cmpi eq, %rem3A_280, %eq3A_281 : i32
        %convert_element_type3A_283 = arith.extui %eq3A_282 : i1 to i32
        %cond3A_284 = arith.constant 0 : i32
        %cond3A_285 = arith.cmpi ne, %convert_element_type3A_283, %cond3A_284 : i32
        scf.if %cond3A_285 {
          %dma_start3A_286 = arith.constant 0 : i32
          %dma_start3A_287 = arith.constant 0 : i32
          %dma_start3A_288 = tpu.memref_slice %arg7[%rem3A_172, %dma_start3A_286, %dma_start3A_287] : memref<2x4x88xi32, #tpu.memory_space<vmem>> -> memref<1x4x88xi32, #tpu.memory_space<vmem>>
          %dma_start3A_289 = tpu.memref_squeeze %dma_start3A_288 : memref<1x4x88xi32, #tpu.memory_space<vmem>> -> memref<4x88xi32, #tpu.memory_space<vmem>>
          %dma_start3A_290 = arith.constant 0 : i32
          %dma_start3A_291 = arith.constant 0 : i32
          %dma_start3A_292 = tpu.memref_slice %arg3[%add3A, %add3A_272, %dma_start3A_290, %dma_start3A_291] : memref<32x29x4x88xi32, #tpu.memory_space<hbm>> -> memref<1x1x4x88xi32, #tpu.memory_space<hbm>>
          %dma_start3A_293 = tpu.memref_squeeze %dma_start3A_292 : memref<1x1x4x88xi32, #tpu.memory_space<hbm>> -> memref<4x88xi32, #tpu.memory_space<hbm>>
          %dma_start3A_294 = arith.constant 0 : i32
          %dma_start3A_295 = arith.constant 0 : i32
          %dma_start3A_296 = tpu.memref_slice %arg7[%rem3A_172, %dma_start3A_294, %dma_start3A_295] : memref<2x4x88xi32, #tpu.memory_space<vmem>> -> memref<1x4x88xi32, #tpu.memory_space<vmem>>
          %dma_start3A_297 = tpu.memref_squeeze %dma_start3A_296 : memref<1x4x88xi32, #tpu.memory_space<vmem>> -> memref<4x88xi32, #tpu.memory_space<vmem>>
          %dma_start3A_298 = arith.constant 0 : i32
          %dma_start3A_299 = arith.constant 0 : i32
          %dma_start3A_300 = tpu.memref_slice %arg3[%add3A, %add3A_272, %dma_start3A_298, %dma_start3A_299] : memref<32x29x4x88xi32, #tpu.memory_space<hbm>> -> memref<1x1x4x88xi32, #tpu.memory_space<hbm>>
          %dma_start3A_301 = tpu.memref_squeeze %dma_start3A_300 : memref<1x1x4x88xi32, #tpu.memory_space<hbm>> -> memref<4x88xi32, #tpu.memory_space<hbm>>
          tpu.enqueue_dma source(%dma_start3A_301 : memref<4x88xi32, #tpu.memory_space<hbm>>) target(%dma_start3A_297 : memref<4x88xi32, #tpu.memory_space<vmem>>) target_semaphore(%arg16 : memref<!tpu.dma_semaphore, #tpu.memory_space<semaphore_mem>>)
          %dma_start3A_302 = arith.constant 0 : i32
          %dma_start3A_303 = arith.constant 0 : i32
          %dma_start3A_304 = tpu.memref_slice %arg8[%rem3A_172, %dma_start3A_302, %dma_start3A_303] : memref<2x4x88xi32, #tpu.memory_space<vmem>> -> memref<1x4x88xi32, #tpu.memory_space<vmem>>
          %dma_start3A_305 = tpu.memref_squeeze %dma_start3A_304 : memref<1x4x88xi32, #tpu.memory_space<vmem>> -> memref<4x88xi32, #tpu.memory_space<vmem>>
          %dma_start3A_306 = arith.constant 0 : i32
          %dma_start3A_307 = arith.constant 0 : i32
          %dma_start3A_308 = tpu.memref_slice %arg4[%add3A, %add3A_272, %dma_start3A_306, %dma_start3A_307] : memref<32x29x4x88xi32, #tpu.memory_space<hbm>> -> memref<1x1x4x88xi32, #tpu.memory_space<hbm>>
          %dma_start3A_309 = tpu.memref_squeeze %dma_start3A_308 : memref<1x1x4x88xi32, #tpu.memory_space<hbm>> -> memref<4x88xi32, #tpu.memory_space<hbm>>
          %dma_start3A_310 = arith.constant 0 : i32
          %dma_start3A_311 = arith.constant 0 : i32
          %dma_start3A_312 = tpu.memref_slice %arg8[%rem3A_172, %dma_start3A_310, %dma_start3A_311] : memref<2x4x88xi32, #tpu.memory_space<vmem>> -> memref<1x4x88xi32, #tpu.memory_space<vmem>>
          %dma_start3A_313 = tpu.memref_squeeze %dma_start3A_312 : memref<1x4x88xi32, #tpu.memory_space<vmem>> -> memref<4x88xi32, #tpu.memory_space<vmem>>
          %dma_start3A_314 = arith.constant 0 : i32
          %dma_start3A_315 = arith.constant 0 : i32
          %dma_start3A_316 = tpu.memref_slice %arg4[%add3A, %add3A_272, %dma_start3A_314, %dma_start3A_315] : memref<32x29x4x88xi32, #tpu.memory_space<hbm>> -> memref<1x1x4x88xi32, #tpu.memory_space<hbm>>
          %dma_start3A_317 = tpu.memref_squeeze %dma_start3A_316 : memref<1x1x4x88xi32, #tpu.memory_space<hbm>> -> memref<4x88xi32, #tpu.memory_space<hbm>>
          tpu.enqueue_dma source(%dma_start3A_317 : memref<4x88xi32, #tpu.memory_space<hbm>>) target(%dma_start3A_313 : memref<4x88xi32, #tpu.memory_space<vmem>>) target_semaphore(%arg16 : memref<!tpu.dma_semaphore, #tpu.memory_space<semaphore_mem>>)
        } else {
        }
      } else {
      }
    }
    %scan3A_165 = arith.constant 29 : i32
    %barrier3A_166 = arith.constant 0 : index
    tpu.barrier barrier_id(%barrier3A_166)
    %mul3A_167 = arith.constant 632 : i32
    %mul3A_168 = arith.muli %arg1, %mul3A_167 : i32
    %mul3A_169 = arith.constant 632 : i32
    %mul3A_170 = arith.muli %arg1, %mul3A_169 : i32
    "tpu.region"() ({
      %run_scoped3A = tpu.sem_alloc : memref<!tpu.dma_semaphore, #tpu.memory_space<semaphore_mem>>
      %dma_start3A_171 = arith.constant 0 : i32
      %dma_start3A_172 = tpu.memref_slice %arg6[%arg0, %mul3A_170, %dma_start3A_171] : memref<2x10112x128xf32, #tpu.memory_space<hbm>> -> memref<1x632x128xf32, #tpu.memory_space<hbm>>
      %dma_start3A_173 = tpu.memref_squeeze %dma_start3A_172 : memref<1x632x128xf32, #tpu.memory_space<hbm>> -> memref<632x128xf32, #tpu.memory_space<hbm>>
      %dma_start3A_174 = arith.constant 0 : i32
      %dma_start3A_175 = tpu.memref_slice %arg10[%mul3A_168, %dma_start3A_174] : memref<10112x128xf32, #tpu.memory_space<vmem_shared>> -> memref<632x128xf32, #tpu.memory_space<vmem_shared>>
      tpu.enqueue_dma source(%dma_start3A_175 : memref<632x128xf32, #tpu.memory_space<vmem_shared>>) target(%dma_start3A_173 : memref<632x128xf32, #tpu.memory_space<hbm>>) target_semaphore(%run_scoped3A : memref<!tpu.dma_semaphore, #tpu.memory_space<semaphore_mem>>)
      %dma_wait3A_176 = arith.constant 0 : i32
      %dma_wait3A_177 = tpu.memref_slice %arg6[%arg0, %mul3A_170, %dma_wait3A_176] : memref<2x10112x128xf32, #tpu.memory_space<hbm>> -> memref<1x632x128xf32, #tpu.memory_space<hbm>>
      %dma_wait3A_178 = tpu.memref_squeeze %dma_wait3A_177 : memref<1x632x128xf32, #tpu.memory_space<hbm>> -> memref<632x128xf32, #tpu.memory_space<hbm>>
      %dma_wait3A_179 = arith.constant 0 : i32
      %dma_wait3A_180 = tpu.memref_slice %arg10[%mul3A_168, %dma_wait3A_179] : memref<10112x128xf32, #tpu.memory_space<vmem_shared>> -> memref<632x128xf32, #tpu.memory_space<vmem_shared>>
      tpu.wait_dma2 semaphore(%run_scoped3A : memref<!tpu.dma_semaphore, #tpu.memory_space<semaphore_mem>>) src(%dma_wait3A_180 : memref<632x128xf32, #tpu.memory_space<vmem_shared>>) dst(%dma_wait3A_178 : memref<632x128xf32, #tpu.memory_space<hbm>>)
      tpu.yield
    }) : () -> ()
    return
  }
}

module attributes {stable_mosaic.version = 14 : i64} {
  func.func @_tmm_body(%arg0: i32, %arg1: memref<1000x128xf32, #tpu.memory_space<vmem>>, %arg2: memref<128x128xf32, #tpu.memory_space<vmem>>, %arg3: memref<1000x128xf32, #tpu.memory_space<vmem>>) attributes {dimension_semantics = [#tpu.dimension_semantics<arbitrary>], iteration_bounds = array<i64: 10>, scalar_prefetch = 0 : i64, scratch_operands = 0 : i64, tpu.core_type = #tpu.core_type<tc>, window_params = [{transform_indices = @transform_0, window_bounds = array<i64: 1000, 128>}, {pipeline_mode = #tpu.pipeline_mode<synchronous>, transform_indices = @transform_1, window_bounds = array<i64: 128, 128>}, {transform_indices = @transform_2, window_bounds = array<i64: 1000, 128>}]} {
    %get3A = arith.constant 0 : index
    %get3A_0 = arith.constant 0 : index
    %get3A_1 = vector.load %arg1[%get3A, %get3A_0] : memref<1000x128xf32, #tpu.memory_space<vmem>>, vector<1000x128xf32>
    %get3A_2 = arith.constant 0 : index
    %get3A_3 = arith.constant 0 : index
    %get3A_4 = vector.load %arg2[%get3A_2, %get3A_3] : memref<128x128xf32, #tpu.memory_space<vmem>>, vector<128x128xf32>
    %dot_general3A = arith.constant dense<0.000000e+00> : vector<1000x128xf32>
    %dot_general3A_5 = tpu.matmul %get3A_1, %get3A_4, %dot_general3A {dimension_numbers = #tpu.dot_dimension_numbers<[1], [0], [0], [1], [0, 0, 1, 1], [], []>, precision = #tpu.contract_precision<fp32>, transpose_lhs_hint = false} : vector<1000x128xf32>, vector<128x128xf32>, vector<1000x128xf32> -> vector<1000x128xf32>
    %swap3A = arith.constant 0 : index
    %swap3A_6 = arith.constant 0 : index
    %swap3A_7 = vector.load %arg3[%swap3A, %swap3A_6] : memref<1000x128xf32, #tpu.memory_space<vmem>>, vector<1000x128xf32>
    tpu.vector_store %arg3[%swap3A, %swap3A_6], %dot_general3A_5 {strides = array<i32>} : memref<1000x128xf32, #tpu.memory_space<vmem>>, vector<1000x128xf32>,
    return
  }
  func.func @transform_0(%arg0: i32) -> (i32, i32) {
    %c0_i32 = arith.constant 0 : i32
    %c0_i32_0 = arith.constant 0 : i32
    return %arg0, %c0_i32 : i32, i32
  }
  func.func @transform_1(%arg0: i32) -> (i32, i32) {
    %c0_i32 = arith.constant 0 : i32
    %c0_i32_0 = arith.constant 0 : i32
    %c0_i32_1 = arith.constant 0 : i32
    return %c0_i32, %c0_i32_0 : i32, i32
  }
  func.func @transform_2(%arg0: i32) -> (i32, i32) {
    %c0_i32 = arith.constant 0 : i32
    %c0_i32_0 = arith.constant 0 : i32
    return %arg0, %c0_i32 : i32, i32
  }
}

module attributes {stable_mosaic.version = 14 : i64} {
  func.func @_tscale_body(%arg0: i32, %arg1: memref<1000x128xf32, #tpu.memory_space<vmem>>, %arg2: memref<1x1000x128xf32, #tpu.memory_space<vmem>>, %arg3: memref<1x1000x128xf32, #tpu.memory_space<vmem>>, %arg4: memref<1000x128xf32, #tpu.memory_space<vmem>>) attributes {dimension_semantics = [#tpu.dimension_semantics<arbitrary>], iteration_bounds = array<i64: 10>, scalar_prefetch = 0 : i64, scratch_operands = 0 : i64, tpu.core_type = #tpu.core_type<tc>, window_params = [{transform_indices = @transform_0, window_bounds = array<i64: 1000, 128>}, {transform_indices = @transform_1, window_bounds = array<i64: 1, 1000, 128>}, {transform_indices = @transform_2, window_bounds = array<i64: 1, 1000, 128>}, {transform_indices = @transform_3, window_bounds = array<i64: 1000, 128>}]} {
    %get3A = arith.constant 0 : index
    %get3A_0 = arith.constant 0 : index
    %get3A_1 = vector.load %arg1[%get3A, %get3A_0] : memref<1000x128xf32, #tpu.memory_space<vmem>>, vector<1000x128xf32>
    %get3A_2 = arith.constant 0 : index
    %get3A_3 = arith.constant 0 : index
    %get3A_4 = arith.constant 0 : index
    %get3A_5 = vector.load %arg2[%get3A_2, %get3A_3, %get3A_4] : memref<1x1000x128xf32, #tpu.memory_space<vmem>>, vector<1x1000x1xf32>
    %get3A_6 = vector.shape_cast %get3A_5 : vector<1x1000x1xf32> to vector<1000x1xf32>
    %get3A_7 = arith.constant 0 : index
    %get3A_8 = arith.constant 0 : index
    %get3A_9 = arith.constant 0 : index
    %get3A_10 = vector.load %arg3[%get3A_7, %get3A_8, %get3A_9] : memref<1x1000x128xf32, #tpu.memory_space<vmem>>, vector<1x1000x1xf32>
    %get3A_11 = vector.shape_cast %get3A_10 : vector<1x1000x1xf32> to vector<1000x1xf32>
    %add3A = arith.addf %get3A_6, %get3A_11 : vector<1000x1xf32>
    %add3A_12 = arith.constant 1.000000e+00 : f32
    %add3A_13 = vector.broadcast %add3A_12 : f32 to vector<1000x1xf32>
    %add3A_14 = arith.addf %add3A, %add3A_13 : vector<1000x1xf32>
    %rsqrt3A = math.rsqrt %add3A_14 : vector<1000x1xf32>
    %mul3A = vector.broadcast %rsqrt3A : vector<1000x1xf32> to vector<1000x128xf32>
    %mul3A_15 = arith.mulf %get3A_1, %mul3A : vector<1000x128xf32>
    %swap3A = arith.constant 0 : index
    %swap3A_16 = arith.constant 0 : index
    %swap3A_17 = vector.load %arg4[%swap3A, %swap3A_16] : memref<1000x128xf32, #tpu.memory_space<vmem>>, vector<1000x128xf32>
    tpu.vector_store %arg4[%swap3A, %swap3A_16], %mul3A_15 {strides = array<i32>} : memref<1000x128xf32, #tpu.memory_space<vmem>>, vector<1000x128xf32>,
    return
  }
  func.func @transform_0(%arg0: i32) -> (i32, i32) {
    %c0_i32 = arith.constant 0 : i32
    %c0_i32_0 = arith.constant 0 : i32
    return %arg0, %c0_i32 : i32, i32
  }
  func.func @transform_1(%arg0: i32) -> (i32, i32, i32) {
    %c0_i32 = arith.constant 0 : i32
    %c0_i32_0 = arith.constant 0 : i32
    %c0_i32_1 = arith.constant 0 : i32
    return %c0_i32, %arg0, %c0_i32_0 : i32, i32, i32
  }
  func.func @transform_2(%arg0: i32) -> (i32, i32, i32) {
    %c1_i32 = arith.constant 1 : i32
    %c0_i32 = arith.constant 0 : i32
    %c0_i32_0 = arith.constant 0 : i32
    return %c1_i32, %arg0, %c0_i32 : i32, i32, i32
  }
  func.func @transform_3(%arg0: i32) -> (i32, i32) {
    %c0_i32 = arith.constant 0 : i32
    %c0_i32_0 = arith.constant 0 : i32
    return %arg0, %c0_i32 : i32, i32
  }
}

module attributes {stable_mosaic.version = 14 : i64} {
  func.func @_t2_body(%arg0: i32, %arg1: memref<1x1000x128xf32, #tpu.memory_space<vmem>>, %arg2: memref<1x1000x128xf32, #tpu.memory_space<vmem>>, %arg3: memref<1000x128xf32, #tpu.memory_space<vmem>>, %arg4: memref<1x1000x128xf32, #tpu.memory_space<vmem>>, %arg5: memref<1x1000x128xf32, #tpu.memory_space<vmem>>, %arg6: memref<1x128xf32, #tpu.memory_space<vmem>>, %arg7: memref<128x128xf32, #tpu.memory_space<vmem>>, %arg8: memref<1000x128xf32, #tpu.memory_space<vmem>>) attributes {dimension_semantics = [#tpu.dimension_semantics<arbitrary>], iteration_bounds = array<i64: 10>, scalar_prefetch = 0 : i64, scratch_operands = 0 : i64, tpu.core_type = #tpu.core_type<tc>, window_params = [{transform_indices = @transform_0, window_bounds = array<i64: 1, 1000, 128>}, {transform_indices = @transform_1, window_bounds = array<i64: 1, 1000, 128>}, {transform_indices = @transform_2, window_bounds = array<i64: 1000, 128>}, {transform_indices = @transform_3, window_bounds = array<i64: 1, 1000, 128>}, {transform_indices = @transform_4, window_bounds = array<i64: 1, 1000, 128>}, {pipeline_mode = #tpu.pipeline_mode<synchronous>, transform_indices = @transform_5, window_bounds = array<i64: 1, 128>}, {pipeline_mode = #tpu.pipeline_mode<synchronous>, transform_indices = @transform_6, window_bounds = array<i64: 128, 128>}, {transform_indices = @transform_7, window_bounds = array<i64: 1000, 128>}]} {
    %get3A = arith.constant 0 : index
    %get3A_0 = arith.constant 0 : index
    %get3A_1 = arith.constant 0 : index
    %get3A_2 = vector.load %arg4[%get3A, %get3A_0, %get3A_1] : memref<1x1000x128xf32, #tpu.memory_space<vmem>>, vector<1x1000x1xf32>
    %get3A_3 = vector.shape_cast %get3A_2 : vector<1x1000x1xf32> to vector<1000x1xf32>
    %get3A_4 = arith.constant 0 : index
    %get3A_5 = arith.constant 0 : index
    %get3A_6 = arith.constant 0 : index
    %get3A_7 = vector.load %arg5[%get3A_4, %get3A_5, %get3A_6] : memref<1x1000x128xf32, #tpu.memory_space<vmem>>, vector<1x1000x1xf32>
    %get3A_8 = vector.shape_cast %get3A_7 : vector<1x1000x1xf32> to vector<1000x1xf32>
    %add3A = arith.addf %get3A_3, %get3A_8 : vector<1000x1xf32>
    %add3A_9 = arith.constant 1.000000e+00 : f32
    %add3A_10 = vector.broadcast %add3A_9 : f32 to vector<1000x1xf32>
    %add3A_11 = arith.addf %add3A, %add3A_10 : vector<1000x1xf32>
    %rsqrt3A = math.rsqrt %add3A_11 : vector<1000x1xf32>
    %get3A_12 = arith.constant 0 : index
    %get3A_13 = arith.constant 0 : index
    %get3A_14 = arith.constant 0 : index
    %get3A_15 = vector.load %arg1[%get3A_12, %get3A_13, %get3A_14] : memref<1x1000x128xf32, #tpu.memory_space<vmem>>, vector<1x1000x128xf32>
    %get3A_16 = vector.shape_cast %get3A_15 : vector<1x1000x128xf32> to vector<1000x128xf32>
    %get3A_17 = arith.constant 0 : index
    %get3A_18 = arith.constant 0 : index
    %get3A_19 = arith.constant 0 : index
    %get3A_20 = vector.load %arg2[%get3A_17, %get3A_18, %get3A_19] : memref<1x1000x128xf32, #tpu.memory_space<vmem>>, vector<1x1000x128xf32>
    %get3A_21 = vector.shape_cast %get3A_20 : vector<1x1000x128xf32> to vector<1000x128xf32>
    %add3A_22 = arith.addf %get3A_16, %get3A_21 : vector<1000x128xf32>
    %get3A_23 = arith.constant 0 : index
    %get3A_24 = arith.constant 0 : index
    %get3A_25 = vector.load %arg3[%get3A_23, %get3A_24] : memref<1000x128xf32, #tpu.memory_space<vmem>>, vector<1000x128xf32>
    %add3A_26 = arith.addf %add3A_22, %get3A_25 : vector<1000x128xf32>
    %mul3A = vector.broadcast %rsqrt3A : vector<1000x1xf32> to vector<1000x128xf32>
    %mul3A_27 = arith.mulf %add3A_26, %mul3A : vector<1000x128xf32>
    %get3A_28 = arith.constant 0 : index
    %get3A_29 = arith.constant 0 : index
    %get3A_30 = vector.load %arg6[%get3A_28, %get3A_29] : memref<1x128xf32, #tpu.memory_space<vmem>>, vector<1x128xf32>
    %add3A_31 = vector.broadcast %get3A_30 : vector<1x128xf32> to vector<1000x128xf32>
    %add3A_32 = arith.addf %mul3A_27, %add3A_31 : vector<1000x128xf32>
    %max3A = arith.constant 0.000000e+00 : f32
    %max3A_33 = vector.broadcast %max3A : f32 to vector<1000x128xf32>
    %max3A_34 = arith.maximumf %add3A_32, %max3A_33 : vector<1000x128xf32>
    %get3A_35 = arith.constant 0 : index
    %get3A_36 = arith.constant 0 : index
    %get3A_37 = vector.load %arg7[%get3A_35, %get3A_36] : memref<128x128xf32, #tpu.memory_space<vmem>>, vector<128x128xf32>
    %dot_general3A = arith.constant dense<0.000000e+00> : vector<1000x128xf32>
    %dot_general3A_38 = tpu.matmul %max3A_34, %get3A_37, %dot_general3A {dimension_numbers = #tpu.dot_dimension_numbers<[1], [0], [0], [1], [0, 0, 1, 1], [], []>, precision = #tpu.contract_precision<fp32>, transpose_lhs_hint = false} : vector<1000x128xf32>, vector<128x128xf32>, vector<1000x128xf32> -> vector<1000x128xf32>
    %mul3A_39 = vector.broadcast %rsqrt3A : vector<1000x1xf32> to vector<1000x128xf32>
    %mul3A_40 = arith.mulf %dot_general3A_38, %mul3A_39 : vector<1000x128xf32>
    %swap3A = arith.constant 0 : index
    %swap3A_41 = arith.constant 0 : index
    %swap3A_42 = vector.load %arg8[%swap3A, %swap3A_41] : memref<1000x128xf32, #tpu.memory_space<vmem>>, vector<1000x128xf32>
    tpu.vector_store %arg8[%swap3A, %swap3A_41], %mul3A_40 {strides = array<i32>} : memref<1000x128xf32, #tpu.memory_space<vmem>>, vector<1000x128xf32>,
    return
  }
  func.func @transform_0(%arg0: i32) -> (i32, i32, i32) {
    %c0_i32 = arith.constant 0 : i32
    %c0_i32_0 = arith.constant 0 : i32
    %c0_i32_1 = arith.constant 0 : i32
    return %c0_i32, %arg0, %c0_i32_0 : i32, i32, i32
  }
  func.func @transform_1(%arg0: i32) -> (i32, i32, i32) {
    %c1_i32 = arith.constant 1 : i32
    %c0_i32 = arith.constant 0 : i32
    %c0_i32_0 = arith.constant 0 : i32
    return %c1_i32, %arg0, %c0_i32 : i32, i32, i32
  }
  func.func @transform_2(%arg0: i32) -> (i32, i32) {
    %c0_i32 = arith.constant 0 : i32
    %c0_i32_0 = arith.constant 0 : i32
    return %arg0, %c0_i32 : i32, i32
  }
  func.func @transform_3(%arg0: i32) -> (i32, i32, i32) {
    %c0_i32 = arith.constant 0 : i32
    %c0_i32_0 = arith.constant 0 : i32
    %c0_i32_1 = arith.constant 0 : i32
    return %c0_i32, %arg0, %c0_i32_0 : i32, i32, i32
  }
  func.func @transform_4(%arg0: i32) -> (i32, i32, i32) {
    %c1_i32 = arith.constant 1 : i32
    %c0_i32 = arith.constant 0 : i32
    %c0_i32_0 = arith.constant 0 : i32
    return %c1_i32, %arg0, %c0_i32 : i32, i32, i32
  }
  func.func @transform_5(%arg0: i32) -> (i32, i32) {
    %c0_i32 = arith.constant 0 : i32
    %c0_i32_0 = arith.constant 0 : i32
    %c0_i32_1 = arith.constant 0 : i32
    return %c0_i32, %c0_i32_0 : i32, i32
  }
  func.func @transform_6(%arg0: i32) -> (i32, i32) {
    %c0_i32 = arith.constant 0 : i32
    %c0_i32_0 = arith.constant 0 : i32
    %c0_i32_1 = arith.constant 0 : i32
    return %c0_i32, %c0_i32_0 : i32, i32
  }
  func.func @transform_7(%arg0: i32) -> (i32, i32) {
    %c0_i32 = arith.constant 0 : i32
    %c0_i32_0 = arith.constant 0 : i32
    return %arg0, %c0_i32 : i32, i32
  }
}

module attributes {stable_mosaic.version = 14 : i64} {
  func.func @_t3_body(%arg0: i32, %arg1: memref<1x1000x128xf32, #tpu.memory_space<vmem>>, %arg2: memref<1x1000x128xf32, #tpu.memory_space<vmem>>, %arg3: memref<1000x128xf32, #tpu.memory_space<vmem>>, %arg4: memref<1x1000x128xf32, #tpu.memory_space<vmem>>, %arg5: memref<1x1000x128xf32, #tpu.memory_space<vmem>>, %arg6: memref<1x128xf32, #tpu.memory_space<vmem>>, %arg7: memref<1000x128xf32, #tpu.memory_space<vmem>>) attributes {dimension_semantics = [#tpu.dimension_semantics<arbitrary>], iteration_bounds = array<i64: 10>, scalar_prefetch = 0 : i64, scratch_operands = 0 : i64, tpu.core_type = #tpu.core_type<tc>, window_params = [{transform_indices = @transform_0, window_bounds = array<i64: 1, 1000, 128>}, {transform_indices = @transform_1, window_bounds = array<i64: 1, 1000, 128>}, {transform_indices = @transform_2, window_bounds = array<i64: 1000, 128>}, {transform_indices = @transform_3, window_bounds = array<i64: 1, 1000, 128>}, {transform_indices = @transform_4, window_bounds = array<i64: 1, 1000, 128>}, {pipeline_mode = #tpu.pipeline_mode<synchronous>, transform_indices = @transform_5, window_bounds = array<i64: 1, 128>}, {transform_indices = @transform_6, window_bounds = array<i64: 1000, 128>}]} {
    %get3A = arith.constant 0 : index
    %get3A_0 = arith.constant 0 : index
    %get3A_1 = arith.constant 0 : index
    %get3A_2 = vector.load %arg4[%get3A, %get3A_0, %get3A_1] : memref<1x1000x128xf32, #tpu.memory_space<vmem>>, vector<1x1000x1xf32>
    %get3A_3 = vector.shape_cast %get3A_2 : vector<1x1000x1xf32> to vector<1000x1xf32>
    %get3A_4 = arith.constant 0 : index
    %get3A_5 = arith.constant 0 : index
    %get3A_6 = arith.constant 0 : index
    %get3A_7 = vector.load %arg5[%get3A_4, %get3A_5, %get3A_6] : memref<1x1000x128xf32, #tpu.memory_space<vmem>>, vector<1x1000x1xf32>
    %get3A_8 = vector.shape_cast %get3A_7 : vector<1x1000x1xf32> to vector<1000x1xf32>
    %add3A = arith.addf %get3A_3, %get3A_8 : vector<1000x1xf32>
    %add3A_9 = arith.constant 1.000000e+00 : f32
    %add3A_10 = vector.broadcast %add3A_9 : f32 to vector<1000x1xf32>
    %add3A_11 = arith.addf %add3A, %add3A_10 : vector<1000x1xf32>
    %rsqrt3A = math.rsqrt %add3A_11 : vector<1000x1xf32>
    %get3A_12 = arith.constant 0 : index
    %get3A_13 = arith.constant 0 : index
    %get3A_14 = arith.constant 0 : index
    %get3A_15 = vector.load %arg1[%get3A_12, %get3A_13, %get3A_14] : memref<1x1000x128xf32, #tpu.memory_space<vmem>>, vector<1x1000x128xf32>
    %get3A_16 = vector.shape_cast %get3A_15 : vector<1x1000x128xf32> to vector<1000x128xf32>
    %get3A_17 = arith.constant 0 : index
    %get3A_18 = arith.constant 0 : index
    %get3A_19 = arith.constant 0 : index
    %get3A_20 = vector.load %arg2[%get3A_17, %get3A_18, %get3A_19] : memref<1x1000x128xf32, #tpu.memory_space<vmem>>, vector<1x1000x128xf32>
    %get3A_21 = vector.shape_cast %get3A_20 : vector<1x1000x128xf32> to vector<1000x128xf32>
    %add3A_22 = arith.addf %get3A_16, %get3A_21 : vector<1000x128xf32>
    %get3A_23 = arith.constant 0 : index
    %get3A_24 = arith.constant 0 : index
    %get3A_25 = vector.load %arg3[%get3A_23, %get3A_24] : memref<1000x128xf32, #tpu.memory_space<vmem>>, vector<1000x128xf32>
    %add3A_26 = arith.addf %add3A_22, %get3A_25 : vector<1000x128xf32>
    %mul3A = vector.broadcast %rsqrt3A : vector<1000x1xf32> to vector<1000x128xf32>
    %mul3A_27 = arith.mulf %add3A_26, %mul3A : vector<1000x128xf32>
    %get3A_28 = arith.constant 0 : index
    %get3A_29 = arith.constant 0 : index
    %get3A_30 = vector.load %arg6[%get3A_28, %get3A_29] : memref<1x128xf32, #tpu.memory_space<vmem>>, vector<1x128xf32>
    %add3A_31 = vector.broadcast %get3A_30 : vector<1x128xf32> to vector<1000x128xf32>
    %add3A_32 = arith.addf %mul3A_27, %add3A_31 : vector<1000x128xf32>
    %swap3A = arith.constant 0 : index
    %swap3A_33 = arith.constant 0 : index
    %swap3A_34 = vector.load %arg7[%swap3A, %swap3A_33] : memref<1000x128xf32, #tpu.memory_space<vmem>>, vector<1000x128xf32>
    tpu.vector_store %arg7[%swap3A, %swap3A_33], %add3A_32 {strides = array<i32>} : memref<1000x128xf32, #tpu.memory_space<vmem>>, vector<1000x128xf32>,
    return
  }
  func.func @transform_0(%arg0: i32) -> (i32, i32, i32) {
    %c0_i32 = arith.constant 0 : i32
    %c0_i32_0 = arith.constant 0 : i32
    %c0_i32_1 = arith.constant 0 : i32
    return %c0_i32, %arg0, %c0_i32_0 : i32, i32, i32
  }
  func.func @transform_1(%arg0: i32) -> (i32, i32, i32) {
    %c1_i32 = arith.constant 1 : i32
    %c0_i32 = arith.constant 0 : i32
    %c0_i32_0 = arith.constant 0 : i32
    return %c1_i32, %arg0, %c0_i32 : i32, i32, i32
  }
  func.func @transform_2(%arg0: i32) -> (i32, i32) {
    %c0_i32 = arith.constant 0 : i32
    %c0_i32_0 = arith.constant 0 : i32
    return %arg0, %c0_i32 : i32, i32
  }
  func.func @transform_3(%arg0: i32) -> (i32, i32, i32) {
    %c0_i32 = arith.constant 0 : i32
    %c0_i32_0 = arith.constant 0 : i32
    %c0_i32_1 = arith.constant 0 : i32
    return %c0_i32, %arg0, %c0_i32_0 : i32, i32, i32
  }
  func.func @transform_4(%arg0: i32) -> (i32, i32, i32) {
    %c1_i32 = arith.constant 1 : i32
    %c0_i32 = arith.constant 0 : i32
    %c0_i32_0 = arith.constant 0 : i32
    return %c1_i32, %arg0, %c0_i32 : i32, i32, i32
  }
  func.func @transform_5(%arg0: i32) -> (i32, i32) {
    %c0_i32 = arith.constant 0 : i32
    %c0_i32_0 = arith.constant 0 : i32
    %c0_i32_1 = arith.constant 0 : i32
    return %c0_i32, %c0_i32_0 : i32, i32
  }
  func.func @transform_6(%arg0: i32) -> (i32, i32) {
    %c0_i32 = arith.constant 0 : i32
    %c0_i32_0 = arith.constant 0 : i32
    return %arg0, %c0_i32 : i32, i32
  }
}

</mosaic_0001>

<sc_bundles>
// kernel: kernel.11.cloned.1.call-start
scs
__scs_entry_jumppad:
0x0: {  	(pc) =	sbr.rel $0x88, $3  }
0x1: {  	(tag) =	ssettag $0x0;
	lr =	simm.s32 $0x1  }
0x2: {  	[smem:$0x3F99] =	sst lr;
	_ =	strace $0xD0000000  }
0x3: {  	_ = 	snop  }
0x4: {  	_ = 	snop  }
0x5: {  	_ = 	snop  }
0x6: {  	_ = 	snop  }
0x7: {  	_ = 	snop  }
__scs_overlays_trampoline_lowered:
0x8: {  	[smem:$0x3FA8] =	sst s0  }
0x9: {  	[smem:$0x3FA9] =	sst s1  }
0xa: {  	[smem:$0x3FAA] =	sst s2  }
0xb: {  	[smem:$0x3FAB] =	sst s3  }
0xc: {  	[smem:$0x3FAC] =	sst s4  }
0xd: {  	[smem:$0x3FAD] =	sst s5  }
0xe: {  	[smem:$0x3FAE] =	sst s6  }
0xf: {  	[smem:$0x3FAF] =	sst s7  }
0x10: {  	[smem:$0x3FB0] =	sst s8  }
0x11: {  	[smem:$0x3FB1] =	sst s9;
	s0 =	simm.s32 @!p0 $0x0  }
0x12: {  	s1 =	sld [smem:$0x3F97];
	s0 =	simm.s32 @p0 $0x1  }
0x13: {  	[smem:$0x3FB2] =	sst s0;
	s0 =	simm.s32 @!p1 $0x0  }
0x14: {  	s2 =	sld [smem:$0x3F96];
	s0 =	simm.s32 @p1 $0x1  }
0x15: {  	[smem:$0x3FB3] =	sst s0;
	s0 =	simm.s32 @!p2 $0x0  }
0x16: {  	s3 =	sld [smem:$0x3FDB];
	s0 =	simm.s32 @p2 $0x1  }
0x17: {  	s4 =	simm.s32 $0x1BF5;
	[smem:$0x3FB5] =	sst s0  }
0x18: {  	s0 =	sld [smem:$0x3F98];
	_ =	swait.ge [sflag:s4], $0x0  }
0x19: {  	s7 =	sld [smem:$0x3F99]  }
0x1a: {  	s8 =	sadd.s32 $0xFFFFE003, lr  }
0x1b: {  	s9 =	sadd.s32 $0xFFFFFEF7, lr;
	s5 =	simm.s32 $0xFFFFFFFF;
	p2 =	slt.u32 s8, $0xFFFFF086  }
0x1c: {  	p1 =	slt.u32 s9, $0xF7A;
	s5 =	simm.s32 @!p2 $0x0  }
0x1d: {  	s5 =	simm.s32 @p1 $0x1;
	p0 =	seq.s32 s7, s2  }
0x1e: {  	s7 =	smul.u32 @!p0 $0xF7A, s2;
	p2 =	seq.s32 @!p0 s5, $0x0  }
0x1f: {  	s9 =	smul.u32 $0xF7A, s1;
	s8 =	simm.s32 @!p0 $0x1BF5;
	p2 =	por !p2, p0  }
0x20: {  	[sflag:s8] =	ssyncset.s32 @!p0 $0xFFFFF086;
	s6 =	sadd.s32 @!p0 s3, s7;
	s7 =	simm.s32 @!p0 $0x108  }
0x21: {  	s3 =	sadd.s32 s3, s9;
	s6 =	sadd.s32 @!p0 $0x88, s6;
	s7 =	simm.s32 @p2 $0x1082  }
0x22: {  	[simem:s7], [sflag:s8] =	dma.local @!p0 [hbm:s6], $0xF7A  }
0x23: {  	s9 =	sor.u32 $0xD0000000, s2;
	s6 =	simm.s32 $0x108;
	_ =	swait.ge @!p0 [sflag:s8], $0x0  }
0x24: {  	s3 =	sadd.s32 $0x88, s3;
	s6 =	simm.s32 @!p1 $0x1082;
	[sflag:s4] =	ssyncset.s32 $0xFFFFF086  }
0x25: {  	[simem:s6], [sflag:s4] =	dma.local [hbm:s3], $0xF7A  }
0x26: {  	[smem:$0x3F99] =	sst s1;
	(tag) =	ssettag s2;
	_ =	strace s9  }
0x27: {  	s1 =	sld [smem:$0x3FA9]  }
0x28: {  	s2 =	sld [smem:$0x3FAA]  }
0x29: {  	s4 =	sld [smem:$0x3FAC]  }
0x2a: {  	p0 =	seq.s32 s5, $0x0;
	s5 =	sld [smem:$0x3FAD]  }
0x2b: {  	s6 =	sld [smem:$0x3FAE]  }
0x2c: {  	s7 =	sld [smem:$0x3FAF]  }
0x2d: {  	s3 =	simm.s32 $0x108;
	s8 =	sld [smem:$0x3FB0]  }
0x2e: {  	s3 =	simm.s32 @!p0 $0x1082;
	s9 =	sld [smem:$0x3FB1]  }
0x2f: {  	lr =	sadd.s32 s0, s3;
	s0 =	sld [smem:$0x3FA8]  }
0x30: {  	s3 =	sld [smem:$0x3FAB]  }
0x31: {  	[smem:$0x3FB4] =	sst s10  }
0x32: {  	s10 =	sld [smem:$0x3FB2];
	_ =	sdelay $0x3  }
0x33: {  	p0 =	seq.s32 s10, $0x1;
	s10 =	sld [smem:$0x3FB4];
	_ =	sdelay $0x3  }
0x34: {  	[smem:$0x3FB4] =	sst s10  }
0x35: {  	s10 =	sld [smem:$0x3FB3];
	_ =	sdelay $0x3  }
0x36: {  	p1 =	seq.s32 s10, $0x1;
	s10 =	sld [smem:$0x3FB4];
	_ =	sdelay $0x3  }
0x37: {  	[smem:$0x3FB4] =	sst s10  }
0x38: {  	s10 =	sld [smem:$0x3FB5]  }
0x39: {  	_ = 	snop;
	(pc) =	sbr.ind lr, $3  }
0x3a: {  	_ = 	snop  }
0x3b: {  	_ = 	snop  }
0x3c: {  	p2 =	seq.s32 s10, $0x1;
	s10 =	sld [smem:$0x3FB4]  }
0x3d: {  	_ =	shalt  }
0x3e: {  	_ =	shalt  }
0x3f: {  	_ =	shalt  }
0x40: {  	_ =	shalt  }
0x41: {  	_ =	shalt  }
0x42: {  	_ =	shalt  }
0x43: {  	_ =	shalt  }
0x44: {  	_ =	shalt  }
0x45: {  	_ =	shalt  }
0x46: {  	_ =	shalt  }
0x47: {  	_ =	shalt  }
0x48: {  	_ =	shalt  }
0x49: {  	_ =	shalt  }
0x4a: {  	_ =	shalt  }
0x4b: {  	_ =	shalt  }
0x4c: {  	_ =	shalt  }
0x4d: {  	_ =	shalt  }
0x4e: {  	_ =	shalt  }
0x4f: {  	_ =	shalt  }
0x50: {  	_ =	shalt  }
0x51: {  	_ =	shalt  }
0x52: {  	_ =	shalt  }
0x53: {  	_ =	shalt  }
0x54: {  	_ =	shalt  }
0x55: {  	_ =	shalt  }
0x56: {  	_ =	shalt  }
0x57: {  	_ =	shalt  }
0x58: {  	_ =	shalt  }
0x59: {  	_ =	shalt  }
0x5a: {  	_ =	shalt  }
0x5b: {  	_ =	shalt  }
0x5c: {  	_ =	shalt  }
0x5d: {  	_ =	shalt  }
0x5e: {  	_ =	shalt  }
0x5f: {  	_ =	shalt  }
0x60: {  	_ =	shalt  }
0x61: {  	_ =	shalt  }
0x62: {  	_ =	shalt  }
0x63: {  	_ =	shalt  }
0x64: {  	_ =	shalt  }
0x65: {  	_ =	shalt  }
0x66: {  	_ =	shalt  }
0x67: {  	_ =	shalt  }
0x68: {  	_ =	shalt  }
0x69: {  	_ =	shalt  }
0x6a: {  	_ =	shalt  }
0x6b: {  	_ =	shalt  }
0x6c: {  	_ =	shalt  }
0x6d: {  	_ =	shalt  }
0x6e: {  	_ =	shalt  }
0x6f: {  	_ =	shalt  }
0x70: {  	_ =	shalt  }
0x71: {  	_ =	shalt  }
0x72: {  	_ =	shalt  }
0x73: {  	_ =	shalt  }
0x74: {  	_ =	shalt  }
0x75: {  	_ =	shalt  }
0x76: {  	_ =	shalt  }
0x77: {  	_ =	shalt  }
0x78: {  	_ =	shalt  }
0x79: {  	_ =	shalt  }
0x7a: {  	_ =	shalt  }
0x7b: {  	_ =	shalt  }
0x7c: {  	_ =	shalt  }
0x7d: {  	_ =	shalt  }
0x7e: {  	_ =	shalt  }
0x7f: {  	_ =	shalt  }
0x80: {  	_ =	shalt  }
0x81: {  	_ =	shalt  }
0x82: {  	_ =	shalt  }
0x83: {  	_ =	shalt  }
0x84: {  	_ =	shalt  }
0x85: {  	_ =	shalt  }
0x86: {  	_ =	shalt  }
0x87: {  	_ =	shalt  }
.Lfunc_end0:
.L_simem_size_0:
called_computation_lowered:
.L_overlay_start_0:
0x88: {  	s2 =	sld [smem:$0x3FD9]  }
0x89: {  	s3 =	sld [smem:$0x3FFE];
	_ =	sdelay $0x1  }
0x8a: {  	s1 =	srdreg.scid  }
0x8b: {  	s0 =	sand.u32 $0x1, s1  }
0x8c: {  	s17 =	sshll.u32 s0, $0xA;
	s2 =	sadd.s32 s3, s2  }
0x8d: {  	s2 =	sadd.s32 s2, s17  }
0x8e: {  	[smem:$0x3FC0] =	sst s2  }
0x8f: {  	_ = 	snop  }
0x90: {  	s2 =	sld [smem:$0x3FD0];
	(tm) =	ssettm $0x1  }
0x91: {  	s18 =	sld [smem:$0x3FFB];
	_ =	sdelay $0x3  }
0x92: {  	_ =	strace s18  }
0x93: {  	s3 =	sld [smem:$0x3FFC];
	_ =	sdelay $0x3  }
0x94: {  	_ =	strace s3  }
0x95: {  	s3 =	sld [smem:$0x3FFD];
	_ =	sdelay $0x3  }
0x96: {  	_ =	strace s3  }
0x97: {  	_ =	strace $0x8FFFFFFF  }
0x98: {  	s19 =	sld [smem:$0x3FDB];
	_ =	sdelay $0x1  }
0x99: {  	s4 =	simm.s32 $_scs_section_size  }
0x9a: {  	s5 =	simm.s32 $_size__tile_overlayer_lowered;
	s6 =	simm.s32 $_tile_overlayer_lowered  }
0x9b: {  	s22 =	simm.s32 $0x1BFF;
	s21 =	sshll.u32 s6, $0x1;
	s3 =	sadd.s32 s4, s19  }
0x9c: {  	s7 =	simm.s32 $0x0;
	s20 =	sshll.u32 s5, $0x1;
	s5 =	sadd.s32 s21, s3  }
0x9d: {  	[timem:s7], [sflag:s22] =	dma.local [hbm:s5], s20  }
0x9e: {  	_ =	swait.ge [sflag:s22], s20  }
0x9f: {  	s4 =	ssub.s32 $0x0, s20;
	[sflag:s22] =	ssyncset.done $0x0  }
0xa0: {  	[sflag:s22] =	ssyncadd.s32 s4;
	_ =	sdelay $0x1  }
0xa1: {  	s23 =	simm.s32 $0x1B8B  }
0xa2: {  	_ =	swait.ge [sflag:s23], $0x1  }
0xa3: {  	[sflag:s23] =	ssyncset.done $0x0  }
0xa4: {  	s25 =	simm.s32 $0x1B8E;
	s24 =	sld [smem:$0x3FFE];
	[sflag:s23] =	ssyncadd.s32 $0xFFFFFFFF  }
0xa5: {  	s26 =	simm.s32 $execute0_lowered;
	[smem:$0x3FD2] =	sst s25  }
0xa6: {  	s5 =	sshll.u32 s26, $0x1;
	_ =	strace $0x80000046;
	[dreg:$0x1] =	wrdreg $0xFFFFFFFF  }
0xa7: {  	s28 =	simm.s32 $_size_execute0_lowered;
	s3 =	sadd.s32 s3, s5;
	[dreg:$0x0] =	wrdreg $0x0  }
0xa8: {  	s5 =	sshll.u32 s28, $0x1;
	[dreg:$0x2] =	wrdreg s3  }
0xa9: {  	[dreg:$0x3] =	wrdreg s5  }
0xaa: {  	[dreg:$0x4] =	wrdreg $0xC0  }
0xab: {  	_ =	task [dreg:s7], $0x5FFFF  }
0xac: {  	[dreg:$0x1] =	wrdreg $0xFFFFFFFF  }
0xad: {  	[dreg:$0x0] =	wrdreg $0x60  }
0xae: {  	[dreg:$0x2] =	wrdreg s24  }
0xaf: {  	[dreg:$0x3] =	wrdreg s2  }
0xb0: {  	[dreg:$0x4] =	wrdreg $0x66000  }
0xb1: {  	[dreg:$0x5] =	wrdreg $0x9  }
0xb2: {  	_ =	task.clear_ibuf [dreg:s7], $0x6FFFF;
	_ =	strace $0x90000046  }
0xb3: {  	s29 =	simm.s32 $0x9;
	_ =	strace $0x80000048  }
0xb4: {  	_ =	swait.ge [sflag:s29], $0x1  }
0xb5: {  	[sflag:s29] =	ssyncadd.s32 $0xFFFFFFFF  }
0xb6: {  	_ =	strace $0x90000048  }
0xb7: {  	_ =	sfence  }
0xb8: {  	s30 =	sld [smem:$0x0];
	_ =	sdelay $0x2  }
0xb9: {  	s31 =	sshll.u32 s1, $0xD;
	s1 =	sshrl.u32 s1, $0x2  }
0xba: {  	s3 =	sand.u32 $0x4000, s31;
	s1 =	sadd.s32 s1, s30  }
0xbb: {  	s0 =	sor.u32 s3, s0;
	s1 =	sshll.u32 s1, $0x11  }
0xbc: {  	s0 =	sor.u32 s1, s0  }
0xbd: {  	s0 =	sadd.s32 $0x8F2B, s0  }
0xbe: {  	[sflag:s0] =	ssyncadd.remote.s32 $0x1  }
0xbf: {  	_ =	sfence.sel $0xFFFF  }
0xc0: {  	[dreg:$0x0] =	wrdreg $0xFFFFFFFF;
	(pc) =	sbr.abs _section_cstart, $3  }
0xc1: {  	[dreg:$0x1] =	wrdreg $0xFFFFFFFF  }
0xc2: {  	_ =	task.clear_ibuf [dreg:s7], $0x2FFFF;
	_ =	strace $0x9FFFFFFF  }
0xc3: {  	(tm) =	ssettm $0x7FFFFFFF  }
tec
execute0_lowered:
.L_overlay_start_1:
0x0: {  	(tag) =	ssettag $0x1  }
0x1: {  	s6 =	rddreg [dreg:$0x0]  }
0x2: {  	s2 =	rddreg [dreg:$0x1]  }
0x3: {  	s0 =	srdreg.scid;
	s3 =	rddreg [dreg:$0x2]  }
0x4: {  	s4 =	simm.s32 $0x0;
	s13 =	simm.s32 $0x58;
	s5 =	sand.u32 $0x1, s0  }
0x5: {  	s14 =	simm.s32 $0x1;
	s0 =	stileid.u32;
	s8 =	smul.u32 $0x13C000, s5  }
0x6: {  	s15 =	simm.s32 $0x0;
	[smem:$0x7FF] =	sst s4;
	s9 =	smul.u32 $0x13C00, s0  }
0x7: {  	s1 =	sshll.u32 s5, $0x4;
	s30 =	ssub.s32 $0x2, s5;
	s10 =	smul.u32 $0x4F000, s0  }
0x8: {  	s5 =	sadd.s32 $0x11800, s6;
	s31 =	sshll.u32 s0, $0x6;
	s1 =	sor.u32 s0, s1  }
0x9: {  	s11 =	sshrl.u32 s30, $0x1;
	s7 =	smul.u32 $0x740, s1;
	s1 =	rddreg [dreg:$0x3]  }
0xa: {  	_ =	strace $0x80000047;
	s8 =	sadd.s32 s9, s8;
	s9 =	ssub.s32 s30, s11  }
0xb: {  	s10 =	sshrl.u32 s10, $0x2;
	s11 =	sor.u32 $0x1C02, s31;
	s8 =	sshrl.u32 s8, $0x3  }
0xc: {  	s12 =	sadd.s32 s10, s3;
	s10 =	simm.s32 $0x3A00;
	s7 =	sadd.s32 s7, s6  }
0xd: {  	s8 =	sadd.s32 s8, s6;
	s12 =	sshrl.u32 s12, $0x3;
	s6 =	sadd.s32 $0x3000, s7  }
0xe: {  	s7 =	sadd.s32 $0x14000, s8;
	s8 =	smax.u32 s9, $0x1;
	s9 =	simm.s32 $0x2  }
.LBB2_1:
0xf: {  	[tilespmem:s4], [sflag:$0x2] =	stream.linear.gather [hbm4b:s6+s4], $0x3A00, $0x38;
	[tilespmem:$0x1A200] =	vst v63  }
0x10: {  	_ =	swait.ge [sflag:s9], $0x3A00  }
0x11: {  	[sflag:s9] =	ssyncset.done $0x0  }
0x12: {  	[sflag:s9] =	ssyncadd.s32 $0xFFFFC600  }
0x13: {  	[tilespmem:s10], [sflag:$0x2] =	stream.linear.gather [hbm4b:s2+s4], $0x2C00, $0x38;
	[tilespmem:$0x1A200] =	vst v63  }
0x14: {  	_ =	swait.ge [sflag:s9], $0x2C00  }
0x15: {  	[sflag:s9] =	ssyncset.done $0x0  }
0x16: {  	[sflag:s9] =	ssyncadd.s32 $0xFFFFD400  }
0x17: {  	[spmem:s12], [sflag:s11] =	dma.local [hbm:s5], $0x2780  }
0x18: {  	_ =	swait.ge [sflag:s9], $0x2780  }
0x19: {  	[sflag:s9] =	ssyncset.done $0x0  }
0x1a: {  	[sflag:s9] =	ssyncadd.s32 $0xFFFFD880  }
0x1b: {  	s16 =	simm.s32 $0x0;
	[bflag:$0x0] =	sbarrier.arrive $0xFFFF  }
0x1c: {  	[spmem:s3] =	stream.indirect.scatter.add.f32 [tilespmem:s10], [sflag:$0x1], $0x80, s16, s13, $0xb8;
	[tilespmem:$0x1A200] =	vst v63  }
0x1d: {  	s30 =	simm.s32 $0x80  }
0x1e: {  	[spmem:s3] =	stream.indirect.scatter.add.f32 [tilespmem:s10], [sflag:$0x1], $0x80, s30, s13, $0xb8;
	[tilespmem:$0x1A200] =	vst v63  }
0x1f: {  	s31 =	simm.s32 $0x100;
	s17 =	simm.s32 $0x180;
	s16 =	simm.s32 $0x800  }
0x20: {  	[spmem:s3] =	stream.indirect.scatter.add.f32 [tilespmem:s10], [sflag:$0x1], $0x80, s31, s13, $0xb8;
	[tilespmem:$0x1A200] =	vst v63  }
.LBB2_2:
0x21: {  	[spmem:s3] =	stream.indirect.scatter.add.f32 [tilespmem:s10], [sflag:$0x1], $0x80, s17, s13, $0xb8;
	[tilespmem:$0x1A200] =	vst v63  }
0x22: {  	s17 =	sshra.s32 s16, $0x2;
	p0 =	sne.s32 s16, $0xE000;
	s16 =	sadd.s32 $0x800, s16  }
0x23: {  	[spmem:s3] =	stream.indirect.scatter.add.f32 [tilespmem:s10], [sflag:$0x1], $0x80, s17, s13, $0xb8;
	[tilespmem:$0x1A200] =	vst v63  }
.Ltmp0:
0x24: {  	s18 =	sadd.s32 $0x80, s17;
	(pc) =	sbr.rel @p0 .LBB2_2-.Ltmp0, $4  }
0x25: {  	[spmem:s3] =	stream.indirect.scatter.add.f32 [tilespmem:s10], [sflag:$0x1], $0x80, s18, s13, $0xb8;
	[tilespmem:$0x1A200] =	vst v63  }
0x26: {  	s18 =	sadd.s32 $0x100, s17  }
0x27: {  	[spmem:s3] =	stream.indirect.scatter.add.f32 [tilespmem:s10], [sflag:$0x1], $0x80, s18, s13, $0xb8;
	[tilespmem:$0x1A200] =	vst v63  }
0x28: {  	s17 =	sadd.s32 $0x180, s17  }
0x29: {  	[spmem:s3] =	stream.indirect.scatter.add.f32 [tilespmem:s10], [sflag:$0x1], $0x80, s17, s13, $0xb8;
	[tilespmem:$0x1A200] =	vst v63  }
0x2a: {  	_ =	swait.ge [sflag:s14], $0x2C00  }
0x2b: {  	[sflag:s14] =	ssyncset.done $0x0  }
0x2c: {  	[sflag:s14] =	ssyncadd.s32 $0xFFFFD400  }
0x2d: {  	_ =	swait.ge [sflag:s14], $0x2C00  }
0x2e: {  	[sflag:s14] =	ssyncset.done $0x0  }
0x2f: {  	[sflag:s14] =	ssyncadd.s32 $0xFFFFD400  }
0x30: {  	_ =	swait.ge [sflag:s14], $0x2C00  }
0x31: {  	[sflag:s14] =	ssyncset.done $0x0  }
0x32: {  	[sflag:s14] =	ssyncadd.s32 $0xFFFFD400  }
0x33: {  	_ =	swait.ge [sflag:s14], $0x2C00  }
0x34: {  	s16 =	simm.s32 $0x1C;
	[sflag:s14] =	ssyncset.done $0x0  }
.LBB2_4:
0x35: {  	p0 =	sne.s32 s16, $0x1;
	s16 =	sadd.s32 $0xFFFFFFFF, s16;
	[sflag:s14] =	ssyncadd.s32 $0xFFFFD400  }
0x36: {  	_ =	swait.ge [sflag:s14], $0x2C00  }
0x37: {  	[sflag:s14] =	ssyncset.done $0x0  }
0x38: {  	[sflag:s14] =	ssyncadd.s32 $0xFFFFD400  }
0x39: {  	_ =	swait.ge [sflag:s14], $0x2C00  }
0x3a: {  	[sflag:s14] =	ssyncset.done $0x0  }
0x3b: {  	[sflag:s14] =	ssyncadd.s32 $0xFFFFD400  }
.Ltmp1:
0x3c: {  	_ =	swait.ge [sflag:s14], $0x2C00;
	(pc) =	sbr.rel @p0 .LBB2_4-.Ltmp1, $4  }
0x3d: {  	[sflag:s14] =	ssyncset.done $0x0  }
0x3e: {  	[sflag:s14] =	ssyncadd.s32 $0xFFFFD400  }
0x3f: {  	_ =	swait.ge [sflag:s14], $0x2C00  }
0x40: {  	[sflag:s14] =	ssyncset.done $0x0  }
0x41: {  	s15 =	sadd.s32 $0x1, s15  }
0x42: {  	[sflag:s14] =	ssyncadd.s32 $0xFFFFD400;
	p0 =	sne.s32 s15, s8  }
.Ltmp2:
0x43: {  	[bflag:$0x0] =	sbarrier.arrive $0xFFFF;
	(pc) =	sbr.rel @p0 .LBB2_1-.Ltmp2, $4  }
0x44: {  	[hbm:s7], [sflag:s11] =	dma.local [spmem:s12], $0x2780  }
0x45: {  	_ =	swait.ge [sflag:s9], $0x2780  }
0x46: {  	[sflag:s9] =	ssyncset.done $0x0  }
0x47: {  	[sflag:s9] =	ssyncadd.s32 $0xFFFFD880  }
0x48: {  	_ =	sfence.sel $0x180000  }
0x49: {  	[bflag:$0x0] =	sbarrier.arrive $0xFFFF  }
0x4a: {  	p0 =	sne.s32 s0, $0x0;
	_ =	strace $0x90000047  }
0x4b: {  	s0 =	sadd.s32 @!p0 $0x100000, s1;
	[bflag:$0x2] =	sbarrier.arrive $0xFFFF  }
0x4c: {  	[sflag:s0] =	ssyncadd.tile.s32 @!p0 $0x1;
	_ =	shalt  }
.Lfunc_end2:
_tile_overlayer_lowered:
.L_overlay_start_2:
0x4d: {  	(tag) =	ssettag $0x2  }
0x4e: {  	s0 =	rddreg [dreg:$0x0];
	s2 =	stileid.u32  }
0x4f: {  	s1 =	rddreg [dreg:$0x1];
	p0 =	sne.s32 s2, $0x0  }
0x50: {  	s3 =	rddreg [dreg:$0x2];
	[bflag:$0x3] =	sbarrier.arrive $0xFFFF;
	s2 =	simm.s32 @!p0 $0x1C02  }
0x51: {  	[timem:s3], [sflag:s2] =	dma.local @!p0 [hbm:s0], s1  }
0x52: {  	s0 =	simm.s32 @!p0 $0x2  }
0x53: {  	_ =	swait.ge @!p0 [sflag:s0], s1  }
0x54: {  	s1 =	ssub.s32 @!p0 $0x0, s1;
	[sflag:s0] =	ssyncset.done @!p0 $0x0  }
0x55: {  	[sflag:s0] =	ssyncadd.s32 @!p0 s1  }
0x56: {  	[bflag:$0x3] =	sbarrier.arrive $0xFFFF  }
0x57: {  	_ =	shalt  }

// kernel: kernel.14.cloned.1.call-start
scs
__scs_entry_jumppad:
0x0: {  	(pc) =	sbr.rel $0x88, $3  }
0x1: {  	(tag) =	ssettag $0x0;
	lr =	simm.s32 $0x1  }
0x2: {  	[smem:$0x3F99] =	sst lr;
	_ =	strace $0xD0000000  }
0x3: {  	_ = 	snop  }
0x4: {  	_ = 	snop  }
0x5: {  	_ = 	snop  }
0x6: {  	_ = 	snop  }
0x7: {  	_ = 	snop  }
__scs_overlays_trampoline_lowered:
0x8: {  	[smem:$0x3FA8] =	sst s0  }
0x9: {  	[smem:$0x3FA9] =	sst s1  }
0xa: {  	[smem:$0x3FAA] =	sst s2  }
0xb: {  	[smem:$0x3FAB] =	sst s3  }
0xc: {  	[smem:$0x3FAC] =	sst s4  }
0xd: {  	[smem:$0x3FAD] =	sst s5  }
0xe: {  	[smem:$0x3FAE] =	sst s6  }
0xf: {  	[smem:$0x3FAF] =	sst s7  }
0x10: {  	[smem:$0x3FB0] =	sst s8  }
0x11: {  	[smem:$0x3FB1] =	sst s9;
	s0 =	simm.s32 @!p0 $0x0  }
0x12: {  	s1 =	sld [smem:$0x3F97];
	s0 =	simm.s32 @p0 $0x1  }
0x13: {  	[smem:$0x3FB2] =	sst s0;
	s0 =	simm.s32 @!p1 $0x0  }
0x14: {  	s2 =	sld [smem:$0x3F96];
	s0 =	simm.s32 @p1 $0x1  }
0x15: {  	[smem:$0x3FB3] =	sst s0;
	s0 =	simm.s32 @!p2 $0x0  }
0x16: {  	s3 =	sld [smem:$0x3FDB];
	s0 =	simm.s32 @p2 $0x1  }
0x17: {  	s4 =	simm.s32 $0x1BF5;
	[smem:$0x3FB5] =	sst s0  }
0x18: {  	s0 =	sld [smem:$0x3F98];
	_ =	swait.ge [sflag:s4], $0x0  }
0x19: {  	s7 =	sld [smem:$0x3F99]  }
0x1a: {  	s8 =	sadd.s32 $0xFFFFE003, lr  }
0x1b: {  	s9 =	sadd.s32 $0xFFFFFEF7, lr;
	s5 =	simm.s32 $0xFFFFFFFF;
	p2 =	slt.u32 s8, $0xFFFFF086  }
0x1c: {  	p1 =	slt.u32 s9, $0xF7A;
	s5 =	simm.s32 @!p2 $0x0  }
0x1d: {  	s5 =	simm.s32 @p1 $0x1;
	p0 =	seq.s32 s7, s2  }
0x1e: {  	s7 =	smul.u32 @!p0 $0xF7A, s2;
	p2 =	seq.s32 @!p0 s5, $0x0  }
0x1f: {  	s9 =	smul.u32 $0xF7A, s1;
	s8 =	simm.s32 @!p0 $0x1BF5;
	p2 =	por !p2, p0  }
0x20: {  	[sflag:s8] =	ssyncset.s32 @!p0 $0xFFFFF086;
	s6 =	sadd.s32 @!p0 s3, s7;
	s7 =	simm.s32 @!p0 $0x108  }
0x21: {  	s3 =	sadd.s32 s3, s9;
	s6 =	sadd.s32 @!p0 $0x88, s6;
	s7 =	simm.s32 @p2 $0x1082  }
0x22: {  	[simem:s7], [sflag:s8] =	dma.local @!p0 [hbm:s6], $0xF7A  }
0x23: {  	s9 =	sor.u32 $0xD0000000, s2;
	s6 =	simm.s32 $0x108;
	_ =	swait.ge @!p0 [sflag:s8], $0x0  }
0x24: {  	s3 =	sadd.s32 $0x88, s3;
	s6 =	simm.s32 @!p1 $0x1082;
	[sflag:s4] =	ssyncset.s32 $0xFFFFF086  }
0x25: {  	[simem:s6], [sflag:s4] =	dma.local [hbm:s3], $0xF7A  }
0x26: {  	[smem:$0x3F99] =	sst s1;
	(tag) =	ssettag s2;
	_ =	strace s9  }
0x27: {  	s1 =	sld [smem:$0x3FA9]  }
0x28: {  	s2 =	sld [smem:$0x3FAA]  }
0x29: {  	s4 =	sld [smem:$0x3FAC]  }
0x2a: {  	p0 =	seq.s32 s5, $0x0;
	s5 =	sld [smem:$0x3FAD]  }
0x2b: {  	s6 =	sld [smem:$0x3FAE]  }
0x2c: {  	s7 =	sld [smem:$0x3FAF]  }
0x2d: {  	s3 =	simm.s32 $0x108;
	s8 =	sld [smem:$0x3FB0]  }
0x2e: {  	s3 =	simm.s32 @!p0 $0x1082;
	s9 =	sld [smem:$0x3FB1]  }
0x2f: {  	lr =	sadd.s32 s0, s3;
	s0 =	sld [smem:$0x3FA8]  }
0x30: {  	s3 =	sld [smem:$0x3FAB]  }
0x31: {  	[smem:$0x3FB4] =	sst s10  }
0x32: {  	s10 =	sld [smem:$0x3FB2];
	_ =	sdelay $0x3  }
0x33: {  	p0 =	seq.s32 s10, $0x1;
	s10 =	sld [smem:$0x3FB4];
	_ =	sdelay $0x3  }
0x34: {  	[smem:$0x3FB4] =	sst s10  }
0x35: {  	s10 =	sld [smem:$0x3FB3];
	_ =	sdelay $0x3  }
0x36: {  	p1 =	seq.s32 s10, $0x1;
	s10 =	sld [smem:$0x3FB4];
	_ =	sdelay $0x3  }
0x37: {  	[smem:$0x3FB4] =	sst s10  }
0x38: {  	s10 =	sld [smem:$0x3FB5]  }
0x39: {  	_ = 	snop;
	(pc) =	sbr.ind lr, $3  }
0x3a: {  	_ = 	snop  }
0x3b: {  	_ = 	snop  }
0x3c: {  	p2 =	seq.s32 s10, $0x1;
	s10 =	sld [smem:$0x3FB4]  }
0x3d: {  	_ =	shalt  }
0x3e: {  	_ =	shalt  }
0x3f: {  	_ =	shalt  }
0x40: {  	_ =	shalt  }
0x41: {  	_ =	shalt  }
0x42: {  	_ =	shalt  }
0x43: {  	_ =	shalt  }
0x44: {  	_ =	shalt  }
0x45: {  	_ =	shalt  }
0x46: {  	_ =	shalt  }
0x47: {  	_ =	shalt  }
0x48: {  	_ =	shalt  }
0x49: {  	_ =	shalt  }
0x4a: {  	_ =	shalt  }
0x4b: {  	_ =	shalt  }
0x4c: {  	_ =	shalt  }
0x4d: {  	_ =	shalt  }
0x4e: {  	_ =	shalt  }
0x4f: {  	_ =	shalt  }
0x50: {  	_ =	shalt  }
0x51: {  	_ =	shalt  }
0x52: {  	_ =	shalt  }
0x53: {  	_ =	shalt  }
0x54: {  	_ =	shalt  }
0x55: {  	_ =	shalt  }
0x56: {  	_ =	shalt  }
0x57: {  	_ =	shalt  }
0x58: {  	_ =	shalt  }
0x59: {  	_ =	shalt  }
0x5a: {  	_ =	shalt  }
0x5b: {  	_ =	shalt  }
0x5c: {  	_ =	shalt  }
0x5d: {  	_ =	shalt  }
0x5e: {  	_ =	shalt  }
0x5f: {  	_ =	shalt  }
0x60: {  	_ =	shalt  }
0x61: {  	_ =	shalt  }
0x62: {  	_ =	shalt  }
0x63: {  	_ =	shalt  }
0x64: {  	_ =	shalt  }
0x65: {  	_ =	shalt  }
0x66: {  	_ =	shalt  }
0x67: {  	_ =	shalt  }
0x68: {  	_ =	shalt  }
0x69: {  	_ =	shalt  }
0x6a: {  	_ =	shalt  }
0x6b: {  	_ =	shalt  }
0x6c: {  	_ =	shalt  }
0x6d: {  	_ =	shalt  }
0x6e: {  	_ =	shalt  }
0x6f: {  	_ =	shalt  }
0x70: {  	_ =	shalt  }
0x71: {  	_ =	shalt  }
0x72: {  	_ =	shalt  }
0x73: {  	_ =	shalt  }
0x74: {  	_ =	shalt  }
0x75: {  	_ =	shalt  }
0x76: {  	_ =	shalt  }
0x77: {  	_ =	shalt  }
0x78: {  	_ =	shalt  }
0x79: {  	_ =	shalt  }
0x7a: {  	_ =	shalt  }
0x7b: {  	_ =	shalt  }
0x7c: {  	_ =	shalt  }
0x7d: {  	_ =	shalt  }
0x7e: {  	_ =	shalt  }
0x7f: {  	_ =	shalt  }
0x80: {  	_ =	shalt  }
0x81: {  	_ =	shalt  }
0x82: {  	_ =	shalt  }
0x83: {  	_ =	shalt  }
0x84: {  	_ =	shalt  }
0x85: {  	_ =	shalt  }
0x86: {  	_ =	shalt  }
0x87: {  	_ =	shalt  }
.Lfunc_end0:
.L_simem_size_0:
called_computation.1_lowered:
.L_overlay_start_0:
0x88: {  	s2 =	sld [smem:$0x3FD9]  }
0x89: {  	s3 =	sld [smem:$0x3FFE];
	_ =	sdelay $0x1  }
0x8a: {  	s1 =	srdreg.scid  }
0x8b: {  	s0 =	sand.u32 $0x1, s1  }
0x8c: {  	s17 =	sshll.u32 s0, $0xA;
	s2 =	sadd.s32 s3, s2  }
0x8d: {  	s2 =	sadd.s32 s2, s17  }
0x8e: {  	[smem:$0x3FC0] =	sst s2  }
0x8f: {  	_ = 	snop  }
0x90: {  	s2 =	sld [smem:$0x3FD0];
	(tm) =	ssettm $0x1  }
0x91: {  	s18 =	sld [smem:$0x3FFB];
	_ =	sdelay $0x3  }
0x92: {  	_ =	strace s18  }
0x93: {  	s3 =	sld [smem:$0x3FFC];
	_ =	sdelay $0x3  }
0x94: {  	_ =	strace s3  }
0x95: {  	s3 =	sld [smem:$0x3FFD];
	_ =	sdelay $0x3  }
0x96: {  	_ =	strace s3  }
0x97: {  	_ =	strace $0x8FFFFFFF  }
0x98: {  	s19 =	sld [smem:$0x3FDB];
	_ =	sdelay $0x1  }
0x99: {  	s4 =	simm.s32 $_scs_section_size  }
0x9a: {  	s5 =	simm.s32 $_size__tile_overlayer_lowered;
	s6 =	simm.s32 $_tile_overlayer_lowered  }
0x9b: {  	s22 =	simm.s32 $0x1BFF;
	s21 =	sshll.u32 s6, $0x1;
	s3 =	sadd.s32 s4, s19  }
0x9c: {  	s7 =	simm.s32 $0x0;
	s20 =	sshll.u32 s5, $0x1;
	s5 =	sadd.s32 s21, s3  }
0x9d: {  	[timem:s7], [sflag:s22] =	dma.local [hbm:s5], s20  }
0x9e: {  	_ =	swait.ge [sflag:s22], s20  }
0x9f: {  	s4 =	ssub.s32 $0x0, s20;
	[sflag:s22] =	ssyncset.done $0x0  }
0xa0: {  	[sflag:s22] =	ssyncadd.s32 s4;
	_ =	sdelay $0x1  }
0xa1: {  	s23 =	simm.s32 $0x1B8B  }
0xa2: {  	_ =	swait.ge [sflag:s23], $0x1  }
0xa3: {  	[sflag:s23] =	ssyncset.done $0x0  }
0xa4: {  	s25 =	simm.s32 $0x1B8E;
	s24 =	sld [smem:$0x3FFE];
	[sflag:s23] =	ssyncadd.s32 $0xFFFFFFFF  }
0xa5: {  	s26 =	simm.s32 $execute0_lowered;
	[smem:$0x3FD2] =	sst s25  }
0xa6: {  	s5 =	sshll.u32 s26, $0x1;
	_ =	strace $0x80000049;
	[dreg:$0x1] =	wrdreg $0xFFFFFFFF  }
0xa7: {  	s28 =	simm.s32 $_size_execute0_lowered;
	s3 =	sadd.s32 s3, s5;
	[dreg:$0x0] =	wrdreg $0x0  }
0xa8: {  	s5 =	sshll.u32 s28, $0x1;
	[dreg:$0x2] =	wrdreg s3  }
0xa9: {  	[dreg:$0x3] =	wrdreg s5  }
0xaa: {  	[dreg:$0x4] =	wrdreg $0xC0  }
0xab: {  	_ =	task [dreg:s7], $0x5FFFF  }
0xac: {  	[dreg:$0x1] =	wrdreg $0xFFFFFFFF  }
0xad: {  	[dreg:$0x0] =	wrdreg $0x60  }
0xae: {  	[dreg:$0x2] =	wrdreg s2  }
0xaf: {  	[dreg:$0x3] =	wrdreg s24  }
0xb0: {  	[dreg:$0x4] =	wrdreg $0xB8000  }
0xb1: {  	[dreg:$0x5] =	wrdreg $0x9  }
0xb2: {  	_ =	task.clear_ibuf [dreg:s7], $0x6FFFF;
	_ =	strace $0x90000049  }
0xb3: {  	s29 =	simm.s32 $0x9;
	_ =	strace $0x8000004B  }
0xb4: {  	_ =	swait.ge [sflag:s29], $0x1  }
0xb5: {  	[sflag:s29] =	ssyncadd.s32 $0xFFFFFFFF  }
0xb6: {  	_ =	strace $0x9000004B  }
0xb7: {  	_ =	sfence  }
0xb8: {  	s30 =	sld [smem:$0x0];
	_ =	sdelay $0x2  }
0xb9: {  	s31 =	sshll.u32 s1, $0xD;
	s1 =	sshrl.u32 s1, $0x2  }
0xba: {  	s3 =	sand.u32 $0x4000, s31;
	s1 =	sadd.s32 s1, s30  }
0xbb: {  	s0 =	sor.u32 s3, s0;
	s1 =	sshll.u32 s1, $0x11  }
0xbc: {  	s0 =	sor.u32 s1, s0  }
0xbd: {  	s0 =	sadd.s32 $0x8F2B, s0  }
0xbe: {  	[sflag:s0] =	ssyncadd.remote.s32 $0x1  }
0xbf: {  	_ =	sfence.sel $0xFFFF  }
0xc0: {  	[dreg:$0x0] =	wrdreg $0xFFFFFFFF;
	(pc) =	sbr.abs _section_cstart, $3  }
0xc1: {  	[dreg:$0x1] =	wrdreg $0xFFFFFFFF  }
0xc2: {  	_ =	task.clear_ibuf [dreg:s7], $0x2FFFF;
	_ =	strace $0x9FFFFFFF  }
0xc3: {  	(tm) =	ssettm $0x7FFFFFFF  }
tec
execute0_lowered:
.L_overlay_start_1:
0x0: {  	(tag) =	ssettag $0x1  }
0x1: {  	s1 =	rddreg [dreg:$0x0]  }
0x2: {  	s0 =	rddreg [dreg:$0x1]  }
0x3: {  	s2 =	rddreg [dreg:$0x2]  }
0x4: {  	s3 =	srdreg.scid;
	s4 =	simm.s32 $0x0;
	s11 =	stileid.u32  }
0x5: {  	s29 =	simm.s32 $0x8C00;
	s30 =	simm.s32 $0x1;
	s31 =	simm.s32 $0x3  }
0x6: {  	s3 =	sand.u32 $0x1, s3;
	[smem:$0x7FF] =	sst s4;
	s6 =	smul.u32 $0x13C00, s11  }
0x7: {  	s13 =	sadd.s32 $0x63000, s0;
	s14 =	sadd.s32 $0x3000, s0;
	s8 =	smul.u32 $0x4F000, s11  }
0x8: {  	s7 =	sadd.s32 $0x11800, s0;
	s20 =	sshll.u32 s11, $0x6;
	s21 =	smul.u32 $0x3A00, s11  }
0x9: {  	s5 =	smul.u32 $0x13C000, s3;
	_ =	strace $0x8000004A;
	[dreg:$0x4] =	wrdreg s7  }
0xa: {  	s16 =	sshll.u32 s3, $0x4;
	s17 =	ssub.s32 $0x2, s3;
	s3 =	smul.u32 $0x3A000, s3  }
0xb: {  	s9 =	sshrl.u32 s17, $0x1;
	s19 =	sshrl.u32 s8, $0x2;
	s5 =	sadd.s32 s6, s5  }
0xc: {  	s6 =	sor.u32 s11, s16;
	s18 =	ssub.s32 s17, s9;
	s15 =	sadd.s32 s19, s2  }
0xd: {  	s3 =	sadd.s32 s21, s3;
	s16 =	simm.s32 $0x7;
	s21 =	simm.s32 $0x58  }
0xe: {  	s5 =	sshrl.u32 s5, $0x3;
	s10 =	smul.u32 $0x3A00, s6;
	s6 =	sor.u32 $0x1C07, s20  }
0xf: {  	s3 =	sadd.s32 $0x400, s3;
	s12 =	smax.u32 s18, $0x1;
	s15 =	sshrl.u32 s15, $0x3  }
0x10: {  	s18 =	simm.s32 $0x5;
	s0 =	sadd.s32 s5, s0;
	s28 =	sshrl.u32 s3, $0x3  }
0x11: {  	s3 =	simm.s32 $0x0;
	s22 =	sshrl.u32 s10, $0x3;
	s11 =	sadd.s32 $0x71800, s0  }
.Ltmp0:
0x12: {  	s20 =	sadd.s32 s28, s14;
	s23 =	sadd.s32 s13, s22;
	(pc) =	sbr.rel .LBB2_1-.Ltmp0, $4  }
0x13: {  	s10 =	sadd.s32 $0x40, s22;
	s24 =	sadd.s32 s14, s22;
	[dreg:$0x5] =	wrdreg s23  }
0x14: {  	s19 =	sadd.s32 s28, s13;
	[dreg:$0x6] =	wrdreg s24;
	s25 =	sadd.s32 s13, s10  }
0x15: {  	s0 =	simm.s32 $0x4;
	s26 =	sadd.s32 s14, s10;
	[dreg:$0x7] =	wrdreg s25  }
0x16: {  	s22 =	simm.s32 $0x800;
	[dreg:$0x8] =	wrdreg s26;
	s26 =	simm.s32 $0x6000  }
.LBB2_3:
0x17: {  	_ =	swait.ge [sflag:s0], $0x2C00  }
0x18: {  	[sflag:s0] =	ssyncset.done $0x0  }
0x19: {  	s5 =	sadd.s32 $0x580, s25;
	[sflag:s0] =	ssyncadd.s32 $0xFFFFD400  }
0x1a: {  	[spmem:s2] =	stream.indirect.scatter.add.f32 [tilespmem:s29], [sflag:$0x7], $0x80, s5, s21, $0xb8;
	[tilespmem:$0x1F400] =	vst v63  }
0x1b: {  	_ =	swait.ge [sflag:s16], $0x2C00  }
0x1c: {  	[sflag:s16] =	ssyncset.done $0x0  }
0x1d: {  	[sflag:s16] =	ssyncadd.s32 $0xFFFFD400  }
.LBB2_5:
0x1e: {  	s3 =	sadd.s32 $0x1, s3  }
0x1f: {  	p0 =	sne.s32 s3, s12  }
.Ltmp1:
0x20: {  	[bflag:$0x0] =	sbarrier.arrive $0xFFFF;
	(pc) =	sbr.rel @!p0 .LBB2_6-.Ltmp1, $4  }
0x21: {  	[hbm:s11], [sflag:s6] =	dma.local [spmem:s15], $0x2780  }
0x22: {  	_ =	swait.ge [sflag:s16], $0x2780  }
0x23: {  	[sflag:s16] =	ssyncset.done $0x0  }
0x24: {  	[sflag:s16] =	ssyncadd.s32 $0xFFFFD880  }
.LBB2_1:
0x25: {  	s5 =	rddreg [dreg:$0x4]  }
0x26: {  	[spmem:s15], [sflag:s6] =	dma.local [hbm:s5], $0x2780  }
0x27: {  	_ =	swait.ge [sflag:s16], $0x2780  }
0x28: {  	[sflag:s16] =	ssyncset.done $0x0  }
0x29: {  	s8 =	rddreg [dreg:$0x5];
	[sflag:s16] =	ssyncadd.s32 $0xFFFFD880  }
0x2a: {  	[tilespmem:s4], [sflag:$0x5] =	stream.linear.gather [hbm4b:s8+s4], $0x200, $0x38;
	[tilespmem:$0x1F400] =	vst v63  }
0x2b: {  	s7 =	simm.s32 $0x400;
	s9 =	rddreg [dreg:$0x6]  }
0x2c: {  	[tilespmem:s7], [sflag:$0x5] =	stream.linear.gather [hbm4b:s9+s4], $0x200, $0x38;
	[tilespmem:$0x1F400] =	vst v63  }
0x2d: {  	_ =	swait.ge [sflag:s18], $0x200  }
0x2e: {  	[sflag:s18] =	ssyncset.done $0x0  }
0x2f: {  	[sflag:s18] =	ssyncadd.s32 $0xFFFFFE00  }
0x30: {  	_ =	swait.ge [sflag:s18], $0x200  }
0x31: {  	[sflag:s18] =	ssyncset.done $0x0  }
0x32: {  	s13 =	simm.s32 $0x200;
	s10 =	rddreg [dreg:$0x7];
	[sflag:s18] =	ssyncadd.s32 $0xFFFFFE00  }
0x33: {  	[tilespmem:s13], [sflag:$0x6] =	stream.linear.gather [hbm4b:s10+s4], $0x200, $0x38;
	[tilespmem:$0x1F400] =	vst v63  }
0x34: {  	s17 =	simm.s32 $0x600;
	s14 =	rddreg [dreg:$0x8]  }
0x35: {  	[tilespmem:s17], [sflag:$0x6] =	stream.linear.gather [hbm4b:s14+s4], $0x200, $0x38;
	[tilespmem:$0x1F400] =	vst v63  }
0x36: {  	[bflag:$0x0] =	sbarrier.arrive $0xFFFF  }
0x37: {  	[tilespmem:s22], [sflag:$0x1] =	stream.indirect.gather [hbm4b:s1+s21], $0x80, s4, s21, $0xb8;
	[tilespmem:$0x1F400] =	vst v63  }
0x38: {  	s23 =	simm.s32 $0x80;
	s24 =	simm.s32 $0x3400  }
0x39: {  	[tilespmem:s24], [sflag:$0x2] =	stream.indirect.gather [hbm4b:s1+s21], $0x80, s23, s21, $0xb8;
	[tilespmem:$0x1F400] =	vst v63  }
0x3a: {  	s25 =	simm.s32 $0x100;
	s28 =	simm.s32 $0x180;
	s13 =	smov.u32 s20  }
0x3b: {  	[tilespmem:s26], [sflag:$0x3] =	stream.indirect.gather [hbm4b:s1+s21], $0x80, s25, s21, $0xb8;
	[tilespmem:$0x1F400] =	vst v63  }
0x3c: {  	s17 =	simm.s32 $0x0;
	s14 =	smov.u32 s19;
	s23 =	simm.s32 $0x0  }
0x3d: {  	[tilespmem:s29], [sflag:$0x4] =	stream.indirect.gather [hbm4b:s1+s21], $0x80, s28, s21, $0xb8;
	[tilespmem:$0x1F400] =	vst v63  }
.LBB2_2:
0x3e: {  	s24 =	sadd.s32 $0x1, s23;
	p0 =	seq.s32 s23, $0x1C  }
0x3f: {  	s5 =	sand.u32 @!p0 $0x1, s24  }
0x40: {  	p1 =	seq.s32 @!p0 s5, $0x1  }
0x41: {  	s5 =	simm.s32 @!p0 $0x6;
	p1 =	por !p1, p0  }
0x42: {  	s5 =	simm.s32 @p1 $0x5  }
0x43: {  	_ =	swait.ge @!p0 [sflag:s5], $0x200  }
0x44: {  	[sflag:s5] =	ssyncset.done @!p0 $0x0  }
0x45: {  	[sflag:s5] =	ssyncadd.s32 @!p0 $0xFFFFFE00  }
0x46: {  	_ =	swait.ge @!p0 [sflag:s5], $0x200  }
0x47: {  	[sflag:s5] =	ssyncset.done @!p0 $0x0  }
0x48: {  	[sflag:s5] =	ssyncadd.s32 @!p0 $0xFFFFFE00  }
0x49: {  	_ =	swait.ge [sflag:s30], $0x2C00  }
0x4a: {  	s25 =	sand.u32 $0x200, s17;
	[sflag:s30] =	ssyncset.done $0x0  }
0x4b: {  	s28 =	sor.u32 $0x400, s25;
	[sflag:s30] =	ssyncadd.s32 $0xFFFFD400  }
0x4c: {  	[spmem:s2] =	stream.indirect.scatter.add.f32 [tilespmem:s22], [sflag:$0x7], $0x80, s28, s21, $0xb8;
	[tilespmem:$0x1F400] =	vst v63  }
0x4d: {  	_ =	swait.ge [sflag:s16], $0x2C00  }
0x4e: {  	[sflag:s16] =	ssyncset.done $0x0  }
0x4f: {  	s5 =	simm.s32 @p0 $0x2;
	[sflag:s16] =	ssyncadd.s32 $0xFFFFD400  }
0x50: {  	_ =	swait.ge @p0 [sflag:s5], $0x2C00  }
0x51: {  	s7 =	simm.s32 @p0 $0x58;
	[sflag:s5] =	ssyncset.done @p0 $0x0  }
0x52: {  	s8 =	simm.s32 @p0 $0x3400;
	[sflag:s5] =	ssyncadd.s32 @p0 $0xFFFFD400;
	s5 =	sadd.s32 @p0 $0x480, s25  }
0x53: {  	[spmem:s2] =	stream.indirect.scatter.add.f32 @p0 [tilespmem:s8], [sflag:$0x7], $0x80, s5, s7, $0xb8;
	[tilespmem:$0x1F400] =	vst v63  }
0x54: {  	s7 =	simm.s32 @p0 $0x7  }
0x55: {  	_ =	swait.ge @p0 [sflag:s7], $0x2C00  }
0x56: {  	s9 =	simm.s32 @!p0 $0x800;
	s5 =	sand.u32 $0x1, s24;
	[sflag:s7] =	ssyncset.done @p0 $0x0  }
0x57: {  	s8 =	simm.s32 @!p0 $0x58;
	[sflag:s7] =	ssyncadd.s32 @p0 $0xFFFFD400;
	s7 =	sshll.u32 @!p0 s5, $0x9  }
0x58: {  	[tilespmem:s9], [sflag:$0x1] =	stream.indirect.gather @!p0 [hbm4b:s1+s8], $0x80, s7, s8, $0xb8;
	[tilespmem:$0x1F400] =	vst v63  }
0x59: {  	s9 =	simm.s32 @!p0 $0x2  }
0x5a: {  	_ =	swait.ge @!p0 [sflag:s9], $0x2C00  }
0x5b: {  	[sflag:s9] =	ssyncset.done @!p0 $0x0  }
0x5c: {  	s10 =	simm.s32 @!p0 $0x3400;
	[sflag:s9] =	ssyncadd.s32 @!p0 $0xFFFFD400;
	s9 =	sadd.s32 @!p0 $0x480, s25  }
0x5d: {  	[spmem:s2] =	stream.indirect.scatter.add.f32 @!p0 [tilespmem:s10], [sflag:$0x7], $0x80, s9, s8, $0xb8;
	[tilespmem:$0x1F400] =	vst v63  }
0x5e: {  	s9 =	simm.s32 @!p0 $0x7  }
0x5f: {  	_ =	swait.ge @!p0 [sflag:s9], $0x2C00  }
0x60: {  	[sflag:s9] =	ssyncset.done @!p0 $0x0  }
0x61: {  	s7 =	sor.u32 @!p0 $0x80, s7;
	[sflag:s9] =	ssyncadd.s32 @!p0 $0xFFFFD400  }
0x62: {  	[tilespmem:s10], [sflag:$0x2] =	stream.indirect.gather @!p0 [hbm4b:s1+s8], $0x80, s7, s8, $0xb8;
	[tilespmem:$0x1F400] =	vst v63  }
0x63: {  	_ =	swait.ge [sflag:s31], $0x2C00  }
0x64: {  	p0 =	sne.s32 s23, $0x1C;
	[sflag:s31] =	ssyncset.done $0x0  }
.Ltmp2:
0x65: {  	s10 =	sadd.s32 $0x500, s25;
	[sflag:s31] =	ssyncadd.s32 $0xFFFFD400;
	(pc) =	sbr.rel @!p0 .LBB2_3-.Ltmp2, $4  }
0x66: {  	[spmem:s2] =	stream.indirect.scatter.add.f32 [tilespmem:s26], [sflag:$0x7], $0x80, s10, s21, $0xb8;
	[tilespmem:$0x1F400] =	vst v63  }
0x67: {  	_ =	swait.ge [sflag:s16], $0x2C00  }
0x68: {  	[sflag:s16] =	ssyncset.done $0x0  }
0x69: {  	[sflag:s16] =	ssyncadd.s32 $0xFFFFD400  }
0x6a: {  	s5 =	sshll.u32 s5, $0x9  }
0x6b: {  	s7 =	sor.u32 $0x100, s5  }
0x6c: {  	[tilespmem:s26], [sflag:$0x3] =	stream.indirect.gather [hbm4b:s1+s21], $0x80, s7, s21, $0xb8;
	[tilespmem:$0x1F400] =	vst v63  }
0x6d: {  	_ =	swait.ge [sflag:s0], $0x2C00  }
0x6e: {  	[sflag:s0] =	ssyncset.done $0x0  }
0x6f: {  	s10 =	sadd.s32 $0x580, s25;
	[sflag:s0] =	ssyncadd.s32 $0xFFFFD400  }
0x70: {  	[spmem:s2] =	stream.indirect.scatter.add.f32 [tilespmem:s29], [sflag:$0x7], $0x80, s10, s21, $0xb8;
	[tilespmem:$0x1F400] =	vst v63  }
0x71: {  	_ =	swait.ge [sflag:s16], $0x2C00  }
0x72: {  	[sflag:s16] =	ssyncset.done $0x0  }
0x73: {  	p0 =	sgt.u32 s23, $0x1A;
	s5 =	sor.u32 $0x180, s5;
	[sflag:s16] =	ssyncadd.s32 $0xFFFFD400  }
0x74: {  	[tilespmem:s29], [sflag:$0x4] =	stream.indirect.gather [hbm4b:s1+s21], $0x80, s5, s21, $0xb8;
	[tilespmem:$0x1F400] =	vst v63  }
0x75: {  	s5 =	sand.u32 @!p0 $0x1, s23  }
0x76: {  	p1 =	seq.s32 @!p0 s5, $0x1  }
0x77: {  	s5 =	simm.s32 @!p0 $0x6;
	p1 =	por !p1, p0  }
0x78: {  	s7 =	simm.s32 @!p0 $0x0;
	s5 =	simm.s32 @p1 $0x5  }
0x79: {  	[tilespmem:s25], [sflag:s5] =	stream.linear.gather @!p0 [hbm4b:s14+s7], $0x200, $0x38;
	[tilespmem:$0x1F400] =	vst v63  }
0x7a: {  	_ = 	snop  }
0x7b: {  	[tilespmem:s28], [sflag:s5] =	stream.linear.gather @!p0 [hbm4b:s13+s7], $0x200, $0x38;
	[tilespmem:$0x1F400] =	vst v63  }
0x7c: {  	p0 =	sne.s32 s24, $0x1D  }
.Ltmp3:
0x7d: {  	_ = 	snop;
	(pc) =	sbr.rel @p0 .LBB2_2-.Ltmp3, $4  }
.Ltmp4:
0x7e: {  	_ = 	snop;
	(pc) =	sbr.rel @!p0 .LBB2_5-.Ltmp4, $4  }
0x7f: {  	_ = 	snop  }
0x80: {  	s17 =	sadd.s32 $0x200, s17  }
0x81: {  	s23 =	smov.u32 s24;
	s14 =	sadd.s32 $0x40, s14;
	s13 =	sadd.s32 $0x40, s13  }
0x82: {  	_ = 	snop  }
.LBB2_6:
0x83: {  	_ =	sfence.sel $0x180000  }
0x84: {  	[bflag:$0x0] =	sbarrier.arrive $0xFFFF  }
0x85: {  	_ =	strace $0x9000004A  }
0x86: {  	s0 =	stileid.u32;
	[bflag:$0x2] =	sbarrier.arrive $0xFFFF  }
0x87: {  	p0 =	sne.s32 s0, $0x0;
	s0 =	rddreg [dreg:$0x3]  }
0x88: {  	s0 =	sadd.s32 @!p0 $0x100000, s0  }
0x89: {  	[sflag:s0] =	ssyncadd.tile.s32 @!p0 $0x1;
	_ =	shalt  }
.Lfunc_end2:
_tile_overlayer_lowered:
.L_overlay_start_2:
0x8a: {  	(tag) =	ssettag $0x2  }
0x8b: {  	s0 =	rddreg [dreg:$0x0];
	s2 =	stileid.u32  }
0x8c: {  	s1 =	rddreg [dreg:$0x1];
	p0 =	sne.s32 s2, $0x0  }
0x8d: {  	s3 =	rddreg [dreg:$0x2];
	[bflag:$0x3] =	sbarrier.arrive $0xFFFF;
	s2 =	simm.s32 @!p0 $0x1C07  }
0x8e: {  	[timem:s3], [sflag:s2] =	dma.local @!p0 [hbm:s0], s1  }
0x8f: {  	s0 =	simm.s32 @!p0 $0x7  }
0x90: {  	_ =	swait.ge @!p0 [sflag:s0], s1  }
0x91: {  	s1 =	ssub.s32 @!p0 $0x0, s1;
	[sflag:s0] =	ssyncset.done @!p0 $0x0  }
0x92: {  	[sflag:s0] =	ssyncadd.s32 @!p0 s1  }
0x93: {  	[bflag:$0x3] =	sbarrier.arrive $0xFFFF  }
0x94: {  	_ =	shalt  }

// kernel: kernel.17.cloned.1.call-start
scs
__scs_entry_jumppad:
0x0: {  	(pc) =	sbr.rel $0x88, $3  }
0x1: {  	(tag) =	ssettag $0x0;
	lr =	simm.s32 $0x1  }
0x2: {  	[smem:$0x3F99] =	sst lr;
	_ =	strace $0xD0000000  }
0x3: {  	_ = 	snop  }
0x4: {  	_ = 	snop  }
0x5: {  	_ = 	snop  }
0x6: {  	_ = 	snop  }
0x7: {  	_ = 	snop  }
__scs_overlays_trampoline_lowered:
0x8: {  	[smem:$0x3FA8] =	sst s0  }
0x9: {  	[smem:$0x3FA9] =	sst s1  }
0xa: {  	[smem:$0x3FAA] =	sst s2  }
0xb: {  	[smem:$0x3FAB] =	sst s3  }
0xc: {  	[smem:$0x3FAC] =	sst s4  }
0xd: {  	[smem:$0x3FAD] =	sst s5  }
0xe: {  	[smem:$0x3FAE] =	sst s6  }
0xf: {  	[smem:$0x3FAF] =	sst s7  }
0x10: {  	[smem:$0x3FB0] =	sst s8  }
0x11: {  	[smem:$0x3FB1] =	sst s9;
	s0 =	simm.s32 @!p0 $0x0  }
0x12: {  	s1 =	sld [smem:$0x3F97];
	s0 =	simm.s32 @p0 $0x1  }
0x13: {  	[smem:$0x3FB2] =	sst s0;
	s0 =	simm.s32 @!p1 $0x0  }
0x14: {  	s2 =	sld [smem:$0x3F96];
	s0 =	simm.s32 @p1 $0x1  }
0x15: {  	[smem:$0x3FB3] =	sst s0;
	s0 =	simm.s32 @!p2 $0x0  }
0x16: {  	s3 =	sld [smem:$0x3FDB];
	s0 =	simm.s32 @p2 $0x1  }
0x17: {  	s4 =	simm.s32 $0x1BF5;
	[smem:$0x3FB5] =	sst s0  }
0x18: {  	s0 =	sld [smem:$0x3F98];
	_ =	swait.ge [sflag:s4], $0x0  }
0x19: {  	s7 =	sld [smem:$0x3F99]  }
0x1a: {  	s8 =	sadd.s32 $0xFFFFE003, lr  }
0x1b: {  	s9 =	sadd.s32 $0xFFFFFEF7, lr;
	s5 =	simm.s32 $0xFFFFFFFF;
	p2 =	slt.u32 s8, $0xFFFFF086  }
0x1c: {  	p1 =	slt.u32 s9, $0xF7A;
	s5 =	simm.s32 @!p2 $0x0  }
0x1d: {  	s5 =	simm.s32 @p1 $0x1;
	p0 =	seq.s32 s7, s2  }
0x1e: {  	s7 =	smul.u32 @!p0 $0xF7A, s2;
	p2 =	seq.s32 @!p0 s5, $0x0  }
0x1f: {  	s9 =	smul.u32 $0xF7A, s1;
	s8 =	simm.s32 @!p0 $0x1BF5;
	p2 =	por !p2, p0  }
0x20: {  	[sflag:s8] =	ssyncset.s32 @!p0 $0xFFFFF086;
	s6 =	sadd.s32 @!p0 s3, s7;
	s7 =	simm.s32 @!p0 $0x108  }
0x21: {  	s3 =	sadd.s32 s3, s9;
	s6 =	sadd.s32 @!p0 $0x88, s6;
	s7 =	simm.s32 @p2 $0x1082  }
0x22: {  	[simem:s7], [sflag:s8] =	dma.local @!p0 [hbm:s6], $0xF7A  }
0x23: {  	s9 =	sor.u32 $0xD0000000, s2;
	s6 =	simm.s32 $0x108;
	_ =	swait.ge @!p0 [sflag:s8], $0x0  }
0x24: {  	s3 =	sadd.s32 $0x88, s3;
	s6 =	simm.s32 @!p1 $0x1082;
	[sflag:s4] =	ssyncset.s32 $0xFFFFF086  }
0x25: {  	[simem:s6], [sflag:s4] =	dma.local [hbm:s3], $0xF7A  }
0x26: {  	[smem:$0x3F99] =	sst s1;
	(tag) =	ssettag s2;
	_ =	strace s9  }
0x27: {  	s1 =	sld [smem:$0x3FA9]  }
0x28: {  	s2 =	sld [smem:$0x3FAA]  }
0x29: {  	s4 =	sld [smem:$0x3FAC]  }
0x2a: {  	p0 =	seq.s32 s5, $0x0;
	s5 =	sld [smem:$0x3FAD]  }
0x2b: {  	s6 =	sld [smem:$0x3FAE]  }
0x2c: {  	s7 =	sld [smem:$0x3FAF]  }
0x2d: {  	s3 =	simm.s32 $0x108;
	s8 =	sld [smem:$0x3FB0]  }
0x2e: {  	s3 =	simm.s32 @!p0 $0x1082;
	s9 =	sld [smem:$0x3FB1]  }
0x2f: {  	lr =	sadd.s32 s0, s3;
	s0 =	sld [smem:$0x3FA8]  }
0x30: {  	s3 =	sld [smem:$0x3FAB]  }
0x31: {  	[smem:$0x3FB4] =	sst s10  }
0x32: {  	s10 =	sld [smem:$0x3FB2];
	_ =	sdelay $0x3  }
0x33: {  	p0 =	seq.s32 s10, $0x1;
	s10 =	sld [smem:$0x3FB4];
	_ =	sdelay $0x3  }
0x34: {  	[smem:$0x3FB4] =	sst s10  }
0x35: {  	s10 =	sld [smem:$0x3FB3];
	_ =	sdelay $0x3  }
0x36: {  	p1 =	seq.s32 s10, $0x1;
	s10 =	sld [smem:$0x3FB4];
	_ =	sdelay $0x3  }
0x37: {  	[smem:$0x3FB4] =	sst s10  }
0x38: {  	s10 =	sld [smem:$0x3FB5]  }
0x39: {  	_ = 	snop;
	(pc) =	sbr.ind lr, $3  }
0x3a: {  	_ = 	snop  }
0x3b: {  	_ = 	snop  }
0x3c: {  	p2 =	seq.s32 s10, $0x1;
	s10 =	sld [smem:$0x3FB4]  }
0x3d: {  	_ =	shalt  }
0x3e: {  	_ =	shalt  }
0x3f: {  	_ =	shalt  }
0x40: {  	_ =	shalt  }
0x41: {  	_ =	shalt  }
0x42: {  	_ =	shalt  }
0x43: {  	_ =	shalt  }
0x44: {  	_ =	shalt  }
0x45: {  	_ =	shalt  }
0x46: {  	_ =	shalt  }
0x47: {  	_ =	shalt  }
0x48: {  	_ =	shalt  }
0x49: {  	_ =	shalt  }
0x4a: {  	_ =	shalt  }
0x4b: {  	_ =	shalt  }
0x4c: {  	_ =	shalt  }
0x4d: {  	_ =	shalt  }
0x4e: {  	_ =	shalt  }
0x4f: {  	_ =	shalt  }
0x50: {  	_ =	shalt  }
0x51: {  	_ =	shalt  }
0x52: {  	_ =	shalt  }
0x53: {  	_ =	shalt  }
0x54: {  	_ =	shalt  }
0x55: {  	_ =	shalt  }
0x56: {  	_ =	shalt  }
0x57: {  	_ =	shalt  }
0x58: {  	_ =	shalt  }
0x59: {  	_ =	shalt  }
0x5a: {  	_ =	shalt  }
0x5b: {  	_ =	shalt  }
0x5c: {  	_ =	shalt  }
0x5d: {  	_ =	shalt  }
0x5e: {  	_ =	shalt  }
0x5f: {  	_ =	shalt  }
0x60: {  	_ =	shalt  }
0x61: {  	_ =	shalt  }
0x62: {  	_ =	shalt  }
0x63: {  	_ =	shalt  }
0x64: {  	_ =	shalt  }
0x65: {  	_ =	shalt  }
0x66: {  	_ =	shalt  }
0x67: {  	_ =	shalt  }
0x68: {  	_ =	shalt  }
0x69: {  	_ =	shalt  }
0x6a: {  	_ =	shalt  }
0x6b: {  	_ =	shalt  }
0x6c: {  	_ =	shalt  }
0x6d: {  	_ =	shalt  }
0x6e: {  	_ =	shalt  }
0x6f: {  	_ =	shalt  }
0x70: {  	_ =	shalt  }
0x71: {  	_ =	shalt  }
0x72: {  	_ =	shalt  }
0x73: {  	_ =	shalt  }
0x74: {  	_ =	shalt  }
0x75: {  	_ =	shalt  }
0x76: {  	_ =	shalt  }
0x77: {  	_ =	shalt  }
0x78: {  	_ =	shalt  }
0x79: {  	_ =	shalt  }
0x7a: {  	_ =	shalt  }
0x7b: {  	_ =	shalt  }
0x7c: {  	_ =	shalt  }
0x7d: {  	_ =	shalt  }
0x7e: {  	_ =	shalt  }
0x7f: {  	_ =	shalt  }
0x80: {  	_ =	shalt  }
0x81: {  	_ =	shalt  }
0x82: {  	_ =	shalt  }
0x83: {  	_ =	shalt  }
0x84: {  	_ =	shalt  }
0x85: {  	_ =	shalt  }
0x86: {  	_ =	shalt  }
0x87: {  	_ =	shalt  }
.Lfunc_end0:
.L_simem_size_0:
called_computation.2_lowered:
.L_overlay_start_0:
0x88: {  	s2 =	sld [smem:$0x3FD9]  }
0x89: {  	s3 =	sld [smem:$0x3FFE];
	_ =	sdelay $0x1  }
0x8a: {  	s1 =	srdreg.scid  }
0x8b: {  	s0 =	sand.u32 $0x1, s1  }
0x8c: {  	s17 =	sshll.u32 s0, $0xA;
	s2 =	sadd.s32 s3, s2  }
0x8d: {  	s2 =	sadd.s32 s2, s17  }
0x8e: {  	[smem:$0x3FC0] =	sst s2  }
0x8f: {  	_ = 	snop  }
0x90: {  	s2 =	sld [smem:$0x3FD0];
	(tm) =	ssettm $0x1  }
0x91: {  	s18 =	sld [smem:$0x3FFB];
	_ =	sdelay $0x3  }
0x92: {  	_ =	strace s18  }
0x93: {  	s3 =	sld [smem:$0x3FFC];
	_ =	sdelay $0x3  }
0x94: {  	_ =	strace s3  }
0x95: {  	s3 =	sld [smem:$0x3FFD];
	_ =	sdelay $0x3  }
0x96: {  	_ =	strace s3  }
0x97: {  	_ =	strace $0x8FFFFFFF  }
0x98: {  	s19 =	sld [smem:$0x3FDB];
	_ =	sdelay $0x1  }
0x99: {  	s4 =	simm.s32 $_scs_section_size  }
0x9a: {  	s5 =	simm.s32 $_size__tile_overlayer_lowered;
	s6 =	simm.s32 $_tile_overlayer_lowered  }
0x9b: {  	s22 =	simm.s32 $0x1BFF;
	s21 =	sshll.u32 s6, $0x1;
	s3 =	sadd.s32 s4, s19  }
0x9c: {  	s7 =	simm.s32 $0x0;
	s20 =	sshll.u32 s5, $0x1;
	s5 =	sadd.s32 s21, s3  }
0x9d: {  	[timem:s7], [sflag:s22] =	dma.local [hbm:s5], s20  }
0x9e: {  	_ =	swait.ge [sflag:s22], s20  }
0x9f: {  	s4 =	ssub.s32 $0x0, s20;
	[sflag:s22] =	ssyncset.done $0x0  }
0xa0: {  	[sflag:s22] =	ssyncadd.s32 s4;
	_ =	sdelay $0x1  }
0xa1: {  	s23 =	simm.s32 $0x1B8B  }
0xa2: {  	_ =	swait.ge [sflag:s23], $0x1  }
0xa3: {  	[sflag:s23] =	ssyncset.done $0x0  }
0xa4: {  	s25 =	simm.s32 $0x1B8E;
	s24 =	sld [smem:$0x3FFE];
	[sflag:s23] =	ssyncadd.s32 $0xFFFFFFFF  }
0xa5: {  	s26 =	simm.s32 $execute0_lowered;
	[smem:$0x3FD2] =	sst s25  }
0xa6: {  	s5 =	sshll.u32 s26, $0x1;
	_ =	strace $0x8000004C;
	[dreg:$0x1] =	wrdreg $0xFFFFFFFF  }
0xa7: {  	s28 =	simm.s32 $_size_execute0_lowered;
	s3 =	sadd.s32 s3, s5;
	[dreg:$0x0] =	wrdreg $0x0  }
0xa8: {  	s5 =	sshll.u32 s28, $0x1;
	[dreg:$0x2] =	wrdreg s3  }
0xa9: {  	[dreg:$0x3] =	wrdreg s5  }
0xaa: {  	[dreg:$0x4] =	wrdreg $0xC0  }
0xab: {  	_ =	task [dreg:s7], $0x5FFFF  }
0xac: {  	[dreg:$0x1] =	wrdreg $0xFFFFFFFF  }
0xad: {  	[dreg:$0x0] =	wrdreg $0x60  }
0xae: {  	[dreg:$0x2] =	wrdreg s2  }
0xaf: {  	[dreg:$0x3] =	wrdreg s24  }
0xb0: {  	[dreg:$0x4] =	wrdreg $0xB8000  }
0xb1: {  	[dreg:$0x5] =	wrdreg $0x9  }
0xb2: {  	_ =	task.clear_ibuf [dreg:s7], $0x6FFFF;
	_ =	strace $0x9000004C  }
0xb3: {  	s29 =	simm.s32 $0x9;
	_ =	strace $0x8000004E  }
0xb4: {  	_ =	swait.ge [sflag:s29], $0x1  }
0xb5: {  	[sflag:s29] =	ssyncadd.s32 $0xFFFFFFFF  }
0xb6: {  	_ =	strace $0x9000004E  }
0xb7: {  	_ =	sfence  }
0xb8: {  	s30 =	sld [smem:$0x0];
	_ =	sdelay $0x2  }
0xb9: {  	s31 =	sshll.u32 s1, $0xD;
	s1 =	sshrl.u32 s1, $0x2  }
0xba: {  	s3 =	sand.u32 $0x4000, s31;
	s1 =	sadd.s32 s1, s30  }
0xbb: {  	s0 =	sor.u32 s3, s0;
	s1 =	sshll.u32 s1, $0x11  }
0xbc: {  	s0 =	sor.u32 s1, s0  }
0xbd: {  	s0 =	sadd.s32 $0x8F2B, s0  }
0xbe: {  	[sflag:s0] =	ssyncadd.remote.s32 $0x1  }
0xbf: {  	_ =	sfence.sel $0xFFFF  }
0xc0: {  	[dreg:$0x0] =	wrdreg $0xFFFFFFFF;
	(pc) =	sbr.abs _section_cstart, $3  }
0xc1: {  	[dreg:$0x1] =	wrdreg $0xFFFFFFFF  }
0xc2: {  	_ =	task.clear_ibuf [dreg:s7], $0x2FFFF;
	_ =	strace $0x9FFFFFFF  }
0xc3: {  	(tm) =	ssettm $0x7FFFFFFF  }
tec
execute0_lowered:
.L_overlay_start_1:
0x0: {  	(tag) =	ssettag $0x1  }
0x1: {  	s1 =	rddreg [dreg:$0x0]  }
0x2: {  	s0 =	rddreg [dreg:$0x1]  }
0x3: {  	s2 =	rddreg [dreg:$0x2]  }
0x4: {  	s3 =	srdreg.scid;
	s4 =	simm.s32 $0x0;
	s11 =	stileid.u32  }
0x5: {  	s29 =	simm.s32 $0x8C00;
	s30 =	simm.s32 $0x1;
	s31 =	simm.s32 $0x3  }
0x6: {  	s3 =	sand.u32 $0x1, s3;
	[smem:$0x7FF] =	sst s4;
	s6 =	smul.u32 $0x13C00, s11  }
0x7: {  	s13 =	sadd.s32 $0x63000, s0;
	s14 =	sadd.s32 $0x3000, s0;
	s8 =	smul.u32 $0x4F000, s11  }
0x8: {  	s7 =	sadd.s32 $0x11800, s0;
	s20 =	sshll.u32 s11, $0x6;
	s21 =	smul.u32 $0x3A00, s11  }
0x9: {  	s5 =	smul.u32 $0x13C000, s3;
	_ =	strace $0x8000004D;
	[dreg:$0x4] =	wrdreg s7  }
0xa: {  	s16 =	sshll.u32 s3, $0x4;
	s17 =	ssub.s32 $0x2, s3;
	s3 =	smul.u32 $0x3A000, s3  }
0xb: {  	s9 =	sshrl.u32 s17, $0x1;
	s19 =	sshrl.u32 s8, $0x2;
	s5 =	sadd.s32 s6, s5  }
0xc: {  	s6 =	sor.u32 s11, s16;
	s18 =	ssub.s32 s17, s9;
	s15 =	sadd.s32 s19, s2  }
0xd: {  	s3 =	sadd.s32 s21, s3;
	s16 =	simm.s32 $0x7;
	s21 =	simm.s32 $0x58  }
0xe: {  	s5 =	sshrl.u32 s5, $0x3;
	s10 =	smul.u32 $0x3A00, s6;
	s6 =	sor.u32 $0x1C07, s20  }
0xf: {  	s3 =	sadd.s32 $0x400, s3;
	s12 =	smax.u32 s18, $0x1;
	s15 =	sshrl.u32 s15, $0x3  }
0x10: {  	s18 =	simm.s32 $0x5;
	s0 =	sadd.s32 s5, s0;
	s28 =	sshrl.u32 s3, $0x3  }
0x11: {  	s3 =	simm.s32 $0x0;
	s22 =	sshrl.u32 s10, $0x3;
	s11 =	sadd.s32 $0x71800, s0  }
.Ltmp0:
0x12: {  	s20 =	sadd.s32 s28, s14;
	s23 =	sadd.s32 s13, s22;
	(pc) =	sbr.rel .LBB2_1-.Ltmp0, $4  }
0x13: {  	s10 =	sadd.s32 $0x40, s22;
	s24 =	sadd.s32 s14, s22;
	[dreg:$0x5] =	wrdreg s23  }
0x14: {  	s19 =	sadd.s32 s28, s13;
	[dreg:$0x6] =	wrdreg s24;
	s25 =	sadd.s32 s13, s10  }
0x15: {  	s0 =	simm.s32 $0x4;
	s26 =	sadd.s32 s14, s10;
	[dreg:$0x7] =	wrdreg s25  }
0x16: {  	s22 =	simm.s32 $0x800;
	[dreg:$0x8] =	wrdreg s26;
	s26 =	simm.s32 $0x6000  }
.LBB2_3:
0x17: {  	_ =	swait.ge [sflag:s0], $0x2C00  }
0x18: {  	[sflag:s0] =	ssyncset.done $0x0  }
0x19: {  	s5 =	sadd.s32 $0x580, s25;
	[sflag:s0] =	ssyncadd.s32 $0xFFFFD400  }
0x1a: {  	[spmem:s2] =	stream.indirect.scatter.add.f32 [tilespmem:s29], [sflag:$0x7], $0x80, s5, s21, $0xb8;
	[tilespmem:$0x1F400] =	vst v63  }
0x1b: {  	_ =	swait.ge [sflag:s16], $0x2C00  }
0x1c: {  	[sflag:s16] =	ssyncset.done $0x0  }
0x1d: {  	[sflag:s16] =	ssyncadd.s32 $0xFFFFD400  }
.LBB2_5:
0x1e: {  	s3 =	sadd.s32 $0x1, s3  }
0x1f: {  	p0 =	sne.s32 s3, s12  }
.Ltmp1:
0x20: {  	[bflag:$0x0] =	sbarrier.arrive $0xFFFF;
	(pc) =	sbr.rel @!p0 .LBB2_6-.Ltmp1, $4  }
0x21: {  	[hbm:s11], [sflag:s6] =	dma.local [spmem:s15], $0x2780  }
0x22: {  	_ =	swait.ge [sflag:s16], $0x2780  }
0x23: {  	[sflag:s16] =	ssyncset.done $0x0  }
0x24: {  	[sflag:s16] =	ssyncadd.s32 $0xFFFFD880  }
.LBB2_1:
0x25: {  	s5 =	rddreg [dreg:$0x4]  }
0x26: {  	[spmem:s15], [sflag:s6] =	dma.local [hbm:s5], $0x2780  }
0x27: {  	_ =	swait.ge [sflag:s16], $0x2780  }
0x28: {  	[sflag:s16] =	ssyncset.done $0x0  }
0x29: {  	s8 =	rddreg [dreg:$0x5];
	[sflag:s16] =	ssyncadd.s32 $0xFFFFD880  }
0x2a: {  	[tilespmem:s4], [sflag:$0x5] =	stream.linear.gather [hbm4b:s8+s4], $0x200, $0x38;
	[tilespmem:$0x1F400] =	vst v63  }
0x2b: {  	s7 =	simm.s32 $0x400;
	s9 =	rddreg [dreg:$0x6]  }
0x2c: {  	[tilespmem:s7], [sflag:$0x5] =	stream.linear.gather [hbm4b:s9+s4], $0x200, $0x38;
	[tilespmem:$0x1F400] =	vst v63  }
0x2d: {  	_ =	swait.ge [sflag:s18], $0x200  }
0x2e: {  	[sflag:s18] =	ssyncset.done $0x0  }
0x2f: {  	[sflag:s18] =	ssyncadd.s32 $0xFFFFFE00  }
0x30: {  	_ =	swait.ge [sflag:s18], $0x200  }
0x31: {  	[sflag:s18] =	ssyncset.done $0x0  }
0x32: {  	s13 =	simm.s32 $0x200;
	s10 =	rddreg [dreg:$0x7];
	[sflag:s18] =	ssyncadd.s32 $0xFFFFFE00  }
0x33: {  	[tilespmem:s13], [sflag:$0x6] =	stream.linear.gather [hbm4b:s10+s4], $0x200, $0x38;
	[tilespmem:$0x1F400] =	vst v63  }
0x34: {  	s17 =	simm.s32 $0x600;
	s14 =	rddreg [dreg:$0x8]  }
0x35: {  	[tilespmem:s17], [sflag:$0x6] =	stream.linear.gather [hbm4b:s14+s4], $0x200, $0x38;
	[tilespmem:$0x1F400] =	vst v63  }
0x36: {  	[bflag:$0x0] =	sbarrier.arrive $0xFFFF  }
0x37: {  	[tilespmem:s22], [sflag:$0x1] =	stream.indirect.gather [hbm4b:s1+s21], $0x80, s4, s21, $0xb8;
	[tilespmem:$0x1F400] =	vst v63  }
0x38: {  	s23 =	simm.s32 $0x80;
	s24 =	simm.s32 $0x3400  }
0x39: {  	[tilespmem:s24], [sflag:$0x2] =	stream.indirect.gather [hbm4b:s1+s21], $0x80, s23, s21, $0xb8;
	[tilespmem:$0x1F400] =	vst v63  }
0x3a: {  	s25 =	simm.s32 $0x100;
	s28 =	simm.s32 $0x180;
	s13 =	smov.u32 s20  }
0x3b: {  	[tilespmem:s26], [sflag:$0x3] =	stream.indirect.gather [hbm4b:s1+s21], $0x80, s25, s21, $0xb8;
	[tilespmem:$0x1F400] =	vst v63  }
0x3c: {  	s17 =	simm.s32 $0x0;
	s14 =	smov.u32 s19;
	s23 =	simm.s32 $0x0  }
0x3d: {  	[tilespmem:s29], [sflag:$0x4] =	stream.indirect.gather [hbm4b:s1+s21], $0x80, s28, s21, $0xb8;
	[tilespmem:$0x1F400] =	vst v63  }
.LBB2_2:
0x3e: {  	s24 =	sadd.s32 $0x1, s23;
	p0 =	seq.s32 s23, $0x1C  }
0x3f: {  	s5 =	sand.u32 @!p0 $0x1, s24  }
0x40: {  	p1 =	seq.s32 @!p0 s5, $0x1  }
0x41: {  	s5 =	simm.s32 @!p0 $0x6;
	p1 =	por !p1, p0  }
0x42: {  	s5 =	simm.s32 @p1 $0x5  }
0x43: {  	_ =	swait.ge @!p0 [sflag:s5], $0x200  }
0x44: {  	[sflag:s5] =	ssyncset.done @!p0 $0x0  }
0x45: {  	[sflag:s5] =	ssyncadd.s32 @!p0 $0xFFFFFE00  }
0x46: {  	_ =	swait.ge @!p0 [sflag:s5], $0x200  }
0x47: {  	[sflag:s5] =	ssyncset.done @!p0 $0x0  }
0x48: {  	[sflag:s5] =	ssyncadd.s32 @!p0 $0xFFFFFE00  }
0x49: {  	_ =	swait.ge [sflag:s30], $0x2C00  }
0x4a: {  	s25 =	sand.u32 $0x200, s17;
	[sflag:s30] =	ssyncset.done $0x0  }
0x4b: {  	s28 =	sor.u32 $0x400, s25;
	[sflag:s30] =	ssyncadd.s32 $0xFFFFD400  }
0x4c: {  	[spmem:s2] =	stream.indirect.scatter.add.f32 [tilespmem:s22], [sflag:$0x7], $0x80, s28, s21, $0xb8;
	[tilespmem:$0x1F400] =	vst v63  }
0x4d: {  	_ =	swait.ge [sflag:s16], $0x2C00  }
0x4e: {  	[sflag:s16] =	ssyncset.done $0x0  }
0x4f: {  	s5 =	simm.s32 @p0 $0x2;
	[sflag:s16] =	ssyncadd.s32 $0xFFFFD400  }
0x50: {  	_ =	swait.ge @p0 [sflag:s5], $0x2C00  }
0x51: {  	s7 =	simm.s32 @p0 $0x58;
	[sflag:s5] =	ssyncset.done @p0 $0x0  }
0x52: {  	s8 =	simm.s32 @p0 $0x3400;
	[sflag:s5] =	ssyncadd.s32 @p0 $0xFFFFD400;
	s5 =	sadd.s32 @p0 $0x480, s25  }
0x53: {  	[spmem:s2] =	stream.indirect.scatter.add.f32 @p0 [tilespmem:s8], [sflag:$0x7], $0x80, s5, s7, $0xb8;
	[tilespmem:$0x1F400] =	vst v63  }
0x54: {  	s7 =	simm.s32 @p0 $0x7  }
0x55: {  	_ =	swait.ge @p0 [sflag:s7], $0x2C00  }
0x56: {  	s9 =	simm.s32 @!p0 $0x800;
	s5 =	sand.u32 $0x1, s24;
	[sflag:s7] =	ssyncset.done @p0 $0x0  }
0x57: {  	s8 =	simm.s32 @!p0 $0x58;
	[sflag:s7] =	ssyncadd.s32 @p0 $0xFFFFD400;
	s7 =	sshll.u32 @!p0 s5, $0x9  }
0x58: {  	[tilespmem:s9], [sflag:$0x1] =	stream.indirect.gather @!p0 [hbm4b:s1+s8], $0x80, s7, s8, $0xb8;
	[tilespmem:$0x1F400] =	vst v63  }
0x59: {  	s9 =	simm.s32 @!p0 $0x2  }
0x5a: {  	_ =	swait.ge @!p0 [sflag:s9], $0x2C00  }
0x5b: {  	[sflag:s9] =	ssyncset.done @!p0 $0x0  }
0x5c: {  	s10 =	simm.s32 @!p0 $0x3400;
	[sflag:s9] =	ssyncadd.s32 @!p0 $0xFFFFD400;
	s9 =	sadd.s32 @!p0 $0x480, s25  }
0x5d: {  	[spmem:s2] =	stream.indirect.scatter.add.f32 @!p0 [tilespmem:s10], [sflag:$0x7], $0x80, s9, s8, $0xb8;
	[tilespmem:$0x1F400] =	vst v63  }
0x5e: {  	s9 =	simm.s32 @!p0 $0x7  }
0x5f: {  	_ =	swait.ge @!p0 [sflag:s9], $0x2C00  }
0x60: {  	[sflag:s9] =	ssyncset.done @!p0 $0x0  }
0x61: {  	s7 =	sor.u32 @!p0 $0x80, s7;
	[sflag:s9] =	ssyncadd.s32 @!p0 $0xFFFFD400  }
0x62: {  	[tilespmem:s10], [sflag:$0x2] =	stream.indirect.gather @!p0 [hbm4b:s1+s8], $0x80, s7, s8, $0xb8;
	[tilespmem:$0x1F400] =	vst v63  }
0x63: {  	_ =	swait.ge [sflag:s31], $0x2C00  }
0x64: {  	p0 =	sne.s32 s23, $0x1C;
	[sflag:s31] =	ssyncset.done $0x0  }
.Ltmp2:
0x65: {  	s10 =	sadd.s32 $0x500, s25;
	[sflag:s31] =	ssyncadd.s32 $0xFFFFD400;
	(pc) =	sbr.rel @!p0 .LBB2_3-.Ltmp2, $4  }
0x66: {  	[spmem:s2] =	stream.indirect.scatter.add.f32 [tilespmem:s26], [sflag:$0x7], $0x80, s10, s21, $0xb8;
	[tilespmem:$0x1F400] =	vst v63  }
0x67: {  	_ =	swait.ge [sflag:s16], $0x2C00  }
0x68: {  	[sflag:s16] =	ssyncset.done $0x0  }
0x69: {  	[sflag:s16] =	ssyncadd.s32 $0xFFFFD400  }
0x6a: {  	s5 =	sshll.u32 s5, $0x9  }
0x6b: {  	s7 =	sor.u32 $0x100, s5  }
0x6c: {  	[tilespmem:s26], [sflag:$0x3] =	stream.indirect.gather [hbm4b:s1+s21], $0x80, s7, s21, $0xb8;
	[tilespmem:$0x1F400] =	vst v63  }
0x6d: {  	_ =	swait.ge [sflag:s0], $0x2C00  }
0x6e: {  	[sflag:s0] =	ssyncset.done $0x0  }
0x6f: {  	s10 =	sadd.s32 $0x580, s25;
	[sflag:s0] =	ssyncadd.s32 $0xFFFFD400  }
0x70: {  	[spmem:s2] =	stream.indirect.scatter.add.f32 [tilespmem:s29], [sflag:$0x7], $0x80, s10, s21, $0xb8;
	[tilespmem:$0x1F400] =	vst v63  }
0x71: {  	_ =	swait.ge [sflag:s16], $0x2C00  }
0x72: {  	[sflag:s16] =	ssyncset.done $0x0  }
0x73: {  	p0 =	sgt.u32 s23, $0x1A;
	s5 =	sor.u32 $0x180, s5;
	[sflag:s16] =	ssyncadd.s32 $0xFFFFD400  }
0x74: {  	[tilespmem:s29], [sflag:$0x4] =	stream.indirect.gather [hbm4b:s1+s21], $0x80, s5, s21, $0xb8;
	[tilespmem:$0x1F400] =	vst v63  }
0x75: {  	s5 =	sand.u32 @!p0 $0x1, s23  }
0x76: {  	p1 =	seq.s32 @!p0 s5, $0x1  }
0x77: {  	s5 =	simm.s32 @!p0 $0x6;
	p1 =	por !p1, p0  }
0x78: {  	s7 =	simm.s32 @!p0 $0x0;
	s5 =	simm.s32 @p1 $0x5  }
0x79: {  	[tilespmem:s25], [sflag:s5] =	stream.linear.gather @!p0 [hbm4b:s14+s7], $0x200, $0x38;
	[tilespmem:$0x1F400] =	vst v63  }
0x7a: {  	_ = 	snop  }
0x7b: {  	[tilespmem:s28], [sflag:s5] =	stream.linear.gather @!p0 [hbm4b:s13+s7], $0x200, $0x38;
	[tilespmem:$0x1F400] =	vst v63  }
0x7c: {  	p0 =	sne.s32 s24, $0x1D  }
.Ltmp3:
0x7d: {  	_ = 	snop;
	(pc) =	sbr.rel @p0 .LBB2_2-.Ltmp3, $4  }
.Ltmp4:
0x7e: {  	_ = 	snop;
	(pc) =	sbr.rel @!p0 .LBB2_5-.Ltmp4, $4  }
0x7f: {  	_ = 	snop  }
0x80: {  	s17 =	sadd.s32 $0x200, s17  }
0x81: {  	s23 =	smov.u32 s24;
	s14 =	sadd.s32 $0x40, s14;
	s13 =	sadd.s32 $0x40, s13  }
0x82: {  	_ = 	snop  }
.LBB2_6:
0x83: {  	_ =	sfence.sel $0x180000  }
0x84: {  	[bflag:$0x0] =	sbarrier.arrive $0xFFFF  }
0x85: {  	_ =	strace $0x9000004D  }
0x86: {  	s0 =	stileid.u32;
	[bflag:$0x2] =	sbarrier.arrive $0xFFFF  }
0x87: {  	p0 =	sne.s32 s0, $0x0;
	s0 =	rddreg [dreg:$0x3]  }
0x88: {  	s0 =	sadd.s32 @!p0 $0x100000, s0  }
0x89: {  	[sflag:s0] =	ssyncadd.tile.s32 @!p0 $0x1;
	_ =	shalt  }
.Lfunc_end2:
_tile_overlayer_lowered:
.L_overlay_start_2:
0x8a: {  	(tag) =	ssettag $0x2  }
0x8b: {  	s0 =	rddreg [dreg:$0x0];
	s2 =	stileid.u32  }
0x8c: {  	s1 =	rddreg [dreg:$0x1];
	p0 =	sne.s32 s2, $0x0  }
0x8d: {  	s3 =	rddreg [dreg:$0x2];
	[bflag:$0x3] =	sbarrier.arrive $0xFFFF;
	s2 =	simm.s32 @!p0 $0x1C07  }
0x8e: {  	[timem:s3], [sflag:s2] =	dma.local @!p0 [hbm:s0], s1  }
0x8f: {  	s0 =	simm.s32 @!p0 $0x7  }
0x90: {  	_ =	swait.ge @!p0 [sflag:s0], s1  }
0x91: {  	s1 =	ssub.s32 @!p0 $0x0, s1;
	[sflag:s0] =	ssyncset.done @!p0 $0x0  }
0x92: {  	[sflag:s0] =	ssyncadd.s32 @!p0 s1  }
0x93: {  	[bflag:$0x3] =	sbarrier.arrive $0xFFFF  }
0x94: {  	_ =	shalt  }

// kernel: kernel.20.cloned.1.call-start
scs
__scs_entry_jumppad:
0x0: {  	(pc) =	sbr.rel $0x88, $3  }
0x1: {  	(tag) =	ssettag $0x0;
	lr =	simm.s32 $0x1  }
0x2: {  	[smem:$0x3F99] =	sst lr;
	_ =	strace $0xD0000000  }
0x3: {  	_ = 	snop  }
0x4: {  	_ = 	snop  }
0x5: {  	_ = 	snop  }
0x6: {  	_ = 	snop  }
0x7: {  	_ = 	snop  }
__scs_overlays_trampoline_lowered:
0x8: {  	[smem:$0x3FA8] =	sst s0  }
0x9: {  	[smem:$0x3FA9] =	sst s1  }
0xa: {  	[smem:$0x3FAA] =	sst s2  }
0xb: {  	[smem:$0x3FAB] =	sst s3  }
0xc: {  	[smem:$0x3FAC] =	sst s4  }
0xd: {  	[smem:$0x3FAD] =	sst s5  }
0xe: {  	[smem:$0x3FAE] =	sst s6  }
0xf: {  	[smem:$0x3FAF] =	sst s7  }
0x10: {  	[smem:$0x3FB0] =	sst s8  }
0x11: {  	[smem:$0x3FB1] =	sst s9;
	s0 =	simm.s32 @!p0 $0x0  }
0x12: {  	s1 =	sld [smem:$0x3F97];
	s0 =	simm.s32 @p0 $0x1  }
0x13: {  	[smem:$0x3FB2] =	sst s0;
	s0 =	simm.s32 @!p1 $0x0  }
0x14: {  	s2 =	sld [smem:$0x3F96];
	s0 =	simm.s32 @p1 $0x1  }
0x15: {  	[smem:$0x3FB3] =	sst s0;
	s0 =	simm.s32 @!p2 $0x0  }
0x16: {  	s3 =	sld [smem:$0x3FDB];
	s0 =	simm.s32 @p2 $0x1  }
0x17: {  	s4 =	simm.s32 $0x1BF5;
	[smem:$0x3FB5] =	sst s0  }
0x18: {  	s0 =	sld [smem:$0x3F98];
	_ =	swait.ge [sflag:s4], $0x0  }
0x19: {  	s7 =	sld [smem:$0x3F99]  }
0x1a: {  	s8 =	sadd.s32 $0xFFFFE003, lr  }
0x1b: {  	s9 =	sadd.s32 $0xFFFFFEF7, lr;
	s5 =	simm.s32 $0xFFFFFFFF;
	p2 =	slt.u32 s8, $0xFFFFF086  }
0x1c: {  	p1 =	slt.u32 s9, $0xF7A;
	s5 =	simm.s32 @!p2 $0x0  }
0x1d: {  	s5 =	simm.s32 @p1 $0x1;
	p0 =	seq.s32 s7, s2  }
0x1e: {  	s7 =	smul.u32 @!p0 $0xF7A, s2;
	p2 =	seq.s32 @!p0 s5, $0x0  }
0x1f: {  	s9 =	smul.u32 $0xF7A, s1;
	s8 =	simm.s32 @!p0 $0x1BF5;
	p2 =	por !p2, p0  }
0x20: {  	[sflag:s8] =	ssyncset.s32 @!p0 $0xFFFFF086;
	s6 =	sadd.s32 @!p0 s3, s7;
	s7 =	simm.s32 @!p0 $0x108  }
0x21: {  	s3 =	sadd.s32 s3, s9;
	s6 =	sadd.s32 @!p0 $0x88, s6;
	s7 =	simm.s32 @p2 $0x1082  }
0x22: {  	[simem:s7], [sflag:s8] =	dma.local @!p0 [hbm:s6], $0xF7A  }
0x23: {  	s9 =	sor.u32 $0xD0000000, s2;
	s6 =	simm.s32 $0x108;
	_ =	swait.ge @!p0 [sflag:s8], $0x0  }
0x24: {  	s3 =	sadd.s32 $0x88, s3;
	s6 =	simm.s32 @!p1 $0x1082;
	[sflag:s4] =	ssyncset.s32 $0xFFFFF086  }
0x25: {  	[simem:s6], [sflag:s4] =	dma.local [hbm:s3], $0xF7A  }
0x26: {  	[smem:$0x3F99] =	sst s1;
	(tag) =	ssettag s2;
	_ =	strace s9  }
0x27: {  	s1 =	sld [smem:$0x3FA9]  }
0x28: {  	s2 =	sld [smem:$0x3FAA]  }
0x29: {  	s4 =	sld [smem:$0x3FAC]  }
0x2a: {  	p0 =	seq.s32 s5, $0x0;
	s5 =	sld [smem:$0x3FAD]  }
0x2b: {  	s6 =	sld [smem:$0x3FAE]  }
0x2c: {  	s7 =	sld [smem:$0x3FAF]  }
0x2d: {  	s3 =	simm.s32 $0x108;
	s8 =	sld [smem:$0x3FB0]  }
0x2e: {  	s3 =	simm.s32 @!p0 $0x1082;
	s9 =	sld [smem:$0x3FB1]  }
0x2f: {  	lr =	sadd.s32 s0, s3;
	s0 =	sld [smem:$0x3FA8]  }
0x30: {  	s3 =	sld [smem:$0x3FAB]  }
0x31: {  	[smem:$0x3FB4] =	sst s10  }
0x32: {  	s10 =	sld [smem:$0x3FB2];
	_ =	sdelay $0x3  }
0x33: {  	p0 =	seq.s32 s10, $0x1;
	s10 =	sld [smem:$0x3FB4];
	_ =	sdelay $0x3  }
0x34: {  	[smem:$0x3FB4] =	sst s10  }
0x35: {  	s10 =	sld [smem:$0x3FB3];
	_ =	sdelay $0x3  }
0x36: {  	p1 =	seq.s32 s10, $0x1;
	s10 =	sld [smem:$0x3FB4];
	_ =	sdelay $0x3  }
0x37: {  	[smem:$0x3FB4] =	sst s10  }
0x38: {  	s10 =	sld [smem:$0x3FB5]  }
0x39: {  	_ = 	snop;
	(pc) =	sbr.ind lr, $3  }
0x3a: {  	_ = 	snop  }
0x3b: {  	_ = 	snop  }
0x3c: {  	p2 =	seq.s32 s10, $0x1;
	s10 =	sld [smem:$0x3FB4]  }
0x3d: {  	_ =	shalt  }
0x3e: {  	_ =	shalt  }
0x3f: {  	_ =	shalt  }
0x40: {  	_ =	shalt  }
0x41: {  	_ =	shalt  }
0x42: {  	_ =	shalt  }
0x43: {  	_ =	shalt  }
0x44: {  	_ =	shalt  }
0x45: {  	_ =	shalt  }
0x46: {  	_ =	shalt  }
0x47: {  	_ =	shalt  }
0x48: {  	_ =	shalt  }
0x49: {  	_ =	shalt  }
0x4a: {  	_ =	shalt  }
0x4b: {  	_ =	shalt  }
0x4c: {  	_ =	shalt  }
0x4d: {  	_ =	shalt  }
0x4e: {  	_ =	shalt  }
0x4f: {  	_ =	shalt  }
0x50: {  	_ =	shalt  }
0x51: {  	_ =	shalt  }
0x52: {  	_ =	shalt  }
0x53: {  	_ =	shalt  }
0x54: {  	_ =	shalt  }
0x55: {  	_ =	shalt  }
0x56: {  	_ =	shalt  }
0x57: {  	_ =	shalt  }
0x58: {  	_ =	shalt  }
0x59: {  	_ =	shalt  }
0x5a: {  	_ =	shalt  }
0x5b: {  	_ =	shalt  }
0x5c: {  	_ =	shalt  }
0x5d: {  	_ =	shalt  }
0x5e: {  	_ =	shalt  }
0x5f: {  	_ =	shalt  }
0x60: {  	_ =	shalt  }
0x61: {  	_ =	shalt  }
0x62: {  	_ =	shalt  }
0x63: {  	_ =	shalt  }
0x64: {  	_ =	shalt  }
0x65: {  	_ =	shalt  }
0x66: {  	_ =	shalt  }
0x67: {  	_ =	shalt  }
0x68: {  	_ =	shalt  }
0x69: {  	_ =	shalt  }
0x6a: {  	_ =	shalt  }
0x6b: {  	_ =	shalt  }
0x6c: {  	_ =	shalt  }
0x6d: {  	_ =	shalt  }
0x6e: {  	_ =	shalt  }
0x6f: {  	_ =	shalt  }
0x70: {  	_ =	shalt  }
0x71: {  	_ =	shalt  }
0x72: {  	_ =	shalt  }
0x73: {  	_ =	shalt  }
0x74: {  	_ =	shalt  }
0x75: {  	_ =	shalt  }
0x76: {  	_ =	shalt  }
0x77: {  	_ =	shalt  }
0x78: {  	_ =	shalt  }
0x79: {  	_ =	shalt  }
0x7a: {  	_ =	shalt  }
0x7b: {  	_ =	shalt  }
0x7c: {  	_ =	shalt  }
0x7d: {  	_ =	shalt  }
0x7e: {  	_ =	shalt  }
0x7f: {  	_ =	shalt  }
0x80: {  	_ =	shalt  }
0x81: {  	_ =	shalt  }
0x82: {  	_ =	shalt  }
0x83: {  	_ =	shalt  }
0x84: {  	_ =	shalt  }
0x85: {  	_ =	shalt  }
0x86: {  	_ =	shalt  }
0x87: {  	_ =	shalt  }
.Lfunc_end0:
.L_simem_size_0:
called_computation.3_lowered:
.L_overlay_start_0:
0x88: {  	s2 =	sld [smem:$0x3FD9]  }
0x89: {  	s3 =	sld [smem:$0x3FFE];
	_ =	sdelay $0x1  }
0x8a: {  	s1 =	srdreg.scid  }
0x8b: {  	s0 =	sand.u32 $0x1, s1  }
0x8c: {  	s17 =	sshll.u32 s0, $0xA;
	s2 =	sadd.s32 s3, s2  }
0x8d: {  	s2 =	sadd.s32 s2, s17  }
0x8e: {  	[smem:$0x3FC0] =	sst s2  }
0x8f: {  	_ = 	snop  }
0x90: {  	s2 =	sld [smem:$0x3FD0];
	(tm) =	ssettm $0x1  }
0x91: {  	s18 =	sld [smem:$0x3FFB];
	_ =	sdelay $0x3  }
0x92: {  	_ =	strace s18  }
0x93: {  	s3 =	sld [smem:$0x3FFC];
	_ =	sdelay $0x3  }
0x94: {  	_ =	strace s3  }
0x95: {  	s3 =	sld [smem:$0x3FFD];
	_ =	sdelay $0x3  }
0x96: {  	_ =	strace s3  }
0x97: {  	_ =	strace $0x8FFFFFFF  }
0x98: {  	s19 =	sld [smem:$0x3FDB];
	_ =	sdelay $0x1  }
0x99: {  	s4 =	simm.s32 $_scs_section_size  }
0x9a: {  	s5 =	simm.s32 $_size__tile_overlayer_lowered;
	s6 =	simm.s32 $_tile_overlayer_lowered  }
0x9b: {  	s22 =	simm.s32 $0x1BFF;
	s21 =	sshll.u32 s6, $0x1;
	s3 =	sadd.s32 s4, s19  }
0x9c: {  	s7 =	simm.s32 $0x0;
	s20 =	sshll.u32 s5, $0x1;
	s5 =	sadd.s32 s21, s3  }
0x9d: {  	[timem:s7], [sflag:s22] =	dma.local [hbm:s5], s20  }
0x9e: {  	_ =	swait.ge [sflag:s22], s20  }
0x9f: {  	s4 =	ssub.s32 $0x0, s20;
	[sflag:s22] =	ssyncset.done $0x0  }
0xa0: {  	[sflag:s22] =	ssyncadd.s32 s4;
	_ =	sdelay $0x1  }
0xa1: {  	s23 =	simm.s32 $0x1B8B  }
0xa2: {  	_ =	swait.ge [sflag:s23], $0x1  }
0xa3: {  	[sflag:s23] =	ssyncset.done $0x0  }
0xa4: {  	s25 =	simm.s32 $0x1B8E;
	s24 =	sld [smem:$0x3FFE];
	[sflag:s23] =	ssyncadd.s32 $0xFFFFFFFF  }
0xa5: {  	s26 =	simm.s32 $execute0_lowered;
	[smem:$0x3FD2] =	sst s25  }
0xa6: {  	s5 =	sshll.u32 s26, $0x1;
	_ =	strace $0x8000004F;
	[dreg:$0x1] =	wrdreg $0xFFFFFFFF  }
0xa7: {  	s28 =	simm.s32 $_size_execute0_lowered;
	s3 =	sadd.s32 s3, s5;
	[dreg:$0x0] =	wrdreg $0x0  }
0xa8: {  	s5 =	sshll.u32 s28, $0x1;
	[dreg:$0x2] =	wrdreg s3  }
0xa9: {  	[dreg:$0x3] =	wrdreg s5  }
0xaa: {  	[dreg:$0x4] =	wrdreg $0xC0  }
0xab: {  	_ =	task [dreg:s7], $0x5FFFF  }
0xac: {  	[dreg:$0x1] =	wrdreg $0xFFFFFFFF  }
0xad: {  	[dreg:$0x0] =	wrdreg $0x60  }
0xae: {  	[dreg:$0x2] =	wrdreg s2  }
0xaf: {  	[dreg:$0x3] =	wrdreg s24  }
0xb0: {  	[dreg:$0x4] =	wrdreg $0xB8000  }
0xb1: {  	[dreg:$0x5] =	wrdreg $0x9  }
0xb2: {  	_ =	task.clear_ibuf [dreg:s7], $0x6FFFF;
	_ =	strace $0x9000004F  }
0xb3: {  	s29 =	simm.s32 $0x9;
	_ =	strace $0x80000051  }
0xb4: {  	_ =	swait.ge [sflag:s29], $0x1  }
0xb5: {  	[sflag:s29] =	ssyncadd.s32 $0xFFFFFFFF  }
0xb6: {  	_ =	strace $0x90000051  }
0xb7: {  	_ =	sfence  }
0xb8: {  	s30 =	sld [smem:$0x0];
	_ =	sdelay $0x2  }
0xb9: {  	s31 =	sshll.u32 s1, $0xD;
	s1 =	sshrl.u32 s1, $0x2  }
0xba: {  	s3 =	sand.u32 $0x4000, s31;
	s1 =	sadd.s32 s1, s30  }
0xbb: {  	s0 =	sor.u32 s3, s0;
	s1 =	sshll.u32 s1, $0x11  }
0xbc: {  	s0 =	sor.u32 s1, s0  }
0xbd: {  	s0 =	sadd.s32 $0x8F2B, s0  }
0xbe: {  	[sflag:s0] =	ssyncadd.remote.s32 $0x1  }
0xbf: {  	_ =	sfence.sel $0xFFFF  }
0xc0: {  	[dreg:$0x0] =	wrdreg $0xFFFFFFFF;
	(pc) =	sbr.abs _section_cstart, $3  }
0xc1: {  	[dreg:$0x1] =	wrdreg $0xFFFFFFFF  }
0xc2: {  	_ =	task.clear_ibuf [dreg:s7], $0x2FFFF;
	_ =	strace $0x9FFFFFFF  }
0xc3: {  	(tm) =	ssettm $0x7FFFFFFF  }
tec
execute0_lowered:
.L_overlay_start_1:
0x0: {  	(tag) =	ssettag $0x1  }
0x1: {  	s1 =	rddreg [dreg:$0x0]  }
0x2: {  	s0 =	rddreg [dreg:$0x1]  }
0x3: {  	s2 =	rddreg [dreg:$0x2]  }
0x4: {  	s3 =	srdreg.scid;
	s4 =	simm.s32 $0x0;
	s11 =	stileid.u32  }
0x5: {  	s29 =	simm.s32 $0x8C00;
	s30 =	simm.s32 $0x1;
	s31 =	simm.s32 $0x3  }
0x6: {  	s3 =	sand.u32 $0x1, s3;
	[smem:$0x7FF] =	sst s4;
	s6 =	smul.u32 $0x13C00, s11  }
0x7: {  	s13 =	sadd.s32 $0x63000, s0;
	s14 =	sadd.s32 $0x3000, s0;
	s8 =	smul.u32 $0x4F000, s11  }
0x8: {  	s7 =	sadd.s32 $0x11800, s0;
	s20 =	sshll.u32 s11, $0x6;
	s21 =	smul.u32 $0x3A00, s11  }
0x9: {  	s5 =	smul.u32 $0x13C000, s3;
	_ =	strace $0x80000050;
	[dreg:$0x4] =	wrdreg s7  }
0xa: {  	s16 =	sshll.u32 s3, $0x4;
	s17 =	ssub.s32 $0x2, s3;
	s3 =	smul.u32 $0x3A000, s3  }
0xb: {  	s9 =	sshrl.u32 s17, $0x1;
	s19 =	sshrl.u32 s8, $0x2;
	s5 =	sadd.s32 s6, s5  }
0xc: {  	s6 =	sor.u32 s11, s16;
	s18 =	ssub.s32 s17, s9;
	s15 =	sadd.s32 s19, s2  }
0xd: {  	s3 =	sadd.s32 s21, s3;
	s16 =	simm.s32 $0x7;
	s21 =	simm.s32 $0x58  }
0xe: {  	s5 =	sshrl.u32 s5, $0x3;
	s10 =	smul.u32 $0x3A00, s6;
	s6 =	sor.u32 $0x1C07, s20  }
0xf: {  	s3 =	sadd.s32 $0x400, s3;
	s12 =	smax.u32 s18, $0x1;
	s15 =	sshrl.u32 s15, $0x3  }
0x10: {  	s18 =	simm.s32 $0x5;
	s0 =	sadd.s32 s5, s0;
	s28 =	sshrl.u32 s3, $0x3  }
0x11: {  	s3 =	simm.s32 $0x0;
	s22 =	sshrl.u32 s10, $0x3;
	s11 =	sadd.s32 $0x71800, s0  }
.Ltmp0:
0x12: {  	s20 =	sadd.s32 s28, s14;
	s23 =	sadd.s32 s13, s22;
	(pc) =	sbr.rel .LBB2_1-.Ltmp0, $4  }
0x13: {  	s10 =	sadd.s32 $0x40, s22;
	s24 =	sadd.s32 s14, s22;
	[dreg:$0x5] =	wrdreg s23  }
0x14: {  	s19 =	sadd.s32 s28, s13;
	[dreg:$0x6] =	wrdreg s24;
	s25 =	sadd.s32 s13, s10  }
0x15: {  	s0 =	simm.s32 $0x4;
	s26 =	sadd.s32 s14, s10;
	[dreg:$0x7] =	wrdreg s25  }
0x16: {  	s22 =	simm.s32 $0x800;
	[dreg:$0x8] =	wrdreg s26;
	s26 =	simm.s32 $0x6000  }
.LBB2_3:
0x17: {  	_ =	swait.ge [sflag:s0], $0x2C00  }
0x18: {  	[sflag:s0] =	ssyncset.done $0x0  }
0x19: {  	s5 =	sadd.s32 $0x580, s25;
	[sflag:s0] =	ssyncadd.s32 $0xFFFFD400  }
0x1a: {  	[spmem:s2] =	stream.indirect.scatter.add.f32 [tilespmem:s29], [sflag:$0x7], $0x80, s5, s21, $0xb8;
	[tilespmem:$0x1F400] =	vst v63  }
0x1b: {  	_ =	swait.ge [sflag:s16], $0x2C00  }
0x1c: {  	[sflag:s16] =	ssyncset.done $0x0  }
0x1d: {  	[sflag:s16] =	ssyncadd.s32 $0xFFFFD400  }
.LBB2_5:
0x1e: {  	s3 =	sadd.s32 $0x1, s3  }
0x1f: {  	p0 =	sne.s32 s3, s12  }
.Ltmp1:
0x20: {  	[bflag:$0x0] =	sbarrier.arrive $0xFFFF;
	(pc) =	sbr.rel @!p0 .LBB2_6-.Ltmp1, $4  }
0x21: {  	[hbm:s11], [sflag:s6] =	dma.local [spmem:s15], $0x2780  }
0x22: {  	_ =	swait.ge [sflag:s16], $0x2780  }
0x23: {  	[sflag:s16] =	ssyncset.done $0x0  }
0x24: {  	[sflag:s16] =	ssyncadd.s32 $0xFFFFD880  }
.LBB2_1:
0x25: {  	s5 =	rddreg [dreg:$0x4]  }
0x26: {  	[spmem:s15], [sflag:s6] =	dma.local [hbm:s5], $0x2780  }
0x27: {  	_ =	swait.ge [sflag:s16], $0x2780  }
0x28: {  	[sflag:s16] =	ssyncset.done $0x0  }
0x29: {  	s8 =	rddreg [dreg:$0x5];
	[sflag:s16] =	ssyncadd.s32 $0xFFFFD880  }
0x2a: {  	[tilespmem:s4], [sflag:$0x5] =	stream.linear.gather [hbm4b:s8+s4], $0x200, $0x38;
	[tilespmem:$0x1F400] =	vst v63  }
0x2b: {  	s7 =	simm.s32 $0x400;
	s9 =	rddreg [dreg:$0x6]  }
0x2c: {  	[tilespmem:s7], [sflag:$0x5] =	stream.linear.gather [hbm4b:s9+s4], $0x200, $0x38;
	[tilespmem:$0x1F400] =	vst v63  }
0x2d: {  	_ =	swait.ge [sflag:s18], $0x200  }
0x2e: {  	[sflag:s18] =	ssyncset.done $0x0  }
0x2f: {  	[sflag:s18] =	ssyncadd.s32 $0xFFFFFE00  }
0x30: {  	_ =	swait.ge [sflag:s18], $0x200  }
0x31: {  	[sflag:s18] =	ssyncset.done $0x0  }
0x32: {  	s13 =	simm.s32 $0x200;
	s10 =	rddreg [dreg:$0x7];
	[sflag:s18] =	ssyncadd.s32 $0xFFFFFE00  }
0x33: {  	[tilespmem:s13], [sflag:$0x6] =	stream.linear.gather [hbm4b:s10+s4], $0x200, $0x38;
	[tilespmem:$0x1F400] =	vst v63  }
0x34: {  	s17 =	simm.s32 $0x600;
	s14 =	rddreg [dreg:$0x8]  }
0x35: {  	[tilespmem:s17], [sflag:$0x6] =	stream.linear.gather [hbm4b:s14+s4], $0x200, $0x38;
	[tilespmem:$0x1F400] =	vst v63  }
0x36: {  	[bflag:$0x0] =	sbarrier.arrive $0xFFFF  }
0x37: {  	[tilespmem:s22], [sflag:$0x1] =	stream.indirect.gather [hbm4b:s1+s21], $0x80, s4, s21, $0xb8;
	[tilespmem:$0x1F400] =	vst v63  }
0x38: {  	s23 =	simm.s32 $0x80;
	s24 =	simm.s32 $0x3400  }
0x39: {  	[tilespmem:s24], [sflag:$0x2] =	stream.indirect.gather [hbm4b:s1+s21], $0x80, s23, s21, $0xb8;
	[tilespmem:$0x1F400] =	vst v63  }
0x3a: {  	s25 =	simm.s32 $0x100;
	s28 =	simm.s32 $0x180;
	s13 =	smov.u32 s20  }
0x3b: {  	[tilespmem:s26], [sflag:$0x3] =	stream.indirect.gather [hbm4b:s1+s21], $0x80, s25, s21, $0xb8;
	[tilespmem:$0x1F400] =	vst v63  }
0x3c: {  	s17 =	simm.s32 $0x0;
	s14 =	smov.u32 s19;
	s23 =	simm.s32 $0x0  }
0x3d: {  	[tilespmem:s29], [sflag:$0x4] =	stream.indirect.gather [hbm4b:s1+s21], $0x80, s28, s21, $0xb8;
	[tilespmem:$0x1F400] =	vst v63  }
.LBB2_2:
0x3e: {  	s24 =	sadd.s32 $0x1, s23;
	p0 =	seq.s32 s23, $0x1C  }
0x3f: {  	s5 =	sand.u32 @!p0 $0x1, s24  }
0x40: {  	p1 =	seq.s32 @!p0 s5, $0x1  }
0x41: {  	s5 =	simm.s32 @!p0 $0x6;
	p1 =	por !p1, p0  }
0x42: {  	s5 =	simm.s32 @p1 $0x5  }
0x43: {  	_ =	swait.ge @!p0 [sflag:s5], $0x200  }
0x44: {  	[sflag:s5] =	ssyncset.done @!p0 $0x0  }
0x45: {  	[sflag:s5] =	ssyncadd.s32 @!p0 $0xFFFFFE00  }
0x46: {  	_ =	swait.ge @!p0 [sflag:s5], $0x200  }
0x47: {  	[sflag:s5] =	ssyncset.done @!p0 $0x0  }
0x48: {  	[sflag:s5] =	ssyncadd.s32 @!p0 $0xFFFFFE00  }
0x49: {  	_ =	swait.ge [sflag:s30], $0x2C00  }
0x4a: {  	s25 =	sand.u32 $0x200, s17;
	[sflag:s30] =	ssyncset.done $0x0  }
0x4b: {  	s28 =	sor.u32 $0x400, s25;
	[sflag:s30] =	ssyncadd.s32 $0xFFFFD400  }
0x4c: {  	[spmem:s2] =	stream.indirect.scatter.add.f32 [tilespmem:s22], [sflag:$0x7], $0x80, s28, s21, $0xb8;
	[tilespmem:$0x1F400] =	vst v63  }
0x4d: {  	_ =	swait.ge [sflag:s16], $0x2C00  }
0x4e: {  	[sflag:s16] =	ssyncset.done $0x0  }
0x4f: {  	s5 =	simm.s32 @p0 $0x2;
	[sflag:s16] =	ssyncadd.s32 $0xFFFFD400  }
0x50: {  	_ =	swait.ge @p0 [sflag:s5], $0x2C00  }
0x51: {  	s7 =	simm.s32 @p0 $0x58;
	[sflag:s5] =	ssyncset.done @p0 $0x0  }
0x52: {  	s8 =	simm.s32 @p0 $0x3400;
	[sflag:s5] =	ssyncadd.s32 @p0 $0xFFFFD400;
	s5 =	sadd.s32 @p0 $0x480, s25  }
0x53: {  	[spmem:s2] =	stream.indirect.scatter.add.f32 @p0 [tilespmem:s8], [sflag:$0x7], $0x80, s5, s7, $0xb8;
	[tilespmem:$0x1F400] =	vst v63  }
0x54: {  	s7 =	simm.s32 @p0 $0x7  }
0x55: {  	_ =	swait.ge @p0 [sflag:s7], $0x2C00  }
0x56: {  	s9 =	simm.s32 @!p0 $0x800;
	s5 =	sand.u32 $0x1, s24;
	[sflag:s7] =	ssyncset.done @p0 $0x0  }
0x57: {  	s8 =	simm.s32 @!p0 $0x58;
	[sflag:s7] =	ssyncadd.s32 @p0 $0xFFFFD400;
	s7 =	sshll.u32 @!p0 s5, $0x9  }
0x58: {  	[tilespmem:s9], [sflag:$0x1] =	stream.indirect.gather @!p0 [hbm4b:s1+s8], $0x80, s7, s8, $0xb8;
	[tilespmem:$0x1F400] =	vst v63  }
0x59: {  	s9 =	simm.s32 @!p0 $0x2  }
0x5a: {  	_ =	swait.ge @!p0 [sflag:s9], $0x2C00  }
0x5b: {  	[sflag:s9] =	ssyncset.done @!p0 $0x0  }
0x5c: {  	s10 =	simm.s32 @!p0 $0x3400;
	[sflag:s9] =	ssyncadd.s32 @!p0 $0xFFFFD400;
	s9 =	sadd.s32 @!p0 $0x480, s25  }
0x5d: {  	[spmem:s2] =	stream.indirect.scatter.add.f32 @!p0 [tilespmem:s10], [sflag:$0x7], $0x80, s9, s8, $0xb8;
	[tilespmem:$0x1F400] =	vst v63  }
0x5e: {  	s9 =	simm.s32 @!p0 $0x7  }
0x5f: {  	_ =	swait.ge @!p0 [sflag:s9], $0x2C00  }
0x60: {  	[sflag:s9] =	ssyncset.done @!p0 $0x0  }
0x61: {  	s7 =	sor.u32 @!p0 $0x80, s7;
	[sflag:s9] =	ssyncadd.s32 @!p0 $0xFFFFD400  }
0x62: {  	[tilespmem:s10], [sflag:$0x2] =	stream.indirect.gather @!p0 [hbm4b:s1+s8], $0x80, s7, s8, $0xb8;
	[tilespmem:$0x1F400] =	vst v63  }
0x63: {  	_ =	swait.ge [sflag:s31], $0x2C00  }
0x64: {  	p0 =	sne.s32 s23, $0x1C;
	[sflag:s31] =	ssyncset.done $0x0  }
.Ltmp2:
0x65: {  	s10 =	sadd.s32 $0x500, s25;
	[sflag:s31] =	ssyncadd.s32 $0xFFFFD400;
	(pc) =	sbr.rel @!p0 .LBB2_3-.Ltmp2, $4  }
0x66: {  	[spmem:s2] =	stream.indirect.scatter.add.f32 [tilespmem:s26], [sflag:$0x7], $0x80, s10, s21, $0xb8;
	[tilespmem:$0x1F400] =	vst v63  }
0x67: {  	_ =	swait.ge [sflag:s16], $0x2C00  }
0x68: {  	[sflag:s16] =	ssyncset.done $0x0  }
0x69: {  	[sflag:s16] =	ssyncadd.s32 $0xFFFFD400  }
0x6a: {  	s5 =	sshll.u32 s5, $0x9  }
0x6b: {  	s7 =	sor.u32 $0x100, s5  }
0x6c: {  	[tilespmem:s26], [sflag:$0x3] =	stream.indirect.gather [hbm4b:s1+s21], $0x80, s7, s21, $0xb8;
	[tilespmem:$0x1F400] =	vst v63  }
0x6d: {  	_ =	swait.ge [sflag:s0], $0x2C00  }
0x6e: {  	[sflag:s0] =	ssyncset.done $0x0  }
0x6f: {  	s10 =	sadd.s32 $0x580, s25;
	[sflag:s0] =	ssyncadd.s32 $0xFFFFD400  }
0x70: {  	[spmem:s2] =	stream.indirect.scatter.add.f32 [tilespmem:s29], [sflag:$0x7], $0x80, s10, s21, $0xb8;
	[tilespmem:$0x1F400] =	vst v63  }
0x71: {  	_ =	swait.ge [sflag:s16], $0x2C00  }
0x72: {  	[sflag:s16] =	ssyncset.done $0x0  }
0x73: {  	p0 =	sgt.u32 s23, $0x1A;
	s5 =	sor.u32 $0x180, s5;
	[sflag:s16] =	ssyncadd.s32 $0xFFFFD400  }
0x74: {  	[tilespmem:s29], [sflag:$0x4] =	stream.indirect.gather [hbm4b:s1+s21], $0x80, s5, s21, $0xb8;
	[tilespmem:$0x1F400] =	vst v63  }
0x75: {  	s5 =	sand.u32 @!p0 $0x1, s23  }
0x76: {  	p1 =	seq.s32 @!p0 s5, $0x1  }
0x77: {  	s5 =	simm.s32 @!p0 $0x6;
	p1 =	por !p1, p0  }
0x78: {  	s7 =	simm.s32 @!p0 $0x0;
	s5 =	simm.s32 @p1 $0x5  }
0x79: {  	[tilespmem:s25], [sflag:s5] =	stream.linear.gather @!p0 [hbm4b:s14+s7], $0x200, $0x38;
	[tilespmem:$0x1F400] =	vst v63  }
0x7a: {  	_ = 	snop  }
0x7b: {  	[tilespmem:s28], [sflag:s5] =	stream.linear.gather @!p0 [hbm4b:s13+s7], $0x200, $0x38;
	[tilespmem:$0x1F400] =	vst v63  }
0x7c: {  	p0 =	sne.s32 s24, $0x1D  }
.Ltmp3:
0x7d: {  	_ = 	snop;
	(pc) =	sbr.rel @p0 .LBB2_2-.Ltmp3, $4  }
.Ltmp4:
0x7e: {  	_ = 	snop;
	(pc) =	sbr.rel @!p0 .LBB2_5-.Ltmp4, $4  }
0x7f: {  	_ = 	snop  }
0x80: {  	s17 =	sadd.s32 $0x200, s17  }
0x81: {  	s23 =	smov.u32 s24;
	s14 =	sadd.s32 $0x40, s14;
	s13 =	sadd.s32 $0x40, s13  }
0x82: {  	_ = 	snop  }
.LBB2_6:
0x83: {  	_ =	sfence.sel $0x180000  }
0x84: {  	[bflag:$0x0] =	sbarrier.arrive $0xFFFF  }
0x85: {  	_ =	strace $0x90000050  }
0x86: {  	s0 =	stileid.u32;
	[bflag:$0x2] =	sbarrier.arrive $0xFFFF  }
0x87: {  	p0 =	sne.s32 s0, $0x0;
	s0 =	rddreg [dreg:$0x3]  }
0x88: {  	s0 =	sadd.s32 @!p0 $0x100000, s0  }
0x89: {  	[sflag:s0] =	ssyncadd.tile.s32 @!p0 $0x1;
	_ =	shalt  }
.Lfunc_end2:
_tile_overlayer_lowered:
.L_overlay_start_2:
0x8a: {  	(tag) =	ssettag $0x2  }
0x8b: {  	s0 =	rddreg [dreg:$0x0];
	s2 =	stileid.u32  }
0x8c: {  	s1 =	rddreg [dreg:$0x1];
	p0 =	sne.s32 s2, $0x0  }
0x8d: {  	s3 =	rddreg [dreg:$0x2];
	[bflag:$0x3] =	sbarrier.arrive $0xFFFF;
	s2 =	simm.s32 @!p0 $0x1C07  }
0x8e: {  	[timem:s3], [sflag:s2] =	dma.local @!p0 [hbm:s0], s1  }
0x8f: {  	s0 =	simm.s32 @!p0 $0x7  }
0x90: {  	_ =	swait.ge @!p0 [sflag:s0], s1  }
0x91: {  	s1 =	ssub.s32 @!p0 $0x0, s1;
	[sflag:s0] =	ssyncset.done @!p0 $0x0  }
0x92: {  	[sflag:s0] =	ssyncadd.s32 @!p0 s1  }
0x93: {  	[bflag:$0x3] =	sbarrier.arrive $0xFFFF  }
0x94: {  	_ =	shalt  }

</sc_bundles>
